<compile_context>
chip_gen: v7x
topology: tpu7x:2x2x1
jax: 0.10.2.dev20260603
libtpu: 0.0.44.dev20260713+nightly
codegen_flags: <defaults>
</compile_context>

<pallas_src>
import jax
import jax.numpy as jnp
from jax import lax
from jax.experimental import pallas as pl
from jax.experimental.pallas import tpu as pltpu
from jax.experimental.pallas import tpu_sc as plsc

VOCAB = 1000000
DIM = 64
PD = 128
B = 16384
NNEG = 20

NC = 2
NS = 16
L = 16
NW = NC * NS
BPW = B // NW
CH = 16
NCH = BPW // CH
CNC = CH * NNEG
CN_SPLIT = ((0, 128), (128, 128), (256, 64))




def _fire_a(c_tab, idx_cp, idx_cn, cp_rows, cn_rows, sem, c):
    pltpu.async_copy(c_tab.at[idx_cp.at[pl.ds(c * CH, CH)]], cp_rows, sem)
    for off, n in CN_SPLIT:
        pltpu.async_copy(c_tab.at[idx_cn.at[pl.ds(c * CNC + off, n)]],
                         cn_rows.at[pl.ds(off, n)], sem)


def _drain_a(c_tab, idx_cp, idx_cn, cp_rows, cn_rows, sem, c):
    pltpu.make_async_copy(c_tab.at[idx_cp.at[pl.ds(c * CH, CH)]], cp_rows, sem).wait()
    for off, n in CN_SPLIT:
        pltpu.make_async_copy(c_tab.at[idx_cn.at[pl.ds(c * CNC + off, n)]],
                              cn_rows.at[pl.ds(off, n)], sem).wait()


def _sc_a_body(c_tab, cp_idx, cn_idx, u_out, cp_out,
               idx_cp, idx_cn, cp_rows, cn_rows, u_buf, sem0, sem1):
    wid = lax.axis_index("s") * NC + lax.axis_index("c")
    base = wid * BPW

    pltpu.sync_copy(cp_idx.at[pl.ds(base, BPW)], idx_cp)
    pltpu.sync_copy(cn_idx.at[pl.ds(base * NNEG, BPW * NNEG)], idx_cn)

    lane = lax.iota(jnp.int32, L)
    cn_row = [lane * NNEG + n for n in range(NNEG)]

    def compute(c, k):
        def dot_step(d, _):
            dv = (lane + d) & (DIM - 1)
            cs0 = plsc.load_gather(cn_rows.at[k], [cn_row[0], dv])
            cs1 = plsc.load_gather(cn_rows.at[k], [cn_row[1], dv])
            for n in range(2, NNEG, 2):
                cs0 = cs0 + plsc.load_gather(cn_rows.at[k], [cn_row[n], dv])
                cs1 = cs1 + plsc.load_gather(cn_rows.at[k], [cn_row[n + 1], dv])
            plsc.store_scatter(u_buf.at[k], [lane, dv], cs0 + cs1)
            return 0

        lax.fori_loop(0, DIM, dot_step, 0, unroll=4)
        pltpu.sync_copy(u_buf.at[k],
                        u_out.at[pl.ds(base + c * CH, CH)])
        pltpu.sync_copy(cp_rows.at[k],
                        cp_out.at[pl.ds(base + c * CH, CH)])

    _fire_a(c_tab, idx_cp, idx_cn, cp_rows.at[0], cn_rows.at[0], sem0, 0)

    def loop_body(i, _):
        c0 = 2 * i
        _fire_a(c_tab, idx_cp, idx_cn, cp_rows.at[1], cn_rows.at[1], sem1, c0 + 1)
        _drain_a(c_tab, idx_cp, idx_cn, cp_rows.at[0], cn_rows.at[0], sem0, c0)
        compute(c0, 0)

        @pl.when(c0 + 2 < NCH)
        def _():
            _fire_a(c_tab, idx_cp, idx_cn, cp_rows.at[0], cn_rows.at[0], sem0, c0 + 2)
        _drain_a(c_tab, idx_cp, idx_cn, cp_rows.at[1], cn_rows.at[1], sem1, c0 + 1)
        compute(c0 + 1, 1)
        return 0

    lax.fori_loop(0, NCH // 2, loop_body, 0)


def _sc_part_a(c_tab, cp_idx, cn_idx):
    mesh = plsc.VectorSubcoreMesh(core_axis_name="c", subcore_axis_name="s")
    return pl.kernel(
        _sc_a_body,
        out_type=(jax.ShapeDtypeStruct((B, DIM), jnp.float32),
                  jax.ShapeDtypeStruct((B, PD), jnp.float32)),
        mesh=mesh,
        compiler_params=pltpu.CompilerParams(needs_layout_passes=False),
        scratch_types=[
            pltpu.VMEM((BPW,), jnp.int32),
            pltpu.VMEM((BPW * NNEG,), jnp.int32),
            pltpu.VMEM((2, CH, PD), jnp.float32),
            pltpu.VMEM((2, CNC, PD), jnp.float32),
            pltpu.VMEM((2, CH, DIM), jnp.float32),
            pltpu.SemaphoreType.DMA,
            pltpu.SemaphoreType.DMA,
        ],
    )(c_tab, cp_idx, cn_idx)




def _fire_b(t_tab, idx_t, u_hbm, cp_hbm, base, t_rows, u_rows, cp_rows, sem, c):
    pltpu.async_copy(t_tab.at[idx_t.at[pl.ds(c * CH, CH)]], t_rows, sem)
    pltpu.async_copy(u_hbm.at[pl.ds(base + c * CH, CH)], u_rows, sem)
    pltpu.async_copy(cp_hbm.at[pl.ds(base + c * CH, CH)], cp_rows, sem)


def _drain_b(t_tab, idx_t, u_hbm, cp_hbm, base, t_rows, u_rows, cp_rows, sem, c):
    pltpu.make_async_copy(t_tab.at[idx_t.at[pl.ds(c * CH, CH)]], t_rows, sem).wait()
    pltpu.make_async_copy(u_hbm.at[pl.ds(base + c * CH, CH)], u_rows, sem).wait()
    pltpu.make_async_copy(cp_hbm.at[pl.ds(base + c * CH, CH)], cp_rows, sem).wait()


def _sc_b_body(t_tab, t_idx, u_hbm, cp_hbm, out,
               idx_t, t_rows, u_rows, cp_rows, sp_out, sn_out, sem0, sem1):
    wid = lax.axis_index("s") * NC + lax.axis_index("c")
    base = wid * BPW

    pltpu.sync_copy(t_idx.at[pl.ds(base, BPW)], idx_t)

    lane = lax.iota(jnp.int32, L)

    def compute(c, k):
        def dot_step(d, carry):
            s_p, s_n = carry
            dv = (lane + d) & (DIM - 1)
            td = plsc.load_gather(t_rows.at[k], [lane, dv])
            cpd = plsc.load_gather(cp_rows.at[k], [lane, dv])
            ud = plsc.load_gather(u_rows.at[k], [lane, dv])
            return s_p + td * cpd, s_n + td * ud

        zero = jnp.zeros((L,), jnp.float32)
        s_p, s_n = lax.fori_loop(0, DIM, dot_step, (zero, zero), unroll=8)
        sp_out[pl.ds(c * CH, L)] = -s_p
        sn_out[pl.ds(c * CH, L)] = s_n

    args = (t_tab, idx_t, u_hbm, cp_hbm, base)
    _fire_b(*args, t_rows.at[0], u_rows.at[0], cp_rows.at[0], sem0, 0)

    def loop_body(i, _):
        c0 = 2 * i
        _fire_b(*args, t_rows.at[1], u_rows.at[1], cp_rows.at[1], sem1, c0 + 1)
        _drain_b(*args, t_rows.at[0], u_rows.at[0], cp_rows.at[0], sem0, c0)
        compute(c0, 0)

        @pl.when(c0 + 2 < NCH)
        def _():
            _fire_b(*args, t_rows.at[0], u_rows.at[0], cp_rows.at[0], sem0, c0 + 2)
        _drain_b(*args, t_rows.at[1], u_rows.at[1], cp_rows.at[1], sem1, c0 + 1)
        compute(c0 + 1, 1)
        return 0

    lax.fori_loop(0, NCH // 2, loop_body, 0)

    pltpu.sync_copy(sp_out, out.at[pl.ds(base, BPW)])
    pltpu.sync_copy(sn_out, out.at[pl.ds(B + base, BPW)])


def _sc_part_b(t_tab, t_idx, u_hbm, cp_hbm):
    mesh = plsc.VectorSubcoreMesh(core_axis_name="c", subcore_axis_name="s")
    return pl.kernel(
        _sc_b_body,
        out_type=jax.ShapeDtypeStruct((2 * B,), jnp.float32),
        mesh=mesh,
        compiler_params=pltpu.CompilerParams(needs_layout_passes=False),
        scratch_types=[
            pltpu.VMEM((BPW,), jnp.int32),
            pltpu.VMEM((2, CH, PD), jnp.float32),
            pltpu.VMEM((2, CH, DIM), jnp.float32),
            pltpu.VMEM((2, CH, PD), jnp.float32),
            pltpu.VMEM((BPW,), jnp.float32),
            pltpu.VMEM((BPW,), jnp.float32),
            pltpu.SemaphoreType.DMA,
            pltpu.SemaphoreType.DMA,
        ],
    )(t_tab, t_idx, u_hbm, cp_hbm)


def _loss_body(s_ref, o_ref):
    x = s_ref[...]
    z = jnp.minimum(x, 0.0) - jnp.log(1.0 + jnp.exp(-jnp.abs(x)))
    o_ref[0, 0] = jnp.sum(z) * (1.0 / B)


def _tc_loss(scores):
    out = pl.pallas_call(
        _loss_body,
        out_shape=jax.ShapeDtypeStruct((1, 1), jnp.float32),
        out_specs=pl.BlockSpec(memory_space=pltpu.SMEM),
    )(scores.reshape(128, 2 * B // 128))
    return out[0, 0]


@jax.jit
def kernel(t_vocab_embs, c_vocab_embs, t, cp, cn):
    t_pad = jnp.pad(t_vocab_embs, ((0, 0), (0, PD - DIM)))
    c_pad = jnp.pad(c_vocab_embs, ((0, 0), (0, PD - DIM)))
    t_i = t.astype(jnp.int32)
    cp_i = cp.astype(jnp.int32)
    cn_i = cn.astype(jnp.int32).reshape(B * NNEG)
    u_stage, cp_stage = _sc_part_a(c_pad, cp_i, cn_i)
    scores = _sc_part_b(t_pad, t_i, u_stage, cp_stage)
    return _tc_loss(scores)

# --- scband reference (transcript-rebuilt; emitter-appended) ---
"""Pipeline reference for scband-word2-vec-model-18253611008824 (READ-ONLY COPY).

The authoritative reference and input builder live on the scoring server;
editing this copy changes nothing except your own understanding.
"""

import jax, jax.numpy as jnp
import numpy as np

VOCAB = 1000000
DIM = 64
B = 16384
NNEG = 20

def setup_inputs(seed: int = 0) -> dict:
    key = jax.random.key(seed)
    k1, k2, k3, k4, k5 = jax.random.split(key, 5)
    # xavier_uniform bound for [vocab, dim]: sqrt(6/(fan_in+fan_out))
    bound = float(np.sqrt(6.0 / (VOCAB + DIM)))
    t_vocab_embs = jax.random.uniform(k1, (VOCAB, DIM), dtype=jnp.float32, minval=-bound, maxval=bound)
    c_vocab_embs = jax.random.uniform(k2, (VOCAB, DIM), dtype=jnp.float32, minval=-bound, maxval=bound)
    t = jax.random.randint(k3, (B,), 0, VOCAB, dtype=jnp.int64 if jax.config.jax_enable_x64 else jnp.int32)
    cp = jax.random.randint(k4, (B,), 0, VOCAB, dtype=jnp.int64 if jax.config.jax_enable_x64 else jnp.int32)
    cn = jax.random.randint(k5, (B, NNEG), 0, VOCAB, dtype=jnp.int64 if jax.config.jax_enable_x64 else jnp.int32)
    return {"t_vocab_embs": t_vocab_embs, "c_vocab_embs": c_vocab_embs, "t": t, "cp": cp, "cn": cn}

def reference(t_vocab_embs, c_vocab_embs, t, cp, cn):
    # embedding lookups
    t_batch_embs = jnp.take(t_vocab_embs, t, axis=0)        # [B, D]
    cp_batch_embs = jnp.take(c_vocab_embs, cp, axis=0)      # [B, D]
    # positive loss
    loss_p = jnp.sum(t_batch_embs * cp_batch_embs, axis=1)  # [B]
    loss_p = jax.nn.log_sigmoid(-loss_p)                    # [B]
    # negative loss: bmm([B, N, D], [B, D, 1]) -> [B, N]
    cn_batch_embs = jnp.take(c_vocab_embs, cn, axis=0)      # [B, N, D]
    scores_n = jnp.einsum('bnd,bd->bn', cn_batch_embs, t_batch_embs)
    loss_n = jnp.sum(scores_n, axis=1)                      # [B]
    loss_n = jax.nn.log_sigmoid(loss_n)                     # [B]
    loss = jnp.sum(loss_p + loss_n) / t.shape[0]
    return loss

if __name__ == "__main__":
    import jax
    _d = setup_inputs()
    print(jax.jit(kernel)(*tuple(_d.values())))

</pallas_src>

<mosaic_0001>
#map = affine_map<(d0, d1) -> (0, 0)>
#map1 = affine_map<(d0, d1) -> (0)>
module attributes {stable_mosaic.version = 14 : i64} {
  func.func @_sc_a_body(%arg0: i32, %arg1: i32, %arg2: memref<1000000x128xf32, #tpu.memory_space<hbm>>, %arg3: memref<16384xi32, #tpu.memory_space<hbm>>, %arg4: memref<327680xi32, #tpu.memory_space<hbm>>, %arg5: memref<16384x64xf32, #tpu.memory_space<hbm>>, %arg6: memref<16384x128xf32, #tpu.memory_space<hbm>>, %arg7: memref<512xi32, #tpu.memory_space<vmem>>, %arg8: memref<10240xi32, #tpu.memory_space<vmem>>, %arg9: memref<2x16x128xf32, #tpu.memory_space<vmem>>, %arg10: memref<2x320x128xf32, #tpu.memory_space<vmem>>, %arg11: memref<2x16x64xf32, #tpu.memory_space<vmem>>, %arg12: memref<!tpu.dma_semaphore, #tpu.memory_space<semaphore_mem>>, %arg13: memref<!tpu.dma_semaphore, #tpu.memory_space<semaphore_mem>>) attributes {dimension_semantics = [#tpu.dimension_semantics<core_parallel>, #tpu.dimension_semantics<subcore_parallel>], iteration_bounds = array<i64: 2, 16>, scalar_prefetch = 0 : i64, scratch_operands = 7 : i64, tpu.core_type = #tpu.core_type<sc_vector_subcore>, window_params = [{transform_indices = #map}, {transform_indices = #map1}, {transform_indices = #map1}, {transform_indices = #map}, {transform_indices = #map}]} {
    %mul3A = arith.constant 2 : i32
    %mul3A_0 = arith.muli %arg1, %mul3A : i32
    %add3A = arith.addi %mul3A_0, %arg0 : i32
    %mul3A_1 = arith.constant 512 : i32
    %mul3A_2 = arith.muli %add3A, %mul3A_1 : i32
    "tpu.region"() ({
      %run_scoped3A = tpu.sem_alloc : memref<!tpu.dma_semaphore, #tpu.memory_space<semaphore_mem>>
      %dma_start3A_179 = tpu.memref_slice %arg3[%mul3A_2] : memref<16384xi32, #tpu.memory_space<hbm>> -> memref<512xi32, #tpu.memory_space<hbm>>
      %dma_start3A_180 = tpu.memref_slice %arg3[%mul3A_2] : memref<16384xi32, #tpu.memory_space<hbm>> -> memref<512xi32, #tpu.memory_space<hbm>>
      tpu.enqueue_dma source(%dma_start3A_180 : memref<512xi32, #tpu.memory_space<hbm>>) target(%arg7 : memref<512xi32, #tpu.memory_space<vmem>>) target_semaphore(%run_scoped3A : memref<!tpu.dma_semaphore, #tpu.memory_space<semaphore_mem>>)
      %dma_wait3A = tpu.memref_slice %arg3[%mul3A_2] : memref<16384xi32, #tpu.memory_space<hbm>> -> memref<512xi32, #tpu.memory_space<hbm>>
      %dma_wait3A_181 = tpu.memref_slice %arg3[%mul3A_2] : memref<16384xi32, #tpu.memory_space<hbm>> -> memref<512xi32, #tpu.memory_space<hbm>>
      tpu.wait_dma2 semaphore(%run_scoped3A : memref<!tpu.dma_semaphore, #tpu.memory_space<semaphore_mem>>) src(%dma_wait3A_181 : memref<512xi32, #tpu.memory_space<hbm>>) dst(%arg7 : memref<512xi32, #tpu.memory_space<vmem>>)
      tpu.yield
    }) : () -> ()
    %mul3A_3 = arith.constant 20 : i32
    %mul3A_4 = arith.muli %mul3A_2, %mul3A_3 : i32
    "tpu.region"() ({
      %run_scoped3A = tpu.sem_alloc : memref<!tpu.dma_semaphore, #tpu.memory_space<semaphore_mem>>
      %dma_start3A_179 = tpu.memref_slice %arg4[%mul3A_4] : memref<327680xi32, #tpu.memory_space<hbm>> -> memref<10240xi32, #tpu.memory_space<hbm>>
      %dma_start3A_180 = tpu.memref_slice %arg4[%mul3A_4] : memref<327680xi32, #tpu.memory_space<hbm>> -> memref<10240xi32, #tpu.memory_space<hbm>>
      tpu.enqueue_dma source(%dma_start3A_180 : memref<10240xi32, #tpu.memory_space<hbm>>) target(%arg8 : memref<10240xi32, #tpu.memory_space<vmem>>) target_semaphore(%run_scoped3A : memref<!tpu.dma_semaphore, #tpu.memory_space<semaphore_mem>>)
      %dma_wait3A = tpu.memref_slice %arg4[%mul3A_4] : memref<327680xi32, #tpu.memory_space<hbm>> -> memref<10240xi32, #tpu.memory_space<hbm>>
      %dma_wait3A_181 = tpu.memref_slice %arg4[%mul3A_4] : memref<327680xi32, #tpu.memory_space<hbm>> -> memref<10240xi32, #tpu.memory_space<hbm>>
      tpu.wait_dma2 semaphore(%run_scoped3A : memref<!tpu.dma_semaphore, #tpu.memory_space<semaphore_mem>>) src(%dma_wait3A_181 : memref<10240xi32, #tpu.memory_space<hbm>>) dst(%arg8 : memref<10240xi32, #tpu.memory_space<vmem>>)
      tpu.yield
    }) : () -> ()
    %iota3A = tpu.iota {dimensions = array<i32: 0>} : vector<16xi32>
    %mul3A_5 = arith.constant 20 : i32
    %mul3A_6 = vector.broadcast %mul3A_5 : i32 to vector<16xi32>
    %mul3A_7 = arith.muli %iota3A, %mul3A_6 : vector<16xi32>
    %add3A_8 = arith.constant 0 : i32
    %add3A_9 = vector.broadcast %add3A_8 : i32 to vector<16xi32>
    %add3A_10 = arith.addi %mul3A_7, %add3A_9 : vector<16xi32>
    %mul3A_11 = arith.constant 20 : i32
    %mul3A_12 = vector.broadcast %mul3A_11 : i32 to vector<16xi32>
    %mul3A_13 = arith.muli %iota3A, %mul3A_12 : vector<16xi32>
    %add3A_14 = arith.constant 1 : i32
    %add3A_15 = vector.broadcast %add3A_14 : i32 to vector<16xi32>
    %add3A_16 = arith.addi %mul3A_13, %add3A_15 : vector<16xi32>
    %mul3A_17 = arith.constant 20 : i32
    %mul3A_18 = vector.broadcast %mul3A_17 : i32 to vector<16xi32>
    %mul3A_19 = arith.muli %iota3A, %mul3A_18 : vector<16xi32>
    %add3A_20 = arith.constant 2 : i32
    %add3A_21 = vector.broadcast %add3A_20 : i32 to vector<16xi32>
    %add3A_22 = arith.addi %mul3A_19, %add3A_21 : vector<16xi32>
    %mul3A_23 = arith.constant 20 : i32
    %mul3A_24 = vector.broadcast %mul3A_23 : i32 to vector<16xi32>
    %mul3A_25 = arith.muli %iota3A, %mul3A_24 : vector<16xi32>
    %add3A_26 = arith.constant 3 : i32
    %add3A_27 = vector.broadcast %add3A_26 : i32 to vector<16xi32>
    %add3A_28 = arith.addi %mul3A_25, %add3A_27 : vector<16xi32>
    %mul3A_29 = arith.constant 20 : i32
    %mul3A_30 = vector.broadcast %mul3A_29 : i32 to vector<16xi32>
    %mul3A_31 = arith.muli %iota3A, %mul3A_30 : vector<16xi32>
    %add3A_32 = arith.constant 4 : i32
    %add3A_33 = vector.broadcast %add3A_32 : i32 to vector<16xi32>
    %add3A_34 = arith.addi %mul3A_31, %add3A_33 : vector<16xi32>
    %mul3A_35 = arith.constant 20 : i32
    %mul3A_36 = vector.broadcast %mul3A_35 : i32 to vector<16xi32>
    %mul3A_37 = arith.muli %iota3A, %mul3A_36 : vector<16xi32>
    %add3A_38 = arith.constant 5 : i32
    %add3A_39 = vector.broadcast %add3A_38 : i32 to vector<16xi32>
    %add3A_40 = arith.addi %mul3A_37, %add3A_39 : vector<16xi32>
    %mul3A_41 = arith.constant 20 : i32
    %mul3A_42 = vector.broadcast %mul3A_41 : i32 to vector<16xi32>
    %mul3A_43 = arith.muli %iota3A, %mul3A_42 : vector<16xi32>
    %add3A_44 = arith.constant 6 : i32
    %add3A_45 = vector.broadcast %add3A_44 : i32 to vector<16xi32>
    %add3A_46 = arith.addi %mul3A_43, %add3A_45 : vector<16xi32>
    %mul3A_47 = arith.constant 20 : i32
    %mul3A_48 = vector.broadcast %mul3A_47 : i32 to vector<16xi32>
    %mul3A_49 = arith.muli %iota3A, %mul3A_48 : vector<16xi32>
    %add3A_50 = arith.constant 7 : i32
    %add3A_51 = vector.broadcast %add3A_50 : i32 to vector<16xi32>
    %add3A_52 = arith.addi %mul3A_49, %add3A_51 : vector<16xi32>
    %mul3A_53 = arith.constant 20 : i32
    %mul3A_54 = vector.broadcast %mul3A_53 : i32 to vector<16xi32>
    %mul3A_55 = arith.muli %iota3A, %mul3A_54 : vector<16xi32>
    %add3A_56 = arith.constant 8 : i32
    %add3A_57 = vector.broadcast %add3A_56 : i32 to vector<16xi32>
    %add3A_58 = arith.addi %mul3A_55, %add3A_57 : vector<16xi32>
    %mul3A_59 = arith.constant 20 : i32
    %mul3A_60 = vector.broadcast %mul3A_59 : i32 to vector<16xi32>
    %mul3A_61 = arith.muli %iota3A, %mul3A_60 : vector<16xi32>
    %add3A_62 = arith.constant 9 : i32
    %add3A_63 = vector.broadcast %add3A_62 : i32 to vector<16xi32>
    %add3A_64 = arith.addi %mul3A_61, %add3A_63 : vector<16xi32>
    %mul3A_65 = arith.constant 20 : i32
    %mul3A_66 = vector.broadcast %mul3A_65 : i32 to vector<16xi32>
    %mul3A_67 = arith.muli %iota3A, %mul3A_66 : vector<16xi32>
    %add3A_68 = arith.constant 10 : i32
    %add3A_69 = vector.broadcast %add3A_68 : i32 to vector<16xi32>
    %add3A_70 = arith.addi %mul3A_67, %add3A_69 : vector<16xi32>
    %mul3A_71 = arith.constant 20 : i32
    %mul3A_72 = vector.broadcast %mul3A_71 : i32 to vector<16xi32>
    %mul3A_73 = arith.muli %iota3A, %mul3A_72 : vector<16xi32>
    %add3A_74 = arith.constant 11 : i32
    %add3A_75 = vector.broadcast %add3A_74 : i32 to vector<16xi32>
    %add3A_76 = arith.addi %mul3A_73, %add3A_75 : vector<16xi32>
    %mul3A_77 = arith.constant 20 : i32
    %mul3A_78 = vector.broadcast %mul3A_77 : i32 to vector<16xi32>
    %mul3A_79 = arith.muli %iota3A, %mul3A_78 : vector<16xi32>
    %add3A_80 = arith.constant 12 : i32
    %add3A_81 = vector.broadcast %add3A_80 : i32 to vector<16xi32>
    %add3A_82 = arith.addi %mul3A_79, %add3A_81 : vector<16xi32>
    %mul3A_83 = arith.constant 20 : i32
    %mul3A_84 = vector.broadcast %mul3A_83 : i32 to vector<16xi32>
    %mul3A_85 = arith.muli %iota3A, %mul3A_84 : vector<16xi32>
    %add3A_86 = arith.constant 13 : i32
    %add3A_87 = vector.broadcast %add3A_86 : i32 to vector<16xi32>
    %add3A_88 = arith.addi %mul3A_85, %add3A_87 : vector<16xi32>
    %mul3A_89 = arith.constant 20 : i32
    %mul3A_90 = vector.broadcast %mul3A_89 : i32 to vector<16xi32>
    %mul3A_91 = arith.muli %iota3A, %mul3A_90 : vector<16xi32>
    %add3A_92 = arith.constant 14 : i32
    %add3A_93 = vector.broadcast %add3A_92 : i32 to vector<16xi32>
    %add3A_94 = arith.addi %mul3A_91, %add3A_93 : vector<16xi32>
    %mul3A_95 = arith.constant 20 : i32
    %mul3A_96 = vector.broadcast %mul3A_95 : i32 to vector<16xi32>
    %mul3A_97 = arith.muli %iota3A, %mul3A_96 : vector<16xi32>
    %add3A_98 = arith.constant 15 : i32
    %add3A_99 = vector.broadcast %add3A_98 : i32 to vector<16xi32>
    %add3A_100 = arith.addi %mul3A_97, %add3A_99 : vector<16xi32>
    %mul3A_101 = arith.constant 20 : i32
    %mul3A_102 = vector.broadcast %mul3A_101 : i32 to vector<16xi32>
    %mul3A_103 = arith.muli %iota3A, %mul3A_102 : vector<16xi32>
    %add3A_104 = arith.constant 16 : i32
    %add3A_105 = vector.broadcast %add3A_104 : i32 to vector<16xi32>
    %add3A_106 = arith.addi %mul3A_103, %add3A_105 : vector<16xi32>
    %mul3A_107 = arith.constant 20 : i32
    %mul3A_108 = vector.broadcast %mul3A_107 : i32 to vector<16xi32>
    %mul3A_109 = arith.muli %iota3A, %mul3A_108 : vector<16xi32>
    %add3A_110 = arith.constant 17 : i32
    %add3A_111 = vector.broadcast %add3A_110 : i32 to vector<16xi32>
    %add3A_112 = arith.addi %mul3A_109, %add3A_111 : vector<16xi32>
    %mul3A_113 = arith.constant 20 : i32
    %mul3A_114 = vector.broadcast %mul3A_113 : i32 to vector<16xi32>
    %mul3A_115 = arith.muli %iota3A, %mul3A_114 : vector<16xi32>
    %add3A_116 = arith.constant 18 : i32
    %add3A_117 = vector.broadcast %add3A_116 : i32 to vector<16xi32>
    %add3A_118 = arith.addi %mul3A_115, %add3A_117 : vector<16xi32>
    %mul3A_119 = arith.constant 20 : i32
    %mul3A_120 = vector.broadcast %mul3A_119 : i32 to vector<16xi32>
    %mul3A_121 = arith.muli %iota3A, %mul3A_120 : vector<16xi32>
    %add3A_122 = arith.constant 19 : i32
    %add3A_123 = vector.broadcast %add3A_122 : i32 to vector<16xi32>
    %add3A_124 = arith.addi %mul3A_121, %add3A_123 : vector<16xi32>
    %dma_start3A = arith.constant 0 : i32
    %dma_start3A_125 = arith.constant 0 : i32
    %dma_start3A_126 = arith.constant 0 : i32
    %dma_start3A_127 = tpu.memref_slice %arg9[%dma_start3A, %dma_start3A_125, %dma_start3A_126] : memref<2x16x128xf32, #tpu.memory_space<vmem>> -> memref<1x16x128xf32, #tpu.memory_space<vmem>>
    %dma_start3A_128 = tpu.memref_squeeze %dma_start3A_127 : memref<1x16x128xf32, #tpu.memory_space<vmem>> -> memref<16x128xf32, #tpu.memory_space<vmem>>
    %dma_start3A_129 = arith.constant 0 : i32
    %dma_start3A_130 = tpu.memref_slice %arg7[%dma_start3A_129] : memref<512xi32, #tpu.memory_space<vmem>> -> memref<16xi32, #tpu.memory_space<vmem>>
    %dma_start3A_131 = arith.constant 0 : i32
    %dma_start3A_132 = arith.constant 0 : i32
    %dma_start3A_133 = tpu.memref_slice %arg2[%dma_start3A_131, %dma_start3A_132] : memref<1000000x128xf32, #tpu.memory_space<hbm>> -> memref<1000000x128xf32, #tpu.memory_space<hbm>>
    tpu.enqueue_indirect_dma source(%dma_start3A_133 : memref<1000000x128xf32, #tpu.memory_space<hbm>>) target(%dma_start3A_128 : memref<16x128xf32, #tpu.memory_space<vmem>>) offsets(%dma_start3A_130 : memref<16xi32, #tpu.memory_space<vmem>>) semaphore(%arg12 : memref<!tpu.dma_semaphore, #tpu.memory_space<semaphore_mem>>)
    %dma_start3A_134 = arith.constant 0 : i32
    %dma_start3A_135 = arith.constant 0 : i32
    %dma_start3A_136 = arith.constant 0 : i32
    %dma_start3A_137 = tpu.memref_slice %arg10[%dma_start3A_134, %dma_start3A_135, %dma_start3A_136] : memref<2x320x128xf32, #tpu.memory_space<vmem>> -> memref<1x320x128xf32, #tpu.memory_space<vmem>>
    %dma_start3A_138 = tpu.memref_squeeze %dma_start3A_137 : memref<1x320x128xf32, #tpu.memory_space<vmem>> -> memref<320x128xf32, #tpu.memory_space<vmem>>
    %dma_start3A_139 = arith.constant 0 : i32
    %dma_start3A_140 = arith.constant 0 : i32
    %dma_start3A_141 = tpu.memref_slice %dma_start3A_138[%dma_start3A_139, %dma_start3A_140] : memref<320x128xf32, #tpu.memory_space<vmem>> -> memref<128x128xf32, #tpu.memory_space<vmem>>
    %dma_start3A_142 = arith.constant 0 : i32
    %dma_start3A_143 = tpu.memref_slice %arg8[%dma_start3A_142] : memref<10240xi32, #tpu.memory_space<vmem>> -> memref<128xi32, #tpu.memory_space<vmem>>
    %dma_start3A_144 = arith.constant 0 : i32
    %dma_start3A_145 = arith.constant 0 : i32
    %dma_start3A_146 = tpu.memref_slice %arg2[%dma_start3A_144, %dma_start3A_145] : memref<1000000x128xf32, #tpu.memory_space<hbm>> -> memref<1000000x128xf32, #tpu.memory_space<hbm>>
    tpu.enqueue_indirect_dma source(%dma_start3A_146 : memref<1000000x128xf32, #tpu.memory_space<hbm>>) target(%dma_start3A_141 : memref<128x128xf32, #tpu.memory_space<vmem>>) offsets(%dma_start3A_143 : memref<128xi32, #tpu.memory_space<vmem>>) semaphore(%arg12 : memref<!tpu.dma_semaphore, #tpu.memory_space<semaphore_mem>>)
    %dma_start3A_147 = arith.constant 0 : i32
    %dma_start3A_148 = arith.constant 0 : i32
    %dma_start3A_149 = arith.constant 0 : i32
    %dma_start3A_150 = tpu.memref_slice %arg10[%dma_start3A_147, %dma_start3A_148, %dma_start3A_149] : memref<2x320x128xf32, #tpu.memory_space<vmem>> -> memref<1x320x128xf32, #tpu.memory_space<vmem>>
    %dma_start3A_151 = tpu.memref_squeeze %dma_start3A_150 : memref<1x320x128xf32, #tpu.memory_space<vmem>> -> memref<320x128xf32, #tpu.memory_space<vmem>>
    %dma_start3A_152 = arith.constant 128 : i32
    %dma_start3A_153 = arith.constant 0 : i32
    %dma_start3A_154 = tpu.memref_slice %dma_start3A_151[%dma_start3A_152, %dma_start3A_153] : memref<320x128xf32, #tpu.memory_space<vmem>> -> memref<128x128xf32, #tpu.memory_space<vmem>>
    %dma_start3A_155 = arith.constant 128 : i32
    %dma_start3A_156 = tpu.memref_slice %arg8[%dma_start3A_155] : memref<10240xi32, #tpu.memory_space<vmem>> -> memref<128xi32, #tpu.memory_space<vmem>>
    %dma_start3A_157 = arith.constant 0 : i32
    %dma_start3A_158 = arith.constant 0 : i32
    %dma_start3A_159 = tpu.memref_slice %arg2[%dma_start3A_157, %dma_start3A_158] : memref<1000000x128xf32, #tpu.memory_space<hbm>> -> memref<1000000x128xf32, #tpu.memory_space<hbm>>
    tpu.enqueue_indirect_dma source(%dma_start3A_159 : memref<1000000x128xf32, #tpu.memory_space<hbm>>) target(%dma_start3A_154 : memref<128x128xf32, #tpu.memory_space<vmem>>) offsets(%dma_start3A_156 : memref<128xi32, #tpu.memory_space<vmem>>) semaphore(%arg12 : memref<!tpu.dma_semaphore, #tpu.memory_space<semaphore_mem>>)
    %dma_start3A_160 = arith.constant 0 : i32
    %dma_start3A_161 = arith.constant 0 : i32
    %dma_start3A_162 = arith.constant 0 : i32
    %dma_start3A_163 = tpu.memref_slice %arg10[%dma_start3A_160, %dma_start3A_161, %dma_start3A_162] : memref<2x320x128xf32, #tpu.memory_space<vmem>> -> memref<1x320x128xf32, #tpu.memory_space<vmem>>
    %dma_start3A_164 = tpu.memref_squeeze %dma_start3A_163 : memref<1x320x128xf32, #tpu.memory_space<vmem>> -> memref<320x128xf32, #tpu.memory_space<vmem>>
    %dma_start3A_165 = arith.constant 256 : i32
    %dma_start3A_166 = arith.constant 0 : i32
    %dma_start3A_167 = tpu.memref_slice %dma_start3A_164[%dma_start3A_165, %dma_start3A_166] : memref<320x128xf32, #tpu.memory_space<vmem>> -> memref<64x128xf32, #tpu.memory_space<vmem>>
    %dma_start3A_168 = arith.constant 256 : i32
    %dma_start3A_169 = tpu.memref_slice %arg8[%dma_start3A_168] : memref<10240xi32, #tpu.memory_space<vmem>> -> memref<64xi32, #tpu.memory_space<vmem>>
    %dma_start3A_170 = arith.constant 0 : i32
    %dma_start3A_171 = arith.constant 0 : i32
    %dma_start3A_172 = tpu.memref_slice %arg2[%dma_start3A_170, %dma_start3A_171] : memref<1000000x128xf32, #tpu.memory_space<hbm>> -> memref<1000000x128xf32, #tpu.memory_space<hbm>>
    tpu.enqueue_indirect_dma source(%dma_start3A_172 : memref<1000000x128xf32, #tpu.memory_space<hbm>>) target(%dma_start3A_167 : memref<64x128xf32, #tpu.memory_space<vmem>>) offsets(%dma_start3A_169 : memref<64xi32, #tpu.memory_space<vmem>>) semaphore(%arg12 : memref<!tpu.dma_semaphore, #tpu.memory_space<semaphore_mem>>)
    %scan3A = arith.constant 0 : i32
    %scan3A_173 = arith.constant 0 : i32
    %scan3A_174 = arith.constant 16 : i32
    %scan3A_175 = arith.addi %scan3A_173, %scan3A_174 : i32
    %scan3A_176 = arith.constant 1 : i32
    %scan3A_177 = scf.for %scan3A_179 = %scan3A_173 to %scan3A_175 step %scan3A_176 iter_args(%scan3A_180 = %scan3A) -> (i32)  : i32 {
      %mul3A_181 = arith.constant 2 : i32
      %mul3A_182 = arith.muli %mul3A_181, %scan3A_179 : i32
      %add3A_183 = arith.constant 1 : i32
      %add3A_184 = arith.addi %mul3A_182, %add3A_183 : i32
      %mul3A_185 = arith.constant 16 : i32
      %mul3A_186 = arith.muli %add3A_184, %mul3A_185 : i32
      %dma_start3A_187 = arith.constant 1 : i32
      %dma_start3A_188 = arith.constant 0 : i32
      %dma_start3A_189 = arith.constant 0 : i32
      %dma_start3A_190 = tpu.memref_slice %arg9[%dma_start3A_187, %dma_start3A_188, %dma_start3A_189] : memref<2x16x128xf32, #tpu.memory_space<vmem>> -> memref<1x16x128xf32, #tpu.memory_space<vmem>>
      %dma_start3A_191 = tpu.memref_squeeze %dma_start3A_190 : memref<1x16x128xf32, #tpu.memory_space<vmem>> -> memref<16x128xf32, #tpu.memory_space<vmem>>
      %dma_start3A_192 = tpu.memref_slice %arg7[%mul3A_186] : memref<512xi32, #tpu.memory_space<vmem>> -> memref<16xi32, #tpu.memory_space<vmem>>
      %dma_start3A_193 = arith.constant 0 : i32
      %dma_start3A_194 = arith.constant 0 : i32
      %dma_start3A_195 = tpu.memref_slice %arg2[%dma_start3A_193, %dma_start3A_194] : memref<1000000x128xf32, #tpu.memory_space<hbm>> -> memref<1000000x128xf32, #tpu.memory_space<hbm>>
      tpu.enqueue_indirect_dma source(%dma_start3A_195 : memref<1000000x128xf32, #tpu.memory_space<hbm>>) target(%dma_start3A_191 : memref<16x128xf32, #tpu.memory_space<vmem>>) offsets(%dma_start3A_192 : memref<16xi32, #tpu.memory_space<vmem>>) semaphore(%arg13 : memref<!tpu.dma_semaphore, #tpu.memory_space<semaphore_mem>>)
      %mul3A_196 = arith.constant 320 : i32
      %mul3A_197 = arith.muli %add3A_184, %mul3A_196 : i32
      %add3A_198 = arith.constant 0 : i32
      %add3A_199 = arith.addi %mul3A_197, %add3A_198 : i32
      %dma_start3A_200 = arith.constant 1 : i32
      %dma_start3A_201 = arith.constant 0 : i32
      %dma_start3A_202 = arith.constant 0 : i32
      %dma_start3A_203 = tpu.memref_slice %arg10[%dma_start3A_200, %dma_start3A_201, %dma_start3A_202] : memref<2x320x128xf32, #tpu.memory_space<vmem>> -> memref<1x320x128xf32, #tpu.memory_space<vmem>>
      %dma_start3A_204 = tpu.memref_squeeze %dma_start3A_203 : memref<1x320x128xf32, #tpu.memory_space<vmem>> -> memref<320x128xf32, #tpu.memory_space<vmem>>
      %dma_start3A_205 = arith.constant 0 : i32
      %dma_start3A_206 = arith.constant 0 : i32
      %dma_start3A_207 = tpu.memref_slice %dma_start3A_204[%dma_start3A_205, %dma_start3A_206] : memref<320x128xf32, #tpu.memory_space<vmem>> -> memref<128x128xf32, #tpu.memory_space<vmem>>
      %dma_start3A_208 = tpu.memref_slice %arg8[%add3A_199] : memref<10240xi32, #tpu.memory_space<vmem>> -> memref<128xi32, #tpu.memory_space<vmem>>
      %dma_start3A_209 = arith.constant 0 : i32
      %dma_start3A_210 = arith.constant 0 : i32
      %dma_start3A_211 = tpu.memref_slice %arg2[%dma_start3A_209, %dma_start3A_210] : memref<1000000x128xf32, #tpu.memory_space<hbm>> -> memref<1000000x128xf32, #tpu.memory_space<hbm>>
      tpu.enqueue_indirect_dma source(%dma_start3A_211 : memref<1000000x128xf32, #tpu.memory_space<hbm>>) target(%dma_start3A_207 : memref<128x128xf32, #tpu.memory_space<vmem>>) offsets(%dma_start3A_208 : memref<128xi32, #tpu.memory_space<vmem>>) semaphore(%arg13 : memref<!tpu.dma_semaphore, #tpu.memory_space<semaphore_mem>>)
      %mul3A_212 = arith.constant 320 : i32
      %mul3A_213 = arith.muli %add3A_184, %mul3A_212 : i32
      %add3A_214 = arith.constant 128 : i32
      %add3A_215 = arith.addi %mul3A_213, %add3A_214 : i32
      %dma_start3A_216 = arith.constant 1 : i32
      %dma_start3A_217 = arith.constant 0 : i32
      %dma_start3A_218 = arith.constant 0 : i32
      %dma_start3A_219 = tpu.memref_slice %arg10[%dma_start3A_216, %dma_start3A_217, %dma_start3A_218] : memref<2x320x128xf32, #tpu.memory_space<vmem>> -> memref<1x320x128xf32, #tpu.memory_space<vmem>>
      %dma_start3A_220 = tpu.memref_squeeze %dma_start3A_219 : memref<1x320x128xf32, #tpu.memory_space<vmem>> -> memref<320x128xf32, #tpu.memory_space<vmem>>
      %dma_start3A_221 = arith.constant 128 : i32
      %dma_start3A_222 = arith.constant 0 : i32
      %dma_start3A_223 = tpu.memref_slice %dma_start3A_220[%dma_start3A_221, %dma_start3A_222] : memref<320x128xf32, #tpu.memory_space<vmem>> -> memref<128x128xf32, #tpu.memory_space<vmem>>
      %dma_start3A_224 = tpu.memref_slice %arg8[%add3A_215] : memref<10240xi32, #tpu.memory_space<vmem>> -> memref<128xi32, #tpu.memory_space<vmem>>
      %dma_start3A_225 = arith.constant 0 : i32
      %dma_start3A_226 = arith.constant 0 : i32
      %dma_start3A_227 = tpu.memref_slice %arg2[%dma_start3A_225, %dma_start3A_226] : memref<1000000x128xf32, #tpu.memory_space<hbm>> -> memref<1000000x128xf32, #tpu.memory_space<hbm>>
      tpu.enqueue_indirect_dma source(%dma_start3A_227 : memref<1000000x128xf32, #tpu.memory_space<hbm>>) target(%dma_start3A_223 : memref<128x128xf32, #tpu.memory_space<vmem>>) offsets(%dma_start3A_224 : memref<128xi32, #tpu.memory_space<vmem>>) semaphore(%arg13 : memref<!tpu.dma_semaphore, #tpu.memory_space<semaphore_mem>>)
      %mul3A_228 = arith.constant 320 : i32
      %mul3A_229 = arith.muli %add3A_184, %mul3A_228 : i32
      %add3A_230 = arith.constant 256 : i32
      %add3A_231 = arith.addi %mul3A_229, %add3A_230 : i32
      %dma_start3A_232 = arith.constant 1 : i32
      %dma_start3A_233 = arith.constant 0 : i32
      %dma_start3A_234 = arith.constant 0 : i32
      %dma_start3A_235 = tpu.memref_slice %arg10[%dma_start3A_232, %dma_start3A_233, %dma_start3A_234] : memref<2x320x128xf32, #tpu.memory_space<vmem>> -> memref<1x320x128xf32, #tpu.memory_space<vmem>>
      %dma_start3A_236 = tpu.memref_squeeze %dma_start3A_235 : memref<1x320x128xf32, #tpu.memory_space<vmem>> -> memref<320x128xf32, #tpu.memory_space<vmem>>
      %dma_start3A_237 = arith.constant 256 : i32
      %dma_start3A_238 = arith.constant 0 : i32
      %dma_start3A_239 = tpu.memref_slice %dma_start3A_236[%dma_start3A_237, %dma_start3A_238] : memref<320x128xf32, #tpu.memory_space<vmem>> -> memref<64x128xf32, #tpu.memory_space<vmem>>
      %dma_start3A_240 = tpu.memref_slice %arg8[%add3A_231] : memref<10240xi32, #tpu.memory_space<vmem>> -> memref<64xi32, #tpu.memory_space<vmem>>
      %dma_start3A_241 = arith.constant 0 : i32
      %dma_start3A_242 = arith.constant 0 : i32
      %dma_start3A_243 = tpu.memref_slice %arg2[%dma_start3A_241, %dma_start3A_242] : memref<1000000x128xf32, #tpu.memory_space<hbm>> -> memref<1000000x128xf32, #tpu.memory_space<hbm>>
      tpu.enqueue_indirect_dma source(%dma_start3A_243 : memref<1000000x128xf32, #tpu.memory_space<hbm>>) target(%dma_start3A_239 : memref<64x128xf32, #tpu.memory_space<vmem>>) offsets(%dma_start3A_240 : memref<64xi32, #tpu.memory_space<vmem>>) semaphore(%arg13 : memref<!tpu.dma_semaphore, #tpu.memory_space<semaphore_mem>>)
      %mul3A_244 = arith.constant 16 : i32
      %mul3A_245 = arith.muli %mul3A_182, %mul3A_244 : i32
      %dma_wait3A = arith.constant 0 : i32
      %dma_wait3A_246 = arith.constant 0 : i32
      %dma_wait3A_247 = arith.constant 0 : i32
      %dma_wait3A_248 = tpu.memref_slice %arg9[%dma_wait3A, %dma_wait3A_246, %dma_wait3A_247] : memref<2x16x128xf32, #tpu.memory_space<vmem>> -> memref<1x16x128xf32, #tpu.memory_space<vmem>>
      %dma_wait3A_249 = tpu.memref_squeeze %dma_wait3A_248 : memref<1x16x128xf32, #tpu.memory_space<vmem>> -> memref<16x128xf32, #tpu.memory_space<vmem>>
      %dma_wait3A_250 = tpu.memref_slice %arg7[%mul3A_245] : memref<512xi32, #tpu.memory_space<vmem>> -> memref<16xi32, #tpu.memory_space<vmem>>
      %dma_wait3A_251 = arith.constant 0 : i32
      %dma_wait3A_252 = arith.constant 0 : i32
      %dma_wait3A_253 = tpu.memref_slice %arg2[%dma_wait3A_251, %dma_wait3A_252] : memref<1000000x128xf32, #tpu.memory_space<hbm>> -> memref<1000000x128xf32, #tpu.memory_space<hbm>>
      tpu.wait_indirect_dma semaphore(%arg12 : memref<!tpu.dma_semaphore, #tpu.memory_space<semaphore_mem>>) src(%dma_wait3A_253 : memref<1000000x128xf32, #tpu.memory_space<hbm>>) dst(%dma_wait3A_249 : memref<16x128xf32, #tpu.memory_space<vmem>>)
      %mul3A_254 = arith.constant 320 : i32
      %mul3A_255 = arith.muli %mul3A_182, %mul3A_254 : i32
      %add3A_256 = arith.constant 0 : i32
      %add3A_257 = arith.addi %mul3A_255, %add3A_256 : i32
      %dma_wait3A_258 = arith.constant 0 : i32
      %dma_wait3A_259 = arith.constant 0 : i32
      %dma_wait3A_260 = arith.constant 0 : i32
      %dma_wait3A_261 = tpu.memref_slice %arg10[%dma_wait3A_258, %dma_wait3A_259, %dma_wait3A_260] : memref<2x320x128xf32, #tpu.memory_space<vmem>> -> memref<1x320x128xf32, #tpu.memory_space<vmem>>
      %dma_wait3A_262 = tpu.memref_squeeze %dma_wait3A_261 : memref<1x320x128xf32, #tpu.memory_space<vmem>> -> memref<320x128xf32, #tpu.memory_space<vmem>>
      %dma_wait3A_263 = arith.constant 0 : i32
      %dma_wait3A_264 = arith.constant 0 : i32
      %dma_wait3A_265 = tpu.memref_slice %dma_wait3A_262[%dma_wait3A_263, %dma_wait3A_264] : memref<320x128xf32, #tpu.memory_space<vmem>> -> memref<128x128xf32, #tpu.memory_space<vmem>>
      %dma_wait3A_266 = tpu.memref_slice %arg8[%add3A_257] : memref<10240xi32, #tpu.memory_space<vmem>> -> memref<128xi32, #tpu.memory_space<vmem>>
      %dma_wait3A_267 = arith.constant 0 : i32
      %dma_wait3A_268 = arith.constant 0 : i32
      %dma_wait3A_269 = tpu.memref_slice %arg2[%dma_wait3A_267, %dma_wait3A_268] : memref<1000000x128xf32, #tpu.memory_space<hbm>> -> memref<1000000x128xf32, #tpu.memory_space<hbm>>
      tpu.wait_indirect_dma semaphore(%arg12 : memref<!tpu.dma_semaphore, #tpu.memory_space<semaphore_mem>>) src(%dma_wait3A_269 : memref<1000000x128xf32, #tpu.memory_space<hbm>>) dst(%dma_wait3A_265 : memref<128x128xf32, #tpu.memory_space<vmem>>)
      %mul3A_270 = arith.constant 320 : i32
      %mul3A_271 = arith.muli %mul3A_182, %mul3A_270 : i32
      %add3A_272 = arith.constant 128 : i32
      %add3A_273 = arith.addi %mul3A_271, %add3A_272 : i32
      %dma_wait3A_274 = arith.constant 0 : i32
      %dma_wait3A_275 = arith.constant 0 : i32
      %dma_wait3A_276 = arith.constant 0 : i32
      %dma_wait3A_277 = tpu.memref_slice %arg10[%dma_wait3A_274, %dma_wait3A_275, %dma_wait3A_276] : memref<2x320x128xf32, #tpu.memory_space<vmem>> -> memref<1x320x128xf32, #tpu.memory_space<vmem>>
      %dma_wait3A_278 = tpu.memref_squeeze %dma_wait3A_277 : memref<1x320x128xf32, #tpu.memory_space<vmem>> -> memref<320x128xf32, #tpu.memory_space<vmem>>
      %dma_wait3A_279 = arith.constant 128 : i32
      %dma_wait3A_280 = arith.constant 0 : i32
      %dma_wait3A_281 = tpu.memref_slice %dma_wait3A_278[%dma_wait3A_279, %dma_wait3A_280] : memref<320x128xf32, #tpu.memory_space<vmem>> -> memref<128x128xf32, #tpu.memory_space<vmem>>
      %dma_wait3A_282 = tpu.memref_slice %arg8[%add3A_273] : memref<10240xi32, #tpu.memory_space<vmem>> -> memref<128xi32, #tpu.memory_space<vmem>>
      %dma_wait3A_283 = arith.constant 0 : i32
      %dma_wait3A_284 = arith.constant 0 : i32
      %dma_wait3A_285 = tpu.memref_slice %arg2[%dma_wait3A_283, %dma_wait3A_284] : memref<1000000x128xf32, #tpu.memory_space<hbm>> -> memref<1000000x128xf32, #tpu.memory_space<hbm>>
      tpu.wait_indirect_dma semaphore(%arg12 : memref<!tpu.dma_semaphore, #tpu.memory_space<semaphore_mem>>) src(%dma_wait3A_285 : memref<1000000x128xf32, #tpu.memory_space<hbm>>) dst(%dma_wait3A_281 : memref<128x128xf32, #tpu.memory_space<vmem>>)
      %mul3A_286 = arith.constant 320 : i32
      %mul3A_287 = arith.muli %mul3A_182, %mul3A_286 : i32
      %add3A_288 = arith.constant 256 : i32
      %add3A_289 = arith.addi %mul3A_287, %add3A_288 : i32
      %dma_wait3A_290 = arith.constant 0 : i32
      %dma_wait3A_291 = arith.constant 0 : i32
      %dma_wait3A_292 = arith.constant 0 : i32
      %dma_wait3A_293 = tpu.memref_slice %arg10[%dma_wait3A_290, %dma_wait3A_291, %dma_wait3A_292] : memref<2x320x128xf32, #tpu.memory_space<vmem>> -> memref<1x320x128xf32, #tpu.memory_space<vmem>>
      %dma_wait3A_294 = tpu.memref_squeeze %dma_wait3A_293 : memref<1x320x128xf32, #tpu.memory_space<vmem>> -> memref<320x128xf32, #tpu.memory_space<vmem>>
      %dma_wait3A_295 = arith.constant 256 : i32
      %dma_wait3A_296 = arith.constant 0 : i32
      %dma_wait3A_297 = tpu.memref_slice %dma_wait3A_294[%dma_wait3A_295, %dma_wait3A_296] : memref<320x128xf32, #tpu.memory_space<vmem>> -> memref<64x128xf32, #tpu.memory_space<vmem>>
      %dma_wait3A_298 = tpu.memref_slice %arg8[%add3A_289] : memref<10240xi32, #tpu.memory_space<vmem>> -> memref<64xi32, #tpu.memory_space<vmem>>
      %dma_wait3A_299 = arith.constant 0 : i32
      %dma_wait3A_300 = arith.constant 0 : i32
      %dma_wait3A_301 = tpu.memref_slice %arg2[%dma_wait3A_299, %dma_wait3A_300] : memref<1000000x128xf32, #tpu.memory_space<hbm>> -> memref<1000000x128xf32, #tpu.memory_space<hbm>>
      tpu.wait_indirect_dma semaphore(%arg12 : memref<!tpu.dma_semaphore, #tpu.memory_space<semaphore_mem>>) src(%dma_wait3A_301 : memref<1000000x128xf32, #tpu.memory_space<hbm>>) dst(%dma_wait3A_297 : memref<64x128xf32, #tpu.memory_space<vmem>>)
      %scan3A_302 = arith.constant 0 : i32
      %scan3A_303 = arith.constant 0 : i32
      %scan3A_304 = arith.constant 64 : i32
      %scan3A_305 = arith.addi %scan3A_303, %scan3A_304 : i32
      %scan3A_306 = arith.constant 4 : i32
      %scan3A_307 = scf.for %scan3A_399 = %scan3A_303 to %scan3A_305 step %scan3A_306 iter_args(%scan3A_400 = %scan3A_302) -> (i32)  : i32 {
        %add3A_401 = vector.broadcast %scan3A_399 : i32 to vector<16xi32>
        %add3A_402 = arith.addi %iota3A, %add3A_401 : vector<16xi32>
        %and3A = arith.constant 63 : i32
        %and3A_403 = vector.broadcast %and3A : i32 to vector<16xi32>
        %and3A_404 = arith.andi %add3A_402, %and3A_403 : vector<16xi32>
        %gather3A = arith.constant 0 : i32
        %gather3A_405 = arith.constant 0 : i32
        %gather3A_406 = arith.constant 0 : i32
        %gather3A_407 = tpu.memref_slice %arg10[%gather3A, %gather3A_405, %gather3A_406] : memref<2x320x128xf32, #tpu.memory_space<vmem>> -> memref<1x320x128xf32, #tpu.memory_space<vmem>>
        %gather3A_408 = tpu.memref_squeeze %gather3A_407 : memref<1x320x128xf32, #tpu.memory_space<vmem>> -> memref<320x128xf32, #tpu.memory_space<vmem>>
        %gather3A_409 = tpu.vector_load_idx %gather3A_408[%add3A_10, %and3A_404] : memref<320x128xf32, #tpu.memory_space<vmem>>[vector<16xi32>, vector<16xi32>], vector<16xf32>,
        %gather3A_410 = arith.constant 0 : i32
        %gather3A_411 = arith.constant 0 : i32
        %gather3A_412 = arith.constant 0 : i32
        %gather3A_413 = tpu.memref_slice %arg10[%gather3A_410, %gather3A_411, %gather3A_412] : memref<2x320x128xf32, #tpu.memory_space<vmem>> -> memref<1x320x128xf32, #tpu.memory_space<vmem>>
        %gather3A_414 = tpu.memref_squeeze %gather3A_413 : memref<1x320x128xf32, #tpu.memory_space<vmem>> -> memref<320x128xf32, #tpu.memory_space<vmem>>
        %gather3A_415 = tpu.vector_load_idx %gather3A_414[%add3A_16, %and3A_404] : memref<320x128xf32, #tpu.memory_space<vmem>>[vector<16xi32>, vector<16xi32>], vector<16xf32>,
        %gather3A_416 = arith.constant 0 : i32
        %gather3A_417 = arith.constant 0 : i32
        %gather3A_418 = arith.constant 0 : i32
        %gather3A_419 = tpu.memref_slice %arg10[%gather3A_416, %gather3A_417, %gather3A_418] : memref<2x320x128xf32, #tpu.memory_space<vmem>> -> memref<1x320x128xf32, #tpu.memory_space<vmem>>
        %gather3A_420 = tpu.memref_squeeze %gather3A_419 : memref<1x320x128xf32, #tpu.memory_space<vmem>> -> memref<320x128xf32, #tpu.memory_space<vmem>>
        %gather3A_421 = tpu.vector_load_idx %gather3A_420[%add3A_22, %and3A_404] : memref<320x128xf32, #tpu.memory_space<vmem>>[vector<16xi32>, vector<16xi32>], vector<16xf32>,
        %add3A_422 = arith.addf %gather3A_409, %gather3A_421 : vector<16xf32>
        %gather3A_423 = arith.constant 0 : i32
        %gather3A_424 = arith.constant 0 : i32
        %gather3A_425 = arith.constant 0 : i32
        %gather3A_426 = tpu.memref_slice %arg10[%gather3A_423, %gather3A_424, %gather3A_425] : memref<2x320x128xf32, #tpu.memory_space<vmem>> -> memref<1x320x128xf32, #tpu.memory_space<vmem>>
        %gather3A_427 = tpu.memref_squeeze %gather3A_426 : memref<1x320x128xf32, #tpu.memory_space<vmem>> -> memref<320x128xf32, #tpu.memory_space<vmem>>
        %gather3A_428 = tpu.vector_load_idx %gather3A_427[%add3A_28, %and3A_404] : memref<320x128xf32, #tpu.memory_space<vmem>>[vector<16xi32>, vector<16xi32>], vector<16xf32>,
        %add3A_429 = arith.addf %gather3A_415, %gather3A_428 : vector<16xf32>
        %gather3A_430 = arith.constant 0 : i32
        %gather3A_431 = arith.constant 0 : i32
        %gather3A_432 = arith.constant 0 : i32
        %gather3A_433 = tpu.memref_slice %arg10[%gather3A_430, %gather3A_431, %gather3A_432] : memref<2x320x128xf32, #tpu.memory_space<vmem>> -> memref<1x320x128xf32, #tpu.memory_space<vmem>>
        %gather3A_434 = tpu.memref_squeeze %gather3A_433 : memref<1x320x128xf32, #tpu.memory_space<vmem>> -> memref<320x128xf32, #tpu.memory_space<vmem>>
        %gather3A_435 = tpu.vector_load_idx %gather3A_434[%add3A_34, %and3A_404] : memref<320x128xf32, #tpu.memory_space<vmem>>[vector<16xi32>, vector<16xi32>], vector<16xf32>,
        %add3A_436 = arith.addf %add3A_422, %gather3A_435 : vector<16xf32>
        %gather3A_437 = arith.constant 0 : i32
        %gather3A_438 = arith.constant 0 : i32
        %gather3A_439 = arith.constant 0 : i32
        %gather3A_440 = tpu.memref_slice %arg10[%gather3A_437, %gather3A_438, %gather3A_439] : memref<2x320x128xf32, #tpu.memory_space<vmem>> -> memref<1x320x128xf32, #tpu.memory_space<vmem>>
        %gather3A_441 = tpu.memref_squeeze %gather3A_440 : memref<1x320x128xf32, #tpu.memory_space<vmem>> -> memref<320x128xf32, #tpu.memory_space<vmem>>
        %gather3A_442 = tpu.vector_load_idx %gather3A_441[%add3A_40, %and3A_404] : memref<320x128xf32, #tpu.memory_space<vmem>>[vector<16xi32>, vector<16xi32>], vector<16xf32>,
        %add3A_443 = arith.addf %add3A_429, %gather3A_442 : vector<16xf32>
        %gather3A_444 = arith.constant 0 : i32
        %gather3A_445 = arith.constant 0 : i32
        %gather3A_446 = arith.constant 0 : i32
        %gather3A_447 = tpu.memref_slice %arg10[%gather3A_444, %gather3A_445, %gather3A_446] : memref<2x320x128xf32, #tpu.memory_space<vmem>> -> memref<1x320x128xf32, #tpu.memory_space<vmem>>
        %gather3A_448 = tpu.memref_squeeze %gather3A_447 : memref<1x320x128xf32, #tpu.memory_space<vmem>> -> memref<320x128xf32, #tpu.memory_space<vmem>>
        %gather3A_449 = tpu.vector_load_idx %gather3A_448[%add3A_46, %and3A_404] : memref<320x128xf32, #tpu.memory_space<vmem>>[vector<16xi32>, vector<16xi32>], vector<16xf32>,
        %add3A_450 = arith.addf %add3A_436, %gather3A_449 : vector<16xf32>
        %gather3A_451 = arith.constant 0 : i32
        %gather3A_452 = arith.constant 0 : i32
        %gather3A_453 = arith.constant 0 : i32
        %gather3A_454 = tpu.memref_slice %arg10[%gather3A_451, %gather3A_452, %gather3A_453] : memref<2x320x128xf32, #tpu.memory_space<vmem>> -> memref<1x320x128xf32, #tpu.memory_space<vmem>>
        %gather3A_455 = tpu.memref_squeeze %gather3A_454 : memref<1x320x128xf32, #tpu.memory_space<vmem>> -> memref<320x128xf32, #tpu.memory_space<vmem>>
        %gather3A_456 = tpu.vector_load_idx %gather3A_455[%add3A_52, %and3A_404] : memref<320x128xf32, #tpu.memory_space<vmem>>[vector<16xi32>, vector<16xi32>], vector<16xf32>,
        %add3A_457 = arith.addf %add3A_443, %gather3A_456 : vector<16xf32>
        %gather3A_458 = arith.constant 0 : i32
        %gather3A_459 = arith.constant 0 : i32
        %gather3A_460 = arith.constant 0 : i32
        %gather3A_461 = tpu.memref_slice %arg10[%gather3A_458, %gather3A_459, %gather3A_460] : memref<2x320x128xf32, #tpu.memory_space<vmem>> -> memref<1x320x128xf32, #tpu.memory_space<vmem>>
        %gather3A_462 = tpu.memref_squeeze %gather3A_461 : memref<1x320x128xf32, #tpu.memory_space<vmem>> -> memref<320x128xf32, #tpu.memory_space<vmem>>
        %gather3A_463 = tpu.vector_load_idx %gather3A_462[%add3A_58, %and3A_404] : memref<320x128xf32, #tpu.memory_space<vmem>>[vector<16xi32>, vector<16xi32>], vector<16xf32>,
        %add3A_464 = arith.addf %add3A_450, %gather3A_463 : vector<16xf32>
        %gather3A_465 = arith.constant 0 : i32
        %gather3A_466 = arith.constant 0 : i32
        %gather3A_467 = arith.constant 0 : i32
        %gather3A_468 = tpu.memref_slice %arg10[%gather3A_465, %gather3A_466, %gather3A_467] : memref<2x320x128xf32, #tpu.memory_space<vmem>> -> memref<1x320x128xf32, #tpu.memory_space<vmem>>
        %gather3A_469 = tpu.memref_squeeze %gather3A_468 : memref<1x320x128xf32, #tpu.memory_space<vmem>> -> memref<320x128xf32, #tpu.memory_space<vmem>>
        %gather3A_470 = tpu.vector_load_idx %gather3A_469[%add3A_64, %and3A_404] : memref<320x128xf32, #tpu.memory_space<vmem>>[vector<16xi32>, vector<16xi32>], vector<16xf32>,
        %add3A_471 = arith.addf %add3A_457, %gather3A_470 : vector<16xf32>
        %gather3A_472 = arith.constant 0 : i32
        %gather3A_473 = arith.constant 0 : i32
        %gather3A_474 = arith.constant 0 : i32
        %gather3A_475 = tpu.memref_slice %arg10[%gather3A_472, %gather3A_473, %gather3A_474] : memref<2x320x128xf32, #tpu.memory_space<vmem>> -> memref<1x320x128xf32, #tpu.memory_space<vmem>>
        %gather3A_476 = tpu.memref_squeeze %gather3A_475 : memref<1x320x128xf32, #tpu.memory_space<vmem>> -> memref<320x128xf32, #tpu.memory_space<vmem>>
        %gather3A_477 = tpu.vector_load_idx %gather3A_476[%add3A_70, %and3A_404] : memref<320x128xf32, #tpu.memory_space<vmem>>[vector<16xi32>, vector<16xi32>], vector<16xf32>,
        %add3A_478 = arith.addf %add3A_464, %gather3A_477 : vector<16xf32>
        %gather3A_479 = arith.constant 0 : i32
        %gather3A_480 = arith.constant 0 : i32
        %gather3A_481 = arith.constant 0 : i32
        %gather3A_482 = tpu.memref_slice %arg10[%gather3A_479, %gather3A_480, %gather3A_481] : memref<2x320x128xf32, #tpu.memory_space<vmem>> -> memref<1x320x128xf32, #tpu.memory_space<vmem>>
        %gather3A_483 = tpu.memref_squeeze %gather3A_482 : memref<1x320x128xf32, #tpu.memory_space<vmem>> -> memref<320x128xf32, #tpu.memory_space<vmem>>
        %gather3A_484 = tpu.vector_load_idx %gather3A_483[%add3A_76, %and3A_404] : memref<320x128xf32, #tpu.memory_space<vmem>>[vector<16xi32>, vector<16xi32>], vector<16xf32>,
        %add3A_485 = arith.addf %add3A_471, %gather3A_484 : vector<16xf32>
        %gather3A_486 = arith.constant 0 : i32
        %gather3A_487 = arith.constant 0 : i32
        %gather3A_488 = arith.constant 0 : i32
        %gather3A_489 = tpu.memref_slice %arg10[%gather3A_486, %gather3A_487, %gather3A_488] : memref<2x320x128xf32, #tpu.memory_space<vmem>> -> memref<1x320x128xf32, #tpu.memory_space<vmem>>
        %gather3A_490 = tpu.memref_squeeze %gather3A_489 : memref<1x320x128xf32, #tpu.memory_space<vmem>> -> memref<320x128xf32, #tpu.memory_space<vmem>>
        %gather3A_491 = tpu.vector_load_idx %gather3A_490[%add3A_82, %and3A_404] : memref<320x128xf32, #tpu.memory_space<vmem>>[vector<16xi32>, vector<16xi32>], vector<16xf32>,
        %add3A_492 = arith.addf %add3A_478, %gather3A_491 : vector<16xf32>
        %gather3A_493 = arith.constant 0 : i32
        %gather3A_494 = arith.constant 0 : i32
        %gather3A_495 = arith.constant 0 : i32
        %gather3A_496 = tpu.memref_slice %arg10[%gather3A_493, %gather3A_494, %gather3A_495] : memref<2x320x128xf32, #tpu.memory_space<vmem>> -> memref<1x320x128xf32, #tpu.memory_space<vmem>>
        %gather3A_497 = tpu.memref_squeeze %gather3A_496 : memref<1x320x128xf32, #tpu.memory_space<vmem>> -> memref<320x128xf32, #tpu.memory_space<vmem>>
        %gather3A_498 = tpu.vector_load_idx %gather3A_497[%add3A_88, %and3A_404] : memref<320x128xf32, #tpu.memory_space<vmem>>[vector<16xi32>, vector<16xi32>], vector<16xf32>,
        %add3A_499 = arith.addf %add3A_485, %gather3A_498 : vector<16xf32>
        %gather3A_500 = arith.constant 0 : i32
        %gather3A_501 = arith.constant 0 : i32
        %gather3A_502 = arith.constant 0 : i32
        %gather3A_503 = tpu.memref_slice %arg10[%gather3A_500, %gather3A_501, %gather3A_502] : memref<2x320x128xf32, #tpu.memory_space<vmem>> -> memref<1x320x128xf32, #tpu.memory_space<vmem>>
        %gather3A_504 = tpu.memref_squeeze %gather3A_503 : memref<1x320x128xf32, #tpu.memory_space<vmem>> -> memref<320x128xf32, #tpu.memory_space<vmem>>
        %gather3A_505 = tpu.vector_load_idx %gather3A_504[%add3A_94, %and3A_404] : memref<320x128xf32, #tpu.memory_space<vmem>>[vector<16xi32>, vector<16xi32>], vector<16xf32>,
        %add3A_506 = arith.addf %add3A_492, %gather3A_505 : vector<16xf32>
        %gather3A_507 = arith.constant 0 : i32
        %gather3A_508 = arith.constant 0 : i32
        %gather3A_509 = arith.constant 0 : i32
        %gather3A_510 = tpu.memref_slice %arg10[%gather3A_507, %gather3A_508, %gather3A_509] : memref<2x320x128xf32, #tpu.memory_space<vmem>> -> memref<1x320x128xf32, #tpu.memory_space<vmem>>
        %gather3A_511 = tpu.memref_squeeze %gather3A_510 : memref<1x320x128xf32, #tpu.memory_space<vmem>> -> memref<320x128xf32, #tpu.memory_space<vmem>>
        %gather3A_512 = tpu.vector_load_idx %gather3A_511[%add3A_100, %and3A_404] : memref<320x128xf32, #tpu.memory_space<vmem>>[vector<16xi32>, vector<16xi32>], vector<16xf32>,
        %add3A_513 = arith.addf %add3A_499, %gather3A_512 : vector<16xf32>
        %gather3A_514 = arith.constant 0 : i32
        %gather3A_515 = arith.constant 0 : i32
        %gather3A_516 = arith.constant 0 : i32
        %gather3A_517 = tpu.memref_slice %arg10[%gather3A_514, %gather3A_515, %gather3A_516] : memref<2x320x128xf32, #tpu.memory_space<vmem>> -> memref<1x320x128xf32, #tpu.memory_space<vmem>>
        %gather3A_518 = tpu.memref_squeeze %gather3A_517 : memref<1x320x128xf32, #tpu.memory_space<vmem>> -> memref<320x128xf32, #tpu.memory_space<vmem>>
        %gather3A_519 = tpu.vector_load_idx %gather3A_518[%add3A_106, %and3A_404] : memref<320x128xf32, #tpu.memory_space<vmem>>[vector<16xi32>, vector<16xi32>], vector<16xf32>,
        %add3A_520 = arith.addf %add3A_506, %gather3A_519 : vector<16xf32>
        %gather3A_521 = arith.constant 0 : i32
        %gather3A_522 = arith.constant 0 : i32
        %gather3A_523 = arith.constant 0 : i32
        %gather3A_524 = tpu.memref_slice %arg10[%gather3A_521, %gather3A_522, %gather3A_523] : memref<2x320x128xf32, #tpu.memory_space<vmem>> -> memref<1x320x128xf32, #tpu.memory_space<vmem>>
        %gather3A_525 = tpu.memref_squeeze %gather3A_524 : memref<1x320x128xf32, #tpu.memory_space<vmem>> -> memref<320x128xf32, #tpu.memory_space<vmem>>
        %gather3A_526 = tpu.vector_load_idx %gather3A_525[%add3A_112, %and3A_404] : memref<320x128xf32, #tpu.memory_space<vmem>>[vector<16xi32>, vector<16xi32>], vector<16xf32>,
        %add3A_527 = arith.addf %add3A_513, %gather3A_526 : vector<16xf32>
        %gather3A_528 = arith.constant 0 : i32
        %gather3A_529 = arith.constant 0 : i32
        %gather3A_530 = arith.constant 0 : i32
        %gather3A_531 = tpu.memref_slice %arg10[%gather3A_528, %gather3A_529, %gather3A_530] : memref<2x320x128xf32, #tpu.memory_space<vmem>> -> memref<1x320x128xf32, #tpu.memory_space<vmem>>
        %gather3A_532 = tpu.memref_squeeze %gather3A_531 : memref<1x320x128xf32, #tpu.memory_space<vmem>> -> memref<320x128xf32, #tpu.memory_space<vmem>>
        %gather3A_533 = tpu.vector_load_idx %gather3A_532[%add3A_118, %and3A_404] : memref<320x128xf32, #tpu.memory_space<vmem>>[vector<16xi32>, vector<16xi32>], vector<16xf32>,
        %add3A_534 = arith.addf %add3A_520, %gather3A_533 : vector<16xf32>
        %gather3A_535 = arith.constant 0 : i32
        %gather3A_536 = arith.constant 0 : i32
        %gather3A_537 = arith.constant 0 : i32
        %gather3A_538 = tpu.memref_slice %arg10[%gather3A_535, %gather3A_536, %gather3A_537] : memref<2x320x128xf32, #tpu.memory_space<vmem>> -> memref<1x320x128xf32, #tpu.memory_space<vmem>>
        %gather3A_539 = tpu.memref_squeeze %gather3A_538 : memref<1x320x128xf32, #tpu.memory_space<vmem>> -> memref<320x128xf32, #tpu.memory_space<vmem>>
        %gather3A_540 = tpu.vector_load_idx %gather3A_539[%add3A_124, %and3A_404] : memref<320x128xf32, #tpu.memory_space<vmem>>[vector<16xi32>, vector<16xi32>], vector<16xf32>,
        %add3A_541 = arith.addf %add3A_527, %gather3A_540 : vector<16xf32>
        %add3A_542 = arith.addf %add3A_534, %add3A_541 : vector<16xf32>
        %scatter3A = arith.constant 0 : i32
        %scatter3A_543 = arith.constant 0 : i32
        %scatter3A_544 = arith.constant 0 : i32
        %scatter3A_545 = tpu.memref_slice %arg11[%scatter3A, %scatter3A_543, %scatter3A_544] : memref<2x16x64xf32, #tpu.memory_space<vmem>> -> memref<1x16x64xf32, #tpu.memory_space<vmem>>
        %scatter3A_546 = tpu.memref_squeeze %scatter3A_545 : memref<1x16x64xf32, #tpu.memory_space<vmem>> -> memref<16x64xf32, #tpu.memory_space<vmem>>
        tpu.vector_store_idx %scatter3A_546[%iota3A, %and3A_404], %add3A_542 : memref<16x64xf32, #tpu.memory_space<vmem>>[vector<16xi32>, vector<16xi32>], vector<16xf32>,
        %scan3A_547 = arith.constant 0 : i32
        %scan3A_548 = arith.constant 1 : i32
        %scan3A_549 = arith.addi %scan3A_399, %scan3A_548 : i32
        %add3A_550 = vector.broadcast %scan3A_549 : i32 to vector<16xi32>
        %add3A_551 = arith.addi %iota3A, %add3A_550 : vector<16xi32>
        %and3A_552 = arith.constant 63 : i32
        %and3A_553 = vector.broadcast %and3A_552 : i32 to vector<16xi32>
        %and3A_554 = arith.andi %add3A_551, %and3A_553 : vector<16xi32>
        %gather3A_555 = arith.constant 0 : i32
        %gather3A_556 = arith.constant 0 : i32
        %gather3A_557 = arith.constant 0 : i32
        %gather3A_558 = tpu.memref_slice %arg10[%gather3A_555, %gather3A_556, %gather3A_557] : memref<2x320x128xf32, #tpu.memory_space<vmem>> -> memref<1x320x128xf32, #tpu.memory_space<vmem>>
        %gather3A_559 = tpu.memref_squeeze %gather3A_558 : memref<1x320x128xf32, #tpu.memory_space<vmem>> -> memref<320x128xf32, #tpu.memory_space<vmem>>
        %gather3A_560 = tpu.vector_load_idx %gather3A_559[%add3A_10, %and3A_554] : memref<320x128xf32, #tpu.memory_space<vmem>>[vector<16xi32>, vector<16xi32>], vector<16xf32>,
        %gather3A_561 = arith.constant 0 : i32
        %gather3A_562 = arith.constant 0 : i32
        %gather3A_563 = arith.constant 0 : i32
        %gather3A_564 = tpu.memref_slice %arg10[%gather3A_561, %gather3A_562, %gather3A_563] : memref<2x320x128xf32, #tpu.memory_space<vmem>> -> memref<1x320x128xf32, #tpu.memory_space<vmem>>
        %gather3A_565 = tpu.memref_squeeze %gather3A_564 : memref<1x320x128xf32, #tpu.memory_space<vmem>> -> memref<320x128xf32, #tpu.memory_space<vmem>>
        %gather3A_566 = tpu.vector_load_idx %gather3A_565[%add3A_16, %and3A_554] : memref<320x128xf32, #tpu.memory_space<vmem>>[vector<16xi32>, vector<16xi32>], vector<16xf32>,
        %gather3A_567 = arith.constant 0 : i32
        %gather3A_568 = arith.constant 0 : i32
        %gather3A_569 = arith.constant 0 : i32
        %gather3A_570 = tpu.memref_slice %arg10[%gather3A_567, %gather3A_568, %gather3A_569] : memref<2x320x128xf32, #tpu.memory_space<vmem>> -> memref<1x320x128xf32, #tpu.memory_space<vmem>>
        %gather3A_571 = tpu.memref_squeeze %gather3A_570 : memref<1x320x128xf32, #tpu.memory_space<vmem>> -> memref<320x128xf32, #tpu.memory_space<vmem>>
        %gather3A_572 = tpu.vector_load_idx %gather3A_571[%add3A_22, %and3A_554] : memref<320x128xf32, #tpu.memory_space<vmem>>[vector<16xi32>, vector<16xi32>], vector<16xf32>,
        %add3A_573 = arith.addf %gather3A_560, %gather3A_572 : vector<16xf32>
        %gather3A_574 = arith.constant 0 : i32
        %gather3A_575 = arith.constant 0 : i32
        %gather3A_576 = arith.constant 0 : i32
        %gather3A_577 = tpu.memref_slice %arg10[%gather3A_574, %gather3A_575, %gather3A_576] : memref<2x320x128xf32, #tpu.memory_space<vmem>> -> memref<1x320x128xf32, #tpu.memory_space<vmem>>
        %gather3A_578 = tpu.memref_squeeze %gather3A_577 : memref<1x320x128xf32, #tpu.memory_space<vmem>> -> memref<320x128xf32, #tpu.memory_space<vmem>>
        %gather3A_579 = tpu.vector_load_idx %gather3A_578[%add3A_28, %and3A_554] : memref<320x128xf32, #tpu.memory_space<vmem>>[vector<16xi32>, vector<16xi32>], vector<16xf32>,
        %add3A_580 = arith.addf %gather3A_566, %gather3A_579 : vector<16xf32>
        %gather3A_581 = arith.constant 0 : i32
        %gather3A_582 = arith.constant 0 : i32
        %gather3A_583 = arith.constant 0 : i32
        %gather3A_584 = tpu.memref_slice %arg10[%gather3A_581, %gather3A_582, %gather3A_583] : memref<2x320x128xf32, #tpu.memory_space<vmem>> -> memref<1x320x128xf32, #tpu.memory_space<vmem>>
        %gather3A_585 = tpu.memref_squeeze %gather3A_584 : memref<1x320x128xf32, #tpu.memory_space<vmem>> -> memref<320x128xf32, #tpu.memory_space<vmem>>
        %gather3A_586 = tpu.vector_load_idx %gather3A_585[%add3A_34, %and3A_554] : memref<320x128xf32, #tpu.memory_space<vmem>>[vector<16xi32>, vector<16xi32>], vector<16xf32>,
        %add3A_587 = arith.addf %add3A_573, %gather3A_586 : vector<16xf32>
        %gather3A_588 = arith.constant 0 : i32
        %gather3A_589 = arith.constant 0 : i32
        %gather3A_590 = arith.constant 0 : i32
        %gather3A_591 = tpu.memref_slice %arg10[%gather3A_588, %gather3A_589, %gather3A_590] : memref<2x320x128xf32, #tpu.memory_space<vmem>> -> memref<1x320x128xf32, #tpu.memory_space<vmem>>
        %gather3A_592 = tpu.memref_squeeze %gather3A_591 : memref<1x320x128xf32, #tpu.memory_space<vmem>> -> memref<320x128xf32, #tpu.memory_space<vmem>>
        %gather3A_593 = tpu.vector_load_idx %gather3A_592[%add3A_40, %and3A_554] : memref<320x128xf32, #tpu.memory_space<vmem>>[vector<16xi32>, vector<16xi32>], vector<16xf32>,
        %add3A_594 = arith.addf %add3A_580, %gather3A_593 : vector<16xf32>
        %gather3A_595 = arith.constant 0 : i32
        %gather3A_596 = arith.constant 0 : i32
        %gather3A_597 = arith.constant 0 : i32
        %gather3A_598 = tpu.memref_slice %arg10[%gather3A_595, %gather3A_596, %gather3A_597] : memref<2x320x128xf32, #tpu.memory_space<vmem>> -> memref<1x320x128xf32, #tpu.memory_space<vmem>>
        %gather3A_599 = tpu.memref_squeeze %gather3A_598 : memref<1x320x128xf32, #tpu.memory_space<vmem>> -> memref<320x128xf32, #tpu.memory_space<vmem>>
        %gather3A_600 = tpu.vector_load_idx %gather3A_599[%add3A_46, %and3A_554] : memref<320x128xf32, #tpu.memory_space<vmem>>[vector<16xi32>, vector<16xi32>], vector<16xf32>,
        %add3A_601 = arith.addf %add3A_587, %gather3A_600 : vector<16xf32>
        %gather3A_602 = arith.constant 0 : i32
        %gather3A_603 = arith.constant 0 : i32
        %gather3A_604 = arith.constant 0 : i32
        %gather3A_605 = tpu.memref_slice %arg10[%gather3A_602, %gather3A_603, %gather3A_604] : memref<2x320x128xf32, #tpu.memory_space<vmem>> -> memref<1x320x128xf32, #tpu.memory_space<vmem>>
        %gather3A_606 = tpu.memref_squeeze %gather3A_605 : memref<1x320x128xf32, #tpu.memory_space<vmem>> -> memref<320x128xf32, #tpu.memory_space<vmem>>
        %gather3A_607 = tpu.vector_load_idx %gather3A_606[%add3A_52, %and3A_554] : memref<320x128xf32, #tpu.memory_space<vmem>>[vector<16xi32>, vector<16xi32>], vector<16xf32>,
        %add3A_608 = arith.addf %add3A_594, %gather3A_607 : vector<16xf32>
        %gather3A_609 = arith.constant 0 : i32
        %gather3A_610 = arith.constant 0 : i32
        %gather3A_611 = arith.constant 0 : i32
        %gather3A_612 = tpu.memref_slice %arg10[%gather3A_609, %gather3A_610, %gather3A_611] : memref<2x320x128xf32, #tpu.memory_space<vmem>> -> memref<1x320x128xf32, #tpu.memory_space<vmem>>
        %gather3A_613 = tpu.memref_squeeze %gather3A_612 : memref<1x320x128xf32, #tpu.memory_space<vmem>> -> memref<320x128xf32, #tpu.memory_space<vmem>>
        %gather3A_614 = tpu.vector_load_idx %gather3A_613[%add3A_58, %and3A_554] : memref<320x128xf32, #tpu.memory_space<vmem>>[vector<16xi32>, vector<16xi32>], vector<16xf32>,
        %add3A_615 = arith.addf %add3A_601, %gather3A_614 : vector<16xf32>
        %gather3A_616 = arith.constant 0 : i32
        %gather3A_617 = arith.constant 0 : i32
        %gather3A_618 = arith.constant 0 : i32
        %gather3A_619 = tpu.memref_slice %arg10[%gather3A_616, %gather3A_617, %gather3A_618] : memref<2x320x128xf32, #tpu.memory_space<vmem>> -> memref<1x320x128xf32, #tpu.memory_space<vmem>>
        %gather3A_620 = tpu.memref_squeeze %gather3A_619 : memref<1x320x128xf32, #tpu.memory_space<vmem>> -> memref<320x128xf32, #tpu.memory_space<vmem>>
        %gather3A_621 = tpu.vector_load_idx %gather3A_620[%add3A_64, %and3A_554] : memref<320x128xf32, #tpu.memory_space<vmem>>[vector<16xi32>, vector<16xi32>], vector<16xf32>,
        %add3A_622 = arith.addf %add3A_608, %gather3A_621 : vector<16xf32>
        %gather3A_623 = arith.constant 0 : i32
        %gather3A_624 = arith.constant 0 : i32
        %gather3A_625 = arith.constant 0 : i32
        %gather3A_626 = tpu.memref_slice %arg10[%gather3A_623, %gather3A_624, %gather3A_625] : memref<2x320x128xf32, #tpu.memory_space<vmem>> -> memref<1x320x128xf32, #tpu.memory_space<vmem>>
        %gather3A_627 = tpu.memref_squeeze %gather3A_626 : memref<1x320x128xf32, #tpu.memory_space<vmem>> -> memref<320x128xf32, #tpu.memory_space<vmem>>
        %gather3A_628 = tpu.vector_load_idx %gather3A_627[%add3A_70, %and3A_554] : memref<320x128xf32, #tpu.memory_space<vmem>>[vector<16xi32>, vector<16xi32>], vector<16xf32>,
        %add3A_629 = arith.addf %add3A_615, %gather3A_628 : vector<16xf32>
        %gather3A_630 = arith.constant 0 : i32
        %gather3A_631 = arith.constant 0 : i32
        %gather3A_632 = arith.constant 0 : i32
        %gather3A_633 = tpu.memref_slice %arg10[%gather3A_630, %gather3A_631, %gather3A_632] : memref<2x320x128xf32, #tpu.memory_space<vmem>> -> memref<1x320x128xf32, #tpu.memory_space<vmem>>
        %gather3A_634 = tpu.memref_squeeze %gather3A_633 : memref<1x320x128xf32, #tpu.memory_space<vmem>> -> memref<320x128xf32, #tpu.memory_space<vmem>>
        %gather3A_635 = tpu.vector_load_idx %gather3A_634[%add3A_76, %and3A_554] : memref<320x128xf32, #tpu.memory_space<vmem>>[vector<16xi32>, vector<16xi32>], vector<16xf32>,
        %add3A_636 = arith.addf %add3A_622, %gather3A_635 : vector<16xf32>
        %gather3A_637 = arith.constant 0 : i32
        %gather3A_638 = arith.constant 0 : i32
        %gather3A_639 = arith.constant 0 : i32
        %gather3A_640 = tpu.memref_slice %arg10[%gather3A_637, %gather3A_638, %gather3A_639] : memref<2x320x128xf32, #tpu.memory_space<vmem>> -> memref<1x320x128xf32, #tpu.memory_space<vmem>>
        %gather3A_641 = tpu.memref_squeeze %gather3A_640 : memref<1x320x128xf32, #tpu.memory_space<vmem>> -> memref<320x128xf32, #tpu.memory_space<vmem>>
        %gather3A_642 = tpu.vector_load_idx %gather3A_641[%add3A_82, %and3A_554] : memref<320x128xf32, #tpu.memory_space<vmem>>[vector<16xi32>, vector<16xi32>], vector<16xf32>,
        %add3A_643 = arith.addf %add3A_629, %gather3A_642 : vector<16xf32>
        %gather3A_644 = arith.constant 0 : i32
        %gather3A_645 = arith.constant 0 : i32
        %gather3A_646 = arith.constant 0 : i32
        %gather3A_647 = tpu.memref_slice %arg10[%gather3A_644, %gather3A_645, %gather3A_646] : memref<2x320x128xf32, #tpu.memory_space<vmem>> -> memref<1x320x128xf32, #tpu.memory_space<vmem>>
        %gather3A_648 = tpu.memref_squeeze %gather3A_647 : memref<1x320x128xf32, #tpu.memory_space<vmem>> -> memref<320x128xf32, #tpu.memory_space<vmem>>
        %gather3A_649 = tpu.vector_load_idx %gather3A_648[%add3A_88, %and3A_554] : memref<320x128xf32, #tpu.memory_space<vmem>>[vector<16xi32>, vector<16xi32>], vector<16xf32>,
        %add3A_650 = arith.addf %add3A_636, %gather3A_649 : vector<16xf32>
        %gather3A_651 = arith.constant 0 : i32
        %gather3A_652 = arith.constant 0 : i32
        %gather3A_653 = arith.constant 0 : i32
        %gather3A_654 = tpu.memref_slice %arg10[%gather3A_651, %gather3A_652, %gather3A_653] : memref<2x320x128xf32, #tpu.memory_space<vmem>> -> memref<1x320x128xf32, #tpu.memory_space<vmem>>
        %gather3A_655 = tpu.memref_squeeze %gather3A_654 : memref<1x320x128xf32, #tpu.memory_space<vmem>> -> memref<320x128xf32, #tpu.memory_space<vmem>>
        %gather3A_656 = tpu.vector_load_idx %gather3A_655[%add3A_94, %and3A_554] : memref<320x128xf32, #tpu.memory_space<vmem>>[vector<16xi32>, vector<16xi32>], vector<16xf32>,
        %add3A_657 = arith.addf %add3A_643, %gather3A_656 : vector<16xf32>
        %gather3A_658 = arith.constant 0 : i32
        %gather3A_659 = arith.constant 0 : i32
        %gather3A_660 = arith.constant 0 : i32
        %gather3A_661 = tpu.memref_slice %arg10[%gather3A_658, %gather3A_659, %gather3A_660] : memref<2x320x128xf32, #tpu.memory_space<vmem>> -> memref<1x320x128xf32, #tpu.memory_space<vmem>>
        %gather3A_662 = tpu.memref_squeeze %gather3A_661 : memref<1x320x128xf32, #tpu.memory_space<vmem>> -> memref<320x128xf32, #tpu.memory_space<vmem>>
        %gather3A_663 = tpu.vector_load_idx %gather3A_662[%add3A_100, %and3A_554] : memref<320x128xf32, #tpu.memory_space<vmem>>[vector<16xi32>, vector<16xi32>], vector<16xf32>,
        %add3A_664 = arith.addf %add3A_650, %gather3A_663 : vector<16xf32>
        %gather3A_665 = arith.constant 0 : i32
        %gather3A_666 = arith.constant 0 : i32
        %gather3A_667 = arith.constant 0 : i32
        %gather3A_668 = tpu.memref_slice %arg10[%gather3A_665, %gather3A_666, %gather3A_667] : memref<2x320x128xf32, #tpu.memory_space<vmem>> -> memref<1x320x128xf32, #tpu.memory_space<vmem>>
        %gather3A_669 = tpu.memref_squeeze %gather3A_668 : memref<1x320x128xf32, #tpu.memory_space<vmem>> -> memref<320x128xf32, #tpu.memory_space<vmem>>
        %gather3A_670 = tpu.vector_load_idx %gather3A_669[%add3A_106, %and3A_554] : memref<320x128xf32, #tpu.memory_space<vmem>>[vector<16xi32>, vector<16xi32>], vector<16xf32>,
        %add3A_671 = arith.addf %add3A_657, %gather3A_670 : vector<16xf32>
        %gather3A_672 = arith.constant 0 : i32
        %gather3A_673 = arith.constant 0 : i32
        %gather3A_674 = arith.constant 0 : i32
        %gather3A_675 = tpu.memref_slice %arg10[%gather3A_672, %gather3A_673, %gather3A_674] : memref<2x320x128xf32, #tpu.memory_space<vmem>> -> memref<1x320x128xf32, #tpu.memory_space<vmem>>
        %gather3A_676 = tpu.memref_squeeze %gather3A_675 : memref<1x320x128xf32, #tpu.memory_space<vmem>> -> memref<320x128xf32, #tpu.memory_space<vmem>>
        %gather3A_677 = tpu.vector_load_idx %gather3A_676[%add3A_112, %and3A_554] : memref<320x128xf32, #tpu.memory_space<vmem>>[vector<16xi32>, vector<16xi32>], vector<16xf32>,
        %add3A_678 = arith.addf %add3A_664, %gather3A_677 : vector<16xf32>
        %gather3A_679 = arith.constant 0 : i32
        %gather3A_680 = arith.constant 0 : i32
        %gather3A_681 = arith.constant 0 : i32
        %gather3A_682 = tpu.memref_slice %arg10[%gather3A_679, %gather3A_680, %gather3A_681] : memref<2x320x128xf32, #tpu.memory_space<vmem>> -> memref<1x320x128xf32, #tpu.memory_space<vmem>>
        %gather3A_683 = tpu.memref_squeeze %gather3A_682 : memref<1x320x128xf32, #tpu.memory_space<vmem>> -> memref<320x128xf32, #tpu.memory_space<vmem>>
        %gather3A_684 = tpu.vector_load_idx %gather3A_683[%add3A_118, %and3A_554] : memref<320x128xf32, #tpu.memory_space<vmem>>[vector<16xi32>, vector<16xi32>], vector<16xf32>,
        %add3A_685 = arith.addf %add3A_671, %gather3A_684 : vector<16xf32>
        %gather3A_686 = arith.constant 0 : i32
        %gather3A_687 = arith.constant 0 : i32
        %gather3A_688 = arith.constant 0 : i32
        %gather3A_689 = tpu.memref_slice %arg10[%gather3A_686, %gather3A_687, %gather3A_688] : memref<2x320x128xf32, #tpu.memory_space<vmem>> -> memref<1x320x128xf32, #tpu.memory_space<vmem>>
        %gather3A_690 = tpu.memref_squeeze %gather3A_689 : memref<1x320x128xf32, #tpu.memory_space<vmem>> -> memref<320x128xf32, #tpu.memory_space<vmem>>
        %gather3A_691 = tpu.vector_load_idx %gather3A_690[%add3A_124, %and3A_554] : memref<320x128xf32, #tpu.memory_space<vmem>>[vector<16xi32>, vector<16xi32>], vector<16xf32>,
        %add3A_692 = arith.addf %add3A_678, %gather3A_691 : vector<16xf32>
        %add3A_693 = arith.addf %add3A_685, %add3A_692 : vector<16xf32>
        %scatter3A_694 = arith.constant 0 : i32
        %scatter3A_695 = arith.constant 0 : i32
        %scatter3A_696 = arith.constant 0 : i32
        %scatter3A_697 = tpu.memref_slice %arg11[%scatter3A_694, %scatter3A_695, %scatter3A_696] : memref<2x16x64xf32, #tpu.memory_space<vmem>> -> memref<1x16x64xf32, #tpu.memory_space<vmem>>
        %scatter3A_698 = tpu.memref_squeeze %scatter3A_697 : memref<1x16x64xf32, #tpu.memory_space<vmem>> -> memref<16x64xf32, #tpu.memory_space<vmem>>
        tpu.vector_store_idx %scatter3A_698[%iota3A, %and3A_554], %add3A_693 : memref<16x64xf32, #tpu.memory_space<vmem>>[vector<16xi32>, vector<16xi32>], vector<16xf32>,
        %scan3A_699 = arith.constant 0 : i32
        %scan3A_700 = arith.constant 2 : i32
        %scan3A_701 = arith.addi %scan3A_399, %scan3A_700 : i32
        %add3A_702 = vector.broadcast %scan3A_701 : i32 to vector<16xi32>
        %add3A_703 = arith.addi %iota3A, %add3A_702 : vector<16xi32>
        %and3A_704 = arith.constant 63 : i32
        %and3A_705 = vector.broadcast %and3A_704 : i32 to vector<16xi32>
        %and3A_706 = arith.andi %add3A_703, %and3A_705 : vector<16xi32>
        %gather3A_707 = arith.constant 0 : i32
        %gather3A_708 = arith.constant 0 : i32
        %gather3A_709 = arith.constant 0 : i32
        %gather3A_710 = tpu.memref_slice %arg10[%gather3A_707, %gather3A_708, %gather3A_709] : memref<2x320x128xf32, #tpu.memory_space<vmem>> -> memref<1x320x128xf32, #tpu.memory_space<vmem>>
        %gather3A_711 = tpu.memref_squeeze %gather3A_710 : memref<1x320x128xf32, #tpu.memory_space<vmem>> -> memref<320x128xf32, #tpu.memory_space<vmem>>
        %gather3A_712 = tpu.vector_load_idx %gather3A_711[%add3A_10, %and3A_706] : memref<320x128xf32, #tpu.memory_space<vmem>>[vector<16xi32>, vector<16xi32>], vector<16xf32>,
        %gather3A_713 = arith.constant 0 : i32
        %gather3A_714 = arith.constant 0 : i32
        %gather3A_715 = arith.constant 0 : i32
        %gather3A_716 = tpu.memref_slice %arg10[%gather3A_713, %gather3A_714, %gather3A_715] : memref<2x320x128xf32, #tpu.memory_space<vmem>> -> memref<1x320x128xf32, #tpu.memory_space<vmem>>
        %gather3A_717 = tpu.memref_squeeze %gather3A_716 : memref<1x320x128xf32, #tpu.memory_space<vmem>> -> memref<320x128xf32, #tpu.memory_space<vmem>>
        %gather3A_718 = tpu.vector_load_idx %gather3A_717[%add3A_16, %and3A_706] : memref<320x128xf32, #tpu.memory_space<vmem>>[vector<16xi32>, vector<16xi32>], vector<16xf32>,
        %gather3A_719 = arith.constant 0 : i32
        %gather3A_720 = arith.constant 0 : i32
        %gather3A_721 = arith.constant 0 : i32
        %gather3A_722 = tpu.memref_slice %arg10[%gather3A_719, %gather3A_720, %gather3A_721] : memref<2x320x128xf32, #tpu.memory_space<vmem>> -> memref<1x320x128xf32, #tpu.memory_space<vmem>>
        %gather3A_723 = tpu.memref_squeeze %gather3A_722 : memref<1x320x128xf32, #tpu.memory_space<vmem>> -> memref<320x128xf32, #tpu.memory_space<vmem>>
        %gather3A_724 = tpu.vector_load_idx %gather3A_723[%add3A_22, %and3A_706] : memref<320x128xf32, #tpu.memory_space<vmem>>[vector<16xi32>, vector<16xi32>], vector<16xf32>,
        %add3A_725 = arith.addf %gather3A_712, %gather3A_724 : vector<16xf32>
        %gather3A_726 = arith.constant 0 : i32
        %gather3A_727 = arith.constant 0 : i32
        %gather3A_728 = arith.constant 0 : i32
        %gather3A_729 = tpu.memref_slice %arg10[%gather3A_726, %gather3A_727, %gather3A_728] : memref<2x320x128xf32, #tpu.memory_space<vmem>> -> memref<1x320x128xf32, #tpu.memory_space<vmem>>
        %gather3A_730 = tpu.memref_squeeze %gather3A_729 : memref<1x320x128xf32, #tpu.memory_space<vmem>> -> memref<320x128xf32, #tpu.memory_space<vmem>>
        %gather3A_731 = tpu.vector_load_idx %gather3A_730[%add3A_28, %and3A_706] : memref<320x128xf32, #tpu.memory_space<vmem>>[vector<16xi32>, vector<16xi32>], vector<16xf32>,
        %add3A_732 = arith.addf %gather3A_718, %gather3A_731 : vector<16xf32>
        %gather3A_733 = arith.constant 0 : i32
        %gather3A_734 = arith.constant 0 : i32
        %gather3A_735 = arith.constant 0 : i32
        %gather3A_736 = tpu.memref_slice %arg10[%gather3A_733, %gather3A_734, %gather3A_735] : memref<2x320x128xf32, #tpu.memory_space<vmem>> -> memref<1x320x128xf32, #tpu.memory_space<vmem>>
        %gather3A_737 = tpu.memref_squeeze %gather3A_736 : memref<1x320x128xf32, #tpu.memory_space<vmem>> -> memref<320x128xf32, #tpu.memory_space<vmem>>
        %gather3A_738 = tpu.vector_load_idx %gather3A_737[%add3A_34, %and3A_706] : memref<320x128xf32, #tpu.memory_space<vmem>>[vector<16xi32>, vector<16xi32>], vector<16xf32>,
        %add3A_739 = arith.addf %add3A_725, %gather3A_738 : vector<16xf32>
        %gather3A_740 = arith.constant 0 : i32
        %gather3A_741 = arith.constant 0 : i32
        %gather3A_742 = arith.constant 0 : i32
        %gather3A_743 = tpu.memref_slice %arg10[%gather3A_740, %gather3A_741, %gather3A_742] : memref<2x320x128xf32, #tpu.memory_space<vmem>> -> memref<1x320x128xf32, #tpu.memory_space<vmem>>
        %gather3A_744 = tpu.memref_squeeze %gather3A_743 : memref<1x320x128xf32, #tpu.memory_space<vmem>> -> memref<320x128xf32, #tpu.memory_space<vmem>>
        %gather3A_745 = tpu.vector_load_idx %gather3A_744[%add3A_40, %and3A_706] : memref<320x128xf32, #tpu.memory_space<vmem>>[vector<16xi32>, vector<16xi32>], vector<16xf32>,
        %add3A_746 = arith.addf %add3A_732, %gather3A_745 : vector<16xf32>
        %gather3A_747 = arith.constant 0 : i32
        %gather3A_748 = arith.constant 0 : i32
        %gather3A_749 = arith.constant 0 : i32
        %gather3A_750 = tpu.memref_slice %arg10[%gather3A_747, %gather3A_748, %gather3A_749] : memref<2x320x128xf32, #tpu.memory_space<vmem>> -> memref<1x320x128xf32, #tpu.memory_space<vmem>>
        %gather3A_751 = tpu.memref_squeeze %gather3A_750 : memref<1x320x128xf32, #tpu.memory_space<vmem>> -> memref<320x128xf32, #tpu.memory_space<vmem>>
        %gather3A_752 = tpu.vector_load_idx %gather3A_751[%add3A_46, %and3A_706] : memref<320x128xf32, #tpu.memory_space<vmem>>[vector<16xi32>, vector<16xi32>], vector<16xf32>,
        %add3A_753 = arith.addf %add3A_739, %gather3A_752 : vector<16xf32>
        %gather3A_754 = arith.constant 0 : i32
        %gather3A_755 = arith.constant 0 : i32
        %gather3A_756 = arith.constant 0 : i32
        %gather3A_757 = tpu.memref_slice %arg10[%gather3A_754, %gather3A_755, %gather3A_756] : memref<2x320x128xf32, #tpu.memory_space<vmem>> -> memref<1x320x128xf32, #tpu.memory_space<vmem>>
        %gather3A_758 = tpu.memref_squeeze %gather3A_757 : memref<1x320x128xf32, #tpu.memory_space<vmem>> -> memref<320x128xf32, #tpu.memory_space<vmem>>
        %gather3A_759 = tpu.vector_load_idx %gather3A_758[%add3A_52, %and3A_706] : memref<320x128xf32, #tpu.memory_space<vmem>>[vector<16xi32>, vector<16xi32>], vector<16xf32>,
        %add3A_760 = arith.addf %add3A_746, %gather3A_759 : vector<16xf32>
        %gather3A_761 = arith.constant 0 : i32
        %gather3A_762 = arith.constant 0 : i32
        %gather3A_763 = arith.constant 0 : i32
        %gather3A_764 = tpu.memref_slice %arg10[%gather3A_761, %gather3A_762, %gather3A_763] : memref<2x320x128xf32, #tpu.memory_space<vmem>> -> memref<1x320x128xf32, #tpu.memory_space<vmem>>
        %gather3A_765 = tpu.memref_squeeze %gather3A_764 : memref<1x320x128xf32, #tpu.memory_space<vmem>> -> memref<320x128xf32, #tpu.memory_space<vmem>>
        %gather3A_766 = tpu.vector_load_idx %gather3A_765[%add3A_58, %and3A_706] : memref<320x128xf32, #tpu.memory_space<vmem>>[vector<16xi32>, vector<16xi32>], vector<16xf32>,
        %add3A_767 = arith.addf %add3A_753, %gather3A_766 : vector<16xf32>
        %gather3A_768 = arith.constant 0 : i32
        %gather3A_769 = arith.constant 0 : i32
        %gather3A_770 = arith.constant 0 : i32
        %gather3A_771 = tpu.memref_slice %arg10[%gather3A_768, %gather3A_769, %gather3A_770] : memref<2x320x128xf32, #tpu.memory_space<vmem>> -> memref<1x320x128xf32, #tpu.memory_space<vmem>>
        %gather3A_772 = tpu.memref_squeeze %gather3A_771 : memref<1x320x128xf32, #tpu.memory_space<vmem>> -> memref<320x128xf32, #tpu.memory_space<vmem>>
        %gather3A_773 = tpu.vector_load_idx %gather3A_772[%add3A_64, %and3A_706] : memref<320x128xf32, #tpu.memory_space<vmem>>[vector<16xi32>, vector<16xi32>], vector<16xf32>,
        %add3A_774 = arith.addf %add3A_760, %gather3A_773 : vector<16xf32>
        %gather3A_775 = arith.constant 0 : i32
        %gather3A_776 = arith.constant 0 : i32
        %gather3A_777 = arith.constant 0 : i32
        %gather3A_778 = tpu.memref_slice %arg10[%gather3A_775, %gather3A_776, %gather3A_777] : memref<2x320x128xf32, #tpu.memory_space<vmem>> -> memref<1x320x128xf32, #tpu.memory_space<vmem>>
        %gather3A_779 = tpu.memref_squeeze %gather3A_778 : memref<1x320x128xf32, #tpu.memory_space<vmem>> -> memref<320x128xf32, #tpu.memory_space<vmem>>
        %gather3A_780 = tpu.vector_load_idx %gather3A_779[%add3A_70, %and3A_706] : memref<320x128xf32, #tpu.memory_space<vmem>>[vector<16xi32>, vector<16xi32>], vector<16xf32>,
        %add3A_781 = arith.addf %add3A_767, %gather3A_780 : vector<16xf32>
        %gather3A_782 = arith.constant 0 : i32
        %gather3A_783 = arith.constant 0 : i32
        %gather3A_784 = arith.constant 0 : i32
        %gather3A_785 = tpu.memref_slice %arg10[%gather3A_782, %gather3A_783, %gather3A_784] : memref<2x320x128xf32, #tpu.memory_space<vmem>> -> memref<1x320x128xf32, #tpu.memory_space<vmem>>
        %gather3A_786 = tpu.memref_squeeze %gather3A_785 : memref<1x320x128xf32, #tpu.memory_space<vmem>> -> memref<320x128xf32, #tpu.memory_space<vmem>>
        %gather3A_787 = tpu.vector_load_idx %gather3A_786[%add3A_76, %and3A_706] : memref<320x128xf32, #tpu.memory_space<vmem>>[vector<16xi32>, vector<16xi32>], vector<16xf32>,
        %add3A_788 = arith.addf %add3A_774, %gather3A_787 : vector<16xf32>
        %gather3A_789 = arith.constant 0 : i32
        %gather3A_790 = arith.constant 0 : i32
        %gather3A_791 = arith.constant 0 : i32
        %gather3A_792 = tpu.memref_slice %arg10[%gather3A_789, %gather3A_790, %gather3A_791] : memref<2x320x128xf32, #tpu.memory_space<vmem>> -> memref<1x320x128xf32, #tpu.memory_space<vmem>>
        %gather3A_793 = tpu.memref_squeeze %gather3A_792 : memref<1x320x128xf32, #tpu.memory_space<vmem>> -> memref<320x128xf32, #tpu.memory_space<vmem>>
        %gather3A_794 = tpu.vector_load_idx %gather3A_793[%add3A_82, %and3A_706] : memref<320x128xf32, #tpu.memory_space<vmem>>[vector<16xi32>, vector<16xi32>], vector<16xf32>,
        %add3A_795 = arith.addf %add3A_781, %gather3A_794 : vector<16xf32>
        %gather3A_796 = arith.constant 0 : i32
        %gather3A_797 = arith.constant 0 : i32
        %gather3A_798 = arith.constant 0 : i32
        %gather3A_799 = tpu.memref_slice %arg10[%gather3A_796, %gather3A_797, %gather3A_798] : memref<2x320x128xf32, #tpu.memory_space<vmem>> -> memref<1x320x128xf32, #tpu.memory_space<vmem>>
        %gather3A_800 = tpu.memref_squeeze %gather3A_799 : memref<1x320x128xf32, #tpu.memory_space<vmem>> -> memref<320x128xf32, #tpu.memory_space<vmem>>
        %gather3A_801 = tpu.vector_load_idx %gather3A_800[%add3A_88, %and3A_706] : memref<320x128xf32, #tpu.memory_space<vmem>>[vector<16xi32>, vector<16xi32>], vector<16xf32>,
        %add3A_802 = arith.addf %add3A_788, %gather3A_801 : vector<16xf32>
        %gather3A_803 = arith.constant 0 : i32
        %gather3A_804 = arith.constant 0 : i32
        %gather3A_805 = arith.constant 0 : i32
        %gather3A_806 = tpu.memref_slice %arg10[%gather3A_803, %gather3A_804, %gather3A_805] : memref<2x320x128xf32, #tpu.memory_space<vmem>> -> memref<1x320x128xf32, #tpu.memory_space<vmem>>
        %gather3A_807 = tpu.memref_squeeze %gather3A_806 : memref<1x320x128xf32, #tpu.memory_space<vmem>> -> memref<320x128xf32, #tpu.memory_space<vmem>>
        %gather3A_808 = tpu.vector_load_idx %gather3A_807[%add3A_94, %and3A_706] : memref<320x128xf32, #tpu.memory_space<vmem>>[vector<16xi32>, vector<16xi32>], vector<16xf32>,
        %add3A_809 = arith.addf %add3A_795, %gather3A_808 : vector<16xf32>
        %gather3A_810 = arith.constant 0 : i32
        %gather3A_811 = arith.constant 0 : i32
        %gather3A_812 = arith.constant 0 : i32
        %gather3A_813 = tpu.memref_slice %arg10[%gather3A_810, %gather3A_811, %gather3A_812] : memref<2x320x128xf32, #tpu.memory_space<vmem>> -> memref<1x320x128xf32, #tpu.memory_space<vmem>>
        %gather3A_814 = tpu.memref_squeeze %gather3A_813 : memref<1x320x128xf32, #tpu.memory_space<vmem>> -> memref<320x128xf32, #tpu.memory_space<vmem>>
        %gather3A_815 = tpu.vector_load_idx %gather3A_814[%add3A_100, %and3A_706] : memref<320x128xf32, #tpu.memory_space<vmem>>[vector<16xi32>, vector<16xi32>], vector<16xf32>,
        %add3A_816 = arith.addf %add3A_802, %gather3A_815 : vector<16xf32>
        %gather3A_817 = arith.constant 0 : i32
        %gather3A_818 = arith.constant 0 : i32
        %gather3A_819 = arith.constant 0 : i32
        %gather3A_820 = tpu.memref_slice %arg10[%gather3A_817, %gather3A_818, %gather3A_819] : memref<2x320x128xf32, #tpu.memory_space<vmem>> -> memref<1x320x128xf32, #tpu.memory_space<vmem>>
        %gather3A_821 = tpu.memref_squeeze %gather3A_820 : memref<1x320x128xf32, #tpu.memory_space<vmem>> -> memref<320x128xf32, #tpu.memory_space<vmem>>
        %gather3A_822 = tpu.vector_load_idx %gather3A_821[%add3A_106, %and3A_706] : memref<320x128xf32, #tpu.memory_space<vmem>>[vector<16xi32>, vector<16xi32>], vector<16xf32>,
        %add3A_823 = arith.addf %add3A_809, %gather3A_822 : vector<16xf32>
        %gather3A_824 = arith.constant 0 : i32
        %gather3A_825 = arith.constant 0 : i32
        %gather3A_826 = arith.constant 0 : i32
        %gather3A_827 = tpu.memref_slice %arg10[%gather3A_824, %gather3A_825, %gather3A_826] : memref<2x320x128xf32, #tpu.memory_space<vmem>> -> memref<1x320x128xf32, #tpu.memory_space<vmem>>
        %gather3A_828 = tpu.memref_squeeze %gather3A_827 : memref<1x320x128xf32, #tpu.memory_space<vmem>> -> memref<320x128xf32, #tpu.memory_space<vmem>>
        %gather3A_829 = tpu.vector_load_idx %gather3A_828[%add3A_112, %and3A_706] : memref<320x128xf32, #tpu.memory_space<vmem>>[vector<16xi32>, vector<16xi32>], vector<16xf32>,
        %add3A_830 = arith.addf %add3A_816, %gather3A_829 : vector<16xf32>
        %gather3A_831 = arith.constant 0 : i32
        %gather3A_832 = arith.constant 0 : i32
        %gather3A_833 = arith.constant 0 : i32
        %gather3A_834 = tpu.memref_slice %arg10[%gather3A_831, %gather3A_832, %gather3A_833] : memref<2x320x128xf32, #tpu.memory_space<vmem>> -> memref<1x320x128xf32, #tpu.memory_space<vmem>>
        %gather3A_835 = tpu.memref_squeeze %gather3A_834 : memref<1x320x128xf32, #tpu.memory_space<vmem>> -> memref<320x128xf32, #tpu.memory_space<vmem>>
        %gather3A_836 = tpu.vector_load_idx %gather3A_835[%add3A_118, %and3A_706] : memref<320x128xf32, #tpu.memory_space<vmem>>[vector<16xi32>, vector<16xi32>], vector<16xf32>,
        %add3A_837 = arith.addf %add3A_823, %gather3A_836 : vector<16xf32>
        %gather3A_838 = arith.constant 0 : i32
        %gather3A_839 = arith.constant 0 : i32
        %gather3A_840 = arith.constant 0 : i32
        %gather3A_841 = tpu.memref_slice %arg10[%gather3A_838, %gather3A_839, %gather3A_840] : memref<2x320x128xf32, #tpu.memory_space<vmem>> -> memref<1x320x128xf32, #tpu.memory_space<vmem>>
        %gather3A_842 = tpu.memref_squeeze %gather3A_841 : memref<1x320x128xf32, #tpu.memory_space<vmem>> -> memref<320x128xf32, #tpu.memory_space<vmem>>
        %gather3A_843 = tpu.vector_load_idx %gather3A_842[%add3A_124, %and3A_706] : memref<320x128xf32, #tpu.memory_space<vmem>>[vector<16xi32>, vector<16xi32>], vector<16xf32>,
        %add3A_844 = arith.addf %add3A_830, %gather3A_843 : vector<16xf32>
        %add3A_845 = arith.addf %add3A_837, %add3A_844 : vector<16xf32>
        %scatter3A_846 = arith.constant 0 : i32
        %scatter3A_847 = arith.constant 0 : i32
        %scatter3A_848 = arith.constant 0 : i32
        %scatter3A_849 = tpu.memref_slice %arg11[%scatter3A_846, %scatter3A_847, %scatter3A_848] : memref<2x16x64xf32, #tpu.memory_space<vmem>> -> memref<1x16x64xf32, #tpu.memory_space<vmem>>
        %scatter3A_850 = tpu.memref_squeeze %scatter3A_849 : memref<1x16x64xf32, #tpu.memory_space<vmem>> -> memref<16x64xf32, #tpu.memory_space<vmem>>
        tpu.vector_store_idx %scatter3A_850[%iota3A, %and3A_706], %add3A_845 : memref<16x64xf32, #tpu.memory_space<vmem>>[vector<16xi32>, vector<16xi32>], vector<16xf32>,
        %scan3A_851 = arith.constant 0 : i32
        %scan3A_852 = arith.constant 3 : i32
        %scan3A_853 = arith.addi %scan3A_399, %scan3A_852 : i32
        %add3A_854 = vector.broadcast %scan3A_853 : i32 to vector<16xi32>
        %add3A_855 = arith.addi %iota3A, %add3A_854 : vector<16xi32>
        %and3A_856 = arith.constant 63 : i32
        %and3A_857 = vector.broadcast %and3A_856 : i32 to vector<16xi32>
        %and3A_858 = arith.andi %add3A_855, %and3A_857 : vector<16xi32>
        %gather3A_859 = arith.constant 0 : i32
        %gather3A_860 = arith.constant 0 : i32
        %gather3A_861 = arith.constant 0 : i32
        %gather3A_862 = tpu.memref_slice %arg10[%gather3A_859, %gather3A_860, %gather3A_861] : memref<2x320x128xf32, #tpu.memory_space<vmem>> -> memref<1x320x128xf32, #tpu.memory_space<vmem>>
        %gather3A_863 = tpu.memref_squeeze %gather3A_862 : memref<1x320x128xf32, #tpu.memory_space<vmem>> -> memref<320x128xf32, #tpu.memory_space<vmem>>
        %gather3A_864 = tpu.vector_load_idx %gather3A_863[%add3A_10, %and3A_858] : memref<320x128xf32, #tpu.memory_space<vmem>>[vector<16xi32>, vector<16xi32>], vector<16xf32>,
        %gather3A_865 = arith.constant 0 : i32
        %gather3A_866 = arith.constant 0 : i32
        %gather3A_867 = arith.constant 0 : i32
        %gather3A_868 = tpu.memref_slice %arg10[%gather3A_865, %gather3A_866, %gather3A_867] : memref<2x320x128xf32, #tpu.memory_space<vmem>> -> memref<1x320x128xf32, #tpu.memory_space<vmem>>
        %gather3A_869 = tpu.memref_squeeze %gather3A_868 : memref<1x320x128xf32, #tpu.memory_space<vmem>> -> memref<320x128xf32, #tpu.memory_space<vmem>>
        %gather3A_870 = tpu.vector_load_idx %gather3A_869[%add3A_16, %and3A_858] : memref<320x128xf32, #tpu.memory_space<vmem>>[vector<16xi32>, vector<16xi32>], vector<16xf32>,
        %gather3A_871 = arith.constant 0 : i32
        %gather3A_872 = arith.constant 0 : i32
        %gather3A_873 = arith.constant 0 : i32
        %gather3A_874 = tpu.memref_slice %arg10[%gather3A_871, %gather3A_872, %gather3A_873] : memref<2x320x128xf32, #tpu.memory_space<vmem>> -> memref<1x320x128xf32, #tpu.memory_space<vmem>>
        %gather3A_875 = tpu.memref_squeeze %gather3A_874 : memref<1x320x128xf32, #tpu.memory_space<vmem>> -> memref<320x128xf32, #tpu.memory_space<vmem>>
        %gather3A_876 = tpu.vector_load_idx %gather3A_875[%add3A_22, %and3A_858] : memref<320x128xf32, #tpu.memory_space<vmem>>[vector<16xi32>, vector<16xi32>], vector<16xf32>,
        %add3A_877 = arith.addf %gather3A_864, %gather3A_876 : vector<16xf32>
        %gather3A_878 = arith.constant 0 : i32
        %gather3A_879 = arith.constant 0 : i32
        %gather3A_880 = arith.constant 0 : i32
        %gather3A_881 = tpu.memref_slice %arg10[%gather3A_878, %gather3A_879, %gather3A_880] : memref<2x320x128xf32, #tpu.memory_space<vmem>> -> memref<1x320x128xf32, #tpu.memory_space<vmem>>
        %gather3A_882 = tpu.memref_squeeze %gather3A_881 : memref<1x320x128xf32, #tpu.memory_space<vmem>> -> memref<320x128xf32, #tpu.memory_space<vmem>>
        %gather3A_883 = tpu.vector_load_idx %gather3A_882[%add3A_28, %and3A_858] : memref<320x128xf32, #tpu.memory_space<vmem>>[vector<16xi32>, vector<16xi32>], vector<16xf32>,
        %add3A_884 = arith.addf %gather3A_870, %gather3A_883 : vector<16xf32>
        %gather3A_885 = arith.constant 0 : i32
        %gather3A_886 = arith.constant 0 : i32
        %gather3A_887 = arith.constant 0 : i32
        %gather3A_888 = tpu.memref_slice %arg10[%gather3A_885, %gather3A_886, %gather3A_887] : memref<2x320x128xf32, #tpu.memory_space<vmem>> -> memref<1x320x128xf32, #tpu.memory_space<vmem>>
        %gather3A_889 = tpu.memref_squeeze %gather3A_888 : memref<1x320x128xf32, #tpu.memory_space<vmem>> -> memref<320x128xf32, #tpu.memory_space<vmem>>
        %gather3A_890 = tpu.vector_load_idx %gather3A_889[%add3A_34, %and3A_858] : memref<320x128xf32, #tpu.memory_space<vmem>>[vector<16xi32>, vector<16xi32>], vector<16xf32>,
        %add3A_891 = arith.addf %add3A_877, %gather3A_890 : vector<16xf32>
        %gather3A_892 = arith.constant 0 : i32
        %gather3A_893 = arith.constant 0 : i32
        %gather3A_894 = arith.constant 0 : i32
        %gather3A_895 = tpu.memref_slice %arg10[%gather3A_892, %gather3A_893, %gather3A_894] : memref<2x320x128xf32, #tpu.memory_space<vmem>> -> memref<1x320x128xf32, #tpu.memory_space<vmem>>
        %gather3A_896 = tpu.memref_squeeze %gather3A_895 : memref<1x320x128xf32, #tpu.memory_space<vmem>> -> memref<320x128xf32, #tpu.memory_space<vmem>>
        %gather3A_897 = tpu.vector_load_idx %gather3A_896[%add3A_40, %and3A_858] : memref<320x128xf32, #tpu.memory_space<vmem>>[vector<16xi32>, vector<16xi32>], vector<16xf32>,
        %add3A_898 = arith.addf %add3A_884, %gather3A_897 : vector<16xf32>
        %gather3A_899 = arith.constant 0 : i32
        %gather3A_900 = arith.constant 0 : i32
        %gather3A_901 = arith.constant 0 : i32
        %gather3A_902 = tpu.memref_slice %arg10[%gather3A_899, %gather3A_900, %gather3A_901] : memref<2x320x128xf32, #tpu.memory_space<vmem>> -> memref<1x320x128xf32, #tpu.memory_space<vmem>>
        %gather3A_903 = tpu.memref_squeeze %gather3A_902 : memref<1x320x128xf32, #tpu.memory_space<vmem>> -> memref<320x128xf32, #tpu.memory_space<vmem>>
        %gather3A_904 = tpu.vector_load_idx %gather3A_903[%add3A_46, %and3A_858] : memref<320x128xf32, #tpu.memory_space<vmem>>[vector<16xi32>, vector<16xi32>], vector<16xf32>,
        %add3A_905 = arith.addf %add3A_891, %gather3A_904 : vector<16xf32>
        %gather3A_906 = arith.constant 0 : i32
        %gather3A_907 = arith.constant 0 : i32
        %gather3A_908 = arith.constant 0 : i32
        %gather3A_909 = tpu.memref_slice %arg10[%gather3A_906, %gather3A_907, %gather3A_908] : memref<2x320x128xf32, #tpu.memory_space<vmem>> -> memref<1x320x128xf32, #tpu.memory_space<vmem>>
        %gather3A_910 = tpu.memref_squeeze %gather3A_909 : memref<1x320x128xf32, #tpu.memory_space<vmem>> -> memref<320x128xf32, #tpu.memory_space<vmem>>
        %gather3A_911 = tpu.vector_load_idx %gather3A_910[%add3A_52, %and3A_858] : memref<320x128xf32, #tpu.memory_space<vmem>>[vector<16xi32>, vector<16xi32>], vector<16xf32>,
        %add3A_912 = arith.addf %add3A_898, %gather3A_911 : vector<16xf32>
        %gather3A_913 = arith.constant 0 : i32
        %gather3A_914 = arith.constant 0 : i32
        %gather3A_915 = arith.constant 0 : i32
        %gather3A_916 = tpu.memref_slice %arg10[%gather3A_913, %gather3A_914, %gather3A_915] : memref<2x320x128xf32, #tpu.memory_space<vmem>> -> memref<1x320x128xf32, #tpu.memory_space<vmem>>
        %gather3A_917 = tpu.memref_squeeze %gather3A_916 : memref<1x320x128xf32, #tpu.memory_space<vmem>> -> memref<320x128xf32, #tpu.memory_space<vmem>>
        %gather3A_918 = tpu.vector_load_idx %gather3A_917[%add3A_58, %and3A_858] : memref<320x128xf32, #tpu.memory_space<vmem>>[vector<16xi32>, vector<16xi32>], vector<16xf32>,
        %add3A_919 = arith.addf %add3A_905, %gather3A_918 : vector<16xf32>
        %gather3A_920 = arith.constant 0 : i32
        %gather3A_921 = arith.constant 0 : i32
        %gather3A_922 = arith.constant 0 : i32
        %gather3A_923 = tpu.memref_slice %arg10[%gather3A_920, %gather3A_921, %gather3A_922] : memref<2x320x128xf32, #tpu.memory_space<vmem>> -> memref<1x320x128xf32, #tpu.memory_space<vmem>>
        %gather3A_924 = tpu.memref_squeeze %gather3A_923 : memref<1x320x128xf32, #tpu.memory_space<vmem>> -> memref<320x128xf32, #tpu.memory_space<vmem>>
        %gather3A_925 = tpu.vector_load_idx %gather3A_924[%add3A_64, %and3A_858] : memref<320x128xf32, #tpu.memory_space<vmem>>[vector<16xi32>, vector<16xi32>], vector<16xf32>,
        %add3A_926 = arith.addf %add3A_912, %gather3A_925 : vector<16xf32>
        %gather3A_927 = arith.constant 0 : i32
        %gather3A_928 = arith.constant 0 : i32
        %gather3A_929 = arith.constant 0 : i32
        %gather3A_930 = tpu.memref_slice %arg10[%gather3A_927, %gather3A_928, %gather3A_929] : memref<2x320x128xf32, #tpu.memory_space<vmem>> -> memref<1x320x128xf32, #tpu.memory_space<vmem>>
        %gather3A_931 = tpu.memref_squeeze %gather3A_930 : memref<1x320x128xf32, #tpu.memory_space<vmem>> -> memref<320x128xf32, #tpu.memory_space<vmem>>
        %gather3A_932 = tpu.vector_load_idx %gather3A_931[%add3A_70, %and3A_858] : memref<320x128xf32, #tpu.memory_space<vmem>>[vector<16xi32>, vector<16xi32>], vector<16xf32>,
        %add3A_933 = arith.addf %add3A_919, %gather3A_932 : vector<16xf32>
        %gather3A_934 = arith.constant 0 : i32
        %gather3A_935 = arith.constant 0 : i32
        %gather3A_936 = arith.constant 0 : i32
        %gather3A_937 = tpu.memref_slice %arg10[%gather3A_934, %gather3A_935, %gather3A_936] : memref<2x320x128xf32, #tpu.memory_space<vmem>> -> memref<1x320x128xf32, #tpu.memory_space<vmem>>
        %gather3A_938 = tpu.memref_squeeze %gather3A_937 : memref<1x320x128xf32, #tpu.memory_space<vmem>> -> memref<320x128xf32, #tpu.memory_space<vmem>>
        %gather3A_939 = tpu.vector_load_idx %gather3A_938[%add3A_76, %and3A_858] : memref<320x128xf32, #tpu.memory_space<vmem>>[vector<16xi32>, vector<16xi32>], vector<16xf32>,
        %add3A_940 = arith.addf %add3A_926, %gather3A_939 : vector<16xf32>
        %gather3A_941 = arith.constant 0 : i32
        %gather3A_942 = arith.constant 0 : i32
        %gather3A_943 = arith.constant 0 : i32
        %gather3A_944 = tpu.memref_slice %arg10[%gather3A_941, %gather3A_942, %gather3A_943] : memref<2x320x128xf32, #tpu.memory_space<vmem>> -> memref<1x320x128xf32, #tpu.memory_space<vmem>>
        %gather3A_945 = tpu.memref_squeeze %gather3A_944 : memref<1x320x128xf32, #tpu.memory_space<vmem>> -> memref<320x128xf32, #tpu.memory_space<vmem>>
        %gather3A_946 = tpu.vector_load_idx %gather3A_945[%add3A_82, %and3A_858] : memref<320x128xf32, #tpu.memory_space<vmem>>[vector<16xi32>, vector<16xi32>], vector<16xf32>,
        %add3A_947 = arith.addf %add3A_933, %gather3A_946 : vector<16xf32>
        %gather3A_948 = arith.constant 0 : i32
        %gather3A_949 = arith.constant 0 : i32
        %gather3A_950 = arith.constant 0 : i32
        %gather3A_951 = tpu.memref_slice %arg10[%gather3A_948, %gather3A_949, %gather3A_950] : memref<2x320x128xf32, #tpu.memory_space<vmem>> -> memref<1x320x128xf32, #tpu.memory_space<vmem>>
        %gather3A_952 = tpu.memref_squeeze %gather3A_951 : memref<1x320x128xf32, #tpu.memory_space<vmem>> -> memref<320x128xf32, #tpu.memory_space<vmem>>
        %gather3A_953 = tpu.vector_load_idx %gather3A_952[%add3A_88, %and3A_858] : memref<320x128xf32, #tpu.memory_space<vmem>>[vector<16xi32>, vector<16xi32>], vector<16xf32>,
        %add3A_954 = arith.addf %add3A_940, %gather3A_953 : vector<16xf32>
        %gather3A_955 = arith.constant 0 : i32
        %gather3A_956 = arith.constant 0 : i32
        %gather3A_957 = arith.constant 0 : i32
        %gather3A_958 = tpu.memref_slice %arg10[%gather3A_955, %gather3A_956, %gather3A_957] : memref<2x320x128xf32, #tpu.memory_space<vmem>> -> memref<1x320x128xf32, #tpu.memory_space<vmem>>
        %gather3A_959 = tpu.memref_squeeze %gather3A_958 : memref<1x320x128xf32, #tpu.memory_space<vmem>> -> memref<320x128xf32, #tpu.memory_space<vmem>>
        %gather3A_960 = tpu.vector_load_idx %gather3A_959[%add3A_94, %and3A_858] : memref<320x128xf32, #tpu.memory_space<vmem>>[vector<16xi32>, vector<16xi32>], vector<16xf32>,
        %add3A_961 = arith.addf %add3A_947, %gather3A_960 : vector<16xf32>
        %gather3A_962 = arith.constant 0 : i32
        %gather3A_963 = arith.constant 0 : i32
        %gather3A_964 = arith.constant 0 : i32
        %gather3A_965 = tpu.memref_slice %arg10[%gather3A_962, %gather3A_963, %gather3A_964] : memref<2x320x128xf32, #tpu.memory_space<vmem>> -> memref<1x320x128xf32, #tpu.memory_space<vmem>>
        %gather3A_966 = tpu.memref_squeeze %gather3A_965 : memref<1x320x128xf32, #tpu.memory_space<vmem>> -> memref<320x128xf32, #tpu.memory_space<vmem>>
        %gather3A_967 = tpu.vector_load_idx %gather3A_966[%add3A_100, %and3A_858] : memref<320x128xf32, #tpu.memory_space<vmem>>[vector<16xi32>, vector<16xi32>], vector<16xf32>,
        %add3A_968 = arith.addf %add3A_954, %gather3A_967 : vector<16xf32>
        %gather3A_969 = arith.constant 0 : i32
        %gather3A_970 = arith.constant 0 : i32
        %gather3A_971 = arith.constant 0 : i32
        %gather3A_972 = tpu.memref_slice %arg10[%gather3A_969, %gather3A_970, %gather3A_971] : memref<2x320x128xf32, #tpu.memory_space<vmem>> -> memref<1x320x128xf32, #tpu.memory_space<vmem>>
        %gather3A_973 = tpu.memref_squeeze %gather3A_972 : memref<1x320x128xf32, #tpu.memory_space<vmem>> -> memref<320x128xf32, #tpu.memory_space<vmem>>
        %gather3A_974 = tpu.vector_load_idx %gather3A_973[%add3A_106, %and3A_858] : memref<320x128xf32, #tpu.memory_space<vmem>>[vector<16xi32>, vector<16xi32>], vector<16xf32>,
        %add3A_975 = arith.addf %add3A_961, %gather3A_974 : vector<16xf32>
        %gather3A_976 = arith.constant 0 : i32
        %gather3A_977 = arith.constant 0 : i32
        %gather3A_978 = arith.constant 0 : i32
        %gather3A_979 = tpu.memref_slice %arg10[%gather3A_976, %gather3A_977, %gather3A_978] : memref<2x320x128xf32, #tpu.memory_space<vmem>> -> memref<1x320x128xf32, #tpu.memory_space<vmem>>
        %gather3A_980 = tpu.memref_squeeze %gather3A_979 : memref<1x320x128xf32, #tpu.memory_space<vmem>> -> memref<320x128xf32, #tpu.memory_space<vmem>>
        %gather3A_981 = tpu.vector_load_idx %gather3A_980[%add3A_112, %and3A_858] : memref<320x128xf32, #tpu.memory_space<vmem>>[vector<16xi32>, vector<16xi32>], vector<16xf32>,
        %add3A_982 = arith.addf %add3A_968, %gather3A_981 : vector<16xf32>
        %gather3A_983 = arith.constant 0 : i32
        %gather3A_984 = arith.constant 0 : i32
        %gather3A_985 = arith.constant 0 : i32
        %gather3A_986 = tpu.memref_slice %arg10[%gather3A_983, %gather3A_984, %gather3A_985] : memref<2x320x128xf32, #tpu.memory_space<vmem>> -> memref<1x320x128xf32, #tpu.memory_space<vmem>>
        %gather3A_987 = tpu.memref_squeeze %gather3A_986 : memref<1x320x128xf32, #tpu.memory_space<vmem>> -> memref<320x128xf32, #tpu.memory_space<vmem>>
        %gather3A_988 = tpu.vector_load_idx %gather3A_987[%add3A_118, %and3A_858] : memref<320x128xf32, #tpu.memory_space<vmem>>[vector<16xi32>, vector<16xi32>], vector<16xf32>,
        %add3A_989 = arith.addf %add3A_975, %gather3A_988 : vector<16xf32>
        %gather3A_990 = arith.constant 0 : i32
        %gather3A_991 = arith.constant 0 : i32
        %gather3A_992 = arith.constant 0 : i32
        %gather3A_993 = tpu.memref_slice %arg10[%gather3A_990, %gather3A_991, %gather3A_992] : memref<2x320x128xf32, #tpu.memory_space<vmem>> -> memref<1x320x128xf32, #tpu.memory_space<vmem>>
        %gather3A_994 = tpu.memref_squeeze %gather3A_993 : memref<1x320x128xf32, #tpu.memory_space<vmem>> -> memref<320x128xf32, #tpu.memory_space<vmem>>
        %gather3A_995 = tpu.vector_load_idx %gather3A_994[%add3A_124, %and3A_858] : memref<320x128xf32, #tpu.memory_space<vmem>>[vector<16xi32>, vector<16xi32>], vector<16xf32>,
        %add3A_996 = arith.addf %add3A_982, %gather3A_995 : vector<16xf32>
        %add3A_997 = arith.addf %add3A_989, %add3A_996 : vector<16xf32>
        %scatter3A_998 = arith.constant 0 : i32
        %scatter3A_999 = arith.constant 0 : i32
        %scatter3A_1000 = arith.constant 0 : i32
        %scatter3A_1001 = tpu.memref_slice %arg11[%scatter3A_998, %scatter3A_999, %scatter3A_1000] : memref<2x16x64xf32, #tpu.memory_space<vmem>> -> memref<1x16x64xf32, #tpu.memory_space<vmem>>
        %scatter3A_1002 = tpu.memref_squeeze %scatter3A_1001 : memref<1x16x64xf32, #tpu.memory_space<vmem>> -> memref<16x64xf32, #tpu.memory_space<vmem>>
        tpu.vector_store_idx %scatter3A_1002[%iota3A, %and3A_858], %add3A_997 : memref<16x64xf32, #tpu.memory_space<vmem>>[vector<16xi32>, vector<16xi32>], vector<16xf32>,
        %scan3A_1003 = arith.constant 0 : i32
        scf.yield %scan3A_1003 : i32
      }
      %scan3A_308 = arith.constant 64 : i32
      %mul3A_309 = arith.constant 16 : i32
      %mul3A_310 = arith.muli %mul3A_182, %mul3A_309 : i32
      %add3A_311 = arith.addi %mul3A_2, %mul3A_310 : i32
      %run_scoped3A = arith.constant 0 : i32
      "tpu.region"() ({
        %run_scoped3A_399 = tpu.sem_alloc : memref<!tpu.dma_semaphore, #tpu.memory_space<semaphore_mem>>
        %dma_start3A_400 = arith.constant 0 : i32
        %dma_start3A_401 = arith.constant 0 : i32
        %dma_start3A_402 = tpu.memref_slice %arg11[%run_scoped3A, %dma_start3A_400, %dma_start3A_401] : memref<2x16x64xf32, #tpu.memory_space<vmem>> -> memref<1x16x64xf32, #tpu.memory_space<vmem>>
        %dma_start3A_403 = tpu.memref_squeeze %dma_start3A_402 : memref<1x16x64xf32, #tpu.memory_space<vmem>> -> memref<16x64xf32, #tpu.memory_space<vmem>>
        %dma_start3A_404 = arith.constant 0 : i32
        %dma_start3A_405 = tpu.memref_slice %arg5[%add3A_311, %dma_start3A_404] : memref<16384x64xf32, #tpu.memory_space<hbm>> -> memref<16x64xf32, #tpu.memory_space<hbm>>
        %dma_start3A_406 = arith.constant 0 : i32
        %dma_start3A_407 = tpu.memref_slice %arg5[%add3A_311, %dma_start3A_406] : memref<16384x64xf32, #tpu.memory_space<hbm>> -> memref<16x64xf32, #tpu.memory_space<hbm>>
        %dma_start3A_408 = arith.constant 0 : i32
        %dma_start3A_409 = arith.constant 0 : i32
        %dma_start3A_410 = tpu.memref_slice %arg11[%run_scoped3A, %dma_start3A_408, %dma_start3A_409] : memref<2x16x64xf32, #tpu.memory_space<vmem>> -> memref<1x16x64xf32, #tpu.memory_space<vmem>>
        %dma_start3A_411 = tpu.memref_squeeze %dma_start3A_410 : memref<1x16x64xf32, #tpu.memory_space<vmem>> -> memref<16x64xf32, #tpu.memory_space<vmem>>
        tpu.enqueue_dma source(%dma_start3A_411 : memref<16x64xf32, #tpu.memory_space<vmem>>) target(%dma_start3A_407 : memref<16x64xf32, #tpu.memory_space<hbm>>) target_semaphore(%run_scoped3A_399 : memref<!tpu.dma_semaphore, #tpu.memory_space<semaphore_mem>>)
        %dma_wait3A_412 = arith.constant 0 : i32
        %dma_wait3A_413 = arith.constant 0 : i32
        %dma_wait3A_414 = tpu.memref_slice %arg11[%run_scoped3A, %dma_wait3A_412, %dma_wait3A_413] : memref<2x16x64xf32, #tpu.memory_space<vmem>> -> memref<1x16x64xf32, #tpu.memory_space<vmem>>
        %dma_wait3A_415 = tpu.memref_squeeze %dma_wait3A_414 : memref<1x16x64xf32, #tpu.memory_space<vmem>> -> memref<16x64xf32, #tpu.memory_space<vmem>>
        %dma_wait3A_416 = arith.constant 0 : i32
        %dma_wait3A_417 = tpu.memref_slice %arg5[%add3A_311, %dma_wait3A_416] : memref<16384x64xf32, #tpu.memory_space<hbm>> -> memref<16x64xf32, #tpu.memory_space<hbm>>
        %dma_wait3A_418 = arith.constant 0 : i32
        %dma_wait3A_419 = tpu.memref_slice %arg5[%add3A_311, %dma_wait3A_418] : memref<16384x64xf32, #tpu.memory_space<hbm>> -> memref<16x64xf32, #tpu.memory_space<hbm>>
        %dma_wait3A_420 = arith.constant 0 : i32
        %dma_wait3A_421 = arith.constant 0 : i32
        %dma_wait3A_422 = tpu.memref_slice %arg11[%run_scoped3A, %dma_wait3A_420, %dma_wait3A_421] : memref<2x16x64xf32, #tpu.memory_space<vmem>> -> memref<1x16x64xf32, #tpu.memory_space<vmem>>
        %dma_wait3A_423 = tpu.memref_squeeze %dma_wait3A_422 : memref<1x16x64xf32, #tpu.memory_space<vmem>> -> memref<16x64xf32, #tpu.memory_space<vmem>>
        tpu.wait_dma2 semaphore(%run_scoped3A_399 : memref<!tpu.dma_semaphore, #tpu.memory_space<semaphore_mem>>) src(%dma_wait3A_423 : memref<16x64xf32, #tpu.memory_space<vmem>>) dst(%dma_wait3A_419 : memref<16x64xf32, #tpu.memory_space<hbm>>)
        tpu.yield
      }) : () -> ()
      %mul3A_312 = arith.constant 16 : i32
      %mul3A_313 = arith.muli %mul3A_182, %mul3A_312 : i32
      %add3A_314 = arith.addi %mul3A_2, %mul3A_313 : i32
      %run_scoped3A_315 = arith.constant 0 : i32
      "tpu.region"() ({
        %run_scoped3A_399 = tpu.sem_alloc : memref<!tpu.dma_semaphore, #tpu.memory_space<semaphore_mem>>
        %dma_start3A_400 = arith.constant 0 : i32
        %dma_start3A_401 = arith.constant 0 : i32
        %dma_start3A_402 = tpu.memref_slice %arg9[%run_scoped3A_315, %dma_start3A_400, %dma_start3A_401] : memref<2x16x128xf32, #tpu.memory_space<vmem>> -> memref<1x16x128xf32, #tpu.memory_space<vmem>>
        %dma_start3A_403 = tpu.memref_squeeze %dma_start3A_402 : memref<1x16x128xf32, #tpu.memory_space<vmem>> -> memref<16x128xf32, #tpu.memory_space<vmem>>
        %dma_start3A_404 = arith.constant 0 : i32
        %dma_start3A_405 = tpu.memref_slice %arg6[%add3A_314, %dma_start3A_404] : memref<16384x128xf32, #tpu.memory_space<hbm>> -> memref<16x128xf32, #tpu.memory_space<hbm>>
        %dma_start3A_406 = arith.constant 0 : i32
        %dma_start3A_407 = tpu.memref_slice %arg6[%add3A_314, %dma_start3A_406] : memref<16384x128xf32, #tpu.memory_space<hbm>> -> memref<16x128xf32, #tpu.memory_space<hbm>>
        %dma_start3A_408 = arith.constant 0 : i32
        %dma_start3A_409 = arith.constant 0 : i32
        %dma_start3A_410 = tpu.memref_slice %arg9[%run_scoped3A_315, %dma_start3A_408, %dma_start3A_409] : memref<2x16x128xf32, #tpu.memory_space<vmem>> -> memref<1x16x128xf32, #tpu.memory_space<vmem>>
        %dma_start3A_411 = tpu.memref_squeeze %dma_start3A_410 : memref<1x16x128xf32, #tpu.memory_space<vmem>> -> memref<16x128xf32, #tpu.memory_space<vmem>>
        tpu.enqueue_dma source(%dma_start3A_411 : memref<16x128xf32, #tpu.memory_space<vmem>>) target(%dma_start3A_407 : memref<16x128xf32, #tpu.memory_space<hbm>>) target_semaphore(%run_scoped3A_399 : memref<!tpu.dma_semaphore, #tpu.memory_space<semaphore_mem>>)
        %dma_wait3A_412 = arith.constant 0 : i32
        %dma_wait3A_413 = arith.constant 0 : i32
        %dma_wait3A_414 = tpu.memref_slice %arg9[%run_scoped3A_315, %dma_wait3A_412, %dma_wait3A_413] : memref<2x16x128xf32, #tpu.memory_space<vmem>> -> memref<1x16x128xf32, #tpu.memory_space<vmem>>
        %dma_wait3A_415 = tpu.memref_squeeze %dma_wait3A_414 : memref<1x16x128xf32, #tpu.memory_space<vmem>> -> memref<16x128xf32, #tpu.memory_space<vmem>>
        %dma_wait3A_416 = arith.constant 0 : i32
        %dma_wait3A_417 = tpu.memref_slice %arg6[%add3A_314, %dma_wait3A_416] : memref<16384x128xf32, #tpu.memory_space<hbm>> -> memref<16x128xf32, #tpu.memory_space<hbm>>
        %dma_wait3A_418 = arith.constant 0 : i32
        %dma_wait3A_419 = tpu.memref_slice %arg6[%add3A_314, %dma_wait3A_418] : memref<16384x128xf32, #tpu.memory_space<hbm>> -> memref<16x128xf32, #tpu.memory_space<hbm>>
        %dma_wait3A_420 = arith.constant 0 : i32
        %dma_wait3A_421 = arith.constant 0 : i32
        %dma_wait3A_422 = tpu.memref_slice %arg9[%run_scoped3A_315, %dma_wait3A_420, %dma_wait3A_421] : memref<2x16x128xf32, #tpu.memory_space<vmem>> -> memref<1x16x128xf32, #tpu.memory_space<vmem>>
        %dma_wait3A_423 = tpu.memref_squeeze %dma_wait3A_422 : memref<1x16x128xf32, #tpu.memory_space<vmem>> -> memref<16x128xf32, #tpu.memory_space<vmem>>
        tpu.wait_dma2 semaphore(%run_scoped3A_399 : memref<!tpu.dma_semaphore, #tpu.memory_space<semaphore_mem>>) src(%dma_wait3A_423 : memref<16x128xf32, #tpu.memory_space<vmem>>) dst(%dma_wait3A_419 : memref<16x128xf32, #tpu.memory_space<hbm>>)
        tpu.yield
      }) : () -> ()
      %add3A_316 = arith.constant 2 : i32
      %add3A_317 = arith.addi %mul3A_182, %add3A_316 : i32
      %lt3A = arith.constant 32 : i32
      %lt3A_318 = arith.cmpi slt, %add3A_317, %lt3A : i32
      %convert_element_type3A = arith.extui %lt3A_318 : i1 to i32
      %cond3A = arith.constant 0 : i32
      %cond3A_319 = arith.cmpi ne, %convert_element_type3A, %cond3A : i32
      scf.if %cond3A_319 {
        %add3A_399 = arith.constant 2 : i32
        %add3A_400 = arith.addi %mul3A_182, %add3A_399 : i32
        %mul3A_401 = arith.constant 16 : i32
        %mul3A_402 = arith.muli %add3A_400, %mul3A_401 : i32
        %dma_start3A_403 = arith.constant 0 : i32
        %dma_start3A_404 = arith.constant 0 : i32
        %dma_start3A_405 = arith.constant 0 : i32
        %dma_start3A_406 = tpu.memref_slice %arg9[%dma_start3A_403, %dma_start3A_404, %dma_start3A_405] : memref<2x16x128xf32, #tpu.memory_space<vmem>> -> memref<1x16x128xf32, #tpu.memory_space<vmem>>
        %dma_start3A_407 = tpu.memref_squeeze %dma_start3A_406 : memref<1x16x128xf32, #tpu.memory_space<vmem>> -> memref<16x128xf32, #tpu.memory_space<vmem>>
        %dma_start3A_408 = tpu.memref_slice %arg7[%mul3A_402] : memref<512xi32, #tpu.memory_space<vmem>> -> memref<16xi32, #tpu.memory_space<vmem>>
        %dma_start3A_409 = arith.constant 0 : i32
        %dma_start3A_410 = arith.constant 0 : i32
        %dma_start3A_411 = tpu.memref_slice %arg2[%dma_start3A_409, %dma_start3A_410] : memref<1000000x128xf32, #tpu.memory_space<hbm>> -> memref<1000000x128xf32, #tpu.memory_space<hbm>>
        tpu.enqueue_indirect_dma source(%dma_start3A_411 : memref<1000000x128xf32, #tpu.memory_space<hbm>>) target(%dma_start3A_407 : memref<16x128xf32, #tpu.memory_space<vmem>>) offsets(%dma_start3A_408 : memref<16xi32, #tpu.memory_space<vmem>>) semaphore(%arg12 : memref<!tpu.dma_semaphore, #tpu.memory_space<semaphore_mem>>)
        %mul3A_412 = arith.constant 320 : i32
        %mul3A_413 = arith.muli %add3A_400, %mul3A_412 : i32
        %add3A_414 = arith.constant 0 : i32
        %add3A_415 = arith.addi %mul3A_413, %add3A_414 : i32
        %dma_start3A_416 = arith.constant 0 : i32
        %dma_start3A_417 = arith.constant 0 : i32
        %dma_start3A_418 = arith.constant 0 : i32
        %dma_start3A_419 = tpu.memref_slice %arg10[%dma_start3A_416, %dma_start3A_417, %dma_start3A_418] : memref<2x320x128xf32, #tpu.memory_space<vmem>> -> memref<1x320x128xf32, #tpu.memory_space<vmem>>
        %dma_start3A_420 = tpu.memref_squeeze %dma_start3A_419 : memref<1x320x128xf32, #tpu.memory_space<vmem>> -> memref<320x128xf32, #tpu.memory_space<vmem>>
        %dma_start3A_421 = arith.constant 0 : i32
        %dma_start3A_422 = arith.constant 0 : i32
        %dma_start3A_423 = tpu.memref_slice %dma_start3A_420[%dma_start3A_421, %dma_start3A_422] : memref<320x128xf32, #tpu.memory_space<vmem>> -> memref<128x128xf32, #tpu.memory_space<vmem>>
        %dma_start3A_424 = tpu.memref_slice %arg8[%add3A_415] : memref<10240xi32, #tpu.memory_space<vmem>> -> memref<128xi32, #tpu.memory_space<vmem>>
        %dma_start3A_425 = arith.constant 0 : i32
        %dma_start3A_426 = arith.constant 0 : i32
        %dma_start3A_427 = tpu.memref_slice %arg2[%dma_start3A_425, %dma_start3A_426] : memref<1000000x128xf32, #tpu.memory_space<hbm>> -> memref<1000000x128xf32, #tpu.memory_space<hbm>>
        tpu.enqueue_indirect_dma source(%dma_start3A_427 : memref<1000000x128xf32, #tpu.memory_space<hbm>>) target(%dma_start3A_423 : memref<128x128xf32, #tpu.memory_space<vmem>>) offsets(%dma_start3A_424 : memref<128xi32, #tpu.memory_space<vmem>>) semaphore(%arg12 : memref<!tpu.dma_semaphore, #tpu.memory_space<semaphore_mem>>)
        %mul3A_428 = arith.constant 320 : i32
        %mul3A_429 = arith.muli %add3A_400, %mul3A_428 : i32
        %add3A_430 = arith.constant 128 : i32
        %add3A_431 = arith.addi %mul3A_429, %add3A_430 : i32
        %dma_start3A_432 = arith.constant 0 : i32
        %dma_start3A_433 = arith.constant 0 : i32
        %dma_start3A_434 = arith.constant 0 : i32
        %dma_start3A_435 = tpu.memref_slice %arg10[%dma_start3A_432, %dma_start3A_433, %dma_start3A_434] : memref<2x320x128xf32, #tpu.memory_space<vmem>> -> memref<1x320x128xf32, #tpu.memory_space<vmem>>
        %dma_start3A_436 = tpu.memref_squeeze %dma_start3A_435 : memref<1x320x128xf32, #tpu.memory_space<vmem>> -> memref<320x128xf32, #tpu.memory_space<vmem>>
        %dma_start3A_437 = arith.constant 128 : i32
        %dma_start3A_438 = arith.constant 0 : i32
        %dma_start3A_439 = tpu.memref_slice %dma_start3A_436[%dma_start3A_437, %dma_start3A_438] : memref<320x128xf32, #tpu.memory_space<vmem>> -> memref<128x128xf32, #tpu.memory_space<vmem>>
        %dma_start3A_440 = tpu.memref_slice %arg8[%add3A_431] : memref<10240xi32, #tpu.memory_space<vmem>> -> memref<128xi32, #tpu.memory_space<vmem>>
        %dma_start3A_441 = arith.constant 0 : i32
        %dma_start3A_442 = arith.constant 0 : i32
        %dma_start3A_443 = tpu.memref_slice %arg2[%dma_start3A_441, %dma_start3A_442] : memref<1000000x128xf32, #tpu.memory_space<hbm>> -> memref<1000000x128xf32, #tpu.memory_space<hbm>>
        tpu.enqueue_indirect_dma source(%dma_start3A_443 : memref<1000000x128xf32, #tpu.memory_space<hbm>>) target(%dma_start3A_439 : memref<128x128xf32, #tpu.memory_space<vmem>>) offsets(%dma_start3A_440 : memref<128xi32, #tpu.memory_space<vmem>>) semaphore(%arg12 : memref<!tpu.dma_semaphore, #tpu.memory_space<semaphore_mem>>)
        %mul3A_444 = arith.constant 320 : i32
        %mul3A_445 = arith.muli %add3A_400, %mul3A_444 : i32
        %add3A_446 = arith.constant 256 : i32
        %add3A_447 = arith.addi %mul3A_445, %add3A_446 : i32
        %dma_start3A_448 = arith.constant 0 : i32
        %dma_start3A_449 = arith.constant 0 : i32
        %dma_start3A_450 = arith.constant 0 : i32
        %dma_start3A_451 = tpu.memref_slice %arg10[%dma_start3A_448, %dma_start3A_449, %dma_start3A_450] : memref<2x320x128xf32, #tpu.memory_space<vmem>> -> memref<1x320x128xf32, #tpu.memory_space<vmem>>
        %dma_start3A_452 = tpu.memref_squeeze %dma_start3A_451 : memref<1x320x128xf32, #tpu.memory_space<vmem>> -> memref<320x128xf32, #tpu.memory_space<vmem>>
        %dma_start3A_453 = arith.constant 256 : i32
        %dma_start3A_454 = arith.constant 0 : i32
        %dma_start3A_455 = tpu.memref_slice %dma_start3A_452[%dma_start3A_453, %dma_start3A_454] : memref<320x128xf32, #tpu.memory_space<vmem>> -> memref<64x128xf32, #tpu.memory_space<vmem>>
        %dma_start3A_456 = tpu.memref_slice %arg8[%add3A_447] : memref<10240xi32, #tpu.memory_space<vmem>> -> memref<64xi32, #tpu.memory_space<vmem>>
        %dma_start3A_457 = arith.constant 0 : i32
        %dma_start3A_458 = arith.constant 0 : i32
        %dma_start3A_459 = tpu.memref_slice %arg2[%dma_start3A_457, %dma_start3A_458] : memref<1000000x128xf32, #tpu.memory_space<hbm>> -> memref<1000000x128xf32, #tpu.memory_space<hbm>>
        tpu.enqueue_indirect_dma source(%dma_start3A_459 : memref<1000000x128xf32, #tpu.memory_space<hbm>>) target(%dma_start3A_455 : memref<64x128xf32, #tpu.memory_space<vmem>>) offsets(%dma_start3A_456 : memref<64xi32, #tpu.memory_space<vmem>>) semaphore(%arg12 : memref<!tpu.dma_semaphore, #tpu.memory_space<semaphore_mem>>)
      } else {
      }
      %add3A_320 = arith.constant 1 : i32
      %add3A_321 = arith.addi %mul3A_182, %add3A_320 : i32
      %mul3A_322 = arith.constant 16 : i32
      %mul3A_323 = arith.muli %add3A_321, %mul3A_322 : i32
      %dma_wait3A_324 = arith.constant 1 : i32
      %dma_wait3A_325 = arith.constant 0 : i32
      %dma_wait3A_326 = arith.constant 0 : i32
      %dma_wait3A_327 = tpu.memref_slice %arg9[%dma_wait3A_324, %dma_wait3A_325, %dma_wait3A_326] : memref<2x16x128xf32, #tpu.memory_space<vmem>> -> memref<1x16x128xf32, #tpu.memory_space<vmem>>
      %dma_wait3A_328 = tpu.memref_squeeze %dma_wait3A_327 : memref<1x16x128xf32, #tpu.memory_space<vmem>> -> memref<16x128xf32, #tpu.memory_space<vmem>>
      %dma_wait3A_329 = tpu.memref_slice %arg7[%mul3A_323] : memref<512xi32, #tpu.memory_space<vmem>> -> memref<16xi32, #tpu.memory_space<vmem>>
      %dma_wait3A_330 = arith.constant 0 : i32
      %dma_wait3A_331 = arith.constant 0 : i32
      %dma_wait3A_332 = tpu.memref_slice %arg2[%dma_wait3A_330, %dma_wait3A_331] : memref<1000000x128xf32, #tpu.memory_space<hbm>> -> memref<1000000x128xf32, #tpu.memory_space<hbm>>
      tpu.wait_indirect_dma semaphore(%arg13 : memref<!tpu.dma_semaphore, #tpu.memory_space<semaphore_mem>>) src(%dma_wait3A_332 : memref<1000000x128xf32, #tpu.memory_space<hbm>>) dst(%dma_wait3A_328 : memref<16x128xf32, #tpu.memory_space<vmem>>)
      %mul3A_333 = arith.constant 320 : i32
      %mul3A_334 = arith.muli %add3A_321, %mul3A_333 : i32
      %add3A_335 = arith.constant 0 : i32
      %add3A_336 = arith.addi %mul3A_334, %add3A_335 : i32
      %dma_wait3A_337 = arith.constant 1 : i32
      %dma_wait3A_338 = arith.constant 0 : i32
      %dma_wait3A_339 = arith.constant 0 : i32
      %dma_wait3A_340 = tpu.memref_slice %arg10[%dma_wait3A_337, %dma_wait3A_338, %dma_wait3A_339] : memref<2x320x128xf32, #tpu.memory_space<vmem>> -> memref<1x320x128xf32, #tpu.memory_space<vmem>>
      %dma_wait3A_341 = tpu.memref_squeeze %dma_wait3A_340 : memref<1x320x128xf32, #tpu.memory_space<vmem>> -> memref<320x128xf32, #tpu.memory_space<vmem>>
      %dma_wait3A_342 = arith.constant 0 : i32
      %dma_wait3A_343 = arith.constant 0 : i32
      %dma_wait3A_344 = tpu.memref_slice %dma_wait3A_341[%dma_wait3A_342, %dma_wait3A_343] : memref<320x128xf32, #tpu.memory_space<vmem>> -> memref<128x128xf32, #tpu.memory_space<vmem>>
      %dma_wait3A_345 = tpu.memref_slice %arg8[%add3A_336] : memref<10240xi32, #tpu.memory_space<vmem>> -> memref<128xi32, #tpu.memory_space<vmem>>
      %dma_wait3A_346 = arith.constant 0 : i32
      %dma_wait3A_347 = arith.constant 0 : i32
      %dma_wait3A_348 = tpu.memref_slice %arg2[%dma_wait3A_346, %dma_wait3A_347] : memref<1000000x128xf32, #tpu.memory_space<hbm>> -> memref<1000000x128xf32, #tpu.memory_space<hbm>>
      tpu.wait_indirect_dma semaphore(%arg13 : memref<!tpu.dma_semaphore, #tpu.memory_space<semaphore_mem>>) src(%dma_wait3A_348 : memref<1000000x128xf32, #tpu.memory_space<hbm>>) dst(%dma_wait3A_344 : memref<128x128xf32, #tpu.memory_space<vmem>>)
      %mul3A_349 = arith.constant 320 : i32
      %mul3A_350 = arith.muli %add3A_321, %mul3A_349 : i32
      %add3A_351 = arith.constant 128 : i32
      %add3A_352 = arith.addi %mul3A_350, %add3A_351 : i32
      %dma_wait3A_353 = arith.constant 1 : i32
      %dma_wait3A_354 = arith.constant 0 : i32
      %dma_wait3A_355 = arith.constant 0 : i32
      %dma_wait3A_356 = tpu.memref_slice %arg10[%dma_wait3A_353, %dma_wait3A_354, %dma_wait3A_355] : memref<2x320x128xf32, #tpu.memory_space<vmem>> -> memref<1x320x128xf32, #tpu.memory_space<vmem>>
      %dma_wait3A_357 = tpu.memref_squeeze %dma_wait3A_356 : memref<1x320x128xf32, #tpu.memory_space<vmem>> -> memref<320x128xf32, #tpu.memory_space<vmem>>
      %dma_wait3A_358 = arith.constant 128 : i32
      %dma_wait3A_359 = arith.constant 0 : i32
      %dma_wait3A_360 = tpu.memref_slice %dma_wait3A_357[%dma_wait3A_358, %dma_wait3A_359] : memref<320x128xf32, #tpu.memory_space<vmem>> -> memref<128x128xf32, #tpu.memory_space<vmem>>
      %dma_wait3A_361 = tpu.memref_slice %arg8[%add3A_352] : memref<10240xi32, #tpu.memory_space<vmem>> -> memref<128xi32, #tpu.memory_space<vmem>>
      %dma_wait3A_362 = arith.constant 0 : i32
      %dma_wait3A_363 = arith.constant 0 : i32
      %dma_wait3A_364 = tpu.memref_slice %arg2[%dma_wait3A_362, %dma_wait3A_363] : memref<1000000x128xf32, #tpu.memory_space<hbm>> -> memref<1000000x128xf32, #tpu.memory_space<hbm>>
      tpu.wait_indirect_dma semaphore(%arg13 : memref<!tpu.dma_semaphore, #tpu.memory_space<semaphore_mem>>) src(%dma_wait3A_364 : memref<1000000x128xf32, #tpu.memory_space<hbm>>) dst(%dma_wait3A_360 : memref<128x128xf32, #tpu.memory_space<vmem>>)
      %mul3A_365 = arith.constant 320 : i32
      %mul3A_366 = arith.muli %add3A_321, %mul3A_365 : i32
      %add3A_367 = arith.constant 256 : i32
      %add3A_368 = arith.addi %mul3A_366, %add3A_367 : i32
      %dma_wait3A_369 = arith.constant 1 : i32
      %dma_wait3A_370 = arith.constant 0 : i32
      %dma_wait3A_371 = arith.constant 0 : i32
      %dma_wait3A_372 = tpu.memref_slice %arg10[%dma_wait3A_369, %dma_wait3A_370, %dma_wait3A_371] : memref<2x320x128xf32, #tpu.memory_space<vmem>> -> memref<1x320x128xf32, #tpu.memory_space<vmem>>
      %dma_wait3A_373 = tpu.memref_squeeze %dma_wait3A_372 : memref<1x320x128xf32, #tpu.memory_space<vmem>> -> memref<320x128xf32, #tpu.memory_space<vmem>>
      %dma_wait3A_374 = arith.constant 256 : i32
      %dma_wait3A_375 = arith.constant 0 : i32
      %dma_wait3A_376 = tpu.memref_slice %dma_wait3A_373[%dma_wait3A_374, %dma_wait3A_375] : memref<320x128xf32, #tpu.memory_space<vmem>> -> memref<64x128xf32, #tpu.memory_space<vmem>>
      %dma_wait3A_377 = tpu.memref_slice %arg8[%add3A_368] : memref<10240xi32, #tpu.memory_space<vmem>> -> memref<64xi32, #tpu.memory_space<vmem>>
      %dma_wait3A_378 = arith.constant 0 : i32
      %dma_wait3A_379 = arith.constant 0 : i32
      %dma_wait3A_380 = tpu.memref_slice %arg2[%dma_wait3A_378, %dma_wait3A_379] : memref<1000000x128xf32, #tpu.memory_space<hbm>> -> memref<1000000x128xf32, #tpu.memory_space<hbm>>
      tpu.wait_indirect_dma semaphore(%arg13 : memref<!tpu.dma_semaphore, #tpu.memory_space<semaphore_mem>>) src(%dma_wait3A_380 : memref<1000000x128xf32, #tpu.memory_space<hbm>>) dst(%dma_wait3A_376 : memref<64x128xf32, #tpu.memory_space<vmem>>)
      %add3A_381 = arith.constant 1 : i32
      %add3A_382 = arith.addi %mul3A_182, %add3A_381 : i32
      %scan3A_383 = arith.constant 0 : i32
      %scan3A_384 = arith.constant 0 : i32
      %scan3A_385 = arith.constant 64 : i32
      %scan3A_386 = arith.addi %scan3A_384, %scan3A_385 : i32
      %scan3A_387 = arith.constant 4 : i32
      %scan3A_388 = scf.for %scan3A_399 = %scan3A_384 to %scan3A_386 step %scan3A_387 iter_args(%scan3A_400 = %scan3A_383) -> (i32)  : i32 {
        %add3A_401 = vector.broadcast %scan3A_399 : i32 to vector<16xi32>
        %add3A_402 = arith.addi %iota3A, %add3A_401 : vector<16xi32>
        %and3A = arith.constant 63 : i32
        %and3A_403 = vector.broadcast %and3A : i32 to vector<16xi32>
        %and3A_404 = arith.andi %add3A_402, %and3A_403 : vector<16xi32>
        %gather3A = arith.constant 1 : i32
        %gather3A_405 = arith.constant 0 : i32
        %gather3A_406 = arith.constant 0 : i32
        %gather3A_407 = tpu.memref_slice %arg10[%gather3A, %gather3A_405, %gather3A_406] : memref<2x320x128xf32, #tpu.memory_space<vmem>> -> memref<1x320x128xf32, #tpu.memory_space<vmem>>
        %gather3A_408 = tpu.memref_squeeze %gather3A_407 : memref<1x320x128xf32, #tpu.memory_space<vmem>> -> memref<320x128xf32, #tpu.memory_space<vmem>>
        %gather3A_409 = tpu.vector_load_idx %gather3A_408[%add3A_10, %and3A_404] : memref<320x128xf32, #tpu.memory_space<vmem>>[vector<16xi32>, vector<16xi32>], vector<16xf32>,
        %gather3A_410 = arith.constant 1 : i32
        %gather3A_411 = arith.constant 0 : i32
        %gather3A_412 = arith.constant 0 : i32
        %gather3A_413 = tpu.memref_slice %arg10[%gather3A_410, %gather3A_411, %gather3A_412] : memref<2x320x128xf32, #tpu.memory_space<vmem>> -> memref<1x320x128xf32, #tpu.memory_space<vmem>>
        %gather3A_414 = tpu.memref_squeeze %gather3A_413 : memref<1x320x128xf32, #tpu.memory_space<vmem>> -> memref<320x128xf32, #tpu.memory_space<vmem>>
        %gather3A_415 = tpu.vector_load_idx %gather3A_414[%add3A_16, %and3A_404] : memref<320x128xf32, #tpu.memory_space<vmem>>[vector<16xi32>, vector<16xi32>], vector<16xf32>,
        %gather3A_416 = arith.constant 1 : i32
        %gather3A_417 = arith.constant 0 : i32
        %gather3A_418 = arith.constant 0 : i32
        %gather3A_419 = tpu.memref_slice %arg10[%gather3A_416, %gather3A_417, %gather3A_418] : memref<2x320x128xf32, #tpu.memory_space<vmem>> -> memref<1x320x128xf32, #tpu.memory_space<vmem>>
        %gather3A_420 = tpu.memref_squeeze %gather3A_419 : memref<1x320x128xf32, #tpu.memory_space<vmem>> -> memref<320x128xf32, #tpu.memory_space<vmem>>
        %gather3A_421 = tpu.vector_load_idx %gather3A_420[%add3A_22, %and3A_404] : memref<320x128xf32, #tpu.memory_space<vmem>>[vector<16xi32>, vector<16xi32>], vector<16xf32>,
        %add3A_422 = arith.addf %gather3A_409, %gather3A_421 : vector<16xf32>
        %gather3A_423 = arith.constant 1 : i32
        %gather3A_424 = arith.constant 0 : i32
        %gather3A_425 = arith.constant 0 : i32
        %gather3A_426 = tpu.memref_slice %arg10[%gather3A_423, %gather3A_424, %gather3A_425] : memref<2x320x128xf32, #tpu.memory_space<vmem>> -> memref<1x320x128xf32, #tpu.memory_space<vmem>>
        %gather3A_427 = tpu.memref_squeeze %gather3A_426 : memref<1x320x128xf32, #tpu.memory_space<vmem>> -> memref<320x128xf32, #tpu.memory_space<vmem>>
        %gather3A_428 = tpu.vector_load_idx %gather3A_427[%add3A_28, %and3A_404] : memref<320x128xf32, #tpu.memory_space<vmem>>[vector<16xi32>, vector<16xi32>], vector<16xf32>,
        %add3A_429 = arith.addf %gather3A_415, %gather3A_428 : vector<16xf32>
        %gather3A_430 = arith.constant 1 : i32
        %gather3A_431 = arith.constant 0 : i32
        %gather3A_432 = arith.constant 0 : i32
        %gather3A_433 = tpu.memref_slice %arg10[%gather3A_430, %gather3A_431, %gather3A_432] : memref<2x320x128xf32, #tpu.memory_space<vmem>> -> memref<1x320x128xf32, #tpu.memory_space<vmem>>
        %gather3A_434 = tpu.memref_squeeze %gather3A_433 : memref<1x320x128xf32, #tpu.memory_space<vmem>> -> memref<320x128xf32, #tpu.memory_space<vmem>>
        %gather3A_435 = tpu.vector_load_idx %gather3A_434[%add3A_34, %and3A_404] : memref<320x128xf32, #tpu.memory_space<vmem>>[vector<16xi32>, vector<16xi32>], vector<16xf32>,
        %add3A_436 = arith.addf %add3A_422, %gather3A_435 : vector<16xf32>
        %gather3A_437 = arith.constant 1 : i32
        %gather3A_438 = arith.constant 0 : i32
        %gather3A_439 = arith.constant 0 : i32
        %gather3A_440 = tpu.memref_slice %arg10[%gather3A_437, %gather3A_438, %gather3A_439] : memref<2x320x128xf32, #tpu.memory_space<vmem>> -> memref<1x320x128xf32, #tpu.memory_space<vmem>>
        %gather3A_441 = tpu.memref_squeeze %gather3A_440 : memref<1x320x128xf32, #tpu.memory_space<vmem>> -> memref<320x128xf32, #tpu.memory_space<vmem>>
        %gather3A_442 = tpu.vector_load_idx %gather3A_441[%add3A_40, %and3A_404] : memref<320x128xf32, #tpu.memory_space<vmem>>[vector<16xi32>, vector<16xi32>], vector<16xf32>,
        %add3A_443 = arith.addf %add3A_429, %gather3A_442 : vector<16xf32>
        %gather3A_444 = arith.constant 1 : i32
        %gather3A_445 = arith.constant 0 : i32
        %gather3A_446 = arith.constant 0 : i32
        %gather3A_447 = tpu.memref_slice %arg10[%gather3A_444, %gather3A_445, %gather3A_446] : memref<2x320x128xf32, #tpu.memory_space<vmem>> -> memref<1x320x128xf32, #tpu.memory_space<vmem>>
        %gather3A_448 = tpu.memref_squeeze %gather3A_447 : memref<1x320x128xf32, #tpu.memory_space<vmem>> -> memref<320x128xf32, #tpu.memory_space<vmem>>
        %gather3A_449 = tpu.vector_load_idx %gather3A_448[%add3A_46, %and3A_404] : memref<320x128xf32, #tpu.memory_space<vmem>>[vector<16xi32>, vector<16xi32>], vector<16xf32>,
        %add3A_450 = arith.addf %add3A_436, %gather3A_449 : vector<16xf32>
        %gather3A_451 = arith.constant 1 : i32
        %gather3A_452 = arith.constant 0 : i32
        %gather3A_453 = arith.constant 0 : i32
        %gather3A_454 = tpu.memref_slice %arg10[%gather3A_451, %gather3A_452, %gather3A_453] : memref<2x320x128xf32, #tpu.memory_space<vmem>> -> memref<1x320x128xf32, #tpu.memory_space<vmem>>
        %gather3A_455 = tpu.memref_squeeze %gather3A_454 : memref<1x320x128xf32, #tpu.memory_space<vmem>> -> memref<320x128xf32, #tpu.memory_space<vmem>>
        %gather3A_456 = tpu.vector_load_idx %gather3A_455[%add3A_52, %and3A_404] : memref<320x128xf32, #tpu.memory_space<vmem>>[vector<16xi32>, vector<16xi32>], vector<16xf32>,
        %add3A_457 = arith.addf %add3A_443, %gather3A_456 : vector<16xf32>
        %gather3A_458 = arith.constant 1 : i32
        %gather3A_459 = arith.constant 0 : i32
        %gather3A_460 = arith.constant 0 : i32
        %gather3A_461 = tpu.memref_slice %arg10[%gather3A_458, %gather3A_459, %gather3A_460] : memref<2x320x128xf32, #tpu.memory_space<vmem>> -> memref<1x320x128xf32, #tpu.memory_space<vmem>>
        %gather3A_462 = tpu.memref_squeeze %gather3A_461 : memref<1x320x128xf32, #tpu.memory_space<vmem>> -> memref<320x128xf32, #tpu.memory_space<vmem>>
        %gather3A_463 = tpu.vector_load_idx %gather3A_462[%add3A_58, %and3A_404] : memref<320x128xf32, #tpu.memory_space<vmem>>[vector<16xi32>, vector<16xi32>], vector<16xf32>,
        %add3A_464 = arith.addf %add3A_450, %gather3A_463 : vector<16xf32>
        %gather3A_465 = arith.constant 1 : i32
        %gather3A_466 = arith.constant 0 : i32
        %gather3A_467 = arith.constant 0 : i32
        %gather3A_468 = tpu.memref_slice %arg10[%gather3A_465, %gather3A_466, %gather3A_467] : memref<2x320x128xf32, #tpu.memory_space<vmem>> -> memref<1x320x128xf32, #tpu.memory_space<vmem>>
        %gather3A_469 = tpu.memref_squeeze %gather3A_468 : memref<1x320x128xf32, #tpu.memory_space<vmem>> -> memref<320x128xf32, #tpu.memory_space<vmem>>
        %gather3A_470 = tpu.vector_load_idx %gather3A_469[%add3A_64, %and3A_404] : memref<320x128xf32, #tpu.memory_space<vmem>>[vector<16xi32>, vector<16xi32>], vector<16xf32>,
        %add3A_471 = arith.addf %add3A_457, %gather3A_470 : vector<16xf32>
        %gather3A_472 = arith.constant 1 : i32
        %gather3A_473 = arith.constant 0 : i32
        %gather3A_474 = arith.constant 0 : i32
        %gather3A_475 = tpu.memref_slice %arg10[%gather3A_472, %gather3A_473, %gather3A_474] : memref<2x320x128xf32, #tpu.memory_space<vmem>> -> memref<1x320x128xf32, #tpu.memory_space<vmem>>
        %gather3A_476 = tpu.memref_squeeze %gather3A_475 : memref<1x320x128xf32, #tpu.memory_space<vmem>> -> memref<320x128xf32, #tpu.memory_space<vmem>>
        %gather3A_477 = tpu.vector_load_idx %gather3A_476[%add3A_70, %and3A_404] : memref<320x128xf32, #tpu.memory_space<vmem>>[vector<16xi32>, vector<16xi32>], vector<16xf32>,
        %add3A_478 = arith.addf %add3A_464, %gather3A_477 : vector<16xf32>
        %gather3A_479 = arith.constant 1 : i32
        %gather3A_480 = arith.constant 0 : i32
        %gather3A_481 = arith.constant 0 : i32
        %gather3A_482 = tpu.memref_slice %arg10[%gather3A_479, %gather3A_480, %gather3A_481] : memref<2x320x128xf32, #tpu.memory_space<vmem>> -> memref<1x320x128xf32, #tpu.memory_space<vmem>>
        %gather3A_483 = tpu.memref_squeeze %gather3A_482 : memref<1x320x128xf32, #tpu.memory_space<vmem>> -> memref<320x128xf32, #tpu.memory_space<vmem>>
        %gather3A_484 = tpu.vector_load_idx %gather3A_483[%add3A_76, %and3A_404] : memref<320x128xf32, #tpu.memory_space<vmem>>[vector<16xi32>, vector<16xi32>], vector<16xf32>,
        %add3A_485 = arith.addf %add3A_471, %gather3A_484 : vector<16xf32>
        %gather3A_486 = arith.constant 1 : i32
        %gather3A_487 = arith.constant 0 : i32
        %gather3A_488 = arith.constant 0 : i32
        %gather3A_489 = tpu.memref_slice %arg10[%gather3A_486, %gather3A_487, %gather3A_488] : memref<2x320x128xf32, #tpu.memory_space<vmem>> -> memref<1x320x128xf32, #tpu.memory_space<vmem>>
        %gather3A_490 = tpu.memref_squeeze %gather3A_489 : memref<1x320x128xf32, #tpu.memory_space<vmem>> -> memref<320x128xf32, #tpu.memory_space<vmem>>
        %gather3A_491 = tpu.vector_load_idx %gather3A_490[%add3A_82, %and3A_404] : memref<320x128xf32, #tpu.memory_space<vmem>>[vector<16xi32>, vector<16xi32>], vector<16xf32>,
        %add3A_492 = arith.addf %add3A_478, %gather3A_491 : vector<16xf32>
        %gather3A_493 = arith.constant 1 : i32
        %gather3A_494 = arith.constant 0 : i32
        %gather3A_495 = arith.constant 0 : i32
        %gather3A_496 = tpu.memref_slice %arg10[%gather3A_493, %gather3A_494, %gather3A_495] : memref<2x320x128xf32, #tpu.memory_space<vmem>> -> memref<1x320x128xf32, #tpu.memory_space<vmem>>
        %gather3A_497 = tpu.memref_squeeze %gather3A_496 : memref<1x320x128xf32, #tpu.memory_space<vmem>> -> memref<320x128xf32, #tpu.memory_space<vmem>>
        %gather3A_498 = tpu.vector_load_idx %gather3A_497[%add3A_88, %and3A_404] : memref<320x128xf32, #tpu.memory_space<vmem>>[vector<16xi32>, vector<16xi32>], vector<16xf32>,
        %add3A_499 = arith.addf %add3A_485, %gather3A_498 : vector<16xf32>
        %gather3A_500 = arith.constant 1 : i32
        %gather3A_501 = arith.constant 0 : i32
        %gather3A_502 = arith.constant 0 : i32
        %gather3A_503 = tpu.memref_slice %arg10[%gather3A_500, %gather3A_501, %gather3A_502] : memref<2x320x128xf32, #tpu.memory_space<vmem>> -> memref<1x320x128xf32, #tpu.memory_space<vmem>>
        %gather3A_504 = tpu.memref_squeeze %gather3A_503 : memref<1x320x128xf32, #tpu.memory_space<vmem>> -> memref<320x128xf32, #tpu.memory_space<vmem>>
        %gather3A_505 = tpu.vector_load_idx %gather3A_504[%add3A_94, %and3A_404] : memref<320x128xf32, #tpu.memory_space<vmem>>[vector<16xi32>, vector<16xi32>], vector<16xf32>,
        %add3A_506 = arith.addf %add3A_492, %gather3A_505 : vector<16xf32>
        %gather3A_507 = arith.constant 1 : i32
        %gather3A_508 = arith.constant 0 : i32
        %gather3A_509 = arith.constant 0 : i32
        %gather3A_510 = tpu.memref_slice %arg10[%gather3A_507, %gather3A_508, %gather3A_509] : memref<2x320x128xf32, #tpu.memory_space<vmem>> -> memref<1x320x128xf32, #tpu.memory_space<vmem>>
        %gather3A_511 = tpu.memref_squeeze %gather3A_510 : memref<1x320x128xf32, #tpu.memory_space<vmem>> -> memref<320x128xf32, #tpu.memory_space<vmem>>
        %gather3A_512 = tpu.vector_load_idx %gather3A_511[%add3A_100, %and3A_404] : memref<320x128xf32, #tpu.memory_space<vmem>>[vector<16xi32>, vector<16xi32>], vector<16xf32>,
        %add3A_513 = arith.addf %add3A_499, %gather3A_512 : vector<16xf32>
        %gather3A_514 = arith.constant 1 : i32
        %gather3A_515 = arith.constant 0 : i32
        %gather3A_516 = arith.constant 0 : i32
        %gather3A_517 = tpu.memref_slice %arg10[%gather3A_514, %gather3A_515, %gather3A_516] : memref<2x320x128xf32, #tpu.memory_space<vmem>> -> memref<1x320x128xf32, #tpu.memory_space<vmem>>
        %gather3A_518 = tpu.memref_squeeze %gather3A_517 : memref<1x320x128xf32, #tpu.memory_space<vmem>> -> memref<320x128xf32, #tpu.memory_space<vmem>>
        %gather3A_519 = tpu.vector_load_idx %gather3A_518[%add3A_106, %and3A_404] : memref<320x128xf32, #tpu.memory_space<vmem>>[vector<16xi32>, vector<16xi32>], vector<16xf32>,
        %add3A_520 = arith.addf %add3A_506, %gather3A_519 : vector<16xf32>
        %gather3A_521 = arith.constant 1 : i32
        %gather3A_522 = arith.constant 0 : i32
        %gather3A_523 = arith.constant 0 : i32
        %gather3A_524 = tpu.memref_slice %arg10[%gather3A_521, %gather3A_522, %gather3A_523] : memref<2x320x128xf32, #tpu.memory_space<vmem>> -> memref<1x320x128xf32, #tpu.memory_space<vmem>>
        %gather3A_525 = tpu.memref_squeeze %gather3A_524 : memref<1x320x128xf32, #tpu.memory_space<vmem>> -> memref<320x128xf32, #tpu.memory_space<vmem>>
        %gather3A_526 = tpu.vector_load_idx %gather3A_525[%add3A_112, %and3A_404] : memref<320x128xf32, #tpu.memory_space<vmem>>[vector<16xi32>, vector<16xi32>], vector<16xf32>,
        %add3A_527 = arith.addf %add3A_513, %gather3A_526 : vector<16xf32>
        %gather3A_528 = arith.constant 1 : i32
        %gather3A_529 = arith.constant 0 : i32
        %gather3A_530 = arith.constant 0 : i32
        %gather3A_531 = tpu.memref_slice %arg10[%gather3A_528, %gather3A_529, %gather3A_530] : memref<2x320x128xf32, #tpu.memory_space<vmem>> -> memref<1x320x128xf32, #tpu.memory_space<vmem>>
        %gather3A_532 = tpu.memref_squeeze %gather3A_531 : memref<1x320x128xf32, #tpu.memory_space<vmem>> -> memref<320x128xf32, #tpu.memory_space<vmem>>
        %gather3A_533 = tpu.vector_load_idx %gather3A_532[%add3A_118, %and3A_404] : memref<320x128xf32, #tpu.memory_space<vmem>>[vector<16xi32>, vector<16xi32>], vector<16xf32>,
        %add3A_534 = arith.addf %add3A_520, %gather3A_533 : vector<16xf32>
        %gather3A_535 = arith.constant 1 : i32
        %gather3A_536 = arith.constant 0 : i32
        %gather3A_537 = arith.constant 0 : i32
        %gather3A_538 = tpu.memref_slice %arg10[%gather3A_535, %gather3A_536, %gather3A_537] : memref<2x320x128xf32, #tpu.memory_space<vmem>> -> memref<1x320x128xf32, #tpu.memory_space<vmem>>
        %gather3A_539 = tpu.memref_squeeze %gather3A_538 : memref<1x320x128xf32, #tpu.memory_space<vmem>> -> memref<320x128xf32, #tpu.memory_space<vmem>>
        %gather3A_540 = tpu.vector_load_idx %gather3A_539[%add3A_124, %and3A_404] : memref<320x128xf32, #tpu.memory_space<vmem>>[vector<16xi32>, vector<16xi32>], vector<16xf32>,
        %add3A_541 = arith.addf %add3A_527, %gather3A_540 : vector<16xf32>
        %add3A_542 = arith.addf %add3A_534, %add3A_541 : vector<16xf32>
        %scatter3A = arith.constant 1 : i32
        %scatter3A_543 = arith.constant 0 : i32
        %scatter3A_544 = arith.constant 0 : i32
        %scatter3A_545 = tpu.memref_slice %arg11[%scatter3A, %scatter3A_543, %scatter3A_544] : memref<2x16x64xf32, #tpu.memory_space<vmem>> -> memref<1x16x64xf32, #tpu.memory_space<vmem>>
        %scatter3A_546 = tpu.memref_squeeze %scatter3A_545 : memref<1x16x64xf32, #tpu.memory_space<vmem>> -> memref<16x64xf32, #tpu.memory_space<vmem>>
        tpu.vector_store_idx %scatter3A_546[%iota3A, %and3A_404], %add3A_542 : memref<16x64xf32, #tpu.memory_space<vmem>>[vector<16xi32>, vector<16xi32>], vector<16xf32>,
        %scan3A_547 = arith.constant 0 : i32
        %scan3A_548 = arith.constant 1 : i32
        %scan3A_549 = arith.addi %scan3A_399, %scan3A_548 : i32
        %add3A_550 = vector.broadcast %scan3A_549 : i32 to vector<16xi32>
        %add3A_551 = arith.addi %iota3A, %add3A_550 : vector<16xi32>
        %and3A_552 = arith.constant 63 : i32
        %and3A_553 = vector.broadcast %and3A_552 : i32 to vector<16xi32>
        %and3A_554 = arith.andi %add3A_551, %and3A_553 : vector<16xi32>
        %gather3A_555 = arith.constant 1 : i32
        %gather3A_556 = arith.constant 0 : i32
        %gather3A_557 = arith.constant 0 : i32
        %gather3A_558 = tpu.memref_slice %arg10[%gather3A_555, %gather3A_556, %gather3A_557] : memref<2x320x128xf32, #tpu.memory_space<vmem>> -> memref<1x320x128xf32, #tpu.memory_space<vmem>>
        %gather3A_559 = tpu.memref_squeeze %gather3A_558 : memref<1x320x128xf32, #tpu.memory_space<vmem>> -> memref<320x128xf32, #tpu.memory_space<vmem>>
        %gather3A_560 = tpu.vector_load_idx %gather3A_559[%add3A_10, %and3A_554] : memref<320x128xf32, #tpu.memory_space<vmem>>[vector<16xi32>, vector<16xi32>], vector<16xf32>,
        %gather3A_561 = arith.constant 1 : i32
        %gather3A_562 = arith.constant 0 : i32
        %gather3A_563 = arith.constant 0 : i32
        %gather3A_564 = tpu.memref_slice %arg10[%gather3A_561, %gather3A_562, %gather3A_563] : memref<2x320x128xf32, #tpu.memory_space<vmem>> -> memref<1x320x128xf32, #tpu.memory_space<vmem>>
        %gather3A_565 = tpu.memref_squeeze %gather3A_564 : memref<1x320x128xf32, #tpu.memory_space<vmem>> -> memref<320x128xf32, #tpu.memory_space<vmem>>
        %gather3A_566 = tpu.vector_load_idx %gather3A_565[%add3A_16, %and3A_554] : memref<320x128xf32, #tpu.memory_space<vmem>>[vector<16xi32>, vector<16xi32>], vector<16xf32>,
        %gather3A_567 = arith.constant 1 : i32
        %gather3A_568 = arith.constant 0 : i32
        %gather3A_569 = arith.constant 0 : i32
        %gather3A_570 = tpu.memref_slice %arg10[%gather3A_567, %gather3A_568, %gather3A_569] : memref<2x320x128xf32, #tpu.memory_space<vmem>> -> memref<1x320x128xf32, #tpu.memory_space<vmem>>
        %gather3A_571 = tpu.memref_squeeze %gather3A_570 : memref<1x320x128xf32, #tpu.memory_space<vmem>> -> memref<320x128xf32, #tpu.memory_space<vmem>>
        %gather3A_572 = tpu.vector_load_idx %gather3A_571[%add3A_22, %and3A_554] : memref<320x128xf32, #tpu.memory_space<vmem>>[vector<16xi32>, vector<16xi32>], vector<16xf32>,
        %add3A_573 = arith.addf %gather3A_560, %gather3A_572 : vector<16xf32>
        %gather3A_574 = arith.constant 1 : i32
        %gather3A_575 = arith.constant 0 : i32
        %gather3A_576 = arith.constant 0 : i32
        %gather3A_577 = tpu.memref_slice %arg10[%gather3A_574, %gather3A_575, %gather3A_576] : memref<2x320x128xf32, #tpu.memory_space<vmem>> -> memref<1x320x128xf32, #tpu.memory_space<vmem>>
        %gather3A_578 = tpu.memref_squeeze %gather3A_577 : memref<1x320x128xf32, #tpu.memory_space<vmem>> -> memref<320x128xf32, #tpu.memory_space<vmem>>
        %gather3A_579 = tpu.vector_load_idx %gather3A_578[%add3A_28, %and3A_554] : memref<320x128xf32, #tpu.memory_space<vmem>>[vector<16xi32>, vector<16xi32>], vector<16xf32>,
        %add3A_580 = arith.addf %gather3A_566, %gather3A_579 : vector<16xf32>
        %gather3A_581 = arith.constant 1 : i32
        %gather3A_582 = arith.constant 0 : i32
        %gather3A_583 = arith.constant 0 : i32
        %gather3A_584 = tpu.memref_slice %arg10[%gather3A_581, %gather3A_582, %gather3A_583] : memref<2x320x128xf32, #tpu.memory_space<vmem>> -> memref<1x320x128xf32, #tpu.memory_space<vmem>>
        %gather3A_585 = tpu.memref_squeeze %gather3A_584 : memref<1x320x128xf32, #tpu.memory_space<vmem>> -> memref<320x128xf32, #tpu.memory_space<vmem>>
        %gather3A_586 = tpu.vector_load_idx %gather3A_585[%add3A_34, %and3A_554] : memref<320x128xf32, #tpu.memory_space<vmem>>[vector<16xi32>, vector<16xi32>], vector<16xf32>,
        %add3A_587 = arith.addf %add3A_573, %gather3A_586 : vector<16xf32>
        %gather3A_588 = arith.constant 1 : i32
        %gather3A_589 = arith.constant 0 : i32
        %gather3A_590 = arith.constant 0 : i32
        %gather3A_591 = tpu.memref_slice %arg10[%gather3A_588, %gather3A_589, %gather3A_590] : memref<2x320x128xf32, #tpu.memory_space<vmem>> -> memref<1x320x128xf32, #tpu.memory_space<vmem>>
        %gather3A_592 = tpu.memref_squeeze %gather3A_591 : memref<1x320x128xf32, #tpu.memory_space<vmem>> -> memref<320x128xf32, #tpu.memory_space<vmem>>
        %gather3A_593 = tpu.vector_load_idx %gather3A_592[%add3A_40, %and3A_554] : memref<320x128xf32, #tpu.memory_space<vmem>>[vector<16xi32>, vector<16xi32>], vector<16xf32>,
        %add3A_594 = arith.addf %add3A_580, %gather3A_593 : vector<16xf32>
        %gather3A_595 = arith.constant 1 : i32
        %gather3A_596 = arith.constant 0 : i32
        %gather3A_597 = arith.constant 0 : i32
        %gather3A_598 = tpu.memref_slice %arg10[%gather3A_595, %gather3A_596, %gather3A_597] : memref<2x320x128xf32, #tpu.memory_space<vmem>> -> memref<1x320x128xf32, #tpu.memory_space<vmem>>
        %gather3A_599 = tpu.memref_squeeze %gather3A_598 : memref<1x320x128xf32, #tpu.memory_space<vmem>> -> memref<320x128xf32, #tpu.memory_space<vmem>>
        %gather3A_600 = tpu.vector_load_idx %gather3A_599[%add3A_46, %and3A_554] : memref<320x128xf32, #tpu.memory_space<vmem>>[vector<16xi32>, vector<16xi32>], vector<16xf32>,
        %add3A_601 = arith.addf %add3A_587, %gather3A_600 : vector<16xf32>
        %gather3A_602 = arith.constant 1 : i32
        %gather3A_603 = arith.constant 0 : i32
        %gather3A_604 = arith.constant 0 : i32
        %gather3A_605 = tpu.memref_slice %arg10[%gather3A_602, %gather3A_603, %gather3A_604] : memref<2x320x128xf32, #tpu.memory_space<vmem>> -> memref<1x320x128xf32, #tpu.memory_space<vmem>>
        %gather3A_606 = tpu.memref_squeeze %gather3A_605 : memref<1x320x128xf32, #tpu.memory_space<vmem>> -> memref<320x128xf32, #tpu.memory_space<vmem>>
        %gather3A_607 = tpu.vector_load_idx %gather3A_606[%add3A_52, %and3A_554] : memref<320x128xf32, #tpu.memory_space<vmem>>[vector<16xi32>, vector<16xi32>], vector<16xf32>,
        %add3A_608 = arith.addf %add3A_594, %gather3A_607 : vector<16xf32>
        %gather3A_609 = arith.constant 1 : i32
        %gather3A_610 = arith.constant 0 : i32
        %gather3A_611 = arith.constant 0 : i32
        %gather3A_612 = tpu.memref_slice %arg10[%gather3A_609, %gather3A_610, %gather3A_611] : memref<2x320x128xf32, #tpu.memory_space<vmem>> -> memref<1x320x128xf32, #tpu.memory_space<vmem>>
        %gather3A_613 = tpu.memref_squeeze %gather3A_612 : memref<1x320x128xf32, #tpu.memory_space<vmem>> -> memref<320x128xf32, #tpu.memory_space<vmem>>
        %gather3A_614 = tpu.vector_load_idx %gather3A_613[%add3A_58, %and3A_554] : memref<320x128xf32, #tpu.memory_space<vmem>>[vector<16xi32>, vector<16xi32>], vector<16xf32>,
        %add3A_615 = arith.addf %add3A_601, %gather3A_614 : vector<16xf32>
        %gather3A_616 = arith.constant 1 : i32
        %gather3A_617 = arith.constant 0 : i32
        %gather3A_618 = arith.constant 0 : i32
        %gather3A_619 = tpu.memref_slice %arg10[%gather3A_616, %gather3A_617, %gather3A_618] : memref<2x320x128xf32, #tpu.memory_space<vmem>> -> memref<1x320x128xf32, #tpu.memory_space<vmem>>
        %gather3A_620 = tpu.memref_squeeze %gather3A_619 : memref<1x320x128xf32, #tpu.memory_space<vmem>> -> memref<320x128xf32, #tpu.memory_space<vmem>>
        %gather3A_621 = tpu.vector_load_idx %gather3A_620[%add3A_64, %and3A_554] : memref<320x128xf32, #tpu.memory_space<vmem>>[vector<16xi32>, vector<16xi32>], vector<16xf32>,
        %add3A_622 = arith.addf %add3A_608, %gather3A_621 : vector<16xf32>
        %gather3A_623 = arith.constant 1 : i32
        %gather3A_624 = arith.constant 0 : i32
        %gather3A_625 = arith.constant 0 : i32
        %gather3A_626 = tpu.memref_slice %arg10[%gather3A_623, %gather3A_624, %gather3A_625] : memref<2x320x128xf32, #tpu.memory_space<vmem>> -> memref<1x320x128xf32, #tpu.memory_space<vmem>>
        %gather3A_627 = tpu.memref_squeeze %gather3A_626 : memref<1x320x128xf32, #tpu.memory_space<vmem>> -> memref<320x128xf32, #tpu.memory_space<vmem>>
        %gather3A_628 = tpu.vector_load_idx %gather3A_627[%add3A_70, %and3A_554] : memref<320x128xf32, #tpu.memory_space<vmem>>[vector<16xi32>, vector<16xi32>], vector<16xf32>,
        %add3A_629 = arith.addf %add3A_615, %gather3A_628 : vector<16xf32>
        %gather3A_630 = arith.constant 1 : i32
        %gather3A_631 = arith.constant 0 : i32
        %gather3A_632 = arith.constant 0 : i32
        %gather3A_633 = tpu.memref_slice %arg10[%gather3A_630, %gather3A_631, %gather3A_632] : memref<2x320x128xf32, #tpu.memory_space<vmem>> -> memref<1x320x128xf32, #tpu.memory_space<vmem>>
        %gather3A_634 = tpu.memref_squeeze %gather3A_633 : memref<1x320x128xf32, #tpu.memory_space<vmem>> -> memref<320x128xf32, #tpu.memory_space<vmem>>
        %gather3A_635 = tpu.vector_load_idx %gather3A_634[%add3A_76, %and3A_554] : memref<320x128xf32, #tpu.memory_space<vmem>>[vector<16xi32>, vector<16xi32>], vector<16xf32>,
        %add3A_636 = arith.addf %add3A_622, %gather3A_635 : vector<16xf32>
        %gather3A_637 = arith.constant 1 : i32
        %gather3A_638 = arith.constant 0 : i32
        %gather3A_639 = arith.constant 0 : i32
        %gather3A_640 = tpu.memref_slice %arg10[%gather3A_637, %gather3A_638, %gather3A_639] : memref<2x320x128xf32, #tpu.memory_space<vmem>> -> memref<1x320x128xf32, #tpu.memory_space<vmem>>
        %gather3A_641 = tpu.memref_squeeze %gather3A_640 : memref<1x320x128xf32, #tpu.memory_space<vmem>> -> memref<320x128xf32, #tpu.memory_space<vmem>>
        %gather3A_642 = tpu.vector_load_idx %gather3A_641[%add3A_82, %and3A_554] : memref<320x128xf32, #tpu.memory_space<vmem>>[vector<16xi32>, vector<16xi32>], vector<16xf32>,
        %add3A_643 = arith.addf %add3A_629, %gather3A_642 : vector<16xf32>
        %gather3A_644 = arith.constant 1 : i32
        %gather3A_645 = arith.constant 0 : i32
        %gather3A_646 = arith.constant 0 : i32
        %gather3A_647 = tpu.memref_slice %arg10[%gather3A_644, %gather3A_645, %gather3A_646] : memref<2x320x128xf32, #tpu.memory_space<vmem>> -> memref<1x320x128xf32, #tpu.memory_space<vmem>>
        %gather3A_648 = tpu.memref_squeeze %gather3A_647 : memref<1x320x128xf32, #tpu.memory_space<vmem>> -> memref<320x128xf32, #tpu.memory_space<vmem>>
        %gather3A_649 = tpu.vector_load_idx %gather3A_648[%add3A_88, %and3A_554] : memref<320x128xf32, #tpu.memory_space<vmem>>[vector<16xi32>, vector<16xi32>], vector<16xf32>,
        %add3A_650 = arith.addf %add3A_636, %gather3A_649 : vector<16xf32>
        %gather3A_651 = arith.constant 1 : i32
        %gather3A_652 = arith.constant 0 : i32
        %gather3A_653 = arith.constant 0 : i32
        %gather3A_654 = tpu.memref_slice %arg10[%gather3A_651, %gather3A_652, %gather3A_653] : memref<2x320x128xf32, #tpu.memory_space<vmem>> -> memref<1x320x128xf32, #tpu.memory_space<vmem>>
        %gather3A_655 = tpu.memref_squeeze %gather3A_654 : memref<1x320x128xf32, #tpu.memory_space<vmem>> -> memref<320x128xf32, #tpu.memory_space<vmem>>
        %gather3A_656 = tpu.vector_load_idx %gather3A_655[%add3A_94, %and3A_554] : memref<320x128xf32, #tpu.memory_space<vmem>>[vector<16xi32>, vector<16xi32>], vector<16xf32>,
        %add3A_657 = arith.addf %add3A_643, %gather3A_656 : vector<16xf32>
        %gather3A_658 = arith.constant 1 : i32
        %gather3A_659 = arith.constant 0 : i32
        %gather3A_660 = arith.constant 0 : i32
        %gather3A_661 = tpu.memref_slice %arg10[%gather3A_658, %gather3A_659, %gather3A_660] : memref<2x320x128xf32, #tpu.memory_space<vmem>> -> memref<1x320x128xf32, #tpu.memory_space<vmem>>
        %gather3A_662 = tpu.memref_squeeze %gather3A_661 : memref<1x320x128xf32, #tpu.memory_space<vmem>> -> memref<320x128xf32, #tpu.memory_space<vmem>>
        %gather3A_663 = tpu.vector_load_idx %gather3A_662[%add3A_100, %and3A_554] : memref<320x128xf32, #tpu.memory_space<vmem>>[vector<16xi32>, vector<16xi32>], vector<16xf32>,
        %add3A_664 = arith.addf %add3A_650, %gather3A_663 : vector<16xf32>
        %gather3A_665 = arith.constant 1 : i32
        %gather3A_666 = arith.constant 0 : i32
        %gather3A_667 = arith.constant 0 : i32
        %gather3A_668 = tpu.memref_slice %arg10[%gather3A_665, %gather3A_666, %gather3A_667] : memref<2x320x128xf32, #tpu.memory_space<vmem>> -> memref<1x320x128xf32, #tpu.memory_space<vmem>>
        %gather3A_669 = tpu.memref_squeeze %gather3A_668 : memref<1x320x128xf32, #tpu.memory_space<vmem>> -> memref<320x128xf32, #tpu.memory_space<vmem>>
        %gather3A_670 = tpu.vector_load_idx %gather3A_669[%add3A_106, %and3A_554] : memref<320x128xf32, #tpu.memory_space<vmem>>[vector<16xi32>, vector<16xi32>], vector<16xf32>,
        %add3A_671 = arith.addf %add3A_657, %gather3A_670 : vector<16xf32>
        %gather3A_672 = arith.constant 1 : i32
        %gather3A_673 = arith.constant 0 : i32
        %gather3A_674 = arith.constant 0 : i32
        %gather3A_675 = tpu.memref_slice %arg10[%gather3A_672, %gather3A_673, %gather3A_674] : memref<2x320x128xf32, #tpu.memory_space<vmem>> -> memref<1x320x128xf32, #tpu.memory_space<vmem>>
        %gather3A_676 = tpu.memref_squeeze %gather3A_675 : memref<1x320x128xf32, #tpu.memory_space<vmem>> -> memref<320x128xf32, #tpu.memory_space<vmem>>
        %gather3A_677 = tpu.vector_load_idx %gather3A_676[%add3A_112, %and3A_554] : memref<320x128xf32, #tpu.memory_space<vmem>>[vector<16xi32>, vector<16xi32>], vector<16xf32>,
        %add3A_678 = arith.addf %add3A_664, %gather3A_677 : vector<16xf32>
        %gather3A_679 = arith.constant 1 : i32
        %gather3A_680 = arith.constant 0 : i32
        %gather3A_681 = arith.constant 0 : i32
        %gather3A_682 = tpu.memref_slice %arg10[%gather3A_679, %gather3A_680, %gather3A_681] : memref<2x320x128xf32, #tpu.memory_space<vmem>> -> memref<1x320x128xf32, #tpu.memory_space<vmem>>
        %gather3A_683 = tpu.memref_squeeze %gather3A_682 : memref<1x320x128xf32, #tpu.memory_space<vmem>> -> memref<320x128xf32, #tpu.memory_space<vmem>>
        %gather3A_684 = tpu.vector_load_idx %gather3A_683[%add3A_118, %and3A_554] : memref<320x128xf32, #tpu.memory_space<vmem>>[vector<16xi32>, vector<16xi32>], vector<16xf32>,
        %add3A_685 = arith.addf %add3A_671, %gather3A_684 : vector<16xf32>
        %gather3A_686 = arith.constant 1 : i32
        %gather3A_687 = arith.constant 0 : i32
        %gather3A_688 = arith.constant 0 : i32
        %gather3A_689 = tpu.memref_slice %arg10[%gather3A_686, %gather3A_687, %gather3A_688] : memref<2x320x128xf32, #tpu.memory_space<vmem>> -> memref<1x320x128xf32, #tpu.memory_space<vmem>>
        %gather3A_690 = tpu.memref_squeeze %gather3A_689 : memref<1x320x128xf32, #tpu.memory_space<vmem>> -> memref<320x128xf32, #tpu.memory_space<vmem>>
        %gather3A_691 = tpu.vector_load_idx %gather3A_690[%add3A_124, %and3A_554] : memref<320x128xf32, #tpu.memory_space<vmem>>[vector<16xi32>, vector<16xi32>], vector<16xf32>,
        %add3A_692 = arith.addf %add3A_678, %gather3A_691 : vector<16xf32>
        %add3A_693 = arith.addf %add3A_685, %add3A_692 : vector<16xf32>
        %scatter3A_694 = arith.constant 1 : i32
        %scatter3A_695 = arith.constant 0 : i32
        %scatter3A_696 = arith.constant 0 : i32
        %scatter3A_697 = tpu.memref_slice %arg11[%scatter3A_694, %scatter3A_695, %scatter3A_696] : memref<2x16x64xf32, #tpu.memory_space<vmem>> -> memref<1x16x64xf32, #tpu.memory_space<vmem>>
        %scatter3A_698 = tpu.memref_squeeze %scatter3A_697 : memref<1x16x64xf32, #tpu.memory_space<vmem>> -> memref<16x64xf32, #tpu.memory_space<vmem>>
        tpu.vector_store_idx %scatter3A_698[%iota3A, %and3A_554], %add3A_693 : memref<16x64xf32, #tpu.memory_space<vmem>>[vector<16xi32>, vector<16xi32>], vector<16xf32>,
        %scan3A_699 = arith.constant 0 : i32
        %scan3A_700 = arith.constant 2 : i32
        %scan3A_701 = arith.addi %scan3A_399, %scan3A_700 : i32
        %add3A_702 = vector.broadcast %scan3A_701 : i32 to vector<16xi32>
        %add3A_703 = arith.addi %iota3A, %add3A_702 : vector<16xi32>
        %and3A_704 = arith.constant 63 : i32
        %and3A_705 = vector.broadcast %and3A_704 : i32 to vector<16xi32>
        %and3A_706 = arith.andi %add3A_703, %and3A_705 : vector<16xi32>
        %gather3A_707 = arith.constant 1 : i32
        %gather3A_708 = arith.constant 0 : i32
        %gather3A_709 = arith.constant 0 : i32
        %gather3A_710 = tpu.memref_slice %arg10[%gather3A_707, %gather3A_708, %gather3A_709] : memref<2x320x128xf32, #tpu.memory_space<vmem>> -> memref<1x320x128xf32, #tpu.memory_space<vmem>>
        %gather3A_711 = tpu.memref_squeeze %gather3A_710 : memref<1x320x128xf32, #tpu.memory_space<vmem>> -> memref<320x128xf32, #tpu.memory_space<vmem>>
        %gather3A_712 = tpu.vector_load_idx %gather3A_711[%add3A_10, %and3A_706] : memref<320x128xf32, #tpu.memory_space<vmem>>[vector<16xi32>, vector<16xi32>], vector<16xf32>,
        %gather3A_713 = arith.constant 1 : i32
        %gather3A_714 = arith.constant 0 : i32
        %gather3A_715 = arith.constant 0 : i32
        %gather3A_716 = tpu.memref_slice %arg10[%gather3A_713, %gather3A_714, %gather3A_715] : memref<2x320x128xf32, #tpu.memory_space<vmem>> -> memref<1x320x128xf32, #tpu.memory_space<vmem>>
        %gather3A_717 = tpu.memref_squeeze %gather3A_716 : memref<1x320x128xf32, #tpu.memory_space<vmem>> -> memref<320x128xf32, #tpu.memory_space<vmem>>
        %gather3A_718 = tpu.vector_load_idx %gather3A_717[%add3A_16, %and3A_706] : memref<320x128xf32, #tpu.memory_space<vmem>>[vector<16xi32>, vector<16xi32>], vector<16xf32>,
        %gather3A_719 = arith.constant 1 : i32
        %gather3A_720 = arith.constant 0 : i32
        %gather3A_721 = arith.constant 0 : i32
        %gather3A_722 = tpu.memref_slice %arg10[%gather3A_719, %gather3A_720, %gather3A_721] : memref<2x320x128xf32, #tpu.memory_space<vmem>> -> memref<1x320x128xf32, #tpu.memory_space<vmem>>
        %gather3A_723 = tpu.memref_squeeze %gather3A_722 : memref<1x320x128xf32, #tpu.memory_space<vmem>> -> memref<320x128xf32, #tpu.memory_space<vmem>>
        %gather3A_724 = tpu.vector_load_idx %gather3A_723[%add3A_22, %and3A_706] : memref<320x128xf32, #tpu.memory_space<vmem>>[vector<16xi32>, vector<16xi32>], vector<16xf32>,
        %add3A_725 = arith.addf %gather3A_712, %gather3A_724 : vector<16xf32>
        %gather3A_726 = arith.constant 1 : i32
        %gather3A_727 = arith.constant 0 : i32
        %gather3A_728 = arith.constant 0 : i32
        %gather3A_729 = tpu.memref_slice %arg10[%gather3A_726, %gather3A_727, %gather3A_728] : memref<2x320x128xf32, #tpu.memory_space<vmem>> -> memref<1x320x128xf32, #tpu.memory_space<vmem>>
        %gather3A_730 = tpu.memref_squeeze %gather3A_729 : memref<1x320x128xf32, #tpu.memory_space<vmem>> -> memref<320x128xf32, #tpu.memory_space<vmem>>
        %gather3A_731 = tpu.vector_load_idx %gather3A_730[%add3A_28, %and3A_706] : memref<320x128xf32, #tpu.memory_space<vmem>>[vector<16xi32>, vector<16xi32>], vector<16xf32>,
        %add3A_732 = arith.addf %gather3A_718, %gather3A_731 : vector<16xf32>
        %gather3A_733 = arith.constant 1 : i32
        %gather3A_734 = arith.constant 0 : i32
        %gather3A_735 = arith.constant 0 : i32
        %gather3A_736 = tpu.memref_slice %arg10[%gather3A_733, %gather3A_734, %gather3A_735] : memref<2x320x128xf32, #tpu.memory_space<vmem>> -> memref<1x320x128xf32, #tpu.memory_space<vmem>>
        %gather3A_737 = tpu.memref_squeeze %gather3A_736 : memref<1x320x128xf32, #tpu.memory_space<vmem>> -> memref<320x128xf32, #tpu.memory_space<vmem>>
        %gather3A_738 = tpu.vector_load_idx %gather3A_737[%add3A_34, %and3A_706] : memref<320x128xf32, #tpu.memory_space<vmem>>[vector<16xi32>, vector<16xi32>], vector<16xf32>,
        %add3A_739 = arith.addf %add3A_725, %gather3A_738 : vector<16xf32>
        %gather3A_740 = arith.constant 1 : i32
        %gather3A_741 = arith.constant 0 : i32
        %gather3A_742 = arith.constant 0 : i32
        %gather3A_743 = tpu.memref_slice %arg10[%gather3A_740, %gather3A_741, %gather3A_742] : memref<2x320x128xf32, #tpu.memory_space<vmem>> -> memref<1x320x128xf32, #tpu.memory_space<vmem>>
        %gather3A_744 = tpu.memref_squeeze %gather3A_743 : memref<1x320x128xf32, #tpu.memory_space<vmem>> -> memref<320x128xf32, #tpu.memory_space<vmem>>
        %gather3A_745 = tpu.vector_load_idx %gather3A_744[%add3A_40, %and3A_706] : memref<320x128xf32, #tpu.memory_space<vmem>>[vector<16xi32>, vector<16xi32>], vector<16xf32>,
        %add3A_746 = arith.addf %add3A_732, %gather3A_745 : vector<16xf32>
        %gather3A_747 = arith.constant 1 : i32
        %gather3A_748 = arith.constant 0 : i32
        %gather3A_749 = arith.constant 0 : i32
        %gather3A_750 = tpu.memref_slice %arg10[%gather3A_747, %gather3A_748, %gather3A_749] : memref<2x320x128xf32, #tpu.memory_space<vmem>> -> memref<1x320x128xf32, #tpu.memory_space<vmem>>
        %gather3A_751 = tpu.memref_squeeze %gather3A_750 : memref<1x320x128xf32, #tpu.memory_space<vmem>> -> memref<320x128xf32, #tpu.memory_space<vmem>>
        %gather3A_752 = tpu.vector_load_idx %gather3A_751[%add3A_46, %and3A_706] : memref<320x128xf32, #tpu.memory_space<vmem>>[vector<16xi32>, vector<16xi32>], vector<16xf32>,
        %add3A_753 = arith.addf %add3A_739, %gather3A_752 : vector<16xf32>
        %gather3A_754 = arith.constant 1 : i32
        %gather3A_755 = arith.constant 0 : i32
        %gather3A_756 = arith.constant 0 : i32
        %gather3A_757 = tpu.memref_slice %arg10[%gather3A_754, %gather3A_755, %gather3A_756] : memref<2x320x128xf32, #tpu.memory_space<vmem>> -> memref<1x320x128xf32, #tpu.memory_space<vmem>>
        %gather3A_758 = tpu.memref_squeeze %gather3A_757 : memref<1x320x128xf32, #tpu.memory_space<vmem>> -> memref<320x128xf32, #tpu.memory_space<vmem>>
        %gather3A_759 = tpu.vector_load_idx %gather3A_758[%add3A_52, %and3A_706] : memref<320x128xf32, #tpu.memory_space<vmem>>[vector<16xi32>, vector<16xi32>], vector<16xf32>,
        %add3A_760 = arith.addf %add3A_746, %gather3A_759 : vector<16xf32>
        %gather3A_761 = arith.constant 1 : i32
        %gather3A_762 = arith.constant 0 : i32
        %gather3A_763 = arith.constant 0 : i32
        %gather3A_764 = tpu.memref_slice %arg10[%gather3A_761, %gather3A_762, %gather3A_763] : memref<2x320x128xf32, #tpu.memory_space<vmem>> -> memref<1x320x128xf32, #tpu.memory_space<vmem>>
        %gather3A_765 = tpu.memref_squeeze %gather3A_764 : memref<1x320x128xf32, #tpu.memory_space<vmem>> -> memref<320x128xf32, #tpu.memory_space<vmem>>
        %gather3A_766 = tpu.vector_load_idx %gather3A_765[%add3A_58, %and3A_706] : memref<320x128xf32, #tpu.memory_space<vmem>>[vector<16xi32>, vector<16xi32>], vector<16xf32>,
        %add3A_767 = arith.addf %add3A_753, %gather3A_766 : vector<16xf32>
        %gather3A_768 = arith.constant 1 : i32
        %gather3A_769 = arith.constant 0 : i32
        %gather3A_770 = arith.constant 0 : i32
        %gather3A_771 = tpu.memref_slice %arg10[%gather3A_768, %gather3A_769, %gather3A_770] : memref<2x320x128xf32, #tpu.memory_space<vmem>> -> memref<1x320x128xf32, #tpu.memory_space<vmem>>
        %gather3A_772 = tpu.memref_squeeze %gather3A_771 : memref<1x320x128xf32, #tpu.memory_space<vmem>> -> memref<320x128xf32, #tpu.memory_space<vmem>>
        %gather3A_773 = tpu.vector_load_idx %gather3A_772[%add3A_64, %and3A_706] : memref<320x128xf32, #tpu.memory_space<vmem>>[vector<16xi32>, vector<16xi32>], vector<16xf32>,
        %add3A_774 = arith.addf %add3A_760, %gather3A_773 : vector<16xf32>
        %gather3A_775 = arith.constant 1 : i32
        %gather3A_776 = arith.constant 0 : i32
        %gather3A_777 = arith.constant 0 : i32
        %gather3A_778 = tpu.memref_slice %arg10[%gather3A_775, %gather3A_776, %gather3A_777] : memref<2x320x128xf32, #tpu.memory_space<vmem>> -> memref<1x320x128xf32, #tpu.memory_space<vmem>>
        %gather3A_779 = tpu.memref_squeeze %gather3A_778 : memref<1x320x128xf32, #tpu.memory_space<vmem>> -> memref<320x128xf32, #tpu.memory_space<vmem>>
        %gather3A_780 = tpu.vector_load_idx %gather3A_779[%add3A_70, %and3A_706] : memref<320x128xf32, #tpu.memory_space<vmem>>[vector<16xi32>, vector<16xi32>], vector<16xf32>,
        %add3A_781 = arith.addf %add3A_767, %gather3A_780 : vector<16xf32>
        %gather3A_782 = arith.constant 1 : i32
        %gather3A_783 = arith.constant 0 : i32
        %gather3A_784 = arith.constant 0 : i32
        %gather3A_785 = tpu.memref_slice %arg10[%gather3A_782, %gather3A_783, %gather3A_784] : memref<2x320x128xf32, #tpu.memory_space<vmem>> -> memref<1x320x128xf32, #tpu.memory_space<vmem>>
        %gather3A_786 = tpu.memref_squeeze %gather3A_785 : memref<1x320x128xf32, #tpu.memory_space<vmem>> -> memref<320x128xf32, #tpu.memory_space<vmem>>
        %gather3A_787 = tpu.vector_load_idx %gather3A_786[%add3A_76, %and3A_706] : memref<320x128xf32, #tpu.memory_space<vmem>>[vector<16xi32>, vector<16xi32>], vector<16xf32>,
        %add3A_788 = arith.addf %add3A_774, %gather3A_787 : vector<16xf32>
        %gather3A_789 = arith.constant 1 : i32
        %gather3A_790 = arith.constant 0 : i32
        %gather3A_791 = arith.constant 0 : i32
        %gather3A_792 = tpu.memref_slice %arg10[%gather3A_789, %gather3A_790, %gather3A_791] : memref<2x320x128xf32, #tpu.memory_space<vmem>> -> memref<1x320x128xf32, #tpu.memory_space<vmem>>
        %gather3A_793 = tpu.memref_squeeze %gather3A_792 : memref<1x320x128xf32, #tpu.memory_space<vmem>> -> memref<320x128xf32, #tpu.memory_space<vmem>>
        %gather3A_794 = tpu.vector_load_idx %gather3A_793[%add3A_82, %and3A_706] : memref<320x128xf32, #tpu.memory_space<vmem>>[vector<16xi32>, vector<16xi32>], vector<16xf32>,
        %add3A_795 = arith.addf %add3A_781, %gather3A_794 : vector<16xf32>
        %gather3A_796 = arith.constant 1 : i32
        %gather3A_797 = arith.constant 0 : i32
        %gather3A_798 = arith.constant 0 : i32
        %gather3A_799 = tpu.memref_slice %arg10[%gather3A_796, %gather3A_797, %gather3A_798] : memref<2x320x128xf32, #tpu.memory_space<vmem>> -> memref<1x320x128xf32, #tpu.memory_space<vmem>>
        %gather3A_800 = tpu.memref_squeeze %gather3A_799 : memref<1x320x128xf32, #tpu.memory_space<vmem>> -> memref<320x128xf32, #tpu.memory_space<vmem>>
        %gather3A_801 = tpu.vector_load_idx %gather3A_800[%add3A_88, %and3A_706] : memref<320x128xf32, #tpu.memory_space<vmem>>[vector<16xi32>, vector<16xi32>], vector<16xf32>,
        %add3A_802 = arith.addf %add3A_788, %gather3A_801 : vector<16xf32>
        %gather3A_803 = arith.constant 1 : i32
        %gather3A_804 = arith.constant 0 : i32
        %gather3A_805 = arith.constant 0 : i32
        %gather3A_806 = tpu.memref_slice %arg10[%gather3A_803, %gather3A_804, %gather3A_805] : memref<2x320x128xf32, #tpu.memory_space<vmem>> -> memref<1x320x128xf32, #tpu.memory_space<vmem>>
        %gather3A_807 = tpu.memref_squeeze %gather3A_806 : memref<1x320x128xf32, #tpu.memory_space<vmem>> -> memref<320x128xf32, #tpu.memory_space<vmem>>
        %gather3A_808 = tpu.vector_load_idx %gather3A_807[%add3A_94, %and3A_706] : memref<320x128xf32, #tpu.memory_space<vmem>>[vector<16xi32>, vector<16xi32>], vector<16xf32>,
        %add3A_809 = arith.addf %add3A_795, %gather3A_808 : vector<16xf32>
        %gather3A_810 = arith.constant 1 : i32
        %gather3A_811 = arith.constant 0 : i32
        %gather3A_812 = arith.constant 0 : i32
        %gather3A_813 = tpu.memref_slice %arg10[%gather3A_810, %gather3A_811, %gather3A_812] : memref<2x320x128xf32, #tpu.memory_space<vmem>> -> memref<1x320x128xf32, #tpu.memory_space<vmem>>
        %gather3A_814 = tpu.memref_squeeze %gather3A_813 : memref<1x320x128xf32, #tpu.memory_space<vmem>> -> memref<320x128xf32, #tpu.memory_space<vmem>>
        %gather3A_815 = tpu.vector_load_idx %gather3A_814[%add3A_100, %and3A_706] : memref<320x128xf32, #tpu.memory_space<vmem>>[vector<16xi32>, vector<16xi32>], vector<16xf32>,
        %add3A_816 = arith.addf %add3A_802, %gather3A_815 : vector<16xf32>
        %gather3A_817 = arith.constant 1 : i32
        %gather3A_818 = arith.constant 0 : i32
        %gather3A_819 = arith.constant 0 : i32
        %gather3A_820 = tpu.memref_slice %arg10[%gather3A_817, %gather3A_818, %gather3A_819] : memref<2x320x128xf32, #tpu.memory_space<vmem>> -> memref<1x320x128xf32, #tpu.memory_space<vmem>>
        %gather3A_821 = tpu.memref_squeeze %gather3A_820 : memref<1x320x128xf32, #tpu.memory_space<vmem>> -> memref<320x128xf32, #tpu.memory_space<vmem>>
        %gather3A_822 = tpu.vector_load_idx %gather3A_821[%add3A_106, %and3A_706] : memref<320x128xf32, #tpu.memory_space<vmem>>[vector<16xi32>, vector<16xi32>], vector<16xf32>,
        %add3A_823 = arith.addf %add3A_809, %gather3A_822 : vector<16xf32>
        %gather3A_824 = arith.constant 1 : i32
        %gather3A_825 = arith.constant 0 : i32
        %gather3A_826 = arith.constant 0 : i32
        %gather3A_827 = tpu.memref_slice %arg10[%gather3A_824, %gather3A_825, %gather3A_826] : memref<2x320x128xf32, #tpu.memory_space<vmem>> -> memref<1x320x128xf32, #tpu.memory_space<vmem>>
        %gather3A_828 = tpu.memref_squeeze %gather3A_827 : memref<1x320x128xf32, #tpu.memory_space<vmem>> -> memref<320x128xf32, #tpu.memory_space<vmem>>
        %gather3A_829 = tpu.vector_load_idx %gather3A_828[%add3A_112, %and3A_706] : memref<320x128xf32, #tpu.memory_space<vmem>>[vector<16xi32>, vector<16xi32>], vector<16xf32>,
        %add3A_830 = arith.addf %add3A_816, %gather3A_829 : vector<16xf32>
        %gather3A_831 = arith.constant 1 : i32
        %gather3A_832 = arith.constant 0 : i32
        %gather3A_833 = arith.constant 0 : i32
        %gather3A_834 = tpu.memref_slice %arg10[%gather3A_831, %gather3A_832, %gather3A_833] : memref<2x320x128xf32, #tpu.memory_space<vmem>> -> memref<1x320x128xf32, #tpu.memory_space<vmem>>
        %gather3A_835 = tpu.memref_squeeze %gather3A_834 : memref<1x320x128xf32, #tpu.memory_space<vmem>> -> memref<320x128xf32, #tpu.memory_space<vmem>>
        %gather3A_836 = tpu.vector_load_idx %gather3A_835[%add3A_118, %and3A_706] : memref<320x128xf32, #tpu.memory_space<vmem>>[vector<16xi32>, vector<16xi32>], vector<16xf32>,
        %add3A_837 = arith.addf %add3A_823, %gather3A_836 : vector<16xf32>
        %gather3A_838 = arith.constant 1 : i32
        %gather3A_839 = arith.constant 0 : i32
        %gather3A_840 = arith.constant 0 : i32
        %gather3A_841 = tpu.memref_slice %arg10[%gather3A_838, %gather3A_839, %gather3A_840] : memref<2x320x128xf32, #tpu.memory_space<vmem>> -> memref<1x320x128xf32, #tpu.memory_space<vmem>>
        %gather3A_842 = tpu.memref_squeeze %gather3A_841 : memref<1x320x128xf32, #tpu.memory_space<vmem>> -> memref<320x128xf32, #tpu.memory_space<vmem>>
        %gather3A_843 = tpu.vector_load_idx %gather3A_842[%add3A_124, %and3A_706] : memref<320x128xf32, #tpu.memory_space<vmem>>[vector<16xi32>, vector<16xi32>], vector<16xf32>,
        %add3A_844 = arith.addf %add3A_830, %gather3A_843 : vector<16xf32>
        %add3A_845 = arith.addf %add3A_837, %add3A_844 : vector<16xf32>
        %scatter3A_846 = arith.constant 1 : i32
        %scatter3A_847 = arith.constant 0 : i32
        %scatter3A_848 = arith.constant 0 : i32
        %scatter3A_849 = tpu.memref_slice %arg11[%scatter3A_846, %scatter3A_847, %scatter3A_848] : memref<2x16x64xf32, #tpu.memory_space<vmem>> -> memref<1x16x64xf32, #tpu.memory_space<vmem>>
        %scatter3A_850 = tpu.memref_squeeze %scatter3A_849 : memref<1x16x64xf32, #tpu.memory_space<vmem>> -> memref<16x64xf32, #tpu.memory_space<vmem>>
        tpu.vector_store_idx %scatter3A_850[%iota3A, %and3A_706], %add3A_845 : memref<16x64xf32, #tpu.memory_space<vmem>>[vector<16xi32>, vector<16xi32>], vector<16xf32>,
        %scan3A_851 = arith.constant 0 : i32
        %scan3A_852 = arith.constant 3 : i32
        %scan3A_853 = arith.addi %scan3A_399, %scan3A_852 : i32
        %add3A_854 = vector.broadcast %scan3A_853 : i32 to vector<16xi32>
        %add3A_855 = arith.addi %iota3A, %add3A_854 : vector<16xi32>
        %and3A_856 = arith.constant 63 : i32
        %and3A_857 = vector.broadcast %and3A_856 : i32 to vector<16xi32>
        %and3A_858 = arith.andi %add3A_855, %and3A_857 : vector<16xi32>
        %gather3A_859 = arith.constant 1 : i32
        %gather3A_860 = arith.constant 0 : i32
        %gather3A_861 = arith.constant 0 : i32
        %gather3A_862 = tpu.memref_slice %arg10[%gather3A_859, %gather3A_860, %gather3A_861] : memref<2x320x128xf32, #tpu.memory_space<vmem>> -> memref<1x320x128xf32, #tpu.memory_space<vmem>>
        %gather3A_863 = tpu.memref_squeeze %gather3A_862 : memref<1x320x128xf32, #tpu.memory_space<vmem>> -> memref<320x128xf32, #tpu.memory_space<vmem>>
        %gather3A_864 = tpu.vector_load_idx %gather3A_863[%add3A_10, %and3A_858] : memref<320x128xf32, #tpu.memory_space<vmem>>[vector<16xi32>, vector<16xi32>], vector<16xf32>,
        %gather3A_865 = arith.constant 1 : i32
        %gather3A_866 = arith.constant 0 : i32
        %gather3A_867 = arith.constant 0 : i32
        %gather3A_868 = tpu.memref_slice %arg10[%gather3A_865, %gather3A_866, %gather3A_867] : memref<2x320x128xf32, #tpu.memory_space<vmem>> -> memref<1x320x128xf32, #tpu.memory_space<vmem>>
        %gather3A_869 = tpu.memref_squeeze %gather3A_868 : memref<1x320x128xf32, #tpu.memory_space<vmem>> -> memref<320x128xf32, #tpu.memory_space<vmem>>
        %gather3A_870 = tpu.vector_load_idx %gather3A_869[%add3A_16, %and3A_858] : memref<320x128xf32, #tpu.memory_space<vmem>>[vector<16xi32>, vector<16xi32>], vector<16xf32>,
        %gather3A_871 = arith.constant 1 : i32
        %gather3A_872 = arith.constant 0 : i32
        %gather3A_873 = arith.constant 0 : i32
        %gather3A_874 = tpu.memref_slice %arg10[%gather3A_871, %gather3A_872, %gather3A_873] : memref<2x320x128xf32, #tpu.memory_space<vmem>> -> memref<1x320x128xf32, #tpu.memory_space<vmem>>
        %gather3A_875 = tpu.memref_squeeze %gather3A_874 : memref<1x320x128xf32, #tpu.memory_space<vmem>> -> memref<320x128xf32, #tpu.memory_space<vmem>>
        %gather3A_876 = tpu.vector_load_idx %gather3A_875[%add3A_22, %and3A_858] : memref<320x128xf32, #tpu.memory_space<vmem>>[vector<16xi32>, vector<16xi32>], vector<16xf32>,
        %add3A_877 = arith.addf %gather3A_864, %gather3A_876 : vector<16xf32>
        %gather3A_878 = arith.constant 1 : i32
        %gather3A_879 = arith.constant 0 : i32
        %gather3A_880 = arith.constant 0 : i32
        %gather3A_881 = tpu.memref_slice %arg10[%gather3A_878, %gather3A_879, %gather3A_880] : memref<2x320x128xf32, #tpu.memory_space<vmem>> -> memref<1x320x128xf32, #tpu.memory_space<vmem>>
        %gather3A_882 = tpu.memref_squeeze %gather3A_881 : memref<1x320x128xf32, #tpu.memory_space<vmem>> -> memref<320x128xf32, #tpu.memory_space<vmem>>
        %gather3A_883 = tpu.vector_load_idx %gather3A_882[%add3A_28, %and3A_858] : memref<320x128xf32, #tpu.memory_space<vmem>>[vector<16xi32>, vector<16xi32>], vector<16xf32>,
        %add3A_884 = arith.addf %gather3A_870, %gather3A_883 : vector<16xf32>
        %gather3A_885 = arith.constant 1 : i32
        %gather3A_886 = arith.constant 0 : i32
        %gather3A_887 = arith.constant 0 : i32
        %gather3A_888 = tpu.memref_slice %arg10[%gather3A_885, %gather3A_886, %gather3A_887] : memref<2x320x128xf32, #tpu.memory_space<vmem>> -> memref<1x320x128xf32, #tpu.memory_space<vmem>>
        %gather3A_889 = tpu.memref_squeeze %gather3A_888 : memref<1x320x128xf32, #tpu.memory_space<vmem>> -> memref<320x128xf32, #tpu.memory_space<vmem>>
        %gather3A_890 = tpu.vector_load_idx %gather3A_889[%add3A_34, %and3A_858] : memref<320x128xf32, #tpu.memory_space<vmem>>[vector<16xi32>, vector<16xi32>], vector<16xf32>,
        %add3A_891 = arith.addf %add3A_877, %gather3A_890 : vector<16xf32>
        %gather3A_892 = arith.constant 1 : i32
        %gather3A_893 = arith.constant 0 : i32
        %gather3A_894 = arith.constant 0 : i32
        %gather3A_895 = tpu.memref_slice %arg10[%gather3A_892, %gather3A_893, %gather3A_894] : memref<2x320x128xf32, #tpu.memory_space<vmem>> -> memref<1x320x128xf32, #tpu.memory_space<vmem>>
        %gather3A_896 = tpu.memref_squeeze %gather3A_895 : memref<1x320x128xf32, #tpu.memory_space<vmem>> -> memref<320x128xf32, #tpu.memory_space<vmem>>
        %gather3A_897 = tpu.vector_load_idx %gather3A_896[%add3A_40, %and3A_858] : memref<320x128xf32, #tpu.memory_space<vmem>>[vector<16xi32>, vector<16xi32>], vector<16xf32>,
        %add3A_898 = arith.addf %add3A_884, %gather3A_897 : vector<16xf32>
        %gather3A_899 = arith.constant 1 : i32
        %gather3A_900 = arith.constant 0 : i32
        %gather3A_901 = arith.constant 0 : i32
        %gather3A_902 = tpu.memref_slice %arg10[%gather3A_899, %gather3A_900, %gather3A_901] : memref<2x320x128xf32, #tpu.memory_space<vmem>> -> memref<1x320x128xf32, #tpu.memory_space<vmem>>
        %gather3A_903 = tpu.memref_squeeze %gather3A_902 : memref<1x320x128xf32, #tpu.memory_space<vmem>> -> memref<320x128xf32, #tpu.memory_space<vmem>>
        %gather3A_904 = tpu.vector_load_idx %gather3A_903[%add3A_46, %and3A_858] : memref<320x128xf32, #tpu.memory_space<vmem>>[vector<16xi32>, vector<16xi32>], vector<16xf32>,
        %add3A_905 = arith.addf %add3A_891, %gather3A_904 : vector<16xf32>
        %gather3A_906 = arith.constant 1 : i32
        %gather3A_907 = arith.constant 0 : i32
        %gather3A_908 = arith.constant 0 : i32
        %gather3A_909 = tpu.memref_slice %arg10[%gather3A_906, %gather3A_907, %gather3A_908] : memref<2x320x128xf32, #tpu.memory_space<vmem>> -> memref<1x320x128xf32, #tpu.memory_space<vmem>>
        %gather3A_910 = tpu.memref_squeeze %gather3A_909 : memref<1x320x128xf32, #tpu.memory_space<vmem>> -> memref<320x128xf32, #tpu.memory_space<vmem>>
        %gather3A_911 = tpu.vector_load_idx %gather3A_910[%add3A_52, %and3A_858] : memref<320x128xf32, #tpu.memory_space<vmem>>[vector<16xi32>, vector<16xi32>], vector<16xf32>,
        %add3A_912 = arith.addf %add3A_898, %gather3A_911 : vector<16xf32>
        %gather3A_913 = arith.constant 1 : i32
        %gather3A_914 = arith.constant 0 : i32
        %gather3A_915 = arith.constant 0 : i32
        %gather3A_916 = tpu.memref_slice %arg10[%gather3A_913, %gather3A_914, %gather3A_915] : memref<2x320x128xf32, #tpu.memory_space<vmem>> -> memref<1x320x128xf32, #tpu.memory_space<vmem>>
        %gather3A_917 = tpu.memref_squeeze %gather3A_916 : memref<1x320x128xf32, #tpu.memory_space<vmem>> -> memref<320x128xf32, #tpu.memory_space<vmem>>
        %gather3A_918 = tpu.vector_load_idx %gather3A_917[%add3A_58, %and3A_858] : memref<320x128xf32, #tpu.memory_space<vmem>>[vector<16xi32>, vector<16xi32>], vector<16xf32>,
        %add3A_919 = arith.addf %add3A_905, %gather3A_918 : vector<16xf32>
        %gather3A_920 = arith.constant 1 : i32
        %gather3A_921 = arith.constant 0 : i32
        %gather3A_922 = arith.constant 0 : i32
        %gather3A_923 = tpu.memref_slice %arg10[%gather3A_920, %gather3A_921, %gather3A_922] : memref<2x320x128xf32, #tpu.memory_space<vmem>> -> memref<1x320x128xf32, #tpu.memory_space<vmem>>
        %gather3A_924 = tpu.memref_squeeze %gather3A_923 : memref<1x320x128xf32, #tpu.memory_space<vmem>> -> memref<320x128xf32, #tpu.memory_space<vmem>>
        %gather3A_925 = tpu.vector_load_idx %gather3A_924[%add3A_64, %and3A_858] : memref<320x128xf32, #tpu.memory_space<vmem>>[vector<16xi32>, vector<16xi32>], vector<16xf32>,
        %add3A_926 = arith.addf %add3A_912, %gather3A_925 : vector<16xf32>
        %gather3A_927 = arith.constant 1 : i32
        %gather3A_928 = arith.constant 0 : i32
        %gather3A_929 = arith.constant 0 : i32
        %gather3A_930 = tpu.memref_slice %arg10[%gather3A_927, %gather3A_928, %gather3A_929] : memref<2x320x128xf32, #tpu.memory_space<vmem>> -> memref<1x320x128xf32, #tpu.memory_space<vmem>>
        %gather3A_931 = tpu.memref_squeeze %gather3A_930 : memref<1x320x128xf32, #tpu.memory_space<vmem>> -> memref<320x128xf32, #tpu.memory_space<vmem>>
        %gather3A_932 = tpu.vector_load_idx %gather3A_931[%add3A_70, %and3A_858] : memref<320x128xf32, #tpu.memory_space<vmem>>[vector<16xi32>, vector<16xi32>], vector<16xf32>,
        %add3A_933 = arith.addf %add3A_919, %gather3A_932 : vector<16xf32>
        %gather3A_934 = arith.constant 1 : i32
        %gather3A_935 = arith.constant 0 : i32
        %gather3A_936 = arith.constant 0 : i32
        %gather3A_937 = tpu.memref_slice %arg10[%gather3A_934, %gather3A_935, %gather3A_936] : memref<2x320x128xf32, #tpu.memory_space<vmem>> -> memref<1x320x128xf32, #tpu.memory_space<vmem>>
        %gather3A_938 = tpu.memref_squeeze %gather3A_937 : memref<1x320x128xf32, #tpu.memory_space<vmem>> -> memref<320x128xf32, #tpu.memory_space<vmem>>
        %gather3A_939 = tpu.vector_load_idx %gather3A_938[%add3A_76, %and3A_858] : memref<320x128xf32, #tpu.memory_space<vmem>>[vector<16xi32>, vector<16xi32>], vector<16xf32>,
        %add3A_940 = arith.addf %add3A_926, %gather3A_939 : vector<16xf32>
        %gather3A_941 = arith.constant 1 : i32
        %gather3A_942 = arith.constant 0 : i32
        %gather3A_943 = arith.constant 0 : i32
        %gather3A_944 = tpu.memref_slice %arg10[%gather3A_941, %gather3A_942, %gather3A_943] : memref<2x320x128xf32, #tpu.memory_space<vmem>> -> memref<1x320x128xf32, #tpu.memory_space<vmem>>
        %gather3A_945 = tpu.memref_squeeze %gather3A_944 : memref<1x320x128xf32, #tpu.memory_space<vmem>> -> memref<320x128xf32, #tpu.memory_space<vmem>>
        %gather3A_946 = tpu.vector_load_idx %gather3A_945[%add3A_82, %and3A_858] : memref<320x128xf32, #tpu.memory_space<vmem>>[vector<16xi32>, vector<16xi32>], vector<16xf32>,
        %add3A_947 = arith.addf %add3A_933, %gather3A_946 : vector<16xf32>
        %gather3A_948 = arith.constant 1 : i32
        %gather3A_949 = arith.constant 0 : i32
        %gather3A_950 = arith.constant 0 : i32
        %gather3A_951 = tpu.memref_slice %arg10[%gather3A_948, %gather3A_949, %gather3A_950] : memref<2x320x128xf32, #tpu.memory_space<vmem>> -> memref<1x320x128xf32, #tpu.memory_space<vmem>>
        %gather3A_952 = tpu.memref_squeeze %gather3A_951 : memref<1x320x128xf32, #tpu.memory_space<vmem>> -> memref<320x128xf32, #tpu.memory_space<vmem>>
        %gather3A_953 = tpu.vector_load_idx %gather3A_952[%add3A_88, %and3A_858] : memref<320x128xf32, #tpu.memory_space<vmem>>[vector<16xi32>, vector<16xi32>], vector<16xf32>,
        %add3A_954 = arith.addf %add3A_940, %gather3A_953 : vector<16xf32>
        %gather3A_955 = arith.constant 1 : i32
        %gather3A_956 = arith.constant 0 : i32
        %gather3A_957 = arith.constant 0 : i32
        %gather3A_958 = tpu.memref_slice %arg10[%gather3A_955, %gather3A_956, %gather3A_957] : memref<2x320x128xf32, #tpu.memory_space<vmem>> -> memref<1x320x128xf32, #tpu.memory_space<vmem>>
        %gather3A_959 = tpu.memref_squeeze %gather3A_958 : memref<1x320x128xf32, #tpu.memory_space<vmem>> -> memref<320x128xf32, #tpu.memory_space<vmem>>
        %gather3A_960 = tpu.vector_load_idx %gather3A_959[%add3A_94, %and3A_858] : memref<320x128xf32, #tpu.memory_space<vmem>>[vector<16xi32>, vector<16xi32>], vector<16xf32>,
        %add3A_961 = arith.addf %add3A_947, %gather3A_960 : vector<16xf32>
        %gather3A_962 = arith.constant 1 : i32
        %gather3A_963 = arith.constant 0 : i32
        %gather3A_964 = arith.constant 0 : i32
        %gather3A_965 = tpu.memref_slice %arg10[%gather3A_962, %gather3A_963, %gather3A_964] : memref<2x320x128xf32, #tpu.memory_space<vmem>> -> memref<1x320x128xf32, #tpu.memory_space<vmem>>
        %gather3A_966 = tpu.memref_squeeze %gather3A_965 : memref<1x320x128xf32, #tpu.memory_space<vmem>> -> memref<320x128xf32, #tpu.memory_space<vmem>>
        %gather3A_967 = tpu.vector_load_idx %gather3A_966[%add3A_100, %and3A_858] : memref<320x128xf32, #tpu.memory_space<vmem>>[vector<16xi32>, vector<16xi32>], vector<16xf32>,
        %add3A_968 = arith.addf %add3A_954, %gather3A_967 : vector<16xf32>
        %gather3A_969 = arith.constant 1 : i32
        %gather3A_970 = arith.constant 0 : i32
        %gather3A_971 = arith.constant 0 : i32
        %gather3A_972 = tpu.memref_slice %arg10[%gather3A_969, %gather3A_970, %gather3A_971] : memref<2x320x128xf32, #tpu.memory_space<vmem>> -> memref<1x320x128xf32, #tpu.memory_space<vmem>>
        %gather3A_973 = tpu.memref_squeeze %gather3A_972 : memref<1x320x128xf32, #tpu.memory_space<vmem>> -> memref<320x128xf32, #tpu.memory_space<vmem>>
        %gather3A_974 = tpu.vector_load_idx %gather3A_973[%add3A_106, %and3A_858] : memref<320x128xf32, #tpu.memory_space<vmem>>[vector<16xi32>, vector<16xi32>], vector<16xf32>,
        %add3A_975 = arith.addf %add3A_961, %gather3A_974 : vector<16xf32>
        %gather3A_976 = arith.constant 1 : i32
        %gather3A_977 = arith.constant 0 : i32
        %gather3A_978 = arith.constant 0 : i32
        %gather3A_979 = tpu.memref_slice %arg10[%gather3A_976, %gather3A_977, %gather3A_978] : memref<2x320x128xf32, #tpu.memory_space<vmem>> -> memref<1x320x128xf32, #tpu.memory_space<vmem>>
        %gather3A_980 = tpu.memref_squeeze %gather3A_979 : memref<1x320x128xf32, #tpu.memory_space<vmem>> -> memref<320x128xf32, #tpu.memory_space<vmem>>
        %gather3A_981 = tpu.vector_load_idx %gather3A_980[%add3A_112, %and3A_858] : memref<320x128xf32, #tpu.memory_space<vmem>>[vector<16xi32>, vector<16xi32>], vector<16xf32>,
        %add3A_982 = arith.addf %add3A_968, %gather3A_981 : vector<16xf32>
        %gather3A_983 = arith.constant 1 : i32
        %gather3A_984 = arith.constant 0 : i32
        %gather3A_985 = arith.constant 0 : i32
        %gather3A_986 = tpu.memref_slice %arg10[%gather3A_983, %gather3A_984, %gather3A_985] : memref<2x320x128xf32, #tpu.memory_space<vmem>> -> memref<1x320x128xf32, #tpu.memory_space<vmem>>
        %gather3A_987 = tpu.memref_squeeze %gather3A_986 : memref<1x320x128xf32, #tpu.memory_space<vmem>> -> memref<320x128xf32, #tpu.memory_space<vmem>>
        %gather3A_988 = tpu.vector_load_idx %gather3A_987[%add3A_118, %and3A_858] : memref<320x128xf32, #tpu.memory_space<vmem>>[vector<16xi32>, vector<16xi32>], vector<16xf32>,
        %add3A_989 = arith.addf %add3A_975, %gather3A_988 : vector<16xf32>
        %gather3A_990 = arith.constant 1 : i32
        %gather3A_991 = arith.constant 0 : i32
        %gather3A_992 = arith.constant 0 : i32
        %gather3A_993 = tpu.memref_slice %arg10[%gather3A_990, %gather3A_991, %gather3A_992] : memref<2x320x128xf32, #tpu.memory_space<vmem>> -> memref<1x320x128xf32, #tpu.memory_space<vmem>>
        %gather3A_994 = tpu.memref_squeeze %gather3A_993 : memref<1x320x128xf32, #tpu.memory_space<vmem>> -> memref<320x128xf32, #tpu.memory_space<vmem>>
        %gather3A_995 = tpu.vector_load_idx %gather3A_994[%add3A_124, %and3A_858] : memref<320x128xf32, #tpu.memory_space<vmem>>[vector<16xi32>, vector<16xi32>], vector<16xf32>,
        %add3A_996 = arith.addf %add3A_982, %gather3A_995 : vector<16xf32>
        %add3A_997 = arith.addf %add3A_989, %add3A_996 : vector<16xf32>
        %scatter3A_998 = arith.constant 1 : i32
        %scatter3A_999 = arith.constant 0 : i32
        %scatter3A_1000 = arith.constant 0 : i32
        %scatter3A_1001 = tpu.memref_slice %arg11[%scatter3A_998, %scatter3A_999, %scatter3A_1000] : memref<2x16x64xf32, #tpu.memory_space<vmem>> -> memref<1x16x64xf32, #tpu.memory_space<vmem>>
        %scatter3A_1002 = tpu.memref_squeeze %scatter3A_1001 : memref<1x16x64xf32, #tpu.memory_space<vmem>> -> memref<16x64xf32, #tpu.memory_space<vmem>>
        tpu.vector_store_idx %scatter3A_1002[%iota3A, %and3A_858], %add3A_997 : memref<16x64xf32, #tpu.memory_space<vmem>>[vector<16xi32>, vector<16xi32>], vector<16xf32>,
        %scan3A_1003 = arith.constant 0 : i32
        scf.yield %scan3A_1003 : i32
      }
      %scan3A_389 = arith.constant 64 : i32
      %mul3A_390 = arith.constant 16 : i32
      %mul3A_391 = arith.muli %add3A_382, %mul3A_390 : i32
      %add3A_392 = arith.addi %mul3A_2, %mul3A_391 : i32
      %run_scoped3A_393 = arith.constant 1 : i32
      "tpu.region"() ({
        %run_scoped3A_399 = tpu.sem_alloc : memref<!tpu.dma_semaphore, #tpu.memory_space<semaphore_mem>>
        %dma_start3A_400 = arith.constant 0 : i32
        %dma_start3A_401 = arith.constant 0 : i32
        %dma_start3A_402 = tpu.memref_slice %arg11[%run_scoped3A_393, %dma_start3A_400, %dma_start3A_401] : memref<2x16x64xf32, #tpu.memory_space<vmem>> -> memref<1x16x64xf32, #tpu.memory_space<vmem>>
        %dma_start3A_403 = tpu.memref_squeeze %dma_start3A_402 : memref<1x16x64xf32, #tpu.memory_space<vmem>> -> memref<16x64xf32, #tpu.memory_space<vmem>>
        %dma_start3A_404 = arith.constant 0 : i32
        %dma_start3A_405 = tpu.memref_slice %arg5[%add3A_392, %dma_start3A_404] : memref<16384x64xf32, #tpu.memory_space<hbm>> -> memref<16x64xf32, #tpu.memory_space<hbm>>
        %dma_start3A_406 = arith.constant 0 : i32
        %dma_start3A_407 = tpu.memref_slice %arg5[%add3A_392, %dma_start3A_406] : memref<16384x64xf32, #tpu.memory_space<hbm>> -> memref<16x64xf32, #tpu.memory_space<hbm>>
        %dma_start3A_408 = arith.constant 0 : i32
        %dma_start3A_409 = arith.constant 0 : i32
        %dma_start3A_410 = tpu.memref_slice %arg11[%run_scoped3A_393, %dma_start3A_408, %dma_start3A_409] : memref<2x16x64xf32, #tpu.memory_space<vmem>> -> memref<1x16x64xf32, #tpu.memory_space<vmem>>
        %dma_start3A_411 = tpu.memref_squeeze %dma_start3A_410 : memref<1x16x64xf32, #tpu.memory_space<vmem>> -> memref<16x64xf32, #tpu.memory_space<vmem>>
        tpu.enqueue_dma source(%dma_start3A_411 : memref<16x64xf32, #tpu.memory_space<vmem>>) target(%dma_start3A_407 : memref<16x64xf32, #tpu.memory_space<hbm>>) target_semaphore(%run_scoped3A_399 : memref<!tpu.dma_semaphore, #tpu.memory_space<semaphore_mem>>)
        %dma_wait3A_412 = arith.constant 0 : i32
        %dma_wait3A_413 = arith.constant 0 : i32
        %dma_wait3A_414 = tpu.memref_slice %arg11[%run_scoped3A_393, %dma_wait3A_412, %dma_wait3A_413] : memref<2x16x64xf32, #tpu.memory_space<vmem>> -> memref<1x16x64xf32, #tpu.memory_space<vmem>>
        %dma_wait3A_415 = tpu.memref_squeeze %dma_wait3A_414 : memref<1x16x64xf32, #tpu.memory_space<vmem>> -> memref<16x64xf32, #tpu.memory_space<vmem>>
        %dma_wait3A_416 = arith.constant 0 : i32
        %dma_wait3A_417 = tpu.memref_slice %arg5[%add3A_392, %dma_wait3A_416] : memref<16384x64xf32, #tpu.memory_space<hbm>> -> memref<16x64xf32, #tpu.memory_space<hbm>>
        %dma_wait3A_418 = arith.constant 0 : i32
        %dma_wait3A_419 = tpu.memref_slice %arg5[%add3A_392, %dma_wait3A_418] : memref<16384x64xf32, #tpu.memory_space<hbm>> -> memref<16x64xf32, #tpu.memory_space<hbm>>
        %dma_wait3A_420 = arith.constant 0 : i32
        %dma_wait3A_421 = arith.constant 0 : i32
        %dma_wait3A_422 = tpu.memref_slice %arg11[%run_scoped3A_393, %dma_wait3A_420, %dma_wait3A_421] : memref<2x16x64xf32, #tpu.memory_space<vmem>> -> memref<1x16x64xf32, #tpu.memory_space<vmem>>
        %dma_wait3A_423 = tpu.memref_squeeze %dma_wait3A_422 : memref<1x16x64xf32, #tpu.memory_space<vmem>> -> memref<16x64xf32, #tpu.memory_space<vmem>>
        tpu.wait_dma2 semaphore(%run_scoped3A_399 : memref<!tpu.dma_semaphore, #tpu.memory_space<semaphore_mem>>) src(%dma_wait3A_423 : memref<16x64xf32, #tpu.memory_space<vmem>>) dst(%dma_wait3A_419 : memref<16x64xf32, #tpu.memory_space<hbm>>)
        tpu.yield
      }) : () -> ()
      %mul3A_394 = arith.constant 16 : i32
      %mul3A_395 = arith.muli %add3A_382, %mul3A_394 : i32
      %add3A_396 = arith.addi %mul3A_2, %mul3A_395 : i32
      %run_scoped3A_397 = arith.constant 1 : i32
      "tpu.region"() ({
        %run_scoped3A_399 = tpu.sem_alloc : memref<!tpu.dma_semaphore, #tpu.memory_space<semaphore_mem>>
        %dma_start3A_400 = arith.constant 0 : i32
        %dma_start3A_401 = arith.constant 0 : i32
        %dma_start3A_402 = tpu.memref_slice %arg9[%run_scoped3A_397, %dma_start3A_400, %dma_start3A_401] : memref<2x16x128xf32, #tpu.memory_space<vmem>> -> memref<1x16x128xf32, #tpu.memory_space<vmem>>
        %dma_start3A_403 = tpu.memref_squeeze %dma_start3A_402 : memref<1x16x128xf32, #tpu.memory_space<vmem>> -> memref<16x128xf32, #tpu.memory_space<vmem>>
        %dma_start3A_404 = arith.constant 0 : i32
        %dma_start3A_405 = tpu.memref_slice %arg6[%add3A_396, %dma_start3A_404] : memref<16384x128xf32, #tpu.memory_space<hbm>> -> memref<16x128xf32, #tpu.memory_space<hbm>>
        %dma_start3A_406 = arith.constant 0 : i32
        %dma_start3A_407 = tpu.memref_slice %arg6[%add3A_396, %dma_start3A_406] : memref<16384x128xf32, #tpu.memory_space<hbm>> -> memref<16x128xf32, #tpu.memory_space<hbm>>
        %dma_start3A_408 = arith.constant 0 : i32
        %dma_start3A_409 = arith.constant 0 : i32
        %dma_start3A_410 = tpu.memref_slice %arg9[%run_scoped3A_397, %dma_start3A_408, %dma_start3A_409] : memref<2x16x128xf32, #tpu.memory_space<vmem>> -> memref<1x16x128xf32, #tpu.memory_space<vmem>>
        %dma_start3A_411 = tpu.memref_squeeze %dma_start3A_410 : memref<1x16x128xf32, #tpu.memory_space<vmem>> -> memref<16x128xf32, #tpu.memory_space<vmem>>
        tpu.enqueue_dma source(%dma_start3A_411 : memref<16x128xf32, #tpu.memory_space<vmem>>) target(%dma_start3A_407 : memref<16x128xf32, #tpu.memory_space<hbm>>) target_semaphore(%run_scoped3A_399 : memref<!tpu.dma_semaphore, #tpu.memory_space<semaphore_mem>>)
        %dma_wait3A_412 = arith.constant 0 : i32
        %dma_wait3A_413 = arith.constant 0 : i32
        %dma_wait3A_414 = tpu.memref_slice %arg9[%run_scoped3A_397, %dma_wait3A_412, %dma_wait3A_413] : memref<2x16x128xf32, #tpu.memory_space<vmem>> -> memref<1x16x128xf32, #tpu.memory_space<vmem>>
        %dma_wait3A_415 = tpu.memref_squeeze %dma_wait3A_414 : memref<1x16x128xf32, #tpu.memory_space<vmem>> -> memref<16x128xf32, #tpu.memory_space<vmem>>
        %dma_wait3A_416 = arith.constant 0 : i32
        %dma_wait3A_417 = tpu.memref_slice %arg6[%add3A_396, %dma_wait3A_416] : memref<16384x128xf32, #tpu.memory_space<hbm>> -> memref<16x128xf32, #tpu.memory_space<hbm>>
        %dma_wait3A_418 = arith.constant 0 : i32
        %dma_wait3A_419 = tpu.memref_slice %arg6[%add3A_396, %dma_wait3A_418] : memref<16384x128xf32, #tpu.memory_space<hbm>> -> memref<16x128xf32, #tpu.memory_space<hbm>>
        %dma_wait3A_420 = arith.constant 0 : i32
        %dma_wait3A_421 = arith.constant 0 : i32
        %dma_wait3A_422 = tpu.memref_slice %arg9[%run_scoped3A_397, %dma_wait3A_420, %dma_wait3A_421] : memref<2x16x128xf32, #tpu.memory_space<vmem>> -> memref<1x16x128xf32, #tpu.memory_space<vmem>>
        %dma_wait3A_423 = tpu.memref_squeeze %dma_wait3A_422 : memref<1x16x128xf32, #tpu.memory_space<vmem>> -> memref<16x128xf32, #tpu.memory_space<vmem>>
        tpu.wait_dma2 semaphore(%run_scoped3A_399 : memref<!tpu.dma_semaphore, #tpu.memory_space<semaphore_mem>>) src(%dma_wait3A_423 : memref<16x128xf32, #tpu.memory_space<vmem>>) dst(%dma_wait3A_419 : memref<16x128xf32, #tpu.memory_space<hbm>>)
        tpu.yield
      }) : () -> ()
      %scan3A_398 = arith.constant 0 : i32
      scf.yield %scan3A_398 : i32
    }
    %scan3A_178 = arith.constant 16 : i32
    return
  }
}

#map = affine_map<(d0, d1) -> (0, 0)>
#map1 = affine_map<(d0, d1) -> (0)>
module attributes {stable_mosaic.version = 14 : i64} {
  func.func @_sc_b_body(%arg0: i32, %arg1: i32, %arg2: memref<1000000x128xf32, #tpu.memory_space<hbm>>, %arg3: memref<16384xi32, #tpu.memory_space<hbm>>, %arg4: memref<16384x64xf32, #tpu.memory_space<hbm>>, %arg5: memref<16384x128xf32, #tpu.memory_space<hbm>>, %arg6: memref<32768xf32, #tpu.memory_space<hbm>>, %arg7: memref<512xi32, #tpu.memory_space<vmem>>, %arg8: memref<2x16x128xf32, #tpu.memory_space<vmem>>, %arg9: memref<2x16x64xf32, #tpu.memory_space<vmem>>, %arg10: memref<2x16x128xf32, #tpu.memory_space<vmem>>, %arg11: memref<512xf32, #tpu.memory_space<vmem>>, %arg12: memref<512xf32, #tpu.memory_space<vmem>>, %arg13: memref<!tpu.dma_semaphore, #tpu.memory_space<semaphore_mem>>, %arg14: memref<!tpu.dma_semaphore, #tpu.memory_space<semaphore_mem>>) attributes {dimension_semantics = [#tpu.dimension_semantics<core_parallel>, #tpu.dimension_semantics<subcore_parallel>], iteration_bounds = array<i64: 2, 16>, scalar_prefetch = 0 : i64, scratch_operands = 8 : i64, tpu.core_type = #tpu.core_type<sc_vector_subcore>, window_params = [{transform_indices = #map}, {transform_indices = #map1}, {transform_indices = #map}, {transform_indices = #map}, {transform_indices = #map1}]} {
    %mul3A = arith.constant 2 : i32
    %mul3A_0 = arith.muli %arg1, %mul3A : i32
    %add3A = arith.addi %mul3A_0, %arg0 : i32
    %mul3A_1 = arith.constant 512 : i32
    %mul3A_2 = arith.muli %add3A, %mul3A_1 : i32
    "tpu.region"() ({
      %run_scoped3A = tpu.sem_alloc : memref<!tpu.dma_semaphore, #tpu.memory_space<semaphore_mem>>
      %dma_start3A_50 = tpu.memref_slice %arg3[%mul3A_2] : memref<16384xi32, #tpu.memory_space<hbm>> -> memref<512xi32, #tpu.memory_space<hbm>>
      %dma_start3A_51 = tpu.memref_slice %arg3[%mul3A_2] : memref<16384xi32, #tpu.memory_space<hbm>> -> memref<512xi32, #tpu.memory_space<hbm>>
      tpu.enqueue_dma source(%dma_start3A_51 : memref<512xi32, #tpu.memory_space<hbm>>) target(%arg7 : memref<512xi32, #tpu.memory_space<vmem>>) target_semaphore(%run_scoped3A : memref<!tpu.dma_semaphore, #tpu.memory_space<semaphore_mem>>)
      %dma_wait3A = tpu.memref_slice %arg3[%mul3A_2] : memref<16384xi32, #tpu.memory_space<hbm>> -> memref<512xi32, #tpu.memory_space<hbm>>
      %dma_wait3A_52 = tpu.memref_slice %arg3[%mul3A_2] : memref<16384xi32, #tpu.memory_space<hbm>> -> memref<512xi32, #tpu.memory_space<hbm>>
      tpu.wait_dma2 semaphore(%run_scoped3A : memref<!tpu.dma_semaphore, #tpu.memory_space<semaphore_mem>>) src(%dma_wait3A_52 : memref<512xi32, #tpu.memory_space<hbm>>) dst(%arg7 : memref<512xi32, #tpu.memory_space<vmem>>)
      tpu.yield
    }) : () -> ()
    %iota3A = tpu.iota {dimensions = array<i32: 0>} : vector<16xi32>
    %dma_start3A = arith.constant 0 : i32
    %dma_start3A_3 = arith.constant 0 : i32
    %dma_start3A_4 = arith.constant 0 : i32
    %dma_start3A_5 = tpu.memref_slice %arg8[%dma_start3A, %dma_start3A_3, %dma_start3A_4] : memref<2x16x128xf32, #tpu.memory_space<vmem>> -> memref<1x16x128xf32, #tpu.memory_space<vmem>>
    %dma_start3A_6 = tpu.memref_squeeze %dma_start3A_5 : memref<1x16x128xf32, #tpu.memory_space<vmem>> -> memref<16x128xf32, #tpu.memory_space<vmem>>
    %dma_start3A_7 = arith.constant 0 : i32
    %dma_start3A_8 = tpu.memref_slice %arg7[%dma_start3A_7] : memref<512xi32, #tpu.memory_space<vmem>> -> memref<16xi32, #tpu.memory_space<vmem>>
    %dma_start3A_9 = arith.constant 0 : i32
    %dma_start3A_10 = arith.constant 0 : i32
    %dma_start3A_11 = tpu.memref_slice %arg2[%dma_start3A_9, %dma_start3A_10] : memref<1000000x128xf32, #tpu.memory_space<hbm>> -> memref<1000000x128xf32, #tpu.memory_space<hbm>>
    tpu.enqueue_indirect_dma source(%dma_start3A_11 : memref<1000000x128xf32, #tpu.memory_space<hbm>>) target(%dma_start3A_6 : memref<16x128xf32, #tpu.memory_space<vmem>>) offsets(%dma_start3A_8 : memref<16xi32, #tpu.memory_space<vmem>>) semaphore(%arg13 : memref<!tpu.dma_semaphore, #tpu.memory_space<semaphore_mem>>)
    %add3A_12 = arith.constant 0 : i32
    %add3A_13 = arith.addi %mul3A_2, %add3A_12 : i32
    %dma_start3A_14 = arith.constant 0 : i32
    %dma_start3A_15 = arith.constant 0 : i32
    %dma_start3A_16 = arith.constant 0 : i32
    %dma_start3A_17 = tpu.memref_slice %arg9[%dma_start3A_14, %dma_start3A_15, %dma_start3A_16] : memref<2x16x64xf32, #tpu.memory_space<vmem>> -> memref<1x16x64xf32, #tpu.memory_space<vmem>>
    %dma_start3A_18 = tpu.memref_squeeze %dma_start3A_17 : memref<1x16x64xf32, #tpu.memory_space<vmem>> -> memref<16x64xf32, #tpu.memory_space<vmem>>
    %dma_start3A_19 = arith.constant 0 : i32
    %dma_start3A_20 = tpu.memref_slice %arg4[%add3A_13, %dma_start3A_19] : memref<16384x64xf32, #tpu.memory_space<hbm>> -> memref<16x64xf32, #tpu.memory_space<hbm>>
    %dma_start3A_21 = arith.constant 0 : i32
    %dma_start3A_22 = arith.constant 0 : i32
    %dma_start3A_23 = tpu.memref_slice %arg9[%dma_start3A_14, %dma_start3A_21, %dma_start3A_22] : memref<2x16x64xf32, #tpu.memory_space<vmem>> -> memref<1x16x64xf32, #tpu.memory_space<vmem>>
    %dma_start3A_24 = tpu.memref_squeeze %dma_start3A_23 : memref<1x16x64xf32, #tpu.memory_space<vmem>> -> memref<16x64xf32, #tpu.memory_space<vmem>>
    %dma_start3A_25 = arith.constant 0 : i32
    %dma_start3A_26 = tpu.memref_slice %arg4[%add3A_13, %dma_start3A_25] : memref<16384x64xf32, #tpu.memory_space<hbm>> -> memref<16x64xf32, #tpu.memory_space<hbm>>
    tpu.enqueue_dma source(%dma_start3A_26 : memref<16x64xf32, #tpu.memory_space<hbm>>) target(%dma_start3A_24 : memref<16x64xf32, #tpu.memory_space<vmem>>) target_semaphore(%arg13 : memref<!tpu.dma_semaphore, #tpu.memory_space<semaphore_mem>>)
    %add3A_27 = arith.constant 0 : i32
    %add3A_28 = arith.addi %mul3A_2, %add3A_27 : i32
    %dma_start3A_29 = arith.constant 0 : i32
    %dma_start3A_30 = arith.constant 0 : i32
    %dma_start3A_31 = arith.constant 0 : i32
    %dma_start3A_32 = tpu.memref_slice %arg10[%dma_start3A_29, %dma_start3A_30, %dma_start3A_31] : memref<2x16x128xf32, #tpu.memory_space<vmem>> -> memref<1x16x128xf32, #tpu.memory_space<vmem>>
    %dma_start3A_33 = tpu.memref_squeeze %dma_start3A_32 : memref<1x16x128xf32, #tpu.memory_space<vmem>> -> memref<16x128xf32, #tpu.memory_space<vmem>>
    %dma_start3A_34 = arith.constant 0 : i32
    %dma_start3A_35 = tpu.memref_slice %arg5[%add3A_28, %dma_start3A_34] : memref<16384x128xf32, #tpu.memory_space<hbm>> -> memref<16x128xf32, #tpu.memory_space<hbm>>
    %dma_start3A_36 = arith.constant 0 : i32
    %dma_start3A_37 = arith.constant 0 : i32
    %dma_start3A_38 = tpu.memref_slice %arg10[%dma_start3A_29, %dma_start3A_36, %dma_start3A_37] : memref<2x16x128xf32, #tpu.memory_space<vmem>> -> memref<1x16x128xf32, #tpu.memory_space<vmem>>
    %dma_start3A_39 = tpu.memref_squeeze %dma_start3A_38 : memref<1x16x128xf32, #tpu.memory_space<vmem>> -> memref<16x128xf32, #tpu.memory_space<vmem>>
    %dma_start3A_40 = arith.constant 0 : i32
    %dma_start3A_41 = tpu.memref_slice %arg5[%add3A_28, %dma_start3A_40] : memref<16384x128xf32, #tpu.memory_space<hbm>> -> memref<16x128xf32, #tpu.memory_space<hbm>>
    tpu.enqueue_dma source(%dma_start3A_41 : memref<16x128xf32, #tpu.memory_space<hbm>>) target(%dma_start3A_39 : memref<16x128xf32, #tpu.memory_space<vmem>>) target_semaphore(%arg13 : memref<!tpu.dma_semaphore, #tpu.memory_space<semaphore_mem>>)
    %scan3A = arith.constant 0 : i32
    %scan3A_42 = arith.constant 0 : i32
    %scan3A_43 = arith.constant 16 : i32
    %scan3A_44 = arith.addi %scan3A_42, %scan3A_43 : i32
    %scan3A_45 = arith.constant 1 : i32
    %scan3A_46 = scf.for %scan3A_50 = %scan3A_42 to %scan3A_44 step %scan3A_45 iter_args(%scan3A_51 = %scan3A) -> (i32)  : i32 {
      %mul3A_52 = arith.constant 2 : i32
      %mul3A_53 = arith.muli %mul3A_52, %scan3A_50 : i32
      %add3A_54 = arith.constant 1 : i32
      %add3A_55 = arith.addi %mul3A_53, %add3A_54 : i32
      %mul3A_56 = arith.constant 16 : i32
      %mul3A_57 = arith.muli %add3A_55, %mul3A_56 : i32
      %dma_start3A_58 = arith.constant 1 : i32
      %dma_start3A_59 = arith.constant 0 : i32
      %dma_start3A_60 = arith.constant 0 : i32
      %dma_start3A_61 = tpu.memref_slice %arg8[%dma_start3A_58, %dma_start3A_59, %dma_start3A_60] : memref<2x16x128xf32, #tpu.memory_space<vmem>> -> memref<1x16x128xf32, #tpu.memory_space<vmem>>
      %dma_start3A_62 = tpu.memref_squeeze %dma_start3A_61 : memref<1x16x128xf32, #tpu.memory_space<vmem>> -> memref<16x128xf32, #tpu.memory_space<vmem>>
      %dma_start3A_63 = tpu.memref_slice %arg7[%mul3A_57] : memref<512xi32, #tpu.memory_space<vmem>> -> memref<16xi32, #tpu.memory_space<vmem>>
      %dma_start3A_64 = arith.constant 0 : i32
      %dma_start3A_65 = arith.constant 0 : i32
      %dma_start3A_66 = tpu.memref_slice %arg2[%dma_start3A_64, %dma_start3A_65] : memref<1000000x128xf32, #tpu.memory_space<hbm>> -> memref<1000000x128xf32, #tpu.memory_space<hbm>>
      tpu.enqueue_indirect_dma source(%dma_start3A_66 : memref<1000000x128xf32, #tpu.memory_space<hbm>>) target(%dma_start3A_62 : memref<16x128xf32, #tpu.memory_space<vmem>>) offsets(%dma_start3A_63 : memref<16xi32, #tpu.memory_space<vmem>>) semaphore(%arg14 : memref<!tpu.dma_semaphore, #tpu.memory_space<semaphore_mem>>)
      %mul3A_67 = arith.constant 16 : i32
      %mul3A_68 = arith.muli %add3A_55, %mul3A_67 : i32
      %add3A_69 = arith.addi %mul3A_2, %mul3A_68 : i32
      %dma_start3A_70 = arith.constant 1 : i32
      %dma_start3A_71 = arith.constant 0 : i32
      %dma_start3A_72 = arith.constant 0 : i32
      %dma_start3A_73 = tpu.memref_slice %arg9[%dma_start3A_70, %dma_start3A_71, %dma_start3A_72] : memref<2x16x64xf32, #tpu.memory_space<vmem>> -> memref<1x16x64xf32, #tpu.memory_space<vmem>>
      %dma_start3A_74 = tpu.memref_squeeze %dma_start3A_73 : memref<1x16x64xf32, #tpu.memory_space<vmem>> -> memref<16x64xf32, #tpu.memory_space<vmem>>
      %dma_start3A_75 = arith.constant 0 : i32
      %dma_start3A_76 = tpu.memref_slice %arg4[%add3A_69, %dma_start3A_75] : memref<16384x64xf32, #tpu.memory_space<hbm>> -> memref<16x64xf32, #tpu.memory_space<hbm>>
      %dma_start3A_77 = arith.constant 0 : i32
      %dma_start3A_78 = arith.constant 0 : i32
      %dma_start3A_79 = tpu.memref_slice %arg9[%dma_start3A_70, %dma_start3A_77, %dma_start3A_78] : memref<2x16x64xf32, #tpu.memory_space<vmem>> -> memref<1x16x64xf32, #tpu.memory_space<vmem>>
      %dma_start3A_80 = tpu.memref_squeeze %dma_start3A_79 : memref<1x16x64xf32, #tpu.memory_space<vmem>> -> memref<16x64xf32, #tpu.memory_space<vmem>>
      %dma_start3A_81 = arith.constant 0 : i32
      %dma_start3A_82 = tpu.memref_slice %arg4[%add3A_69, %dma_start3A_81] : memref<16384x64xf32, #tpu.memory_space<hbm>> -> memref<16x64xf32, #tpu.memory_space<hbm>>
      tpu.enqueue_dma source(%dma_start3A_82 : memref<16x64xf32, #tpu.memory_space<hbm>>) target(%dma_start3A_80 : memref<16x64xf32, #tpu.memory_space<vmem>>) target_semaphore(%arg14 : memref<!tpu.dma_semaphore, #tpu.memory_space<semaphore_mem>>)
      %mul3A_83 = arith.constant 16 : i32
      %mul3A_84 = arith.muli %add3A_55, %mul3A_83 : i32
      %add3A_85 = arith.addi %mul3A_2, %mul3A_84 : i32
      %dma_start3A_86 = arith.constant 1 : i32
      %dma_start3A_87 = arith.constant 0 : i32
      %dma_start3A_88 = arith.constant 0 : i32
      %dma_start3A_89 = tpu.memref_slice %arg10[%dma_start3A_86, %dma_start3A_87, %dma_start3A_88] : memref<2x16x128xf32, #tpu.memory_space<vmem>> -> memref<1x16x128xf32, #tpu.memory_space<vmem>>
      %dma_start3A_90 = tpu.memref_squeeze %dma_start3A_89 : memref<1x16x128xf32, #tpu.memory_space<vmem>> -> memref<16x128xf32, #tpu.memory_space<vmem>>
      %dma_start3A_91 = arith.constant 0 : i32
      %dma_start3A_92 = tpu.memref_slice %arg5[%add3A_85, %dma_start3A_91] : memref<16384x128xf32, #tpu.memory_space<hbm>> -> memref<16x128xf32, #tpu.memory_space<hbm>>
      %dma_start3A_93 = arith.constant 0 : i32
      %dma_start3A_94 = arith.constant 0 : i32
      %dma_start3A_95 = tpu.memref_slice %arg10[%dma_start3A_86, %dma_start3A_93, %dma_start3A_94] : memref<2x16x128xf32, #tpu.memory_space<vmem>> -> memref<1x16x128xf32, #tpu.memory_space<vmem>>
      %dma_start3A_96 = tpu.memref_squeeze %dma_start3A_95 : memref<1x16x128xf32, #tpu.memory_space<vmem>> -> memref<16x128xf32, #tpu.memory_space<vmem>>
      %dma_start3A_97 = arith.constant 0 : i32
      %dma_start3A_98 = tpu.memref_slice %arg5[%add3A_85, %dma_start3A_97] : memref<16384x128xf32, #tpu.memory_space<hbm>> -> memref<16x128xf32, #tpu.memory_space<hbm>>
      tpu.enqueue_dma source(%dma_start3A_98 : memref<16x128xf32, #tpu.memory_space<hbm>>) target(%dma_start3A_96 : memref<16x128xf32, #tpu.memory_space<vmem>>) target_semaphore(%arg14 : memref<!tpu.dma_semaphore, #tpu.memory_space<semaphore_mem>>)
      %mul3A_99 = arith.constant 16 : i32
      %mul3A_100 = arith.muli %mul3A_53, %mul3A_99 : i32
      %dma_wait3A = arith.constant 0 : i32
      %dma_wait3A_101 = arith.constant 0 : i32
      %dma_wait3A_102 = arith.constant 0 : i32
      %dma_wait3A_103 = tpu.memref_slice %arg8[%dma_wait3A, %dma_wait3A_101, %dma_wait3A_102] : memref<2x16x128xf32, #tpu.memory_space<vmem>> -> memref<1x16x128xf32, #tpu.memory_space<vmem>>
      %dma_wait3A_104 = tpu.memref_squeeze %dma_wait3A_103 : memref<1x16x128xf32, #tpu.memory_space<vmem>> -> memref<16x128xf32, #tpu.memory_space<vmem>>
      %dma_wait3A_105 = tpu.memref_slice %arg7[%mul3A_100] : memref<512xi32, #tpu.memory_space<vmem>> -> memref<16xi32, #tpu.memory_space<vmem>>
      %dma_wait3A_106 = arith.constant 0 : i32
      %dma_wait3A_107 = arith.constant 0 : i32
      %dma_wait3A_108 = tpu.memref_slice %arg2[%dma_wait3A_106, %dma_wait3A_107] : memref<1000000x128xf32, #tpu.memory_space<hbm>> -> memref<1000000x128xf32, #tpu.memory_space<hbm>>
      tpu.wait_indirect_dma semaphore(%arg13 : memref<!tpu.dma_semaphore, #tpu.memory_space<semaphore_mem>>) src(%dma_wait3A_108 : memref<1000000x128xf32, #tpu.memory_space<hbm>>) dst(%dma_wait3A_104 : memref<16x128xf32, #tpu.memory_space<vmem>>)
      %mul3A_109 = arith.constant 16 : i32
      %mul3A_110 = arith.muli %mul3A_53, %mul3A_109 : i32
      %add3A_111 = arith.addi %mul3A_2, %mul3A_110 : i32
      %dma_wait3A_112 = arith.constant 0 : i32
      %dma_wait3A_113 = arith.constant 0 : i32
      %dma_wait3A_114 = arith.constant 0 : i32
      %dma_wait3A_115 = tpu.memref_slice %arg9[%dma_wait3A_112, %dma_wait3A_113, %dma_wait3A_114] : memref<2x16x64xf32, #tpu.memory_space<vmem>> -> memref<1x16x64xf32, #tpu.memory_space<vmem>>
      %dma_wait3A_116 = tpu.memref_squeeze %dma_wait3A_115 : memref<1x16x64xf32, #tpu.memory_space<vmem>> -> memref<16x64xf32, #tpu.memory_space<vmem>>
      %dma_wait3A_117 = arith.constant 0 : i32
      %dma_wait3A_118 = tpu.memref_slice %arg4[%add3A_111, %dma_wait3A_117] : memref<16384x64xf32, #tpu.memory_space<hbm>> -> memref<16x64xf32, #tpu.memory_space<hbm>>
      %dma_wait3A_119 = arith.constant 0 : i32
      %dma_wait3A_120 = arith.constant 0 : i32
      %dma_wait3A_121 = tpu.memref_slice %arg9[%dma_wait3A_112, %dma_wait3A_119, %dma_wait3A_120] : memref<2x16x64xf32, #tpu.memory_space<vmem>> -> memref<1x16x64xf32, #tpu.memory_space<vmem>>
      %dma_wait3A_122 = tpu.memref_squeeze %dma_wait3A_121 : memref<1x16x64xf32, #tpu.memory_space<vmem>> -> memref<16x64xf32, #tpu.memory_space<vmem>>
      %dma_wait3A_123 = arith.constant 0 : i32
      %dma_wait3A_124 = tpu.memref_slice %arg4[%add3A_111, %dma_wait3A_123] : memref<16384x64xf32, #tpu.memory_space<hbm>> -> memref<16x64xf32, #tpu.memory_space<hbm>>
      tpu.wait_dma2 semaphore(%arg13 : memref<!tpu.dma_semaphore, #tpu.memory_space<semaphore_mem>>) src(%dma_wait3A_124 : memref<16x64xf32, #tpu.memory_space<hbm>>) dst(%dma_wait3A_122 : memref<16x64xf32, #tpu.memory_space<vmem>>)
      %mul3A_125 = arith.constant 16 : i32
      %mul3A_126 = arith.muli %mul3A_53, %mul3A_125 : i32
      %add3A_127 = arith.addi %mul3A_2, %mul3A_126 : i32
      %dma_wait3A_128 = arith.constant 0 : i32
      %dma_wait3A_129 = arith.constant 0 : i32
      %dma_wait3A_130 = arith.constant 0 : i32
      %dma_wait3A_131 = tpu.memref_slice %arg10[%dma_wait3A_128, %dma_wait3A_129, %dma_wait3A_130] : memref<2x16x128xf32, #tpu.memory_space<vmem>> -> memref<1x16x128xf32, #tpu.memory_space<vmem>>
      %dma_wait3A_132 = tpu.memref_squeeze %dma_wait3A_131 : memref<1x16x128xf32, #tpu.memory_space<vmem>> -> memref<16x128xf32, #tpu.memory_space<vmem>>
      %dma_wait3A_133 = arith.constant 0 : i32
      %dma_wait3A_134 = tpu.memref_slice %arg5[%add3A_127, %dma_wait3A_133] : memref<16384x128xf32, #tpu.memory_space<hbm>> -> memref<16x128xf32, #tpu.memory_space<hbm>>
      %dma_wait3A_135 = arith.constant 0 : i32
      %dma_wait3A_136 = arith.constant 0 : i32
      %dma_wait3A_137 = tpu.memref_slice %arg10[%dma_wait3A_128, %dma_wait3A_135, %dma_wait3A_136] : memref<2x16x128xf32, #tpu.memory_space<vmem>> -> memref<1x16x128xf32, #tpu.memory_space<vmem>>
      %dma_wait3A_138 = tpu.memref_squeeze %dma_wait3A_137 : memref<1x16x128xf32, #tpu.memory_space<vmem>> -> memref<16x128xf32, #tpu.memory_space<vmem>>
      %dma_wait3A_139 = arith.constant 0 : i32
      %dma_wait3A_140 = tpu.memref_slice %arg5[%add3A_127, %dma_wait3A_139] : memref<16384x128xf32, #tpu.memory_space<hbm>> -> memref<16x128xf32, #tpu.memory_space<hbm>>
      tpu.wait_dma2 semaphore(%arg13 : memref<!tpu.dma_semaphore, #tpu.memory_space<semaphore_mem>>) src(%dma_wait3A_140 : memref<16x128xf32, #tpu.memory_space<hbm>>) dst(%dma_wait3A_138 : memref<16x128xf32, #tpu.memory_space<vmem>>)
      %broadcast_in_dim3A = arith.constant 0.000000e+00 : f32
      %broadcast_in_dim3A_141 = vector.broadcast %broadcast_in_dim3A : f32 to vector<16xf32>
      %scan3A_142 = arith.constant 0 : i32
      %scan3A_143 = arith.constant 64 : i32
      %scan3A_144 = arith.addi %scan3A_142, %scan3A_143 : i32
      %scan3A_145 = arith.constant 8 : i32
      %scan3A_146:2 = scf.for %scan3A_228 = %scan3A_142 to %scan3A_144 step %scan3A_145 iter_args(%scan3A_229 = %broadcast_in_dim3A_141, %scan3A_230 = %broadcast_in_dim3A_141) -> (vector<16xf32>, vector<16xf32>)  : i32 {
        %add3A_231 = vector.broadcast %scan3A_228 : i32 to vector<16xi32>
        %add3A_232 = arith.addi %iota3A, %add3A_231 : vector<16xi32>
        %and3A = arith.constant 63 : i32
        %and3A_233 = vector.broadcast %and3A : i32 to vector<16xi32>
        %and3A_234 = arith.andi %add3A_232, %and3A_233 : vector<16xi32>
        %gather3A = arith.constant 0 : i32
        %gather3A_235 = arith.constant 0 : i32
        %gather3A_236 = arith.constant 0 : i32
        %gather3A_237 = tpu.memref_slice %arg8[%gather3A, %gather3A_235, %gather3A_236] : memref<2x16x128xf32, #tpu.memory_space<vmem>> -> memref<1x16x128xf32, #tpu.memory_space<vmem>>
        %gather3A_238 = tpu.memref_squeeze %gather3A_237 : memref<1x16x128xf32, #tpu.memory_space<vmem>> -> memref<16x128xf32, #tpu.memory_space<vmem>>
        %gather3A_239 = tpu.vector_load_idx %gather3A_238[%iota3A, %and3A_234] : memref<16x128xf32, #tpu.memory_space<vmem>>[vector<16xi32>, vector<16xi32>], vector<16xf32>,
        %gather3A_240 = arith.constant 0 : i32
        %gather3A_241 = arith.constant 0 : i32
        %gather3A_242 = arith.constant 0 : i32
        %gather3A_243 = tpu.memref_slice %arg10[%gather3A_240, %gather3A_241, %gather3A_242] : memref<2x16x128xf32, #tpu.memory_space<vmem>> -> memref<1x16x128xf32, #tpu.memory_space<vmem>>
        %gather3A_244 = tpu.memref_squeeze %gather3A_243 : memref<1x16x128xf32, #tpu.memory_space<vmem>> -> memref<16x128xf32, #tpu.memory_space<vmem>>
        %gather3A_245 = tpu.vector_load_idx %gather3A_244[%iota3A, %and3A_234] : memref<16x128xf32, #tpu.memory_space<vmem>>[vector<16xi32>, vector<16xi32>], vector<16xf32>,
        %gather3A_246 = arith.constant 0 : i32
        %gather3A_247 = arith.constant 0 : i32
        %gather3A_248 = arith.constant 0 : i32
        %gather3A_249 = tpu.memref_slice %arg9[%gather3A_246, %gather3A_247, %gather3A_248] : memref<2x16x64xf32, #tpu.memory_space<vmem>> -> memref<1x16x64xf32, #tpu.memory_space<vmem>>
        %gather3A_250 = tpu.memref_squeeze %gather3A_249 : memref<1x16x64xf32, #tpu.memory_space<vmem>> -> memref<16x64xf32, #tpu.memory_space<vmem>>
        %gather3A_251 = tpu.vector_load_idx %gather3A_250[%iota3A, %and3A_234] : memref<16x64xf32, #tpu.memory_space<vmem>>[vector<16xi32>, vector<16xi32>], vector<16xf32>,
        %mul3A_252 = arith.mulf %gather3A_239, %gather3A_245 : vector<16xf32>
        %add3A_253 = arith.addf %scan3A_229, %mul3A_252 : vector<16xf32>
        %mul3A_254 = arith.mulf %gather3A_239, %gather3A_251 : vector<16xf32>
        %add3A_255 = arith.addf %scan3A_230, %mul3A_254 : vector<16xf32>
        %scan3A_256 = arith.constant 1 : i32
        %scan3A_257 = arith.addi %scan3A_228, %scan3A_256 : i32
        %add3A_258 = vector.broadcast %scan3A_257 : i32 to vector<16xi32>
        %add3A_259 = arith.addi %iota3A, %add3A_258 : vector<16xi32>
        %and3A_260 = arith.constant 63 : i32
        %and3A_261 = vector.broadcast %and3A_260 : i32 to vector<16xi32>
        %and3A_262 = arith.andi %add3A_259, %and3A_261 : vector<16xi32>
        %gather3A_263 = arith.constant 0 : i32
        %gather3A_264 = arith.constant 0 : i32
        %gather3A_265 = arith.constant 0 : i32
        %gather3A_266 = tpu.memref_slice %arg8[%gather3A_263, %gather3A_264, %gather3A_265] : memref<2x16x128xf32, #tpu.memory_space<vmem>> -> memref<1x16x128xf32, #tpu.memory_space<vmem>>
        %gather3A_267 = tpu.memref_squeeze %gather3A_266 : memref<1x16x128xf32, #tpu.memory_space<vmem>> -> memref<16x128xf32, #tpu.memory_space<vmem>>
        %gather3A_268 = tpu.vector_load_idx %gather3A_267[%iota3A, %and3A_262] : memref<16x128xf32, #tpu.memory_space<vmem>>[vector<16xi32>, vector<16xi32>], vector<16xf32>,
        %gather3A_269 = arith.constant 0 : i32
        %gather3A_270 = arith.constant 0 : i32
        %gather3A_271 = arith.constant 0 : i32
        %gather3A_272 = tpu.memref_slice %arg10[%gather3A_269, %gather3A_270, %gather3A_271] : memref<2x16x128xf32, #tpu.memory_space<vmem>> -> memref<1x16x128xf32, #tpu.memory_space<vmem>>
        %gather3A_273 = tpu.memref_squeeze %gather3A_272 : memref<1x16x128xf32, #tpu.memory_space<vmem>> -> memref<16x128xf32, #tpu.memory_space<vmem>>
        %gather3A_274 = tpu.vector_load_idx %gather3A_273[%iota3A, %and3A_262] : memref<16x128xf32, #tpu.memory_space<vmem>>[vector<16xi32>, vector<16xi32>], vector<16xf32>,
        %gather3A_275 = arith.constant 0 : i32
        %gather3A_276 = arith.constant 0 : i32
        %gather3A_277 = arith.constant 0 : i32
        %gather3A_278 = tpu.memref_slice %arg9[%gather3A_275, %gather3A_276, %gather3A_277] : memref<2x16x64xf32, #tpu.memory_space<vmem>> -> memref<1x16x64xf32, #tpu.memory_space<vmem>>
        %gather3A_279 = tpu.memref_squeeze %gather3A_278 : memref<1x16x64xf32, #tpu.memory_space<vmem>> -> memref<16x64xf32, #tpu.memory_space<vmem>>
        %gather3A_280 = tpu.vector_load_idx %gather3A_279[%iota3A, %and3A_262] : memref<16x64xf32, #tpu.memory_space<vmem>>[vector<16xi32>, vector<16xi32>], vector<16xf32>,
        %mul3A_281 = arith.mulf %gather3A_268, %gather3A_274 : vector<16xf32>
        %add3A_282 = arith.addf %add3A_253, %mul3A_281 : vector<16xf32>
        %mul3A_283 = arith.mulf %gather3A_268, %gather3A_280 : vector<16xf32>
        %add3A_284 = arith.addf %add3A_255, %mul3A_283 : vector<16xf32>
        %scan3A_285 = arith.constant 2 : i32
        %scan3A_286 = arith.addi %scan3A_228, %scan3A_285 : i32
        %add3A_287 = vector.broadcast %scan3A_286 : i32 to vector<16xi32>
        %add3A_288 = arith.addi %iota3A, %add3A_287 : vector<16xi32>
        %and3A_289 = arith.constant 63 : i32
        %and3A_290 = vector.broadcast %and3A_289 : i32 to vector<16xi32>
        %and3A_291 = arith.andi %add3A_288, %and3A_290 : vector<16xi32>
        %gather3A_292 = arith.constant 0 : i32
        %gather3A_293 = arith.constant 0 : i32
        %gather3A_294 = arith.constant 0 : i32
        %gather3A_295 = tpu.memref_slice %arg8[%gather3A_292, %gather3A_293, %gather3A_294] : memref<2x16x128xf32, #tpu.memory_space<vmem>> -> memref<1x16x128xf32, #tpu.memory_space<vmem>>
        %gather3A_296 = tpu.memref_squeeze %gather3A_295 : memref<1x16x128xf32, #tpu.memory_space<vmem>> -> memref<16x128xf32, #tpu.memory_space<vmem>>
        %gather3A_297 = tpu.vector_load_idx %gather3A_296[%iota3A, %and3A_291] : memref<16x128xf32, #tpu.memory_space<vmem>>[vector<16xi32>, vector<16xi32>], vector<16xf32>,
        %gather3A_298 = arith.constant 0 : i32
        %gather3A_299 = arith.constant 0 : i32
        %gather3A_300 = arith.constant 0 : i32
        %gather3A_301 = tpu.memref_slice %arg10[%gather3A_298, %gather3A_299, %gather3A_300] : memref<2x16x128xf32, #tpu.memory_space<vmem>> -> memref<1x16x128xf32, #tpu.memory_space<vmem>>
        %gather3A_302 = tpu.memref_squeeze %gather3A_301 : memref<1x16x128xf32, #tpu.memory_space<vmem>> -> memref<16x128xf32, #tpu.memory_space<vmem>>
        %gather3A_303 = tpu.vector_load_idx %gather3A_302[%iota3A, %and3A_291] : memref<16x128xf32, #tpu.memory_space<vmem>>[vector<16xi32>, vector<16xi32>], vector<16xf32>,
        %gather3A_304 = arith.constant 0 : i32
        %gather3A_305 = arith.constant 0 : i32
        %gather3A_306 = arith.constant 0 : i32
        %gather3A_307 = tpu.memref_slice %arg9[%gather3A_304, %gather3A_305, %gather3A_306] : memref<2x16x64xf32, #tpu.memory_space<vmem>> -> memref<1x16x64xf32, #tpu.memory_space<vmem>>
        %gather3A_308 = tpu.memref_squeeze %gather3A_307 : memref<1x16x64xf32, #tpu.memory_space<vmem>> -> memref<16x64xf32, #tpu.memory_space<vmem>>
        %gather3A_309 = tpu.vector_load_idx %gather3A_308[%iota3A, %and3A_291] : memref<16x64xf32, #tpu.memory_space<vmem>>[vector<16xi32>, vector<16xi32>], vector<16xf32>,
        %mul3A_310 = arith.mulf %gather3A_297, %gather3A_303 : vector<16xf32>
        %add3A_311 = arith.addf %add3A_282, %mul3A_310 : vector<16xf32>
        %mul3A_312 = arith.mulf %gather3A_297, %gather3A_309 : vector<16xf32>
        %add3A_313 = arith.addf %add3A_284, %mul3A_312 : vector<16xf32>
        %scan3A_314 = arith.constant 3 : i32
        %scan3A_315 = arith.addi %scan3A_228, %scan3A_314 : i32
        %add3A_316 = vector.broadcast %scan3A_315 : i32 to vector<16xi32>
        %add3A_317 = arith.addi %iota3A, %add3A_316 : vector<16xi32>
        %and3A_318 = arith.constant 63 : i32
        %and3A_319 = vector.broadcast %and3A_318 : i32 to vector<16xi32>
        %and3A_320 = arith.andi %add3A_317, %and3A_319 : vector<16xi32>
        %gather3A_321 = arith.constant 0 : i32
        %gather3A_322 = arith.constant 0 : i32
        %gather3A_323 = arith.constant 0 : i32
        %gather3A_324 = tpu.memref_slice %arg8[%gather3A_321, %gather3A_322, %gather3A_323] : memref<2x16x128xf32, #tpu.memory_space<vmem>> -> memref<1x16x128xf32, #tpu.memory_space<vmem>>
        %gather3A_325 = tpu.memref_squeeze %gather3A_324 : memref<1x16x128xf32, #tpu.memory_space<vmem>> -> memref<16x128xf32, #tpu.memory_space<vmem>>
        %gather3A_326 = tpu.vector_load_idx %gather3A_325[%iota3A, %and3A_320] : memref<16x128xf32, #tpu.memory_space<vmem>>[vector<16xi32>, vector<16xi32>], vector<16xf32>,
        %gather3A_327 = arith.constant 0 : i32
        %gather3A_328 = arith.constant 0 : i32
        %gather3A_329 = arith.constant 0 : i32
        %gather3A_330 = tpu.memref_slice %arg10[%gather3A_327, %gather3A_328, %gather3A_329] : memref<2x16x128xf32, #tpu.memory_space<vmem>> -> memref<1x16x128xf32, #tpu.memory_space<vmem>>
        %gather3A_331 = tpu.memref_squeeze %gather3A_330 : memref<1x16x128xf32, #tpu.memory_space<vmem>> -> memref<16x128xf32, #tpu.memory_space<vmem>>
        %gather3A_332 = tpu.vector_load_idx %gather3A_331[%iota3A, %and3A_320] : memref<16x128xf32, #tpu.memory_space<vmem>>[vector<16xi32>, vector<16xi32>], vector<16xf32>,
        %gather3A_333 = arith.constant 0 : i32
        %gather3A_334 = arith.constant 0 : i32
        %gather3A_335 = arith.constant 0 : i32
        %gather3A_336 = tpu.memref_slice %arg9[%gather3A_333, %gather3A_334, %gather3A_335] : memref<2x16x64xf32, #tpu.memory_space<vmem>> -> memref<1x16x64xf32, #tpu.memory_space<vmem>>
        %gather3A_337 = tpu.memref_squeeze %gather3A_336 : memref<1x16x64xf32, #tpu.memory_space<vmem>> -> memref<16x64xf32, #tpu.memory_space<vmem>>
        %gather3A_338 = tpu.vector_load_idx %gather3A_337[%iota3A, %and3A_320] : memref<16x64xf32, #tpu.memory_space<vmem>>[vector<16xi32>, vector<16xi32>], vector<16xf32>,
        %mul3A_339 = arith.mulf %gather3A_326, %gather3A_332 : vector<16xf32>
        %add3A_340 = arith.addf %add3A_311, %mul3A_339 : vector<16xf32>
        %mul3A_341 = arith.mulf %gather3A_326, %gather3A_338 : vector<16xf32>
        %add3A_342 = arith.addf %add3A_313, %mul3A_341 : vector<16xf32>
        %scan3A_343 = arith.constant 4 : i32
        %scan3A_344 = arith.addi %scan3A_228, %scan3A_343 : i32
        %add3A_345 = vector.broadcast %scan3A_344 : i32 to vector<16xi32>
        %add3A_346 = arith.addi %iota3A, %add3A_345 : vector<16xi32>
        %and3A_347 = arith.constant 63 : i32
        %and3A_348 = vector.broadcast %and3A_347 : i32 to vector<16xi32>
        %and3A_349 = arith.andi %add3A_346, %and3A_348 : vector<16xi32>
        %gather3A_350 = arith.constant 0 : i32
        %gather3A_351 = arith.constant 0 : i32
        %gather3A_352 = arith.constant 0 : i32
        %gather3A_353 = tpu.memref_slice %arg8[%gather3A_350, %gather3A_351, %gather3A_352] : memref<2x16x128xf32, #tpu.memory_space<vmem>> -> memref<1x16x128xf32, #tpu.memory_space<vmem>>
        %gather3A_354 = tpu.memref_squeeze %gather3A_353 : memref<1x16x128xf32, #tpu.memory_space<vmem>> -> memref<16x128xf32, #tpu.memory_space<vmem>>
        %gather3A_355 = tpu.vector_load_idx %gather3A_354[%iota3A, %and3A_349] : memref<16x128xf32, #tpu.memory_space<vmem>>[vector<16xi32>, vector<16xi32>], vector<16xf32>,
        %gather3A_356 = arith.constant 0 : i32
        %gather3A_357 = arith.constant 0 : i32
        %gather3A_358 = arith.constant 0 : i32
        %gather3A_359 = tpu.memref_slice %arg10[%gather3A_356, %gather3A_357, %gather3A_358] : memref<2x16x128xf32, #tpu.memory_space<vmem>> -> memref<1x16x128xf32, #tpu.memory_space<vmem>>
        %gather3A_360 = tpu.memref_squeeze %gather3A_359 : memref<1x16x128xf32, #tpu.memory_space<vmem>> -> memref<16x128xf32, #tpu.memory_space<vmem>>
        %gather3A_361 = tpu.vector_load_idx %gather3A_360[%iota3A, %and3A_349] : memref<16x128xf32, #tpu.memory_space<vmem>>[vector<16xi32>, vector<16xi32>], vector<16xf32>,
        %gather3A_362 = arith.constant 0 : i32
        %gather3A_363 = arith.constant 0 : i32
        %gather3A_364 = arith.constant 0 : i32
        %gather3A_365 = tpu.memref_slice %arg9[%gather3A_362, %gather3A_363, %gather3A_364] : memref<2x16x64xf32, #tpu.memory_space<vmem>> -> memref<1x16x64xf32, #tpu.memory_space<vmem>>
        %gather3A_366 = tpu.memref_squeeze %gather3A_365 : memref<1x16x64xf32, #tpu.memory_space<vmem>> -> memref<16x64xf32, #tpu.memory_space<vmem>>
        %gather3A_367 = tpu.vector_load_idx %gather3A_366[%iota3A, %and3A_349] : memref<16x64xf32, #tpu.memory_space<vmem>>[vector<16xi32>, vector<16xi32>], vector<16xf32>,
        %mul3A_368 = arith.mulf %gather3A_355, %gather3A_361 : vector<16xf32>
        %add3A_369 = arith.addf %add3A_340, %mul3A_368 : vector<16xf32>
        %mul3A_370 = arith.mulf %gather3A_355, %gather3A_367 : vector<16xf32>
        %add3A_371 = arith.addf %add3A_342, %mul3A_370 : vector<16xf32>
        %scan3A_372 = arith.constant 5 : i32
        %scan3A_373 = arith.addi %scan3A_228, %scan3A_372 : i32
        %add3A_374 = vector.broadcast %scan3A_373 : i32 to vector<16xi32>
        %add3A_375 = arith.addi %iota3A, %add3A_374 : vector<16xi32>
        %and3A_376 = arith.constant 63 : i32
        %and3A_377 = vector.broadcast %and3A_376 : i32 to vector<16xi32>
        %and3A_378 = arith.andi %add3A_375, %and3A_377 : vector<16xi32>
        %gather3A_379 = arith.constant 0 : i32
        %gather3A_380 = arith.constant 0 : i32
        %gather3A_381 = arith.constant 0 : i32
        %gather3A_382 = tpu.memref_slice %arg8[%gather3A_379, %gather3A_380, %gather3A_381] : memref<2x16x128xf32, #tpu.memory_space<vmem>> -> memref<1x16x128xf32, #tpu.memory_space<vmem>>
        %gather3A_383 = tpu.memref_squeeze %gather3A_382 : memref<1x16x128xf32, #tpu.memory_space<vmem>> -> memref<16x128xf32, #tpu.memory_space<vmem>>
        %gather3A_384 = tpu.vector_load_idx %gather3A_383[%iota3A, %and3A_378] : memref<16x128xf32, #tpu.memory_space<vmem>>[vector<16xi32>, vector<16xi32>], vector<16xf32>,
        %gather3A_385 = arith.constant 0 : i32
        %gather3A_386 = arith.constant 0 : i32
        %gather3A_387 = arith.constant 0 : i32
        %gather3A_388 = tpu.memref_slice %arg10[%gather3A_385, %gather3A_386, %gather3A_387] : memref<2x16x128xf32, #tpu.memory_space<vmem>> -> memref<1x16x128xf32, #tpu.memory_space<vmem>>
        %gather3A_389 = tpu.memref_squeeze %gather3A_388 : memref<1x16x128xf32, #tpu.memory_space<vmem>> -> memref<16x128xf32, #tpu.memory_space<vmem>>
        %gather3A_390 = tpu.vector_load_idx %gather3A_389[%iota3A, %and3A_378] : memref<16x128xf32, #tpu.memory_space<vmem>>[vector<16xi32>, vector<16xi32>], vector<16xf32>,
        %gather3A_391 = arith.constant 0 : i32
        %gather3A_392 = arith.constant 0 : i32
        %gather3A_393 = arith.constant 0 : i32
        %gather3A_394 = tpu.memref_slice %arg9[%gather3A_391, %gather3A_392, %gather3A_393] : memref<2x16x64xf32, #tpu.memory_space<vmem>> -> memref<1x16x64xf32, #tpu.memory_space<vmem>>
        %gather3A_395 = tpu.memref_squeeze %gather3A_394 : memref<1x16x64xf32, #tpu.memory_space<vmem>> -> memref<16x64xf32, #tpu.memory_space<vmem>>
        %gather3A_396 = tpu.vector_load_idx %gather3A_395[%iota3A, %and3A_378] : memref<16x64xf32, #tpu.memory_space<vmem>>[vector<16xi32>, vector<16xi32>], vector<16xf32>,
        %mul3A_397 = arith.mulf %gather3A_384, %gather3A_390 : vector<16xf32>
        %add3A_398 = arith.addf %add3A_369, %mul3A_397 : vector<16xf32>
        %mul3A_399 = arith.mulf %gather3A_384, %gather3A_396 : vector<16xf32>
        %add3A_400 = arith.addf %add3A_371, %mul3A_399 : vector<16xf32>
        %scan3A_401 = arith.constant 6 : i32
        %scan3A_402 = arith.addi %scan3A_228, %scan3A_401 : i32
        %add3A_403 = vector.broadcast %scan3A_402 : i32 to vector<16xi32>
        %add3A_404 = arith.addi %iota3A, %add3A_403 : vector<16xi32>
        %and3A_405 = arith.constant 63 : i32
        %and3A_406 = vector.broadcast %and3A_405 : i32 to vector<16xi32>
        %and3A_407 = arith.andi %add3A_404, %and3A_406 : vector<16xi32>
        %gather3A_408 = arith.constant 0 : i32
        %gather3A_409 = arith.constant 0 : i32
        %gather3A_410 = arith.constant 0 : i32
        %gather3A_411 = tpu.memref_slice %arg8[%gather3A_408, %gather3A_409, %gather3A_410] : memref<2x16x128xf32, #tpu.memory_space<vmem>> -> memref<1x16x128xf32, #tpu.memory_space<vmem>>
        %gather3A_412 = tpu.memref_squeeze %gather3A_411 : memref<1x16x128xf32, #tpu.memory_space<vmem>> -> memref<16x128xf32, #tpu.memory_space<vmem>>
        %gather3A_413 = tpu.vector_load_idx %gather3A_412[%iota3A, %and3A_407] : memref<16x128xf32, #tpu.memory_space<vmem>>[vector<16xi32>, vector<16xi32>], vector<16xf32>,
        %gather3A_414 = arith.constant 0 : i32
        %gather3A_415 = arith.constant 0 : i32
        %gather3A_416 = arith.constant 0 : i32
        %gather3A_417 = tpu.memref_slice %arg10[%gather3A_414, %gather3A_415, %gather3A_416] : memref<2x16x128xf32, #tpu.memory_space<vmem>> -> memref<1x16x128xf32, #tpu.memory_space<vmem>>
        %gather3A_418 = tpu.memref_squeeze %gather3A_417 : memref<1x16x128xf32, #tpu.memory_space<vmem>> -> memref<16x128xf32, #tpu.memory_space<vmem>>
        %gather3A_419 = tpu.vector_load_idx %gather3A_418[%iota3A, %and3A_407] : memref<16x128xf32, #tpu.memory_space<vmem>>[vector<16xi32>, vector<16xi32>], vector<16xf32>,
        %gather3A_420 = arith.constant 0 : i32
        %gather3A_421 = arith.constant 0 : i32
        %gather3A_422 = arith.constant 0 : i32
        %gather3A_423 = tpu.memref_slice %arg9[%gather3A_420, %gather3A_421, %gather3A_422] : memref<2x16x64xf32, #tpu.memory_space<vmem>> -> memref<1x16x64xf32, #tpu.memory_space<vmem>>
        %gather3A_424 = tpu.memref_squeeze %gather3A_423 : memref<1x16x64xf32, #tpu.memory_space<vmem>> -> memref<16x64xf32, #tpu.memory_space<vmem>>
        %gather3A_425 = tpu.vector_load_idx %gather3A_424[%iota3A, %and3A_407] : memref<16x64xf32, #tpu.memory_space<vmem>>[vector<16xi32>, vector<16xi32>], vector<16xf32>,
        %mul3A_426 = arith.mulf %gather3A_413, %gather3A_419 : vector<16xf32>
        %add3A_427 = arith.addf %add3A_398, %mul3A_426 : vector<16xf32>
        %mul3A_428 = arith.mulf %gather3A_413, %gather3A_425 : vector<16xf32>
        %add3A_429 = arith.addf %add3A_400, %mul3A_428 : vector<16xf32>
        %scan3A_430 = arith.constant 7 : i32
        %scan3A_431 = arith.addi %scan3A_228, %scan3A_430 : i32
        %add3A_432 = vector.broadcast %scan3A_431 : i32 to vector<16xi32>
        %add3A_433 = arith.addi %iota3A, %add3A_432 : vector<16xi32>
        %and3A_434 = arith.constant 63 : i32
        %and3A_435 = vector.broadcast %and3A_434 : i32 to vector<16xi32>
        %and3A_436 = arith.andi %add3A_433, %and3A_435 : vector<16xi32>
        %gather3A_437 = arith.constant 0 : i32
        %gather3A_438 = arith.constant 0 : i32
        %gather3A_439 = arith.constant 0 : i32
        %gather3A_440 = tpu.memref_slice %arg8[%gather3A_437, %gather3A_438, %gather3A_439] : memref<2x16x128xf32, #tpu.memory_space<vmem>> -> memref<1x16x128xf32, #tpu.memory_space<vmem>>
        %gather3A_441 = tpu.memref_squeeze %gather3A_440 : memref<1x16x128xf32, #tpu.memory_space<vmem>> -> memref<16x128xf32, #tpu.memory_space<vmem>>
        %gather3A_442 = tpu.vector_load_idx %gather3A_441[%iota3A, %and3A_436] : memref<16x128xf32, #tpu.memory_space<vmem>>[vector<16xi32>, vector<16xi32>], vector<16xf32>,
        %gather3A_443 = arith.constant 0 : i32
        %gather3A_444 = arith.constant 0 : i32
        %gather3A_445 = arith.constant 0 : i32
        %gather3A_446 = tpu.memref_slice %arg10[%gather3A_443, %gather3A_444, %gather3A_445] : memref<2x16x128xf32, #tpu.memory_space<vmem>> -> memref<1x16x128xf32, #tpu.memory_space<vmem>>
        %gather3A_447 = tpu.memref_squeeze %gather3A_446 : memref<1x16x128xf32, #tpu.memory_space<vmem>> -> memref<16x128xf32, #tpu.memory_space<vmem>>
        %gather3A_448 = tpu.vector_load_idx %gather3A_447[%iota3A, %and3A_436] : memref<16x128xf32, #tpu.memory_space<vmem>>[vector<16xi32>, vector<16xi32>], vector<16xf32>,
        %gather3A_449 = arith.constant 0 : i32
        %gather3A_450 = arith.constant 0 : i32
        %gather3A_451 = arith.constant 0 : i32
        %gather3A_452 = tpu.memref_slice %arg9[%gather3A_449, %gather3A_450, %gather3A_451] : memref<2x16x64xf32, #tpu.memory_space<vmem>> -> memref<1x16x64xf32, #tpu.memory_space<vmem>>
        %gather3A_453 = tpu.memref_squeeze %gather3A_452 : memref<1x16x64xf32, #tpu.memory_space<vmem>> -> memref<16x64xf32, #tpu.memory_space<vmem>>
        %gather3A_454 = tpu.vector_load_idx %gather3A_453[%iota3A, %and3A_436] : memref<16x64xf32, #tpu.memory_space<vmem>>[vector<16xi32>, vector<16xi32>], vector<16xf32>,
        %mul3A_455 = arith.mulf %gather3A_442, %gather3A_448 : vector<16xf32>
        %add3A_456 = arith.addf %add3A_427, %mul3A_455 : vector<16xf32>
        %mul3A_457 = arith.mulf %gather3A_442, %gather3A_454 : vector<16xf32>
        %add3A_458 = arith.addf %add3A_429, %mul3A_457 : vector<16xf32>
        scf.yield %add3A_456, %add3A_458 : vector<16xf32>, vector<16xf32>
      }
      %scan3A_147 = arith.constant 64 : i32
      %neg3A = arith.constant 0.000000e+00 : f32
      %neg3A_148 = vector.broadcast %neg3A : f32 to vector<16xf32>
      %neg3A_149 = arith.subf %neg3A_148, %scan3A_146#0 : vector<16xf32>
      %mul3A_150 = arith.constant 16 : i32
      %mul3A_151 = arith.muli %mul3A_53, %mul3A_150 : i32
      %swap3A = arith.index_cast %mul3A_151 : i32 to index
      %swap3A_152 = tpu.vector_load %arg11[%swap3A] {strides = array<i32>} : memref<512xf32, #tpu.memory_space<vmem>>, vector<16xf32>,
      tpu.vector_store %arg11[%swap3A], %neg3A_149 {strides = array<i32>} : memref<512xf32, #tpu.memory_space<vmem>>, vector<16xf32>,
      %mul3A_153 = arith.constant 16 : i32
      %mul3A_154 = arith.muli %mul3A_53, %mul3A_153 : i32
      %swap3A_155 = arith.index_cast %mul3A_154 : i32 to index
      %swap3A_156 = tpu.vector_load %arg12[%swap3A_155] {strides = array<i32>} : memref<512xf32, #tpu.memory_space<vmem>>, vector<16xf32>,
      tpu.vector_store %arg12[%swap3A_155], %scan3A_146#1 {strides = array<i32>} : memref<512xf32, #tpu.memory_space<vmem>>, vector<16xf32>,
      %add3A_157 = arith.constant 2 : i32
      %add3A_158 = arith.addi %mul3A_53, %add3A_157 : i32
      %lt3A = arith.constant 32 : i32
      %lt3A_159 = arith.cmpi slt, %add3A_158, %lt3A : i32
      %convert_element_type3A = arith.extui %lt3A_159 : i1 to i32
      %cond3A = arith.constant 0 : i32
      %cond3A_160 = arith.cmpi ne, %convert_element_type3A, %cond3A : i32
      scf.if %cond3A_160 {
        %add3A_228 = arith.constant 2 : i32
        %add3A_229 = arith.addi %mul3A_53, %add3A_228 : i32
        %mul3A_230 = arith.constant 16 : i32
        %mul3A_231 = arith.muli %add3A_229, %mul3A_230 : i32
        %dma_start3A_232 = arith.constant 0 : i32
        %dma_start3A_233 = arith.constant 0 : i32
        %dma_start3A_234 = arith.constant 0 : i32
        %dma_start3A_235 = tpu.memref_slice %arg8[%dma_start3A_232, %dma_start3A_233, %dma_start3A_234] : memref<2x16x128xf32, #tpu.memory_space<vmem>> -> memref<1x16x128xf32, #tpu.memory_space<vmem>>
        %dma_start3A_236 = tpu.memref_squeeze %dma_start3A_235 : memref<1x16x128xf32, #tpu.memory_space<vmem>> -> memref<16x128xf32, #tpu.memory_space<vmem>>
        %dma_start3A_237 = tpu.memref_slice %arg7[%mul3A_231] : memref<512xi32, #tpu.memory_space<vmem>> -> memref<16xi32, #tpu.memory_space<vmem>>
        %dma_start3A_238 = arith.constant 0 : i32
        %dma_start3A_239 = arith.constant 0 : i32
        %dma_start3A_240 = tpu.memref_slice %arg2[%dma_start3A_238, %dma_start3A_239] : memref<1000000x128xf32, #tpu.memory_space<hbm>> -> memref<1000000x128xf32, #tpu.memory_space<hbm>>
        tpu.enqueue_indirect_dma source(%dma_start3A_240 : memref<1000000x128xf32, #tpu.memory_space<hbm>>) target(%dma_start3A_236 : memref<16x128xf32, #tpu.memory_space<vmem>>) offsets(%dma_start3A_237 : memref<16xi32, #tpu.memory_space<vmem>>) semaphore(%arg13 : memref<!tpu.dma_semaphore, #tpu.memory_space<semaphore_mem>>)
        %mul3A_241 = arith.constant 16 : i32
        %mul3A_242 = arith.muli %add3A_229, %mul3A_241 : i32
        %add3A_243 = arith.addi %mul3A_2, %mul3A_242 : i32
        %dma_start3A_244 = arith.constant 0 : i32
        %dma_start3A_245 = arith.constant 0 : i32
        %dma_start3A_246 = arith.constant 0 : i32
        %dma_start3A_247 = tpu.memref_slice %arg9[%dma_start3A_244, %dma_start3A_245, %dma_start3A_246] : memref<2x16x64xf32, #tpu.memory_space<vmem>> -> memref<1x16x64xf32, #tpu.memory_space<vmem>>
        %dma_start3A_248 = tpu.memref_squeeze %dma_start3A_247 : memref<1x16x64xf32, #tpu.memory_space<vmem>> -> memref<16x64xf32, #tpu.memory_space<vmem>>
        %dma_start3A_249 = arith.constant 0 : i32
        %dma_start3A_250 = tpu.memref_slice %arg4[%add3A_243, %dma_start3A_249] : memref<16384x64xf32, #tpu.memory_space<hbm>> -> memref<16x64xf32, #tpu.memory_space<hbm>>
        %dma_start3A_251 = arith.constant 0 : i32
        %dma_start3A_252 = arith.constant 0 : i32
        %dma_start3A_253 = tpu.memref_slice %arg9[%dma_start3A_244, %dma_start3A_251, %dma_start3A_252] : memref<2x16x64xf32, #tpu.memory_space<vmem>> -> memref<1x16x64xf32, #tpu.memory_space<vmem>>
        %dma_start3A_254 = tpu.memref_squeeze %dma_start3A_253 : memref<1x16x64xf32, #tpu.memory_space<vmem>> -> memref<16x64xf32, #tpu.memory_space<vmem>>
        %dma_start3A_255 = arith.constant 0 : i32
        %dma_start3A_256 = tpu.memref_slice %arg4[%add3A_243, %dma_start3A_255] : memref<16384x64xf32, #tpu.memory_space<hbm>> -> memref<16x64xf32, #tpu.memory_space<hbm>>
        tpu.enqueue_dma source(%dma_start3A_256 : memref<16x64xf32, #tpu.memory_space<hbm>>) target(%dma_start3A_254 : memref<16x64xf32, #tpu.memory_space<vmem>>) target_semaphore(%arg13 : memref<!tpu.dma_semaphore, #tpu.memory_space<semaphore_mem>>)
        %mul3A_257 = arith.constant 16 : i32
        %mul3A_258 = arith.muli %add3A_229, %mul3A_257 : i32
        %add3A_259 = arith.addi %mul3A_2, %mul3A_258 : i32
        %dma_start3A_260 = arith.constant 0 : i32
        %dma_start3A_261 = arith.constant 0 : i32
        %dma_start3A_262 = arith.constant 0 : i32
        %dma_start3A_263 = tpu.memref_slice %arg10[%dma_start3A_260, %dma_start3A_261, %dma_start3A_262] : memref<2x16x128xf32, #tpu.memory_space<vmem>> -> memref<1x16x128xf32, #tpu.memory_space<vmem>>
        %dma_start3A_264 = tpu.memref_squeeze %dma_start3A_263 : memref<1x16x128xf32, #tpu.memory_space<vmem>> -> memref<16x128xf32, #tpu.memory_space<vmem>>
        %dma_start3A_265 = arith.constant 0 : i32
        %dma_start3A_266 = tpu.memref_slice %arg5[%add3A_259, %dma_start3A_265] : memref<16384x128xf32, #tpu.memory_space<hbm>> -> memref<16x128xf32, #tpu.memory_space<hbm>>
        %dma_start3A_267 = arith.constant 0 : i32
        %dma_start3A_268 = arith.constant 0 : i32
        %dma_start3A_269 = tpu.memref_slice %arg10[%dma_start3A_260, %dma_start3A_267, %dma_start3A_268] : memref<2x16x128xf32, #tpu.memory_space<vmem>> -> memref<1x16x128xf32, #tpu.memory_space<vmem>>
        %dma_start3A_270 = tpu.memref_squeeze %dma_start3A_269 : memref<1x16x128xf32, #tpu.memory_space<vmem>> -> memref<16x128xf32, #tpu.memory_space<vmem>>
        %dma_start3A_271 = arith.constant 0 : i32
        %dma_start3A_272 = tpu.memref_slice %arg5[%add3A_259, %dma_start3A_271] : memref<16384x128xf32, #tpu.memory_space<hbm>> -> memref<16x128xf32, #tpu.memory_space<hbm>>
        tpu.enqueue_dma source(%dma_start3A_272 : memref<16x128xf32, #tpu.memory_space<hbm>>) target(%dma_start3A_270 : memref<16x128xf32, #tpu.memory_space<vmem>>) target_semaphore(%arg13 : memref<!tpu.dma_semaphore, #tpu.memory_space<semaphore_mem>>)
      } else {
      }
      %add3A_161 = arith.constant 1 : i32
      %add3A_162 = arith.addi %mul3A_53, %add3A_161 : i32
      %mul3A_163 = arith.constant 16 : i32
      %mul3A_164 = arith.muli %add3A_162, %mul3A_163 : i32
      %dma_wait3A_165 = arith.constant 1 : i32
      %dma_wait3A_166 = arith.constant 0 : i32
      %dma_wait3A_167 = arith.constant 0 : i32
      %dma_wait3A_168 = tpu.memref_slice %arg8[%dma_wait3A_165, %dma_wait3A_166, %dma_wait3A_167] : memref<2x16x128xf32, #tpu.memory_space<vmem>> -> memref<1x16x128xf32, #tpu.memory_space<vmem>>
      %dma_wait3A_169 = tpu.memref_squeeze %dma_wait3A_168 : memref<1x16x128xf32, #tpu.memory_space<vmem>> -> memref<16x128xf32, #tpu.memory_space<vmem>>
      %dma_wait3A_170 = tpu.memref_slice %arg7[%mul3A_164] : memref<512xi32, #tpu.memory_space<vmem>> -> memref<16xi32, #tpu.memory_space<vmem>>
      %dma_wait3A_171 = arith.constant 0 : i32
      %dma_wait3A_172 = arith.constant 0 : i32
      %dma_wait3A_173 = tpu.memref_slice %arg2[%dma_wait3A_171, %dma_wait3A_172] : memref<1000000x128xf32, #tpu.memory_space<hbm>> -> memref<1000000x128xf32, #tpu.memory_space<hbm>>
      tpu.wait_indirect_dma semaphore(%arg14 : memref<!tpu.dma_semaphore, #tpu.memory_space<semaphore_mem>>) src(%dma_wait3A_173 : memref<1000000x128xf32, #tpu.memory_space<hbm>>) dst(%dma_wait3A_169 : memref<16x128xf32, #tpu.memory_space<vmem>>)
      %mul3A_174 = arith.constant 16 : i32
      %mul3A_175 = arith.muli %add3A_162, %mul3A_174 : i32
      %add3A_176 = arith.addi %mul3A_2, %mul3A_175 : i32
      %dma_wait3A_177 = arith.constant 1 : i32
      %dma_wait3A_178 = arith.constant 0 : i32
      %dma_wait3A_179 = arith.constant 0 : i32
      %dma_wait3A_180 = tpu.memref_slice %arg9[%dma_wait3A_177, %dma_wait3A_178, %dma_wait3A_179] : memref<2x16x64xf32, #tpu.memory_space<vmem>> -> memref<1x16x64xf32, #tpu.memory_space<vmem>>
      %dma_wait3A_181 = tpu.memref_squeeze %dma_wait3A_180 : memref<1x16x64xf32, #tpu.memory_space<vmem>> -> memref<16x64xf32, #tpu.memory_space<vmem>>
      %dma_wait3A_182 = arith.constant 0 : i32
      %dma_wait3A_183 = tpu.memref_slice %arg4[%add3A_176, %dma_wait3A_182] : memref<16384x64xf32, #tpu.memory_space<hbm>> -> memref<16x64xf32, #tpu.memory_space<hbm>>
      %dma_wait3A_184 = arith.constant 0 : i32
      %dma_wait3A_185 = arith.constant 0 : i32
      %dma_wait3A_186 = tpu.memref_slice %arg9[%dma_wait3A_177, %dma_wait3A_184, %dma_wait3A_185] : memref<2x16x64xf32, #tpu.memory_space<vmem>> -> memref<1x16x64xf32, #tpu.memory_space<vmem>>
      %dma_wait3A_187 = tpu.memref_squeeze %dma_wait3A_186 : memref<1x16x64xf32, #tpu.memory_space<vmem>> -> memref<16x64xf32, #tpu.memory_space<vmem>>
      %dma_wait3A_188 = arith.constant 0 : i32
      %dma_wait3A_189 = tpu.memref_slice %arg4[%add3A_176, %dma_wait3A_188] : memref<16384x64xf32, #tpu.memory_space<hbm>> -> memref<16x64xf32, #tpu.memory_space<hbm>>
      tpu.wait_dma2 semaphore(%arg14 : memref<!tpu.dma_semaphore, #tpu.memory_space<semaphore_mem>>) src(%dma_wait3A_189 : memref<16x64xf32, #tpu.memory_space<hbm>>) dst(%dma_wait3A_187 : memref<16x64xf32, #tpu.memory_space<vmem>>)
      %mul3A_190 = arith.constant 16 : i32
      %mul3A_191 = arith.muli %add3A_162, %mul3A_190 : i32
      %add3A_192 = arith.addi %mul3A_2, %mul3A_191 : i32
      %dma_wait3A_193 = arith.constant 1 : i32
      %dma_wait3A_194 = arith.constant 0 : i32
      %dma_wait3A_195 = arith.constant 0 : i32
      %dma_wait3A_196 = tpu.memref_slice %arg10[%dma_wait3A_193, %dma_wait3A_194, %dma_wait3A_195] : memref<2x16x128xf32, #tpu.memory_space<vmem>> -> memref<1x16x128xf32, #tpu.memory_space<vmem>>
      %dma_wait3A_197 = tpu.memref_squeeze %dma_wait3A_196 : memref<1x16x128xf32, #tpu.memory_space<vmem>> -> memref<16x128xf32, #tpu.memory_space<vmem>>
      %dma_wait3A_198 = arith.constant 0 : i32
      %dma_wait3A_199 = tpu.memref_slice %arg5[%add3A_192, %dma_wait3A_198] : memref<16384x128xf32, #tpu.memory_space<hbm>> -> memref<16x128xf32, #tpu.memory_space<hbm>>
      %dma_wait3A_200 = arith.constant 0 : i32
      %dma_wait3A_201 = arith.constant 0 : i32
      %dma_wait3A_202 = tpu.memref_slice %arg10[%dma_wait3A_193, %dma_wait3A_200, %dma_wait3A_201] : memref<2x16x128xf32, #tpu.memory_space<vmem>> -> memref<1x16x128xf32, #tpu.memory_space<vmem>>
      %dma_wait3A_203 = tpu.memref_squeeze %dma_wait3A_202 : memref<1x16x128xf32, #tpu.memory_space<vmem>> -> memref<16x128xf32, #tpu.memory_space<vmem>>
      %dma_wait3A_204 = arith.constant 0 : i32
      %dma_wait3A_205 = tpu.memref_slice %arg5[%add3A_192, %dma_wait3A_204] : memref<16384x128xf32, #tpu.memory_space<hbm>> -> memref<16x128xf32, #tpu.memory_space<hbm>>
      tpu.wait_dma2 semaphore(%arg14 : memref<!tpu.dma_semaphore, #tpu.memory_space<semaphore_mem>>) src(%dma_wait3A_205 : memref<16x128xf32, #tpu.memory_space<hbm>>) dst(%dma_wait3A_203 : memref<16x128xf32, #tpu.memory_space<vmem>>)
      %add3A_206 = arith.constant 1 : i32
      %add3A_207 = arith.addi %mul3A_53, %add3A_206 : i32
      %broadcast_in_dim3A_208 = arith.constant 0.000000e+00 : f32
      %broadcast_in_dim3A_209 = vector.broadcast %broadcast_in_dim3A_208 : f32 to vector<16xf32>
      %scan3A_210 = arith.constant 0 : i32
      %scan3A_211 = arith.constant 64 : i32
      %scan3A_212 = arith.addi %scan3A_210, %scan3A_211 : i32
      %scan3A_213 = arith.constant 8 : i32
      %scan3A_214:2 = scf.for %scan3A_228 = %scan3A_210 to %scan3A_212 step %scan3A_213 iter_args(%scan3A_229 = %broadcast_in_dim3A_209, %scan3A_230 = %broadcast_in_dim3A_209) -> (vector<16xf32>, vector<16xf32>)  : i32 {
        %add3A_231 = vector.broadcast %scan3A_228 : i32 to vector<16xi32>
        %add3A_232 = arith.addi %iota3A, %add3A_231 : vector<16xi32>
        %and3A = arith.constant 63 : i32
        %and3A_233 = vector.broadcast %and3A : i32 to vector<16xi32>
        %and3A_234 = arith.andi %add3A_232, %and3A_233 : vector<16xi32>
        %gather3A = arith.constant 1 : i32
        %gather3A_235 = arith.constant 0 : i32
        %gather3A_236 = arith.constant 0 : i32
        %gather3A_237 = tpu.memref_slice %arg8[%gather3A, %gather3A_235, %gather3A_236] : memref<2x16x128xf32, #tpu.memory_space<vmem>> -> memref<1x16x128xf32, #tpu.memory_space<vmem>>
        %gather3A_238 = tpu.memref_squeeze %gather3A_237 : memref<1x16x128xf32, #tpu.memory_space<vmem>> -> memref<16x128xf32, #tpu.memory_space<vmem>>
        %gather3A_239 = tpu.vector_load_idx %gather3A_238[%iota3A, %and3A_234] : memref<16x128xf32, #tpu.memory_space<vmem>>[vector<16xi32>, vector<16xi32>], vector<16xf32>,
        %gather3A_240 = arith.constant 1 : i32
        %gather3A_241 = arith.constant 0 : i32
        %gather3A_242 = arith.constant 0 : i32
        %gather3A_243 = tpu.memref_slice %arg10[%gather3A_240, %gather3A_241, %gather3A_242] : memref<2x16x128xf32, #tpu.memory_space<vmem>> -> memref<1x16x128xf32, #tpu.memory_space<vmem>>
        %gather3A_244 = tpu.memref_squeeze %gather3A_243 : memref<1x16x128xf32, #tpu.memory_space<vmem>> -> memref<16x128xf32, #tpu.memory_space<vmem>>
        %gather3A_245 = tpu.vector_load_idx %gather3A_244[%iota3A, %and3A_234] : memref<16x128xf32, #tpu.memory_space<vmem>>[vector<16xi32>, vector<16xi32>], vector<16xf32>,
        %gather3A_246 = arith.constant 1 : i32
        %gather3A_247 = arith.constant 0 : i32
        %gather3A_248 = arith.constant 0 : i32
        %gather3A_249 = tpu.memref_slice %arg9[%gather3A_246, %gather3A_247, %gather3A_248] : memref<2x16x64xf32, #tpu.memory_space<vmem>> -> memref<1x16x64xf32, #tpu.memory_space<vmem>>
        %gather3A_250 = tpu.memref_squeeze %gather3A_249 : memref<1x16x64xf32, #tpu.memory_space<vmem>> -> memref<16x64xf32, #tpu.memory_space<vmem>>
        %gather3A_251 = tpu.vector_load_idx %gather3A_250[%iota3A, %and3A_234] : memref<16x64xf32, #tpu.memory_space<vmem>>[vector<16xi32>, vector<16xi32>], vector<16xf32>,
        %mul3A_252 = arith.mulf %gather3A_239, %gather3A_245 : vector<16xf32>
        %add3A_253 = arith.addf %scan3A_229, %mul3A_252 : vector<16xf32>
        %mul3A_254 = arith.mulf %gather3A_239, %gather3A_251 : vector<16xf32>
        %add3A_255 = arith.addf %scan3A_230, %mul3A_254 : vector<16xf32>
        %scan3A_256 = arith.constant 1 : i32
        %scan3A_257 = arith.addi %scan3A_228, %scan3A_256 : i32
        %add3A_258 = vector.broadcast %scan3A_257 : i32 to vector<16xi32>
        %add3A_259 = arith.addi %iota3A, %add3A_258 : vector<16xi32>
        %and3A_260 = arith.constant 63 : i32
        %and3A_261 = vector.broadcast %and3A_260 : i32 to vector<16xi32>
        %and3A_262 = arith.andi %add3A_259, %and3A_261 : vector<16xi32>
        %gather3A_263 = arith.constant 1 : i32
        %gather3A_264 = arith.constant 0 : i32
        %gather3A_265 = arith.constant 0 : i32
        %gather3A_266 = tpu.memref_slice %arg8[%gather3A_263, %gather3A_264, %gather3A_265] : memref<2x16x128xf32, #tpu.memory_space<vmem>> -> memref<1x16x128xf32, #tpu.memory_space<vmem>>
        %gather3A_267 = tpu.memref_squeeze %gather3A_266 : memref<1x16x128xf32, #tpu.memory_space<vmem>> -> memref<16x128xf32, #tpu.memory_space<vmem>>
        %gather3A_268 = tpu.vector_load_idx %gather3A_267[%iota3A, %and3A_262] : memref<16x128xf32, #tpu.memory_space<vmem>>[vector<16xi32>, vector<16xi32>], vector<16xf32>,
        %gather3A_269 = arith.constant 1 : i32
        %gather3A_270 = arith.constant 0 : i32
        %gather3A_271 = arith.constant 0 : i32
        %gather3A_272 = tpu.memref_slice %arg10[%gather3A_269, %gather3A_270, %gather3A_271] : memref<2x16x128xf32, #tpu.memory_space<vmem>> -> memref<1x16x128xf32, #tpu.memory_space<vmem>>
        %gather3A_273 = tpu.memref_squeeze %gather3A_272 : memref<1x16x128xf32, #tpu.memory_space<vmem>> -> memref<16x128xf32, #tpu.memory_space<vmem>>
        %gather3A_274 = tpu.vector_load_idx %gather3A_273[%iota3A, %and3A_262] : memref<16x128xf32, #tpu.memory_space<vmem>>[vector<16xi32>, vector<16xi32>], vector<16xf32>,
        %gather3A_275 = arith.constant 1 : i32
        %gather3A_276 = arith.constant 0 : i32
        %gather3A_277 = arith.constant 0 : i32
        %gather3A_278 = tpu.memref_slice %arg9[%gather3A_275, %gather3A_276, %gather3A_277] : memref<2x16x64xf32, #tpu.memory_space<vmem>> -> memref<1x16x64xf32, #tpu.memory_space<vmem>>
        %gather3A_279 = tpu.memref_squeeze %gather3A_278 : memref<1x16x64xf32, #tpu.memory_space<vmem>> -> memref<16x64xf32, #tpu.memory_space<vmem>>
        %gather3A_280 = tpu.vector_load_idx %gather3A_279[%iota3A, %and3A_262] : memref<16x64xf32, #tpu.memory_space<vmem>>[vector<16xi32>, vector<16xi32>], vector<16xf32>,
        %mul3A_281 = arith.mulf %gather3A_268, %gather3A_274 : vector<16xf32>
        %add3A_282 = arith.addf %add3A_253, %mul3A_281 : vector<16xf32>
        %mul3A_283 = arith.mulf %gather3A_268, %gather3A_280 : vector<16xf32>
        %add3A_284 = arith.addf %add3A_255, %mul3A_283 : vector<16xf32>
        %scan3A_285 = arith.constant 2 : i32
        %scan3A_286 = arith.addi %scan3A_228, %scan3A_285 : i32
        %add3A_287 = vector.broadcast %scan3A_286 : i32 to vector<16xi32>
        %add3A_288 = arith.addi %iota3A, %add3A_287 : vector<16xi32>
        %and3A_289 = arith.constant 63 : i32
        %and3A_290 = vector.broadcast %and3A_289 : i32 to vector<16xi32>
        %and3A_291 = arith.andi %add3A_288, %and3A_290 : vector<16xi32>
        %gather3A_292 = arith.constant 1 : i32
        %gather3A_293 = arith.constant 0 : i32
        %gather3A_294 = arith.constant 0 : i32
        %gather3A_295 = tpu.memref_slice %arg8[%gather3A_292, %gather3A_293, %gather3A_294] : memref<2x16x128xf32, #tpu.memory_space<vmem>> -> memref<1x16x128xf32, #tpu.memory_space<vmem>>
        %gather3A_296 = tpu.memref_squeeze %gather3A_295 : memref<1x16x128xf32, #tpu.memory_space<vmem>> -> memref<16x128xf32, #tpu.memory_space<vmem>>
        %gather3A_297 = tpu.vector_load_idx %gather3A_296[%iota3A, %and3A_291] : memref<16x128xf32, #tpu.memory_space<vmem>>[vector<16xi32>, vector<16xi32>], vector<16xf32>,
        %gather3A_298 = arith.constant 1 : i32
        %gather3A_299 = arith.constant 0 : i32
        %gather3A_300 = arith.constant 0 : i32
        %gather3A_301 = tpu.memref_slice %arg10[%gather3A_298, %gather3A_299, %gather3A_300] : memref<2x16x128xf32, #tpu.memory_space<vmem>> -> memref<1x16x128xf32, #tpu.memory_space<vmem>>
        %gather3A_302 = tpu.memref_squeeze %gather3A_301 : memref<1x16x128xf32, #tpu.memory_space<vmem>> -> memref<16x128xf32, #tpu.memory_space<vmem>>
        %gather3A_303 = tpu.vector_load_idx %gather3A_302[%iota3A, %and3A_291] : memref<16x128xf32, #tpu.memory_space<vmem>>[vector<16xi32>, vector<16xi32>], vector<16xf32>,
        %gather3A_304 = arith.constant 1 : i32
        %gather3A_305 = arith.constant 0 : i32
        %gather3A_306 = arith.constant 0 : i32
        %gather3A_307 = tpu.memref_slice %arg9[%gather3A_304, %gather3A_305, %gather3A_306] : memref<2x16x64xf32, #tpu.memory_space<vmem>> -> memref<1x16x64xf32, #tpu.memory_space<vmem>>
        %gather3A_308 = tpu.memref_squeeze %gather3A_307 : memref<1x16x64xf32, #tpu.memory_space<vmem>> -> memref<16x64xf32, #tpu.memory_space<vmem>>
        %gather3A_309 = tpu.vector_load_idx %gather3A_308[%iota3A, %and3A_291] : memref<16x64xf32, #tpu.memory_space<vmem>>[vector<16xi32>, vector<16xi32>], vector<16xf32>,
        %mul3A_310 = arith.mulf %gather3A_297, %gather3A_303 : vector<16xf32>
        %add3A_311 = arith.addf %add3A_282, %mul3A_310 : vector<16xf32>
        %mul3A_312 = arith.mulf %gather3A_297, %gather3A_309 : vector<16xf32>
        %add3A_313 = arith.addf %add3A_284, %mul3A_312 : vector<16xf32>
        %scan3A_314 = arith.constant 3 : i32
        %scan3A_315 = arith.addi %scan3A_228, %scan3A_314 : i32
        %add3A_316 = vector.broadcast %scan3A_315 : i32 to vector<16xi32>
        %add3A_317 = arith.addi %iota3A, %add3A_316 : vector<16xi32>
        %and3A_318 = arith.constant 63 : i32
        %and3A_319 = vector.broadcast %and3A_318 : i32 to vector<16xi32>
        %and3A_320 = arith.andi %add3A_317, %and3A_319 : vector<16xi32>
        %gather3A_321 = arith.constant 1 : i32
        %gather3A_322 = arith.constant 0 : i32
        %gather3A_323 = arith.constant 0 : i32
        %gather3A_324 = tpu.memref_slice %arg8[%gather3A_321, %gather3A_322, %gather3A_323] : memref<2x16x128xf32, #tpu.memory_space<vmem>> -> memref<1x16x128xf32, #tpu.memory_space<vmem>>
        %gather3A_325 = tpu.memref_squeeze %gather3A_324 : memref<1x16x128xf32, #tpu.memory_space<vmem>> -> memref<16x128xf32, #tpu.memory_space<vmem>>
        %gather3A_326 = tpu.vector_load_idx %gather3A_325[%iota3A, %and3A_320] : memref<16x128xf32, #tpu.memory_space<vmem>>[vector<16xi32>, vector<16xi32>], vector<16xf32>,
        %gather3A_327 = arith.constant 1 : i32
        %gather3A_328 = arith.constant 0 : i32
        %gather3A_329 = arith.constant 0 : i32
        %gather3A_330 = tpu.memref_slice %arg10[%gather3A_327, %gather3A_328, %gather3A_329] : memref<2x16x128xf32, #tpu.memory_space<vmem>> -> memref<1x16x128xf32, #tpu.memory_space<vmem>>
        %gather3A_331 = tpu.memref_squeeze %gather3A_330 : memref<1x16x128xf32, #tpu.memory_space<vmem>> -> memref<16x128xf32, #tpu.memory_space<vmem>>
        %gather3A_332 = tpu.vector_load_idx %gather3A_331[%iota3A, %and3A_320] : memref<16x128xf32, #tpu.memory_space<vmem>>[vector<16xi32>, vector<16xi32>], vector<16xf32>,
        %gather3A_333 = arith.constant 1 : i32
        %gather3A_334 = arith.constant 0 : i32
        %gather3A_335 = arith.constant 0 : i32
        %gather3A_336 = tpu.memref_slice %arg9[%gather3A_333, %gather3A_334, %gather3A_335] : memref<2x16x64xf32, #tpu.memory_space<vmem>> -> memref<1x16x64xf32, #tpu.memory_space<vmem>>
        %gather3A_337 = tpu.memref_squeeze %gather3A_336 : memref<1x16x64xf32, #tpu.memory_space<vmem>> -> memref<16x64xf32, #tpu.memory_space<vmem>>
        %gather3A_338 = tpu.vector_load_idx %gather3A_337[%iota3A, %and3A_320] : memref<16x64xf32, #tpu.memory_space<vmem>>[vector<16xi32>, vector<16xi32>], vector<16xf32>,
        %mul3A_339 = arith.mulf %gather3A_326, %gather3A_332 : vector<16xf32>
        %add3A_340 = arith.addf %add3A_311, %mul3A_339 : vector<16xf32>
        %mul3A_341 = arith.mulf %gather3A_326, %gather3A_338 : vector<16xf32>
        %add3A_342 = arith.addf %add3A_313, %mul3A_341 : vector<16xf32>
        %scan3A_343 = arith.constant 4 : i32
        %scan3A_344 = arith.addi %scan3A_228, %scan3A_343 : i32
        %add3A_345 = vector.broadcast %scan3A_344 : i32 to vector<16xi32>
        %add3A_346 = arith.addi %iota3A, %add3A_345 : vector<16xi32>
        %and3A_347 = arith.constant 63 : i32
        %and3A_348 = vector.broadcast %and3A_347 : i32 to vector<16xi32>
        %and3A_349 = arith.andi %add3A_346, %and3A_348 : vector<16xi32>
        %gather3A_350 = arith.constant 1 : i32
        %gather3A_351 = arith.constant 0 : i32
        %gather3A_352 = arith.constant 0 : i32
        %gather3A_353 = tpu.memref_slice %arg8[%gather3A_350, %gather3A_351, %gather3A_352] : memref<2x16x128xf32, #tpu.memory_space<vmem>> -> memref<1x16x128xf32, #tpu.memory_space<vmem>>
        %gather3A_354 = tpu.memref_squeeze %gather3A_353 : memref<1x16x128xf32, #tpu.memory_space<vmem>> -> memref<16x128xf32, #tpu.memory_space<vmem>>
        %gather3A_355 = tpu.vector_load_idx %gather3A_354[%iota3A, %and3A_349] : memref<16x128xf32, #tpu.memory_space<vmem>>[vector<16xi32>, vector<16xi32>], vector<16xf32>,
        %gather3A_356 = arith.constant 1 : i32
        %gather3A_357 = arith.constant 0 : i32
        %gather3A_358 = arith.constant 0 : i32
        %gather3A_359 = tpu.memref_slice %arg10[%gather3A_356, %gather3A_357, %gather3A_358] : memref<2x16x128xf32, #tpu.memory_space<vmem>> -> memref<1x16x128xf32, #tpu.memory_space<vmem>>
        %gather3A_360 = tpu.memref_squeeze %gather3A_359 : memref<1x16x128xf32, #tpu.memory_space<vmem>> -> memref<16x128xf32, #tpu.memory_space<vmem>>
        %gather3A_361 = tpu.vector_load_idx %gather3A_360[%iota3A, %and3A_349] : memref<16x128xf32, #tpu.memory_space<vmem>>[vector<16xi32>, vector<16xi32>], vector<16xf32>,
        %gather3A_362 = arith.constant 1 : i32
        %gather3A_363 = arith.constant 0 : i32
        %gather3A_364 = arith.constant 0 : i32
        %gather3A_365 = tpu.memref_slice %arg9[%gather3A_362, %gather3A_363, %gather3A_364] : memref<2x16x64xf32, #tpu.memory_space<vmem>> -> memref<1x16x64xf32, #tpu.memory_space<vmem>>
        %gather3A_366 = tpu.memref_squeeze %gather3A_365 : memref<1x16x64xf32, #tpu.memory_space<vmem>> -> memref<16x64xf32, #tpu.memory_space<vmem>>
        %gather3A_367 = tpu.vector_load_idx %gather3A_366[%iota3A, %and3A_349] : memref<16x64xf32, #tpu.memory_space<vmem>>[vector<16xi32>, vector<16xi32>], vector<16xf32>,
        %mul3A_368 = arith.mulf %gather3A_355, %gather3A_361 : vector<16xf32>
        %add3A_369 = arith.addf %add3A_340, %mul3A_368 : vector<16xf32>
        %mul3A_370 = arith.mulf %gather3A_355, %gather3A_367 : vector<16xf32>
        %add3A_371 = arith.addf %add3A_342, %mul3A_370 : vector<16xf32>
        %scan3A_372 = arith.constant 5 : i32
        %scan3A_373 = arith.addi %scan3A_228, %scan3A_372 : i32
        %add3A_374 = vector.broadcast %scan3A_373 : i32 to vector<16xi32>
        %add3A_375 = arith.addi %iota3A, %add3A_374 : vector<16xi32>
        %and3A_376 = arith.constant 63 : i32
        %and3A_377 = vector.broadcast %and3A_376 : i32 to vector<16xi32>
        %and3A_378 = arith.andi %add3A_375, %and3A_377 : vector<16xi32>
        %gather3A_379 = arith.constant 1 : i32
        %gather3A_380 = arith.constant 0 : i32
        %gather3A_381 = arith.constant 0 : i32
        %gather3A_382 = tpu.memref_slice %arg8[%gather3A_379, %gather3A_380, %gather3A_381] : memref<2x16x128xf32, #tpu.memory_space<vmem>> -> memref<1x16x128xf32, #tpu.memory_space<vmem>>
        %gather3A_383 = tpu.memref_squeeze %gather3A_382 : memref<1x16x128xf32, #tpu.memory_space<vmem>> -> memref<16x128xf32, #tpu.memory_space<vmem>>
        %gather3A_384 = tpu.vector_load_idx %gather3A_383[%iota3A, %and3A_378] : memref<16x128xf32, #tpu.memory_space<vmem>>[vector<16xi32>, vector<16xi32>], vector<16xf32>,
        %gather3A_385 = arith.constant 1 : i32
        %gather3A_386 = arith.constant 0 : i32
        %gather3A_387 = arith.constant 0 : i32
        %gather3A_388 = tpu.memref_slice %arg10[%gather3A_385, %gather3A_386, %gather3A_387] : memref<2x16x128xf32, #tpu.memory_space<vmem>> -> memref<1x16x128xf32, #tpu.memory_space<vmem>>
        %gather3A_389 = tpu.memref_squeeze %gather3A_388 : memref<1x16x128xf32, #tpu.memory_space<vmem>> -> memref<16x128xf32, #tpu.memory_space<vmem>>
        %gather3A_390 = tpu.vector_load_idx %gather3A_389[%iota3A, %and3A_378] : memref<16x128xf32, #tpu.memory_space<vmem>>[vector<16xi32>, vector<16xi32>], vector<16xf32>,
        %gather3A_391 = arith.constant 1 : i32
        %gather3A_392 = arith.constant 0 : i32
        %gather3A_393 = arith.constant 0 : i32
        %gather3A_394 = tpu.memref_slice %arg9[%gather3A_391, %gather3A_392, %gather3A_393] : memref<2x16x64xf32, #tpu.memory_space<vmem>> -> memref<1x16x64xf32, #tpu.memory_space<vmem>>
        %gather3A_395 = tpu.memref_squeeze %gather3A_394 : memref<1x16x64xf32, #tpu.memory_space<vmem>> -> memref<16x64xf32, #tpu.memory_space<vmem>>
        %gather3A_396 = tpu.vector_load_idx %gather3A_395[%iota3A, %and3A_378] : memref<16x64xf32, #tpu.memory_space<vmem>>[vector<16xi32>, vector<16xi32>], vector<16xf32>,
        %mul3A_397 = arith.mulf %gather3A_384, %gather3A_390 : vector<16xf32>
        %add3A_398 = arith.addf %add3A_369, %mul3A_397 : vector<16xf32>
        %mul3A_399 = arith.mulf %gather3A_384, %gather3A_396 : vector<16xf32>
        %add3A_400 = arith.addf %add3A_371, %mul3A_399 : vector<16xf32>
        %scan3A_401 = arith.constant 6 : i32
        %scan3A_402 = arith.addi %scan3A_228, %scan3A_401 : i32
        %add3A_403 = vector.broadcast %scan3A_402 : i32 to vector<16xi32>
        %add3A_404 = arith.addi %iota3A, %add3A_403 : vector<16xi32>
        %and3A_405 = arith.constant 63 : i32
        %and3A_406 = vector.broadcast %and3A_405 : i32 to vector<16xi32>
        %and3A_407 = arith.andi %add3A_404, %and3A_406 : vector<16xi32>
        %gather3A_408 = arith.constant 1 : i32
        %gather3A_409 = arith.constant 0 : i32
        %gather3A_410 = arith.constant 0 : i32
        %gather3A_411 = tpu.memref_slice %arg8[%gather3A_408, %gather3A_409, %gather3A_410] : memref<2x16x128xf32, #tpu.memory_space<vmem>> -> memref<1x16x128xf32, #tpu.memory_space<vmem>>
        %gather3A_412 = tpu.memref_squeeze %gather3A_411 : memref<1x16x128xf32, #tpu.memory_space<vmem>> -> memref<16x128xf32, #tpu.memory_space<vmem>>
        %gather3A_413 = tpu.vector_load_idx %gather3A_412[%iota3A, %and3A_407] : memref<16x128xf32, #tpu.memory_space<vmem>>[vector<16xi32>, vector<16xi32>], vector<16xf32>,
        %gather3A_414 = arith.constant 1 : i32
        %gather3A_415 = arith.constant 0 : i32
        %gather3A_416 = arith.constant 0 : i32
        %gather3A_417 = tpu.memref_slice %arg10[%gather3A_414, %gather3A_415, %gather3A_416] : memref<2x16x128xf32, #tpu.memory_space<vmem>> -> memref<1x16x128xf32, #tpu.memory_space<vmem>>
        %gather3A_418 = tpu.memref_squeeze %gather3A_417 : memref<1x16x128xf32, #tpu.memory_space<vmem>> -> memref<16x128xf32, #tpu.memory_space<vmem>>
        %gather3A_419 = tpu.vector_load_idx %gather3A_418[%iota3A, %and3A_407] : memref<16x128xf32, #tpu.memory_space<vmem>>[vector<16xi32>, vector<16xi32>], vector<16xf32>,
        %gather3A_420 = arith.constant 1 : i32
        %gather3A_421 = arith.constant 0 : i32
        %gather3A_422 = arith.constant 0 : i32
        %gather3A_423 = tpu.memref_slice %arg9[%gather3A_420, %gather3A_421, %gather3A_422] : memref<2x16x64xf32, #tpu.memory_space<vmem>> -> memref<1x16x64xf32, #tpu.memory_space<vmem>>
        %gather3A_424 = tpu.memref_squeeze %gather3A_423 : memref<1x16x64xf32, #tpu.memory_space<vmem>> -> memref<16x64xf32, #tpu.memory_space<vmem>>
        %gather3A_425 = tpu.vector_load_idx %gather3A_424[%iota3A, %and3A_407] : memref<16x64xf32, #tpu.memory_space<vmem>>[vector<16xi32>, vector<16xi32>], vector<16xf32>,
        %mul3A_426 = arith.mulf %gather3A_413, %gather3A_419 : vector<16xf32>
        %add3A_427 = arith.addf %add3A_398, %mul3A_426 : vector<16xf32>
        %mul3A_428 = arith.mulf %gather3A_413, %gather3A_425 : vector<16xf32>
        %add3A_429 = arith.addf %add3A_400, %mul3A_428 : vector<16xf32>
        %scan3A_430 = arith.constant 7 : i32
        %scan3A_431 = arith.addi %scan3A_228, %scan3A_430 : i32
        %add3A_432 = vector.broadcast %scan3A_431 : i32 to vector<16xi32>
        %add3A_433 = arith.addi %iota3A, %add3A_432 : vector<16xi32>
        %and3A_434 = arith.constant 63 : i32
        %and3A_435 = vector.broadcast %and3A_434 : i32 to vector<16xi32>
        %and3A_436 = arith.andi %add3A_433, %and3A_435 : vector<16xi32>
        %gather3A_437 = arith.constant 1 : i32
        %gather3A_438 = arith.constant 0 : i32
        %gather3A_439 = arith.constant 0 : i32
        %gather3A_440 = tpu.memref_slice %arg8[%gather3A_437, %gather3A_438, %gather3A_439] : memref<2x16x128xf32, #tpu.memory_space<vmem>> -> memref<1x16x128xf32, #tpu.memory_space<vmem>>
        %gather3A_441 = tpu.memref_squeeze %gather3A_440 : memref<1x16x128xf32, #tpu.memory_space<vmem>> -> memref<16x128xf32, #tpu.memory_space<vmem>>
        %gather3A_442 = tpu.vector_load_idx %gather3A_441[%iota3A, %and3A_436] : memref<16x128xf32, #tpu.memory_space<vmem>>[vector<16xi32>, vector<16xi32>], vector<16xf32>,
        %gather3A_443 = arith.constant 1 : i32
        %gather3A_444 = arith.constant 0 : i32
        %gather3A_445 = arith.constant 0 : i32
        %gather3A_446 = tpu.memref_slice %arg10[%gather3A_443, %gather3A_444, %gather3A_445] : memref<2x16x128xf32, #tpu.memory_space<vmem>> -> memref<1x16x128xf32, #tpu.memory_space<vmem>>
        %gather3A_447 = tpu.memref_squeeze %gather3A_446 : memref<1x16x128xf32, #tpu.memory_space<vmem>> -> memref<16x128xf32, #tpu.memory_space<vmem>>
        %gather3A_448 = tpu.vector_load_idx %gather3A_447[%iota3A, %and3A_436] : memref<16x128xf32, #tpu.memory_space<vmem>>[vector<16xi32>, vector<16xi32>], vector<16xf32>,
        %gather3A_449 = arith.constant 1 : i32
        %gather3A_450 = arith.constant 0 : i32
        %gather3A_451 = arith.constant 0 : i32
        %gather3A_452 = tpu.memref_slice %arg9[%gather3A_449, %gather3A_450, %gather3A_451] : memref<2x16x64xf32, #tpu.memory_space<vmem>> -> memref<1x16x64xf32, #tpu.memory_space<vmem>>
        %gather3A_453 = tpu.memref_squeeze %gather3A_452 : memref<1x16x64xf32, #tpu.memory_space<vmem>> -> memref<16x64xf32, #tpu.memory_space<vmem>>
        %gather3A_454 = tpu.vector_load_idx %gather3A_453[%iota3A, %and3A_436] : memref<16x64xf32, #tpu.memory_space<vmem>>[vector<16xi32>, vector<16xi32>], vector<16xf32>,
        %mul3A_455 = arith.mulf %gather3A_442, %gather3A_448 : vector<16xf32>
        %add3A_456 = arith.addf %add3A_427, %mul3A_455 : vector<16xf32>
        %mul3A_457 = arith.mulf %gather3A_442, %gather3A_454 : vector<16xf32>
        %add3A_458 = arith.addf %add3A_429, %mul3A_457 : vector<16xf32>
        scf.yield %add3A_456, %add3A_458 : vector<16xf32>, vector<16xf32>
      }
      %scan3A_215 = arith.constant 64 : i32
      %neg3A_216 = arith.constant 0.000000e+00 : f32
      %neg3A_217 = vector.broadcast %neg3A_216 : f32 to vector<16xf32>
      %neg3A_218 = arith.subf %neg3A_217, %scan3A_214#0 : vector<16xf32>
      %mul3A_219 = arith.constant 16 : i32
      %mul3A_220 = arith.muli %add3A_207, %mul3A_219 : i32
      %swap3A_221 = arith.index_cast %mul3A_220 : i32 to index
      %swap3A_222 = tpu.vector_load %arg11[%swap3A_221] {strides = array<i32>} : memref<512xf32, #tpu.memory_space<vmem>>, vector<16xf32>,
      tpu.vector_store %arg11[%swap3A_221], %neg3A_218 {strides = array<i32>} : memref<512xf32, #tpu.memory_space<vmem>>, vector<16xf32>,
      %mul3A_223 = arith.constant 16 : i32
      %mul3A_224 = arith.muli %add3A_207, %mul3A_223 : i32
      %swap3A_225 = arith.index_cast %mul3A_224 : i32 to index
      %swap3A_226 = tpu.vector_load %arg12[%swap3A_225] {strides = array<i32>} : memref<512xf32, #tpu.memory_space<vmem>>, vector<16xf32>,
      tpu.vector_store %arg12[%swap3A_225], %scan3A_214#1 {strides = array<i32>} : memref<512xf32, #tpu.memory_space<vmem>>, vector<16xf32>,
      %scan3A_227 = arith.constant 0 : i32
      scf.yield %scan3A_227 : i32
    }
    %scan3A_47 = arith.constant 16 : i32
    "tpu.region"() ({
      %run_scoped3A = tpu.sem_alloc : memref<!tpu.dma_semaphore, #tpu.memory_space<semaphore_mem>>
      %dma_start3A_50 = tpu.memref_slice %arg6[%mul3A_2] : memref<32768xf32, #tpu.memory_space<hbm>> -> memref<512xf32, #tpu.memory_space<hbm>>
      %dma_start3A_51 = tpu.memref_slice %arg6[%mul3A_2] : memref<32768xf32, #tpu.memory_space<hbm>> -> memref<512xf32, #tpu.memory_space<hbm>>
      tpu.enqueue_dma source(%arg11 : memref<512xf32, #tpu.memory_space<vmem>>) target(%dma_start3A_51 : memref<512xf32, #tpu.memory_space<hbm>>) target_semaphore(%run_scoped3A : memref<!tpu.dma_semaphore, #tpu.memory_space<semaphore_mem>>)
      %dma_wait3A = tpu.memref_slice %arg6[%mul3A_2] : memref<32768xf32, #tpu.memory_space<hbm>> -> memref<512xf32, #tpu.memory_space<hbm>>
      %dma_wait3A_52 = tpu.memref_slice %arg6[%mul3A_2] : memref<32768xf32, #tpu.memory_space<hbm>> -> memref<512xf32, #tpu.memory_space<hbm>>
      tpu.wait_dma2 semaphore(%run_scoped3A : memref<!tpu.dma_semaphore, #tpu.memory_space<semaphore_mem>>) src(%arg11 : memref<512xf32, #tpu.memory_space<vmem>>) dst(%dma_wait3A_52 : memref<512xf32, #tpu.memory_space<hbm>>)
      tpu.yield
    }) : () -> ()
    %add3A_48 = arith.constant 16384 : i32
    %add3A_49 = arith.addi %add3A_48, %mul3A_2 : i32
    "tpu.region"() ({
      %run_scoped3A = tpu.sem_alloc : memref<!tpu.dma_semaphore, #tpu.memory_space<semaphore_mem>>
      %dma_start3A_50 = tpu.memref_slice %arg6[%add3A_49] : memref<32768xf32, #tpu.memory_space<hbm>> -> memref<512xf32, #tpu.memory_space<hbm>>
      %dma_start3A_51 = tpu.memref_slice %arg6[%add3A_49] : memref<32768xf32, #tpu.memory_space<hbm>> -> memref<512xf32, #tpu.memory_space<hbm>>
      tpu.enqueue_dma source(%arg12 : memref<512xf32, #tpu.memory_space<vmem>>) target(%dma_start3A_51 : memref<512xf32, #tpu.memory_space<hbm>>) target_semaphore(%run_scoped3A : memref<!tpu.dma_semaphore, #tpu.memory_space<semaphore_mem>>)
      %dma_wait3A = tpu.memref_slice %arg6[%add3A_49] : memref<32768xf32, #tpu.memory_space<hbm>> -> memref<512xf32, #tpu.memory_space<hbm>>
      %dma_wait3A_52 = tpu.memref_slice %arg6[%add3A_49] : memref<32768xf32, #tpu.memory_space<hbm>> -> memref<512xf32, #tpu.memory_space<hbm>>
      tpu.wait_dma2 semaphore(%run_scoped3A : memref<!tpu.dma_semaphore, #tpu.memory_space<semaphore_mem>>) src(%arg12 : memref<512xf32, #tpu.memory_space<vmem>>) dst(%dma_wait3A_52 : memref<512xf32, #tpu.memory_space<hbm>>)
      tpu.yield
    }) : () -> ()
    return
  }
}

module attributes {stable_mosaic.version = 14 : i64} {
  func.func @_loss_body(%arg0: memref<128x256xf32, #tpu.memory_space<vmem>>, %arg1: memref<1x1xf32, #tpu.memory_space<smem>>) attributes {dimension_semantics = [], scalar_prefetch = 0 : i64, scratch_operands = 0 : i64, tpu.core_type = #tpu.core_type<tc>} {
    %get3A = arith.constant 0 : index
    %get3A_0 = arith.constant 0 : index
    %get3A_1 = vector.load %arg0[%get3A, %get3A_0] : memref<128x256xf32, #tpu.memory_space<vmem>>, vector<128x256xf32>
    %min3A = arith.constant 0.000000e+00 : f32
    %min3A_2 = vector.broadcast %min3A : f32 to vector<128x256xf32>
    %min3A_3 = arith.minimumf %get3A_1, %min3A_2 : vector<128x256xf32>
    %abs3A = math.absf %get3A_1 : vector<128x256xf32>
    %neg3A = arith.constant 0.000000e+00 : f32
    %neg3A_4 = vector.broadcast %neg3A : f32 to vector<128x256xf32>
    %neg3A_5 = arith.subf %neg3A_4, %abs3A : vector<128x256xf32>
    %exp3A = math.exp %neg3A_5 : vector<128x256xf32>
    %add3A = arith.constant 1.000000e+00 : f32
    %add3A_6 = vector.broadcast %add3A : f32 to vector<128x256xf32>
    %add3A_7 = arith.addf %add3A_6, %exp3A : vector<128x256xf32>
    %log3A = math.log %add3A_7 : vector<128x256xf32>
    %sub3A = arith.subf %min3A_3, %log3A : vector<128x256xf32>
    %reduce_sum3A = vector.shape_cast %sub3A : vector<128x256xf32> to vector<1x128x256xf32>
    %reduce_sum3A_8 = arith.constant dense<0.000000e+00> : vector<1xf32>
    %reduce_sum3A_9 = vector.multi_reduction <add>, %reduce_sum3A, %reduce_sum3A_8 [1, 2] : vector<1x128x256xf32> to vector<1xf32>
    %reduce_sum3A_10 = vector.shape_cast %reduce_sum3A_9 : vector<1xf32> to vector<1x1x1xf32>
    %reduce_sum3A_11 = vector.extract %reduce_sum3A_10[0, 0, 0] : f32 from vector<1x1x1xf32>
    %mul3A = arith.constant 6.10351563E-5 : f32
    %mul3A_12 = arith.mulf %reduce_sum3A_11, %mul3A : f32
    %swap3A = arith.constant 0 : index
    %swap3A_13 = arith.constant 0 : index
    %swap3A_14 = memref.load %arg1[%swap3A, %swap3A_13] : memref<1x1xf32, #tpu.memory_space<smem>>
    memref.store %mul3A_12, %arg1[%swap3A, %swap3A_13] : memref<1x1xf32, #tpu.memory_space<smem>>
    return
  }
}

</mosaic_0001>

<sc_bundles>
// kernel: kernel.5.cloned.1.call-start
scs
__scs_entry_jumppad:
0x0: {  	(pc) =	sbr.rel $0x88, $3  }
0x1: {  	(tag) =	ssettag $0x0;
	lr =	simm.s32 $0x1  }
0x2: {  	[smem:$0x3F9C] =	sst lr;
	_ =	strace $0xD0000000  }
0x3: {  	_ = 	snop  }
0x4: {  	_ = 	snop  }
0x5: {  	_ = 	snop  }
0x6: {  	_ = 	snop  }
0x7: {  	_ = 	snop  }
__scs_overlays_trampoline_lowered:
0x8: {  	[smem:$0x3FAB] =	sst s0  }
0x9: {  	[smem:$0x3FAC] =	sst s1  }
0xa: {  	[smem:$0x3FAD] =	sst s2  }
0xb: {  	[smem:$0x3FAE] =	sst s3  }
0xc: {  	[smem:$0x3FAF] =	sst s4  }
0xd: {  	[smem:$0x3FB0] =	sst s5  }
0xe: {  	[smem:$0x3FB1] =	sst s6  }
0xf: {  	[smem:$0x3FB2] =	sst s7  }
0x10: {  	[smem:$0x3FB3] =	sst s8  }
0x11: {  	[smem:$0x3FB4] =	sst s9;
	s0 =	simm.s32 @!p0 $0x0  }
0x12: {  	s1 =	sld [smem:$0x3F9A];
	s0 =	simm.s32 @p0 $0x1  }
0x13: {  	[smem:$0x3FB5] =	sst s0;
	s0 =	simm.s32 @!p1 $0x0  }
0x14: {  	s2 =	sld [smem:$0x3F99];
	s0 =	simm.s32 @p1 $0x1  }
0x15: {  	[smem:$0x3FB6] =	sst s0;
	s0 =	simm.s32 @!p2 $0x0  }
0x16: {  	s3 =	sld [smem:$0x3FDB];
	s0 =	simm.s32 @p2 $0x1  }
0x17: {  	s4 =	simm.s32 $0x1BF5;
	[smem:$0x3FB8] =	sst s0  }
0x18: {  	s0 =	sld [smem:$0x3F9B];
	_ =	swait.ge [sflag:s4], $0x0  }
0x19: {  	s7 =	sld [smem:$0x3F9C]  }
0x1a: {  	s8 =	sadd.s32 $0xFFFFE003, lr  }
0x1b: {  	s9 =	sadd.s32 $0xFFFFFEF7, lr;
	s5 =	simm.s32 $0xFFFFFFFF;
	p2 =	slt.u32 s8, $0xFFFFF086  }
0x1c: {  	p1 =	slt.u32 s9, $0xF7A;
	s5 =	simm.s32 @!p2 $0x0  }
0x1d: {  	s5 =	simm.s32 @p1 $0x1;
	p0 =	seq.s32 s7, s2  }
0x1e: {  	s7 =	smul.u32 @!p0 $0xF7A, s2;
	p2 =	seq.s32 @!p0 s5, $0x0  }
0x1f: {  	s9 =	smul.u32 $0xF7A, s1;
	s8 =	simm.s32 @!p0 $0x1BF5;
	p2 =	por !p2, p0  }
0x20: {  	[sflag:s8] =	ssyncset.s32 @!p0 $0xFFFFF086;
	s6 =	sadd.s32 @!p0 s3, s7;
	s7 =	simm.s32 @!p0 $0x108  }
0x21: {  	s3 =	sadd.s32 s3, s9;
	s6 =	sadd.s32 @!p0 $0x88, s6;
	s7 =	simm.s32 @p2 $0x1082  }
0x22: {  	[simem:s7], [sflag:s8] =	dma.local @!p0 [hbm:s6], $0xF7A  }
0x23: {  	s9 =	sor.u32 $0xD0000000, s2;
	s6 =	simm.s32 $0x108;
	_ =	swait.ge @!p0 [sflag:s8], $0x0  }
0x24: {  	s3 =	sadd.s32 $0x88, s3;
	s6 =	simm.s32 @!p1 $0x1082;
	[sflag:s4] =	ssyncset.s32 $0xFFFFF086  }
0x25: {  	[simem:s6], [sflag:s4] =	dma.local [hbm:s3], $0xF7A  }
0x26: {  	[smem:$0x3F9C] =	sst s1;
	(tag) =	ssettag s2;
	_ =	strace s9  }
0x27: {  	s1 =	sld [smem:$0x3FAC]  }
0x28: {  	s2 =	sld [smem:$0x3FAD]  }
0x29: {  	s4 =	sld [smem:$0x3FAF]  }
0x2a: {  	p0 =	seq.s32 s5, $0x0;
	s5 =	sld [smem:$0x3FB0]  }
0x2b: {  	s6 =	sld [smem:$0x3FB1]  }
0x2c: {  	s7 =	sld [smem:$0x3FB2]  }
0x2d: {  	s3 =	simm.s32 $0x108;
	s8 =	sld [smem:$0x3FB3]  }
0x2e: {  	s3 =	simm.s32 @!p0 $0x1082;
	s9 =	sld [smem:$0x3FB4]  }
0x2f: {  	lr =	sadd.s32 s0, s3;
	s0 =	sld [smem:$0x3FAB]  }
0x30: {  	s3 =	sld [smem:$0x3FAE]  }
0x31: {  	[smem:$0x3FB7] =	sst s10  }
0x32: {  	s10 =	sld [smem:$0x3FB5];
	_ =	sdelay $0x3  }
0x33: {  	p0 =	seq.s32 s10, $0x1;
	s10 =	sld [smem:$0x3FB7];
	_ =	sdelay $0x3  }
0x34: {  	[smem:$0x3FB7] =	sst s10  }
0x35: {  	s10 =	sld [smem:$0x3FB6];
	_ =	sdelay $0x3  }
0x36: {  	p1 =	seq.s32 s10, $0x1;
	s10 =	sld [smem:$0x3FB7];
	_ =	sdelay $0x3  }
0x37: {  	[smem:$0x3FB7] =	sst s10  }
0x38: {  	s10 =	sld [smem:$0x3FB8]  }
0x39: {  	_ = 	snop;
	(pc) =	sbr.ind lr, $3  }
0x3a: {  	_ = 	snop  }
0x3b: {  	_ = 	snop  }
0x3c: {  	p2 =	seq.s32 s10, $0x1;
	s10 =	sld [smem:$0x3FB7]  }
0x3d: {  	_ =	shalt  }
0x3e: {  	_ =	shalt  }
0x3f: {  	_ =	shalt  }
0x40: {  	_ =	shalt  }
0x41: {  	_ =	shalt  }
0x42: {  	_ =	shalt  }
0x43: {  	_ =	shalt  }
0x44: {  	_ =	shalt  }
0x45: {  	_ =	shalt  }
0x46: {  	_ =	shalt  }
0x47: {  	_ =	shalt  }
0x48: {  	_ =	shalt  }
0x49: {  	_ =	shalt  }
0x4a: {  	_ =	shalt  }
0x4b: {  	_ =	shalt  }
0x4c: {  	_ =	shalt  }
0x4d: {  	_ =	shalt  }
0x4e: {  	_ =	shalt  }
0x4f: {  	_ =	shalt  }
0x50: {  	_ =	shalt  }
0x51: {  	_ =	shalt  }
0x52: {  	_ =	shalt  }
0x53: {  	_ =	shalt  }
0x54: {  	_ =	shalt  }
0x55: {  	_ =	shalt  }
0x56: {  	_ =	shalt  }
0x57: {  	_ =	shalt  }
0x58: {  	_ =	shalt  }
0x59: {  	_ =	shalt  }
0x5a: {  	_ =	shalt  }
0x5b: {  	_ =	shalt  }
0x5c: {  	_ =	shalt  }
0x5d: {  	_ =	shalt  }
0x5e: {  	_ =	shalt  }
0x5f: {  	_ =	shalt  }
0x60: {  	_ =	shalt  }
0x61: {  	_ =	shalt  }
0x62: {  	_ =	shalt  }
0x63: {  	_ =	shalt  }
0x64: {  	_ =	shalt  }
0x65: {  	_ =	shalt  }
0x66: {  	_ =	shalt  }
0x67: {  	_ =	shalt  }
0x68: {  	_ =	shalt  }
0x69: {  	_ =	shalt  }
0x6a: {  	_ =	shalt  }
0x6b: {  	_ =	shalt  }
0x6c: {  	_ =	shalt  }
0x6d: {  	_ =	shalt  }
0x6e: {  	_ =	shalt  }
0x6f: {  	_ =	shalt  }
0x70: {  	_ =	shalt  }
0x71: {  	_ =	shalt  }
0x72: {  	_ =	shalt  }
0x73: {  	_ =	shalt  }
0x74: {  	_ =	shalt  }
0x75: {  	_ =	shalt  }
0x76: {  	_ =	shalt  }
0x77: {  	_ =	shalt  }
0x78: {  	_ =	shalt  }
0x79: {  	_ =	shalt  }
0x7a: {  	_ =	shalt  }
0x7b: {  	_ =	shalt  }
0x7c: {  	_ =	shalt  }
0x7d: {  	_ =	shalt  }
0x7e: {  	_ =	shalt  }
0x7f: {  	_ =	shalt  }
0x80: {  	_ =	shalt  }
0x81: {  	_ =	shalt  }
0x82: {  	_ =	shalt  }
0x83: {  	_ =	shalt  }
0x84: {  	_ =	shalt  }
0x85: {  	_ =	shalt  }
0x86: {  	_ =	shalt  }
0x87: {  	_ =	shalt  }
.Lfunc_end0:
.L_simem_size_0:
called_computation_lowered:
.L_overlay_start_0:
0x88: {  	s2 =	sld [smem:$0x3FD9]  }
0x89: {  	s3 =	sld [smem:$0x3FFE];
	_ =	sdelay $0x1  }
0x8a: {  	s1 =	srdreg.scid  }
0x8b: {  	s0 =	sand.u32 $0x1, s1  }
0x8c: {  	s17 =	sshll.u32 s0, $0xA;
	s2 =	sadd.s32 s3, s2  }
0x8d: {  	s2 =	sadd.s32 s2, s17  }
0x8e: {  	[smem:$0x3FC3] =	sst s2  }
0x8f: {  	_ = 	snop  }
0x90: {  	s2 =	sld [smem:$0x3FC6];
	(tm) =	ssettm $0x1  }
0x91: {  	s18 =	sld [smem:$0x3FFB];
	_ =	sdelay $0x3  }
0x92: {  	_ =	strace s18  }
0x93: {  	s3 =	sld [smem:$0x3FFC];
	_ =	sdelay $0x3  }
0x94: {  	_ =	strace s3  }
0x95: {  	s3 =	sld [smem:$0x3FFD];
	_ =	sdelay $0x3  }
0x96: {  	_ =	strace s3  }
0x97: {  	_ =	strace $0x8FFFFFFF  }
0x98: {  	s19 =	sld [smem:$0x3FDB];
	_ =	sdelay $0x1  }
0x99: {  	s4 =	simm.s32 $_scs_section_size  }
0x9a: {  	s5 =	simm.s32 $_size__tile_overlayer_lowered;
	s6 =	simm.s32 $_tile_overlayer_lowered  }
0x9b: {  	s22 =	simm.s32 $0x1BFF;
	s21 =	sshll.u32 s6, $0x1;
	s3 =	sadd.s32 s4, s19  }
0x9c: {  	s7 =	simm.s32 $0x0;
	s20 =	sshll.u32 s5, $0x1;
	s5 =	sadd.s32 s21, s3  }
0x9d: {  	[timem:s7], [sflag:s22] =	dma.local [hbm:s5], s20  }
0x9e: {  	_ =	swait.ge [sflag:s22], s20  }
0x9f: {  	s4 =	ssub.s32 $0x0, s20;
	[sflag:s22] =	ssyncset.done $0x0  }
0xa0: {  	[sflag:s22] =	ssyncadd.s32 s4;
	_ =	sdelay $0x1  }
0xa1: {  	s23 =	simm.s32 $0x1B8B  }
0xa2: {  	_ =	swait.ge [sflag:s23], $0x1  }
0xa3: {  	[sflag:s23] =	ssyncset.done $0x0  }
0xa4: {  	s25 =	simm.s32 $0x1B8E;
	s24 =	sld [smem:$0x3FFE];
	[sflag:s23] =	ssyncadd.s32 $0xFFFFFFFF  }
0xa5: {  	s26 =	simm.s32 $execute0_lowered;
	[smem:$0x3FD2] =	sst s25  }
0xa6: {  	s5 =	sshll.u32 s26, $0x1;
	_ =	strace $0x80000046;
	[dreg:$0x1] =	wrdreg $0xFFFFFFFF  }
0xa7: {  	s28 =	simm.s32 $_size_execute0_lowered;
	s3 =	sadd.s32 s3, s5;
	[dreg:$0x0] =	wrdreg $0x0  }
0xa8: {  	s5 =	sshll.u32 s28, $0x1;
	[dreg:$0x2] =	wrdreg s3  }
0xa9: {  	[dreg:$0x3] =	wrdreg s5  }
0xaa: {  	[dreg:$0x4] =	wrdreg $0xC0  }
0xab: {  	_ =	task [dreg:s7], $0x5FFFF  }
0xac: {  	[dreg:$0x1] =	wrdreg $0xFFFFFFFF  }
0xad: {  	[dreg:$0x0] =	wrdreg $0x60  }
0xae: {  	[dreg:$0x2] =	wrdreg s24  }
0xaf: {  	[dreg:$0x3] =	wrdreg s2  }
0xb0: {  	[dreg:$0x4] =	wrdreg $0x9  }
0xb1: {  	_ =	task.clear_ibuf [dreg:s7], $0x5FFFF;
	_ =	strace $0x90000046  }
0xb2: {  	s29 =	simm.s32 $0x9;
	_ =	strace $0x80000048  }
0xb3: {  	_ =	swait.ge [sflag:s29], $0x1  }
0xb4: {  	[sflag:s29] =	ssyncadd.s32 $0xFFFFFFFF  }
0xb5: {  	_ =	strace $0x90000048  }
0xb6: {  	_ =	sfence  }
0xb7: {  	s30 =	sld [smem:$0x0];
	_ =	sdelay $0x2  }
0xb8: {  	s31 =	sshll.u32 s1, $0xD;
	s1 =	sshrl.u32 s1, $0x2  }
0xb9: {  	s3 =	sand.u32 $0x4000, s31;
	s1 =	sadd.s32 s1, s30  }
0xba: {  	s0 =	sor.u32 s3, s0;
	s1 =	sshll.u32 s1, $0x11  }
0xbb: {  	s0 =	sor.u32 s1, s0  }
0xbc: {  	s0 =	sadd.s32 $0x8F2B, s0  }
0xbd: {  	[sflag:s0] =	ssyncadd.remote.s32 $0x1  }
0xbe: {  	_ =	sfence.sel $0xFFFF  }
0xbf: {  	[dreg:$0x0] =	wrdreg $0xFFFFFFFF;
	(pc) =	sbr.abs _section_cstart, $3  }
0xc0: {  	[dreg:$0x1] =	wrdreg $0xFFFFFFFF  }
0xc1: {  	_ =	task.clear_ibuf [dreg:s7], $0x2FFFF;
	_ =	strace $0x9FFFFFFF  }
0xc2: {  	(tm) =	ssettm $0x7FFFFFFF  }
0xc3: {  	_ =	shalt  }
tec
execute0_lowered:
.L_overlay_start_1:
0x0: {  	(tag) =	ssettag $0x1  }
0x1: {  	s0 =	rddreg [dreg:$0x0];
	s1 =	srdreg.scid  }
0x2: {  	s2 =	stileid.u32;
	s6 =	rddreg [dreg:$0x1]  }
0x3: {  	s10 =	simm.s32 $0x3;
	s11 =	simm.s32 $0x200;
	s12 =	simm.s32 $0x10  }
0x4: {  	s13 =	simm.s32 $0x2A00;
	s14 =	simm.s32 $0x80;
	s15 =	simm.s32 $0x3A00  }
0x5: {  	v0 =	vlaneseq.u32;
	s18 =	simm.s32 $0x40;
	s20 =	simm.s32 $0xBA00;
	s21 =	simm.s32 $0x3200  }
0x6: {  	s22 =	simm.s32 $0xDA00;
	s23 =	simm.s32 $0x11A00;
	s24 =	simm.s32 $0x15A00;
	v1 =	vmul.u32 $0xA00, v0  }
0x7: {  	s25 =	simm.s32 $0x1;
	s28 =	simm.s32 $0x2;
	s29 =	simm.s32 $0x18200  }
0x8: {  	s30 =	simm.s32 $0x0;
	s1 =	sand.u32 $0x1, s1;
	s3 =	sshll.u32 s2, $0x1;
	v21 =	vmul.u32 $0x80, v0;
	v2 =	vor.u32 $0x80, v1  }
0x9: {  	s2 =	simm.s32 $0x0;
	s5 =	sadd.s32 $0x40E00, s0;
	s8 =	sor.u32 s1, s3;
	v3 =	vor.u32 $0x100, v1;
	v4 =	vor.u32 $0x180, v1;
	v5 =	vadd.s32 $0x200, v1  }
0xa: {  	[smem:$0x7FF] =	sst s2;
	s3 =	sadd.s32 $0xF4D200, s0;
	s1 =	ssub.s32 $0x2, s1;
	v6 =	vadd.s32 $0x280, v1;
	v7 =	vadd.s32 $0x300, v1;
	v8 =	vadd.s32 $0x380, v1  }
0xb: {  	s4 =	smul.u32 $0x500, s8;
	_ =	strace $0x80000047;
	s9 =	sshrl.u32 s1, $0x1;
	v9 =	vadd.s32 $0x400, v1;
	v10 =	vadd.s32 $0x480, v1;
	v11 =	vadd.s32 $0x500, v1  }
0xc: {  	s31 =	sshll.u32 s8, $0x6;
	s8 =	sshll.u32 s8, $0xD;
	v12 =	vadd.s32 $0x580, v1;
	v13 =	vadd.s32 $0x600, v1;
	v14 =	vadd.s32 $0x680, v1;
	s26 =	ssub.s32 s1, s9  }
0xd: {  	v15 =	vadd.s32 $0x700, v1;
	v16 =	vadd.s32 $0x780, v1;
	v17 =	vadd.s32 $0x800, v1;
	s6 =	sadd.s32 s6, s31;
	s7 =	sadd.s32 s4, s0;
	s4 =	sadd.s32 $0xE00, s0  }
0xe: {  	v18 =	vadd.s32 $0x880, v1;
	v19 =	vadd.s32 $0x900, v1;
	v20 =	vadd.s32 $0x980, v1;
	s9 =	smax.u32 s26, $0x1;
	s26 =	simm.s32 $0x17A00;
	s7 =	sadd.s32 $0xF43200, s7  }
.LBB2_1:
0xf: {  	[tilespmem:s2], [sflag:$0x3] =	stream.linear.gather [hbm4b:s6+s2], $0x200, $0x38;
	[tilespmem:$0x18A00] =	vst v63  }
0x10: {  	_ =	swait.ge [sflag:s10], $0x200  }
0x11: {  	[sflag:s10] =	ssyncset.done $0x0  }
0x12: {  	[sflag:s10] =	ssyncadd.s32 $0xFFFFFE00  }
0x13: {  	[tilespmem:s11], [sflag:$0x3] =	stream.linear.gather [hbm4b:s7+s2], $0x2800, $0x38;
	[tilespmem:$0x18A00] =	vst v63  }
0x14: {  	_ =	swait.ge [sflag:s10], $0x2800  }
0x15: {  	[sflag:s10] =	ssyncset.done $0x0  }
0x16: {  	[sflag:s10] =	ssyncadd.s32 $0xFFFFD800  }
0x17: {  	[tilespmem:s13], [sflag:$0x1] =	stream.indirect.gather [hbm4b:s3+s12], $0x80, s2, s12, $0xb8;
	[tilespmem:$0x18A00] =	vst v63  }
0x18: {  	_ = 	snop  }
0x19: {  	[tilespmem:s15], [sflag:$0x1] =	stream.indirect.gather [hbm4b:s3+s14], $0x80, s11, s14, $0xb8;
	[tilespmem:$0x18A00] =	vst v63  }
0x1a: {  	s0 =	simm.s32 $0x280;
	s1 =	simm.s32 $0x7A00  }
0x1b: {  	[tilespmem:s1], [sflag:$0x1] =	stream.indirect.gather [hbm4b:s3+s14], $0x80, s0, s14, $0xb8;
	[tilespmem:$0x18A00] =	vst v63  }
0x1c: {  	s19 =	simm.s32 $0x300;
	s31 =	simm.s32 $0x0  }
0x1d: {  	[tilespmem:s20], [sflag:$0x1] =	stream.indirect.gather [hbm4b:s3+s18], $0x80, s19, s18, $0xb8;
	[tilespmem:$0x18A00] =	vst v63  }
.LBB2_2:
0x1e: {  	s1 =	sshllo.u32 s31, $0x1  }
0x1f: {  	s0 =	sshll.u32 s1, $0x4  }
0x20: {  	s16 =	smul.u32 $0x500, s1;
	s0 =	sand.u32 $0x3FFFFFF0, s0  }
0x21: {  	[tilespmem:s21], [sflag:$0x2] =	stream.indirect.gather [hbm4b:s3+s12], $0x80, s0, s12, $0xb8;
	[tilespmem:$0x18A00] =	vst v63  }
0x22: {  	s19 =	sshra.s32 s16, $0x2  }
0x23: {  	s16 =	sadd.s32 $0x200, s19  }
0x24: {  	[tilespmem:s22], [sflag:$0x2] =	stream.indirect.gather [hbm4b:s3+s14], $0x80, s16, s14, $0xb8;
	[tilespmem:$0x18A00] =	vst v63  }
0x25: {  	s17 =	sadd.s32 $0x280, s19  }
0x26: {  	[tilespmem:s23], [sflag:$0x2] =	stream.indirect.gather [hbm4b:s3+s14], $0x80, s17, s14, $0xb8;
	[tilespmem:$0x18A00] =	vst v63  }
0x27: {  	s0 =	sadd.s32 $0x300, s19  }
0x28: {  	[tilespmem:s24], [sflag:$0x2] =	stream.indirect.gather [hbm4b:s3+s18], $0x80, s0, s18, $0xb8;
	[tilespmem:$0x18A00] =	vst v63  }
0x29: {  	_ =	swait.ge [sflag:s25], $0x800  }
0x2a: {  	[sflag:s25] =	ssyncset.done $0x0  }
0x2b: {  	[sflag:s25] =	ssyncadd.s32 $0xFFFFF800  }
0x2c: {  	_ =	swait.ge [sflag:s25], $0x4000  }
0x2d: {  	s19 =	simm.s32 $0x0;
	[sflag:s25] =	ssyncset.done $0x0  }
0x2e: {  	v22 =	vadd.s32 s19, v0;
	[sflag:s25] =	ssyncadd.s32 $0xFFFFC000  }
0x2f: {  	v22 =	vand.u32 $0x3F, v22;
	_ =	swait.ge [sflag:s25], $0x4000  }
0x30: {  	v23 =	vor.u32 v1, v22;
	[sflag:s25] =	ssyncset.done $0x0  }
0x31: {  	v24 =	vor.u32 v2, v22;
	[sflag:s25] =	ssyncadd.s32 $0xFFFFC000  }
0x32: {  	v25 =	vor.u32 v3, v22;
	_ =	swait.ge [sflag:s25], $0x2000  }
0x33: {  	v26 =	vor.u32 v4, v22;
	[sflag:s25] =	ssyncset.done $0x0  }
0x34: {  	v27 =	vor.u32 v5, v22;
	[sflag:s25] =	ssyncadd.s32 $0xFFFFE000  }
0x35: {  	v28 =	vor.u32 v6, v22;
	v23 =	vld.idx.msk [tilespmem:v23+s15+$0x0], $0xffff  }
0x36: {  	v29 =	vor.u32 v7, v22;
	v24 =	vld.idx.msk [tilespmem:v24+s15+$0x0], $0xffff  }
0x37: {  	v30 =	vor.u32 v8, v22;
	v25 =	vld.idx.msk [tilespmem:v25+s15+$0x0], $0xffff  }
0x38: {  	v31 =	vor.u32 v9, v22;
	v26 =	vld.idx.msk [tilespmem:v26+s15+$0x0], $0xffff  }
0x39: {  	v32 =	vor.u32 v10, v22;
	v27 =	vld.idx.msk [tilespmem:v27+s15+$0x0], $0xffff  }
0x3a: {  	v34 =	vor.u32 v12, v22;
	v28 =	vld.idx.msk [tilespmem:v28+s15+$0x0], $0xffff  }
0x3b: {  	v33 =	vor.u32 v11, v22;
	v29 =	vld.idx.msk [tilespmem:v29+s15+$0x0], $0xffff  }
0x3c: {  	v36 =	vor.u32 v14, v22;
	v30 =	vld.idx.msk [tilespmem:v30+s15+$0x0], $0xffff  }
0x3d: {  	v35 =	vor.u32 v13, v22;
	v23 =	vadd.f32 v25, v23;
	v25 =	vld.idx.msk [tilespmem:v31+s15+$0x0], $0xffff;
	v24 =	vadd.f32 v26, v24  }
0x3e: {  	v26 =	vor.u32 v15, v22;
	v31 =	vld.idx.msk [tilespmem:v32+s15+$0x0], $0xffff  }
0x3f: {  	v59 =	vor.u32 v16, v22;
	v60 =	vld.idx.msk [tilespmem:v34+s15+$0x0], $0xffff;
	v23 =	vadd.f32 v27, v23;
	v24 =	vadd.f32 v28, v24  }
0x40: {  	v27 =	vld.idx.msk [tilespmem:v33+s15+$0x0], $0xffff;
	v28 =	vor.u32 v17, v22  }
0x41: {  	v61 =	vor.u32 v18, v22;
	v62 =	vld.idx.msk [tilespmem:v36+s15+$0x0], $0xffff;
	v23 =	vadd.f32 v29, v23;
	v24 =	vadd.f32 v30, v24  }
0x42: {  	v29 =	vld.idx.msk [tilespmem:v35+s15+$0x0], $0xffff;
	v30 =	vor.u32 v20, v22  }
0x43: {  	v63 =	vor.u32 v19, v22;
	v23 =	vadd.f32 v25, v23;
	v25 =	vld.idx.msk [tilespmem:v26+s15+$0x0], $0xffff;
	v24 =	vadd.f32 v31, v24  }
0x44: {  	v26 =	vld.idx.msk [tilespmem:v59+s15+$0x0], $0xffff  }
0x45: {  	v23 =	vadd.f32 v27, v23;
	v27 =	vld.idx.msk [tilespmem:v28+s15+$0x0], $0xffff;
	v24 =	vadd.f32 v60, v24  }
0x46: {  	v28 =	vld.idx.msk [tilespmem:v61+s15+$0x0], $0xffff  }
0x47: {  	v23 =	vadd.f32 v29, v23;
	v29 =	vld.idx.msk [tilespmem:v30+s15+$0x0], $0xffff;
	v24 =	vadd.f32 v62, v24  }
0x48: {  	v30 =	vld.idx.msk [tilespmem:v63+s15+$0x0], $0xffff  }
0x49: {  	v23 =	vadd.f32 v25, v23;
	v24 =	vadd.f32 v26, v24  }
0x4a: {  	s16 =	simm.s32 $0x1  }
0x4b: {  	v25 =	vadd.s32 s16, v0;
	v23 =	vadd.f32 v27, v23;
	v24 =	vadd.f32 v28, v24  }
0x4c: {  	v22 =	vor.u32 v21, v22;
	v25 =	vand.u32 $0x3F, v25  }
0x4d: {  	v26 =	vor.u32 v3, v25;
	v23 =	vadd.f32 v30, v23;
	v24 =	vadd.f32 v29, v24  }
0x4e: {  	v27 =	vor.u32 v2, v25  }
0x4f: {  	v28 =	vor.u32 v4, v25;
	v23 =	vadd.f32 v24, v23  }
0x50: {  	v24 =	vor.u32 v1, v25  }
0x51: {  	[tilespmem:v22+s26+$0x0] =	vst.idx.msk $0xffff, v23;
	v22 =	vor.u32 v5, v25  }
0x52: {  	v23 =	vld.idx.msk [tilespmem:v26+s15+$0x0], $0xffff;
	v26 =	vor.u32 v6, v25  }
0x53: {  	v29 =	vor.u32 v7, v25;
	v27 =	vld.idx.msk [tilespmem:v27+s15+$0x0], $0xffff  }
0x54: {  	v30 =	vor.u32 v8, v25;
	v28 =	vld.idx.msk [tilespmem:v28+s15+$0x0], $0xffff  }
0x55: {  	v31 =	vor.u32 v9, v25;
	v24 =	vld.idx.msk [tilespmem:v24+s15+$0x0], $0xffff  }
0x56: {  	v39 =	vor.u32 v10, v25;
	v22 =	vld.idx.msk [tilespmem:v22+s15+$0x0], $0xffff  }
0x57: {  	v40 =	vor.u32 v11, v25;
	v26 =	vld.idx.msk [tilespmem:v26+s15+$0x0], $0xffff  }
0x58: {  	v41 =	vor.u32 v12, v25;
	v29 =	vld.idx.msk [tilespmem:v29+s15+$0x0], $0xffff  }
0x59: {  	v42 =	vor.u32 v13, v25;
	v30 =	vld.idx.msk [tilespmem:v30+s15+$0x0], $0xffff  }
0x5a: {  	v27 =	vadd.f32 v28, v27;
	v23 =	vadd.f32 v23, v24;
	v24 =	vld.idx.msk [tilespmem:v31+s15+$0x0], $0xffff;
	v31 =	vor.u32 v14, v25  }
0x5b: {  	v43 =	vor.u32 v15, v25;
	v28 =	vld.idx.msk [tilespmem:v39+s15+$0x0], $0xffff  }
0x5c: {  	v44 =	vor.u32 v16, v25;
	v22 =	vadd.f32 v22, v23;
	v23 =	vld.idx.msk [tilespmem:v40+s15+$0x0], $0xffff;
	v26 =	vadd.f32 v26, v27  }
0x5d: {  	v45 =	vor.u32 v17, v25;
	v27 =	vld.idx.msk [tilespmem:v41+s15+$0x0], $0xffff  }
0x5e: {  	v46 =	vor.u32 v18, v25;
	v22 =	vadd.f32 v29, v22;
	v29 =	vld.idx.msk [tilespmem:v42+s15+$0x0], $0xffff;
	v26 =	vadd.f32 v30, v26  }
0x5f: {  	v30 =	vld.idx.msk [tilespmem:v31+s15+$0x0], $0xffff;
	v31 =	vor.u32 v20, v25  }
0x60: {  	v47 =	vor.u32 v19, v25;
	v22 =	vadd.f32 v24, v22;
	v24 =	vld.idx.msk [tilespmem:v43+s15+$0x0], $0xffff;
	v26 =	vadd.f32 v28, v26  }
0x61: {  	v28 =	vld.idx.msk [tilespmem:v44+s15+$0x0], $0xffff  }
0x62: {  	v22 =	vadd.f32 v23, v22;
	v23 =	vld.idx.msk [tilespmem:v45+s15+$0x0], $0xffff;
	v26 =	vadd.f32 v27, v26  }
0x63: {  	v27 =	vld.idx.msk [tilespmem:v46+s15+$0x0], $0xffff  }
0x64: {  	v22 =	vadd.f32 v29, v22;
	v29 =	vld.idx.msk [tilespmem:v31+s15+$0x0], $0xffff;
	v26 =	vadd.f32 v30, v26  }
0x65: {  	v30 =	vld.idx.msk [tilespmem:v47+s15+$0x0], $0xffff  }
0x66: {  	v22 =	vadd.f32 v24, v22;
	v24 =	vadd.f32 v28, v26  }
0x67: {  	s17 =	simm.s32 $0x2  }
0x68: {  	v22 =	vadd.f32 v23, v22;
	v23 =	vadd.f32 v27, v24;
	v24 =	vadd.s32 s17, v0  }
0x69: {  	v25 =	vor.u32 v21, v25;
	v24 =	vand.u32 $0x3F, v24  }
0x6a: {  	v22 =	vadd.f32 v30, v22;
	v23 =	vadd.f32 v29, v23;
	v26 =	vor.u32 v4, v24  }
0x6b: {  	v27 =	vor.u32 v1, v24  }
0x6c: {  	v28 =	vor.u32 v3, v24;
	v22 =	vadd.f32 v23, v22  }
0x6d: {  	v23 =	vor.u32 v2, v24  }
0x6e: {  	[tilespmem:v25+s26+$0x0] =	vst.idx.msk $0xffff, v22;
	v22 =	vor.u32 v6, v24  }
0x6f: {  	v25 =	vld.idx.msk [tilespmem:v26+s15+$0x0], $0xffff;
	v26 =	vor.u32 v5, v24  }
0x70: {  	v29 =	vor.u32 v8, v24;
	v27 =	vld.idx.msk [tilespmem:v27+s15+$0x0], $0xffff  }
0x71: {  	v30 =	vor.u32 v7, v24;
	v28 =	vld.idx.msk [tilespmem:v28+s15+$0x0], $0xffff  }
0x72: {  	v31 =	vor.u32 v10, v24;
	v23 =	vld.idx.msk [tilespmem:v23+s15+$0x0], $0xffff  }
0x73: {  	v48 =	vor.u32 v9, v24;
	v22 =	vld.idx.msk [tilespmem:v22+s15+$0x0], $0xffff  }
0x74: {  	v49 =	vor.u32 v12, v24;
	v26 =	vld.idx.msk [tilespmem:v26+s15+$0x0], $0xffff  }
0x75: {  	v50 =	vor.u32 v11, v24;
	v29 =	vld.idx.msk [tilespmem:v29+s15+$0x0], $0xffff  }
0x76: {  	v51 =	vor.u32 v14, v24;
	v30 =	vld.idx.msk [tilespmem:v30+s15+$0x0], $0xffff  }
0x77: {  	v27 =	vadd.f32 v28, v27;
	v23 =	vadd.f32 v25, v23;
	v25 =	vld.idx.msk [tilespmem:v31+s15+$0x0], $0xffff;
	v31 =	vor.u32 v13, v24  }
0x78: {  	v52 =	vor.u32 v16, v24;
	v28 =	vld.idx.msk [tilespmem:v48+s15+$0x0], $0xffff  }
0x79: {  	v53 =	vor.u32 v15, v24;
	v22 =	vadd.f32 v22, v23;
	v23 =	vld.idx.msk [tilespmem:v49+s15+$0x0], $0xffff;
	v26 =	vadd.f32 v26, v27  }
0x7a: {  	v54 =	vor.u32 v18, v24;
	v27 =	vld.idx.msk [tilespmem:v50+s15+$0x0], $0xffff  }
0x7b: {  	v55 =	vor.u32 v17, v24;
	v22 =	vadd.f32 v29, v22;
	v29 =	vld.idx.msk [tilespmem:v51+s15+$0x0], $0xffff;
	v26 =	vadd.f32 v30, v26  }
0x7c: {  	v30 =	vld.idx.msk [tilespmem:v31+s15+$0x0], $0xffff;
	v31 =	vor.u32 v20, v24  }
0x7d: {  	v56 =	vor.u32 v19, v24;
	v22 =	vadd.f32 v25, v22;
	v25 =	vld.idx.msk [tilespmem:v52+s15+$0x0], $0xffff;
	v26 =	vadd.f32 v28, v26  }
0x7e: {  	v28 =	vld.idx.msk [tilespmem:v53+s15+$0x0], $0xffff  }
0x7f: {  	v22 =	vadd.f32 v23, v22;
	v23 =	vld.idx.msk [tilespmem:v54+s15+$0x0], $0xffff;
	v26 =	vadd.f32 v27, v26  }
0x80: {  	v27 =	vld.idx.msk [tilespmem:v55+s15+$0x0], $0xffff  }
0x81: {  	v22 =	vadd.f32 v29, v22;
	v29 =	vld.idx.msk [tilespmem:v31+s15+$0x0], $0xffff;
	v26 =	vadd.f32 v30, v26  }
0x82: {  	v30 =	vld.idx.msk [tilespmem:v56+s15+$0x0], $0xffff  }
0x83: {  	v22 =	vadd.f32 v25, v22;
	v25 =	vadd.f32 v28, v26  }
0x84: {  	s19 =	simm.s32 $0x3  }
0x85: {  	v23 =	vadd.f32 v23, v22;
	v22 =	vadd.s32 s19, v0;
	v25 =	vadd.f32 v27, v25  }
0x86: {  	v24 =	vor.u32 v21, v24;
	v22 =	vand.u32 $0x3F, v22  }
0x87: {  	v23 =	vadd.f32 v29, v23;
	v26 =	vor.u32 v1, v22;
	v25 =	vadd.f32 v30, v25  }
0x88: {  	v27 =	vor.u32 v6, v22  }
0x89: {  	v28 =	vor.u32 v2, v22;
	v23 =	vadd.f32 v23, v25  }
0x8a: {  	v29 =	vor.u32 v3, v22  }
0x8b: {  	v25 =	vor.u32 v4, v22;
	[tilespmem:v24+s26+$0x0] =	vst.idx.msk $0xffff, v23  }
0x8c: {  	v31 =	vor.u32 v9, v22;
	v23 =	vld.idx.msk [tilespmem:v26+s15+$0x0], $0xffff  }
0x8d: {  	v24 =	vor.u32 v5, v22;
	v27 =	vld.idx.msk [tilespmem:v27+s15+$0x0], $0xffff  }
0x8e: {  	v26 =	vor.u32 v7, v22;
	v28 =	vld.idx.msk [tilespmem:v28+s15+$0x0], $0xffff  }
0x8f: {  	v30 =	vor.u32 v8, v22;
	v29 =	vld.idx.msk [tilespmem:v29+s15+$0x0], $0xffff  }
0x90: {  	v57 =	vor.u32 v10, v22;
	v25 =	vld.idx.msk [tilespmem:v25+s15+$0x0], $0xffff  }
0x91: {  	v58 =	vor.u32 v11, v22;
	v61 =	vld.idx.msk [tilespmem:v31+s15+$0x0], $0xffff  }
0x92: {  	v31 =	vor.u32 v14, v22;
	v24 =	vld.idx.msk [tilespmem:v24+s15+$0x0], $0xffff  }
0x93: {  	v59 =	vld.idx.msk [tilespmem:v26+s15+$0x0], $0xffff;
	v26 =	vor.u32 v12, v22  }
0x94: {  	v60 =	vor.u32 v13, v22;
	v30 =	vld.idx.msk [tilespmem:v30+s15+$0x0], $0xffff  }
0x95: {  	v62 =	vor.u32 v15, v22;
	v37 =	vld.idx.msk [tilespmem:v57+s15+$0x0], $0xffff;
	v25 =	vadd.f32 v25, v28  }
0x96: {  	v28 =	vadd.f32 v29, v23;
	v23 =	vld.idx.msk [tilespmem:v58+s15+$0x0], $0xffff;
	v29 =	vor.u32 v16, v22  }
0x97: {  	v38 =	vor.u32 v17, v22;
	v25 =	vadd.f32 v27, v25;
	v27 =	vld.idx.msk [tilespmem:v31+s15+$0x0], $0xffff  }
0x98: {  	v28 =	vadd.f32 v24, v28;
	v31 =	vor.u32 v18, v22;
	v26 =	vld.idx.msk [tilespmem:v26+s15+$0x0], $0xffff  }
0x99: {  	v24 =	vld.idx.msk [tilespmem:v60+s15+$0x0], $0xffff;
	v63 =	vadd.f32 v30, v25;
	v30 =	vor.u32 v19, v22  }
0x9a: {  	v32 =	vor.u32 v20, v22;
	v28 =	vadd.f32 v59, v28;
	v25 =	vld.idx.msk [tilespmem:v62+s15+$0x0], $0xffff  }
0x9b: {  	v29 =	vld.idx.msk [tilespmem:v29+s15+$0x0], $0xffff;
	v34 =	vadd.f32 v37, v63  }
0x9c: {  	s0 =	sshll.u32 s31, $0x1;
	s16 =	simm.s32 $0x4;
	v33 =	vadd.f32 v61, v28;
	v28 =	vld.idx.msk [tilespmem:v38+s15+$0x0], $0xffff  }
.LBB2_3:
0x9d: {  	p0 =	slt.u32 s16, $0x3C;
	v26 =	vadd.f32 v26, v34;
	v31 =	vld.idx.msk [tilespmem:v31+s15+$0x0], $0xffff;
	s17 =	smov.u32 s16;
	s16 =	sadd.s32 $0x4, s16  }
0x9e: {  	v23 =	vadd.f32 v23, v33;
	v30 =	vld.idx.msk [tilespmem:v30+s15+$0x0], $0xffff  }
0x9f: {  	v26 =	vadd.f32 v27, v26;
	v27 =	vld.idx.msk [tilespmem:v32+s15+$0x0], $0xffff  }
0xa0: {  	v23 =	vadd.f32 v24, v23  }
0xa1: {  	v24 =	vadd.f32 v29, v26  }
0xa2: {  	v23 =	vadd.f32 v25, v23  }
0xa3: {  	v24 =	vadd.f32 v31, v24  }
0xa4: {  	v22 =	vor.u32 v21, v22;
	v25 =	vadd.s32 s17, v0;
	v23 =	vadd.f32 v28, v23  }
0xa5: {  	v25 =	vand.u32 $0x3F, v25;
	v24 =	vadd.f32 v27, v24  }
0xa6: {  	v26 =	vor.u32 v1, v25;
	v27 =	vor.u32 v2, v25;
	v23 =	vadd.f32 v30, v23  }
0xa7: {  	v28 =	vor.u32 v4, v25;
	v29 =	vor.u32 v5, v25;
	v30 =	vor.u32 v6, v25  }
0xa8: {  	v31 =	vor.u32 v3, v25;
	v32 =	vor.u32 v7, v25;
	v23 =	vadd.f32 v24, v23  }
0xa9: {  	v33 =	vor.u32 v9, v25;
	v34 =	vor.u32 v10, v25;
	v24 =	vor.u32 v8, v25  }
0xaa: {  	v35 =	vor.u32 v11, v25;
	v36 =	vor.u32 v12, v25;
	[tilespmem:v22+s26+$0x0] =	vst.idx.msk $0xffff, v23  }
0xab: {  	v37 =	vor.u32 v15, v25;
	v23 =	vor.u32 v13, v25;
	v22 =	vld.idx.msk [tilespmem:v26+s15+$0x0], $0xffff;
	v26 =	vor.u32 v14, v25  }
0xac: {  	v38 =	vor.u32 v16, v25;
	v39 =	vor.u32 v17, v25;
	v40 =	vor.u32 v18, v25;
	v27 =	vld.idx.msk [tilespmem:v27+s15+$0x0], $0xffff  }
0xad: {  	v41 =	vor.u32 v19, v25;
	v42 =	vor.u32 v20, v25;
	v31 =	vld.idx.msk [tilespmem:v31+s15+$0x0], $0xffff  }
0xae: {  	v28 =	vld.idx.msk [tilespmem:v28+s15+$0x0], $0xffff  }
0xaf: {  	v29 =	vld.idx.msk [tilespmem:v29+s15+$0x0], $0xffff  }
0xb0: {  	v30 =	vld.idx.msk [tilespmem:v30+s15+$0x0], $0xffff  }
0xb1: {  	v32 =	vld.idx.msk [tilespmem:v32+s15+$0x0], $0xffff  }
0xb2: {  	v24 =	vld.idx.msk [tilespmem:v24+s15+$0x0], $0xffff  }
0xb3: {  	v22 =	vadd.f32 v31, v22;
	v31 =	vld.idx.msk [tilespmem:v33+s15+$0x0], $0xffff  }
0xb4: {  	v27 =	vadd.f32 v28, v27;
	v28 =	vld.idx.msk [tilespmem:v34+s15+$0x0], $0xffff  }
0xb5: {  	v22 =	vadd.f32 v29, v22;
	v29 =	vld.idx.msk [tilespmem:v35+s15+$0x0], $0xffff  }
0xb6: {  	v27 =	vadd.f32 v30, v27;
	v30 =	vld.idx.msk [tilespmem:v36+s15+$0x0], $0xffff  }
0xb7: {  	v22 =	vadd.f32 v32, v22;
	v23 =	vld.idx.msk [tilespmem:v23+s15+$0x0], $0xffff  }
0xb8: {  	v24 =	vadd.f32 v24, v27;
	v26 =	vld.idx.msk [tilespmem:v26+s15+$0x0], $0xffff  }
0xb9: {  	v22 =	vadd.f32 v31, v22;
	v27 =	vld.idx.msk [tilespmem:v37+s15+$0x0], $0xffff  }
0xba: {  	v24 =	vadd.f32 v28, v24;
	v28 =	vld.idx.msk [tilespmem:v38+s15+$0x0], $0xffff  }
0xbb: {  	v22 =	vadd.f32 v29, v22;
	v29 =	vld.idx.msk [tilespmem:v39+s15+$0x0], $0xffff  }
0xbc: {  	v24 =	vadd.f32 v30, v24;
	v30 =	vld.idx.msk [tilespmem:v40+s15+$0x0], $0xffff  }
0xbd: {  	v22 =	vadd.f32 v23, v22;
	v23 =	vld.idx.msk [tilespmem:v42+s15+$0x0], $0xffff  }
0xbe: {  	v24 =	vadd.f32 v26, v24;
	v26 =	vld.idx.msk [tilespmem:v41+s15+$0x0], $0xffff  }
0xbf: {  	v22 =	vadd.f32 v27, v22  }
0xc0: {  	v24 =	vadd.f32 v28, v24  }
0xc1: {  	s19 =	sadd.s32 $0x1, s17;
	v22 =	vadd.f32 v29, v22  }
0xc2: {  	v27 =	vadd.s32 s19, v0;
	v24 =	vadd.f32 v30, v24  }
0xc3: {  	v25 =	vor.u32 v21, v25;
	v27 =	vand.u32 $0x3F, v27  }
0xc4: {  	v22 =	vadd.f32 v26, v22;
	v23 =	vadd.f32 v23, v24;
	v24 =	vor.u32 v3, v27  }
0xc5: {  	v26 =	vor.u32 v2, v27  }
0xc6: {  	v22 =	vadd.f32 v23, v22;
	v23 =	vor.u32 v1, v27  }
0xc7: {  	v28 =	vor.u32 v4, v27  }
0xc8: {  	[tilespmem:v25+s26+$0x0] =	vst.idx.msk $0xffff, v22;
	v22 =	vor.u32 v5, v27  }
0xc9: {  	v25 =	vor.u32 v6, v27;
	v24 =	vld.idx.msk [tilespmem:v24+s15+$0x0], $0xffff  }
0xca: {  	v29 =	vor.u32 v7, v27;
	v26 =	vld.idx.msk [tilespmem:v26+s15+$0x0], $0xffff  }
0xcb: {  	v30 =	vor.u32 v8, v27;
	v23 =	vld.idx.msk [tilespmem:v23+s15+$0x0], $0xffff  }
0xcc: {  	v31 =	vor.u32 v9, v27;
	v28 =	vld.idx.msk [tilespmem:v28+s15+$0x0], $0xffff  }
0xcd: {  	v32 =	vor.u32 v10, v27;
	v22 =	vld.idx.msk [tilespmem:v22+s15+$0x0], $0xffff  }
0xce: {  	v33 =	vor.u32 v11, v27;
	v25 =	vld.idx.msk [tilespmem:v25+s15+$0x0], $0xffff  }
0xcf: {  	v34 =	vor.u32 v12, v27;
	v29 =	vld.idx.msk [tilespmem:v29+s15+$0x0], $0xffff  }
0xd0: {  	v35 =	vor.u32 v13, v27;
	v30 =	vld.idx.msk [tilespmem:v30+s15+$0x0], $0xffff  }
0xd1: {  	v23 =	vadd.f32 v24, v23;
	v24 =	vld.idx.msk [tilespmem:v31+s15+$0x0], $0xffff;
	v31 =	vor.u32 v14, v27  }
0xd2: {  	v26 =	vadd.f32 v28, v26;
	v28 =	vld.idx.msk [tilespmem:v32+s15+$0x0], $0xffff;
	v32 =	vor.u32 v15, v27  }
0xd3: {  	v22 =	vadd.f32 v22, v23;
	v23 =	vld.idx.msk [tilespmem:v33+s15+$0x0], $0xffff;
	v33 =	vor.u32 v16, v27  }
0xd4: {  	v25 =	vadd.f32 v25, v26;
	v26 =	vld.idx.msk [tilespmem:v34+s15+$0x0], $0xffff;
	v34 =	vor.u32 v17, v27  }
0xd5: {  	v22 =	vadd.f32 v29, v22;
	v29 =	vld.idx.msk [tilespmem:v35+s15+$0x0], $0xffff;
	v35 =	vor.u32 v18, v27  }
0xd6: {  	v25 =	vadd.f32 v30, v25;
	v30 =	vld.idx.msk [tilespmem:v31+s15+$0x0], $0xffff;
	v31 =	vor.u32 v20, v27  }
0xd7: {  	v22 =	vadd.f32 v24, v22;
	v24 =	vld.idx.msk [tilespmem:v32+s15+$0x0], $0xffff;
	v32 =	vor.u32 v19, v27  }
0xd8: {  	v25 =	vadd.f32 v28, v25;
	v28 =	vld.idx.msk [tilespmem:v33+s15+$0x0], $0xffff  }
0xd9: {  	v22 =	vadd.f32 v23, v22;
	v23 =	vld.idx.msk [tilespmem:v34+s15+$0x0], $0xffff  }
0xda: {  	v25 =	vadd.f32 v26, v25;
	v26 =	vld.idx.msk [tilespmem:v35+s15+$0x0], $0xffff  }
0xdb: {  	v22 =	vadd.f32 v29, v22;
	v29 =	vld.idx.msk [tilespmem:v31+s15+$0x0], $0xffff  }
0xdc: {  	v25 =	vadd.f32 v30, v25;
	v30 =	vld.idx.msk [tilespmem:v32+s15+$0x0], $0xffff  }
0xdd: {  	v22 =	vadd.f32 v24, v22  }
0xde: {  	v24 =	vadd.f32 v28, v25  }
0xdf: {  	s19 =	sadd.s32 $0x2, s17;
	v22 =	vadd.f32 v23, v22  }
0xe0: {  	v23 =	vadd.f32 v26, v24;
	v24 =	vadd.s32 s19, v0  }
0xe1: {  	v25 =	vor.u32 v21, v27;
	v24 =	vand.u32 $0x3F, v24  }
0xe2: {  	v22 =	vadd.f32 v30, v22;
	v23 =	vadd.f32 v29, v23;
	v26 =	vor.u32 v4, v24  }
0xe3: {  	v27 =	vor.u32 v1, v24  }
0xe4: {  	v22 =	vadd.f32 v23, v22;
	v23 =	vor.u32 v2, v24  }
0xe5: {  	v28 =	vor.u32 v3, v24  }
0xe6: {  	[tilespmem:v25+s26+$0x0] =	vst.idx.msk $0xffff, v22;
	v22 =	vor.u32 v6, v24  }
0xe7: {  	v25 =	vld.idx.msk [tilespmem:v26+s15+$0x0], $0xffff;
	v26 =	vor.u32 v5, v24  }
0xe8: {  	v29 =	vor.u32 v8, v24;
	v27 =	vld.idx.msk [tilespmem:v27+s15+$0x0], $0xffff  }
0xe9: {  	v30 =	vor.u32 v7, v24;
	v23 =	vld.idx.msk [tilespmem:v23+s15+$0x0], $0xffff  }
0xea: {  	v31 =	vor.u32 v10, v24;
	v28 =	vld.idx.msk [tilespmem:v28+s15+$0x0], $0xffff  }
0xeb: {  	v32 =	vor.u32 v9, v24;
	v22 =	vld.idx.msk [tilespmem:v22+s15+$0x0], $0xffff  }
0xec: {  	v33 =	vor.u32 v12, v24;
	v26 =	vld.idx.msk [tilespmem:v26+s15+$0x0], $0xffff  }
0xed: {  	v34 =	vor.u32 v11, v24;
	v29 =	vld.idx.msk [tilespmem:v29+s15+$0x0], $0xffff  }
0xee: {  	v35 =	vor.u32 v14, v24;
	v30 =	vld.idx.msk [tilespmem:v30+s15+$0x0], $0xffff  }
0xef: {  	v23 =	vadd.f32 v25, v23;
	v25 =	vld.idx.msk [tilespmem:v31+s15+$0x0], $0xffff;
	v31 =	vor.u32 v13, v24  }
0xf0: {  	v27 =	vadd.f32 v28, v27;
	v28 =	vld.idx.msk [tilespmem:v32+s15+$0x0], $0xffff;
	v32 =	vor.u32 v16, v24  }
0xf1: {  	v22 =	vadd.f32 v22, v23;
	v23 =	vld.idx.msk [tilespmem:v33+s15+$0x0], $0xffff;
	v33 =	vor.u32 v15, v24  }
0xf2: {  	v26 =	vadd.f32 v26, v27;
	v27 =	vld.idx.msk [tilespmem:v34+s15+$0x0], $0xffff;
	v34 =	vor.u32 v18, v24  }
0xf3: {  	v22 =	vadd.f32 v29, v22;
	v29 =	vld.idx.msk [tilespmem:v35+s15+$0x0], $0xffff;
	v35 =	vor.u32 v17, v24  }
0xf4: {  	v26 =	vadd.f32 v30, v26;
	v30 =	vld.idx.msk [tilespmem:v31+s15+$0x0], $0xffff;
	v31 =	vor.u32 v20, v24  }
0xf5: {  	v22 =	vadd.f32 v25, v22;
	v25 =	vld.idx.msk [tilespmem:v32+s15+$0x0], $0xffff;
	v32 =	vor.u32 v19, v24  }
0xf6: {  	v26 =	vadd.f32 v28, v26;
	v28 =	vld.idx.msk [tilespmem:v33+s15+$0x0], $0xffff  }
0xf7: {  	v22 =	vadd.f32 v23, v22;
	v23 =	vld.idx.msk [tilespmem:v34+s15+$0x0], $0xffff  }
0xf8: {  	v26 =	vadd.f32 v27, v26;
	v27 =	vld.idx.msk [tilespmem:v35+s15+$0x0], $0xffff  }
0xf9: {  	v22 =	vadd.f32 v29, v22;
	v29 =	vld.idx.msk [tilespmem:v31+s15+$0x0], $0xffff  }
0xfa: {  	v26 =	vadd.f32 v30, v26;
	v30 =	vld.idx.msk [tilespmem:v32+s15+$0x0], $0xffff  }
0xfb: {  	v22 =	vadd.f32 v25, v22  }
0xfc: {  	v25 =	vadd.f32 v28, v26  }
0xfd: {  	s17 =	sadd.s32 $0x3, s17;
	v23 =	vadd.f32 v23, v22  }
0xfe: {  	v22 =	vadd.s32 s17, v0;
	v25 =	vadd.f32 v27, v25  }
0xff: {  	v24 =	vor.u32 v21, v24;
	v22 =	vand.u32 $0x3F, v22  }
0x100: {  	v23 =	vadd.f32 v29, v23;
	v26 =	vor.u32 v1, v22;
	v25 =	vadd.f32 v30, v25  }
0x101: {  	v27 =	vor.u32 v6, v22  }
0x102: {  	v23 =	vadd.f32 v23, v25;
	v25 =	vor.u32 v4, v22  }
0x103: {  	v28 =	vor.u32 v2, v22;
	v29 =	vor.u32 v3, v22  }
0x104: {  	[tilespmem:v24+s26+$0x0] =	vst.idx.msk $0xffff, v23  }
0x105: {  	v24 =	vor.u32 v5, v22;
	v23 =	vld.idx.msk [tilespmem:v26+s15+$0x0], $0xffff  }
0x106: {  	v26 =	vld.idx.msk [tilespmem:v27+s15+$0x0], $0xffff;
	v27 =	vor.u32 v7, v22  }
0x107: {  	v30 =	vor.u32 v8, v22;
	v25 =	vld.idx.msk [tilespmem:v25+s15+$0x0], $0xffff  }
0x108: {  	v31 =	vor.u32 v9, v22;
	v28 =	vld.idx.msk [tilespmem:v28+s15+$0x0], $0xffff  }
0x109: {  	v32 =	vor.u32 v10, v22;
	v29 =	vld.idx.msk [tilespmem:v29+s15+$0x0], $0xffff  }
0x10a: {  	v33 =	vor.u32 v11, v22;
	v24 =	vld.idx.msk [tilespmem:v24+s15+$0x0], $0xffff  }
0x10b: {  	v34 =	vld.idx.msk [tilespmem:v27+s15+$0x0], $0xffff;
	v27 =	vor.u32 v12, v22  }
0x10c: {  	v35 =	vor.u32 v13, v22;
	v30 =	vld.idx.msk [tilespmem:v30+s15+$0x0], $0xffff  }
0x10d: {  	v37 =	vor.u32 v14, v22;
	v36 =	vld.idx.msk [tilespmem:v31+s15+$0x0], $0xffff  }
0x10e: {  	v25 =	vadd.f32 v25, v28;
	v28 =	vld.idx.msk [tilespmem:v32+s15+$0x0], $0xffff;
	v32 =	vor.u32 v15, v22  }
0x10f: {  	v29 =	vadd.f32 v29, v23;
	v23 =	vld.idx.msk [tilespmem:v33+s15+$0x0], $0xffff;
	v33 =	vor.u32 v16, v22  }
0x110: {  	v38 =	vor.u32 v17, v22;
	v25 =	vadd.f32 v26, v25;
	v26 =	vld.idx.msk [tilespmem:v27+s15+$0x0], $0xffff  }
.Ltmp0:
0x111: {  	v31 =	vor.u32 v18, v22;
	v29 =	vadd.f32 v24, v29;
	v24 =	vld.idx.msk [tilespmem:v35+s15+$0x0], $0xffff;
	(pc) =	sbr.rel @p0 .LBB2_3-.Ltmp0, $4  }
0x112: {  	v35 =	vadd.f32 v30, v25;
	v30 =	vor.u32 v19, v22;
	v27 =	vld.idx.msk [tilespmem:v37+s15+$0x0], $0xffff  }
0x113: {  	v37 =	vadd.f32 v34, v29;
	v25 =	vld.idx.msk [tilespmem:v32+s15+$0x0], $0xffff;
	v32 =	vor.u32 v20, v22  }
0x114: {  	v34 =	vadd.f32 v28, v35;
	v29 =	vld.idx.msk [tilespmem:v33+s15+$0x0], $0xffff  }
0x115: {  	v33 =	vadd.f32 v36, v37;
	v28 =	vld.idx.msk [tilespmem:v38+s15+$0x0], $0xffff  }
0x116: {  	_ =	sdelay $0x2  }
0x117: {  	v26 =	vadd.f32 v26, v34;
	v23 =	vadd.f32 v23, v33  }
0x118: {  	v31 =	vld.idx.msk [tilespmem:v31+s15+$0x0], $0xffff  }
0x119: {  	v30 =	vld.idx.msk [tilespmem:v30+s15+$0x0], $0xffff;
	v26 =	vadd.f32 v27, v26;
	v23 =	vadd.f32 v24, v23  }
0x11a: {  	v24 =	vld.idx.msk [tilespmem:v32+s15+$0x0], $0xffff  }
0x11b: {  	v26 =	vadd.f32 v29, v26;
	v23 =	vadd.f32 v25, v23;
	_ =	sdelay $0x1  }
0x11c: {  	v25 =	vadd.f32 v31, v26;
	v23 =	vadd.f32 v28, v23  }
0x11d: {  	v22 =	vor.u32 v21, v22  }
0x11e: {  	v24 =	vadd.f32 v24, v25;
	v23 =	vadd.f32 v30, v23;
	_ =	sdelay $0x1  }
0x11f: {  	s16 =	sshll.u32 s31, $0x9;
	v23 =	vadd.f32 v24, v23  }
0x120: {  	s16 =	sadd.s32 s8, s16  }
0x121: {  	s17 =	sadd.s32 s4, s16;
	[tilespmem:v22+s26+$0x0] =	vst.idx.msk $0xffff, v23  }
0x122: {  	[hbm4b:s17+s2] =	stream.linear.scatter [tilespmem:s26], [sflag:$0x3], $0x800, $0x38;
	[tilespmem:$0x18A00] =	vst v63  }
0x123: {  	_ =	swait.ge [sflag:s10], $0x800  }
0x124: {  	p0 =	seq.s32 s31, $0xF;
	[sflag:s10] =	ssyncset.done $0x0  }
0x125: {  	s0 =	sadd.s32 @!p0 $0x2, s0;
	s16 =	sadd.s32 s5, s16;
	[sflag:s10] =	ssyncadd.s32 $0xFFFFF800  }
0x126: {  	[hbm4b:s16+s2] =	stream.linear.scatter [tilespmem:s13], [sflag:$0x3], $0x800, $0x38;
	[tilespmem:$0x18A00] =	vst v63  }
0x127: {  	s16 =	sshll.u32 @!p0 s0, $0x4;
	s0 =	smul.u32 @!p0 $0x500, s0;
	_ =	swait.ge [sflag:s10], $0x800  }
0x128: {  	s19 =	simm.s32 @!p0 $0x2A00;
	s17 =	simm.s32 @!p0 $0x10;
	[sflag:s10] =	ssyncset.done $0x0  }
0x129: {  	s16 =	sand.u32 @!p0 $0x3FFFFFF0, s16;
	s0 =	sshra.s32 @!p0 s0, $0x2;
	[sflag:s10] =	ssyncadd.s32 $0xFFFFF800  }
0x12a: {  	[tilespmem:s19], [sflag:$0x1] =	stream.indirect.gather @!p0 [hbm4b:s3+s17], $0x80, s16, s17, $0xb8;
	[tilespmem:$0x18A00] =	vst v63  }
0x12b: {  	s16 =	sadd.s32 @!p0 $0x200, s0;
	s17 =	simm.s32 @!p0 $0x80;
	s19 =	simm.s32 @!p0 $0x3A00  }
0x12c: {  	[tilespmem:s19], [sflag:$0x1] =	stream.indirect.gather @!p0 [hbm4b:s3+s17], $0x80, s16, s17, $0xb8;
	[tilespmem:$0x18A00] =	vst v63  }
0x12d: {  	s16 =	sadd.s32 @!p0 $0x280, s0;
	s19 =	simm.s32 @!p0 $0x7A00  }
0x12e: {  	[tilespmem:s19], [sflag:$0x1] =	stream.indirect.gather @!p0 [hbm4b:s3+s17], $0x80, s16, s17, $0xb8;
	[tilespmem:$0x18A00] =	vst v63  }
0x12f: {  	s0 =	sadd.s32 @!p0 $0x300, s0;
	s16 =	simm.s32 @!p0 $0x40;
	s17 =	simm.s32 @!p0 $0xBA00  }
0x130: {  	[tilespmem:s17], [sflag:$0x1] =	stream.indirect.gather @!p0 [hbm4b:s3+s16], $0x80, s0, s16, $0xb8;
	[tilespmem:$0x18A00] =	vst v63  }
0x131: {  	_ =	swait.ge [sflag:s28], $0x800  }
0x132: {  	[sflag:s28] =	ssyncset.done $0x0  }
0x133: {  	[sflag:s28] =	ssyncadd.s32 $0xFFFFF800  }
0x134: {  	_ =	swait.ge [sflag:s28], $0x4000  }
0x135: {  	s19 =	simm.s32 $0x0;
	[sflag:s28] =	ssyncset.done $0x0  }
0x136: {  	v22 =	vadd.s32 s19, v0;
	[sflag:s28] =	ssyncadd.s32 $0xFFFFC000  }
0x137: {  	v22 =	vand.u32 $0x3F, v22;
	_ =	swait.ge [sflag:s28], $0x4000  }
0x138: {  	v23 =	vor.u32 v1, v22;
	[sflag:s28] =	ssyncset.done $0x0  }
0x139: {  	v24 =	vor.u32 v2, v22;
	[sflag:s28] =	ssyncadd.s32 $0xFFFFC000  }
0x13a: {  	v25 =	vor.u32 v3, v22;
	_ =	swait.ge [sflag:s28], $0x2000  }
0x13b: {  	v26 =	vor.u32 v4, v22;
	[sflag:s28] =	ssyncset.done $0x0  }
0x13c: {  	v27 =	vor.u32 v5, v22;
	[sflag:s28] =	ssyncadd.s32 $0xFFFFE000  }
0x13d: {  	v28 =	vor.u32 v6, v22;
	v23 =	vld.idx.msk [tilespmem:v23+s22+$0x0], $0xffff  }
0x13e: {  	v29 =	vor.u32 v7, v22;
	v24 =	vld.idx.msk [tilespmem:v24+s22+$0x0], $0xffff  }
0x13f: {  	v30 =	vor.u32 v8, v22;
	v25 =	vld.idx.msk [tilespmem:v25+s22+$0x0], $0xffff  }
0x140: {  	v31 =	vor.u32 v9, v22;
	v26 =	vld.idx.msk [tilespmem:v26+s22+$0x0], $0xffff  }
0x141: {  	v56 =	vor.u32 v10, v22;
	v27 =	vld.idx.msk [tilespmem:v27+s22+$0x0], $0xffff  }
0x142: {  	v58 =	vor.u32 v12, v22;
	v28 =	vld.idx.msk [tilespmem:v28+s22+$0x0], $0xffff  }
0x143: {  	v57 =	vor.u32 v11, v22;
	v29 =	vld.idx.msk [tilespmem:v29+s22+$0x0], $0xffff  }
0x144: {  	v36 =	vor.u32 v14, v22;
	v30 =	vld.idx.msk [tilespmem:v30+s22+$0x0], $0xffff  }
0x145: {  	v35 =	vor.u32 v13, v22;
	v23 =	vadd.f32 v25, v23;
	v25 =	vld.idx.msk [tilespmem:v31+s22+$0x0], $0xffff;
	v24 =	vadd.f32 v26, v24  }
0x146: {  	v26 =	vor.u32 v15, v22;
	v31 =	vld.idx.msk [tilespmem:v56+s22+$0x0], $0xffff  }
0x147: {  	v59 =	vor.u32 v16, v22;
	v60 =	vld.idx.msk [tilespmem:v58+s22+$0x0], $0xffff;
	v23 =	vadd.f32 v27, v23;
	v24 =	vadd.f32 v28, v24  }
0x148: {  	v27 =	vld.idx.msk [tilespmem:v57+s22+$0x0], $0xffff;
	v28 =	vor.u32 v17, v22  }
0x149: {  	v61 =	vor.u32 v18, v22;
	v62 =	vld.idx.msk [tilespmem:v36+s22+$0x0], $0xffff;
	v23 =	vadd.f32 v29, v23;
	v24 =	vadd.f32 v30, v24  }
0x14a: {  	v29 =	vld.idx.msk [tilespmem:v35+s22+$0x0], $0xffff;
	v30 =	vor.u32 v20, v22  }
0x14b: {  	v63 =	vor.u32 v19, v22;
	v23 =	vadd.f32 v25, v23;
	v25 =	vld.idx.msk [tilespmem:v26+s22+$0x0], $0xffff;
	v24 =	vadd.f32 v31, v24  }
0x14c: {  	v26 =	vld.idx.msk [tilespmem:v59+s22+$0x0], $0xffff  }
0x14d: {  	v23 =	vadd.f32 v27, v23;
	v27 =	vld.idx.msk [tilespmem:v28+s22+$0x0], $0xffff;
	v24 =	vadd.f32 v60, v24  }
0x14e: {  	v28 =	vld.idx.msk [tilespmem:v61+s22+$0x0], $0xffff  }
0x14f: {  	v23 =	vadd.f32 v29, v23;
	v29 =	vld.idx.msk [tilespmem:v30+s22+$0x0], $0xffff;
	v24 =	vadd.f32 v62, v24  }
0x150: {  	v30 =	vld.idx.msk [tilespmem:v63+s22+$0x0], $0xffff  }
0x151: {  	v23 =	vadd.f32 v25, v23;
	v24 =	vadd.f32 v26, v24  }
0x152: {  	s16 =	simm.s32 $0x1  }
0x153: {  	v25 =	vadd.s32 s16, v0;
	v23 =	vadd.f32 v27, v23;
	v24 =	vadd.f32 v28, v24  }
0x154: {  	v22 =	vor.u32 v21, v22;
	v25 =	vand.u32 $0x3F, v25  }
0x155: {  	v26 =	vor.u32 v3, v25;
	v23 =	vadd.f32 v30, v23;
	v24 =	vadd.f32 v29, v24  }
0x156: {  	v27 =	vor.u32 v2, v25  }
0x157: {  	v28 =	vor.u32 v4, v25;
	v23 =	vadd.f32 v24, v23  }
0x158: {  	v24 =	vor.u32 v1, v25  }
0x159: {  	[tilespmem:v22+s29+$0x0] =	vst.idx.msk $0xffff, v23;
	v22 =	vor.u32 v5, v25  }
0x15a: {  	v23 =	vld.idx.msk [tilespmem:v26+s22+$0x0], $0xffff;
	v26 =	vor.u32 v6, v25  }
0x15b: {  	v29 =	vor.u32 v7, v25;
	v27 =	vld.idx.msk [tilespmem:v27+s22+$0x0], $0xffff  }
0x15c: {  	v30 =	vor.u32 v8, v25;
	v28 =	vld.idx.msk [tilespmem:v28+s22+$0x0], $0xffff  }
0x15d: {  	v31 =	vor.u32 v9, v25;
	v24 =	vld.idx.msk [tilespmem:v24+s22+$0x0], $0xffff  }
0x15e: {  	v39 =	vor.u32 v10, v25;
	v22 =	vld.idx.msk [tilespmem:v22+s22+$0x0], $0xffff  }
0x15f: {  	v40 =	vor.u32 v11, v25;
	v26 =	vld.idx.msk [tilespmem:v26+s22+$0x0], $0xffff  }
0x160: {  	v41 =	vor.u32 v12, v25;
	v29 =	vld.idx.msk [tilespmem:v29+s22+$0x0], $0xffff  }
0x161: {  	v42 =	vor.u32 v13, v25;
	v30 =	vld.idx.msk [tilespmem:v30+s22+$0x0], $0xffff  }
0x162: {  	v27 =	vadd.f32 v28, v27;
	v23 =	vadd.f32 v23, v24;
	v24 =	vld.idx.msk [tilespmem:v31+s22+$0x0], $0xffff;
	v31 =	vor.u32 v14, v25  }
0x163: {  	v43 =	vor.u32 v15, v25;
	v28 =	vld.idx.msk [tilespmem:v39+s22+$0x0], $0xffff  }
0x164: {  	v44 =	vor.u32 v16, v25;
	v22 =	vadd.f32 v22, v23;
	v23 =	vld.idx.msk [tilespmem:v40+s22+$0x0], $0xffff;
	v26 =	vadd.f32 v26, v27  }
0x165: {  	v45 =	vor.u32 v17, v25;
	v27 =	vld.idx.msk [tilespmem:v41+s22+$0x0], $0xffff  }
0x166: {  	v46 =	vor.u32 v18, v25;
	v22 =	vadd.f32 v29, v22;
	v29 =	vld.idx.msk [tilespmem:v42+s22+$0x0], $0xffff;
	v26 =	vadd.f32 v30, v26  }
0x167: {  	v30 =	vld.idx.msk [tilespmem:v31+s22+$0x0], $0xffff;
	v31 =	vor.u32 v20, v25  }
0x168: {  	v47 =	vor.u32 v19, v25;
	v22 =	vadd.f32 v24, v22;
	v24 =	vld.idx.msk [tilespmem:v43+s22+$0x0], $0xffff;
	v26 =	vadd.f32 v28, v26  }
0x169: {  	v28 =	vld.idx.msk [tilespmem:v44+s22+$0x0], $0xffff  }
0x16a: {  	v22 =	vadd.f32 v23, v22;
	v23 =	vld.idx.msk [tilespmem:v45+s22+$0x0], $0xffff;
	v26 =	vadd.f32 v27, v26  }
0x16b: {  	v27 =	vld.idx.msk [tilespmem:v46+s22+$0x0], $0xffff  }
0x16c: {  	v22 =	vadd.f32 v29, v22;
	v29 =	vld.idx.msk [tilespmem:v31+s22+$0x0], $0xffff;
	v26 =	vadd.f32 v30, v26  }
0x16d: {  	v30 =	vld.idx.msk [tilespmem:v47+s22+$0x0], $0xffff  }
0x16e: {  	v22 =	vadd.f32 v24, v22;
	v24 =	vadd.f32 v28, v26  }
0x16f: {  	s17 =	simm.s32 $0x2  }
0x170: {  	v22 =	vadd.f32 v23, v22;
	v23 =	vadd.f32 v27, v24;
	v24 =	vadd.s32 s17, v0  }
0x171: {  	v25 =	vor.u32 v21, v25;
	v24 =	vand.u32 $0x3F, v24  }
0x172: {  	v22 =	vadd.f32 v30, v22;
	v23 =	vadd.f32 v29, v23;
	v26 =	vor.u32 v4, v24  }
0x173: {  	v27 =	vor.u32 v1, v24  }
0x174: {  	v28 =	vor.u32 v3, v24;
	v22 =	vadd.f32 v23, v22  }
0x175: {  	v23 =	vor.u32 v2, v24  }
0x176: {  	[tilespmem:v25+s29+$0x0] =	vst.idx.msk $0xffff, v22;
	v22 =	vor.u32 v6, v24  }
0x177: {  	v25 =	vld.idx.msk [tilespmem:v26+s22+$0x0], $0xffff;
	v26 =	vor.u32 v5, v24  }
0x178: {  	v29 =	vor.u32 v8, v24;
	v27 =	vld.idx.msk [tilespmem:v27+s22+$0x0], $0xffff  }
0x179: {  	v30 =	vor.u32 v7, v24;
	v28 =	vld.idx.msk [tilespmem:v28+s22+$0x0], $0xffff  }
0x17a: {  	v31 =	vor.u32 v10, v24;
	v23 =	vld.idx.msk [tilespmem:v23+s22+$0x0], $0xffff  }
0x17b: {  	v48 =	vor.u32 v9, v24;
	v22 =	vld.idx.msk [tilespmem:v22+s22+$0x0], $0xffff  }
0x17c: {  	v49 =	vor.u32 v12, v24;
	v26 =	vld.idx.msk [tilespmem:v26+s22+$0x0], $0xffff  }
0x17d: {  	v50 =	vor.u32 v11, v24;
	v29 =	vld.idx.msk [tilespmem:v29+s22+$0x0], $0xffff  }
0x17e: {  	v51 =	vor.u32 v14, v24;
	v30 =	vld.idx.msk [tilespmem:v30+s22+$0x0], $0xffff  }
0x17f: {  	v27 =	vadd.f32 v28, v27;
	v23 =	vadd.f32 v25, v23;
	v25 =	vld.idx.msk [tilespmem:v31+s22+$0x0], $0xffff;
	v31 =	vor.u32 v13, v24  }
0x180: {  	v52 =	vor.u32 v16, v24;
	v28 =	vld.idx.msk [tilespmem:v48+s22+$0x0], $0xffff  }
0x181: {  	v53 =	vor.u32 v15, v24;
	v22 =	vadd.f32 v22, v23;
	v23 =	vld.idx.msk [tilespmem:v49+s22+$0x0], $0xffff;
	v26 =	vadd.f32 v26, v27  }
0x182: {  	v54 =	vor.u32 v18, v24;
	v27 =	vld.idx.msk [tilespmem:v50+s22+$0x0], $0xffff  }
0x183: {  	v55 =	vor.u32 v17, v24;
	v22 =	vadd.f32 v29, v22;
	v29 =	vld.idx.msk [tilespmem:v51+s22+$0x0], $0xffff;
	v26 =	vadd.f32 v30, v26  }
0x184: {  	v30 =	vld.idx.msk [tilespmem:v31+s22+$0x0], $0xffff;
	v31 =	vor.u32 v20, v24  }
0x185: {  	v56 =	vor.u32 v19, v24;
	v22 =	vadd.f32 v25, v22;
	v25 =	vld.idx.msk [tilespmem:v52+s22+$0x0], $0xffff;
	v26 =	vadd.f32 v28, v26  }
0x186: {  	v28 =	vld.idx.msk [tilespmem:v53+s22+$0x0], $0xffff  }
0x187: {  	v22 =	vadd.f32 v23, v22;
	v23 =	vld.idx.msk [tilespmem:v54+s22+$0x0], $0xffff;
	v26 =	vadd.f32 v27, v26  }
0x188: {  	v27 =	vld.idx.msk [tilespmem:v55+s22+$0x0], $0xffff  }
0x189: {  	v22 =	vadd.f32 v29, v22;
	v29 =	vld.idx.msk [tilespmem:v31+s22+$0x0], $0xffff;
	v26 =	vadd.f32 v30, v26  }
0x18a: {  	v30 =	vld.idx.msk [tilespmem:v56+s22+$0x0], $0xffff  }
0x18b: {  	v22 =	vadd.f32 v25, v22;
	v25 =	vadd.f32 v28, v26  }
0x18c: {  	s19 =	simm.s32 $0x3  }
0x18d: {  	v23 =	vadd.f32 v23, v22;
	v22 =	vadd.s32 s19, v0;
	v25 =	vadd.f32 v27, v25  }
0x18e: {  	v24 =	vor.u32 v21, v24;
	v22 =	vand.u32 $0x3F, v22  }
0x18f: {  	v23 =	vadd.f32 v29, v23;
	v26 =	vor.u32 v1, v22;
	v25 =	vadd.f32 v30, v25  }
0x190: {  	v27 =	vor.u32 v6, v22  }
0x191: {  	v28 =	vor.u32 v2, v22;
	v23 =	vadd.f32 v23, v25  }
0x192: {  	v29 =	vor.u32 v3, v22  }
0x193: {  	v25 =	vor.u32 v4, v22;
	[tilespmem:v24+s29+$0x0] =	vst.idx.msk $0xffff, v23  }
0x194: {  	v31 =	vor.u32 v9, v22;
	v23 =	vld.idx.msk [tilespmem:v26+s22+$0x0], $0xffff  }
0x195: {  	v24 =	vor.u32 v5, v22;
	v27 =	vld.idx.msk [tilespmem:v27+s22+$0x0], $0xffff  }
0x196: {  	v26 =	vor.u32 v7, v22;
	v28 =	vld.idx.msk [tilespmem:v28+s22+$0x0], $0xffff  }
0x197: {  	v30 =	vor.u32 v8, v22;
	v29 =	vld.idx.msk [tilespmem:v29+s22+$0x0], $0xffff  }
0x198: {  	v57 =	vor.u32 v10, v22;
	v25 =	vld.idx.msk [tilespmem:v25+s22+$0x0], $0xffff  }
0x199: {  	v58 =	vor.u32 v11, v22;
	v61 =	vld.idx.msk [tilespmem:v31+s22+$0x0], $0xffff  }
0x19a: {  	v31 =	vor.u32 v14, v22;
	v24 =	vld.idx.msk [tilespmem:v24+s22+$0x0], $0xffff  }
0x19b: {  	v59 =	vld.idx.msk [tilespmem:v26+s22+$0x0], $0xffff;
	v26 =	vor.u32 v12, v22  }
0x19c: {  	v60 =	vor.u32 v13, v22;
	v30 =	vld.idx.msk [tilespmem:v30+s22+$0x0], $0xffff  }
0x19d: {  	v62 =	vor.u32 v15, v22;
	v37 =	vld.idx.msk [tilespmem:v57+s22+$0x0], $0xffff;
	v25 =	vadd.f32 v25, v28  }
0x19e: {  	v28 =	vadd.f32 v29, v23;
	v23 =	vld.idx.msk [tilespmem:v58+s22+$0x0], $0xffff;
	v29 =	vor.u32 v16, v22  }
0x19f: {  	v38 =	vor.u32 v17, v22;
	v25 =	vadd.f32 v27, v25;
	v27 =	vld.idx.msk [tilespmem:v31+s22+$0x0], $0xffff  }
0x1a0: {  	v28 =	vadd.f32 v24, v28;
	v31 =	vor.u32 v18, v22;
	v26 =	vld.idx.msk [tilespmem:v26+s22+$0x0], $0xffff  }
0x1a1: {  	v24 =	vld.idx.msk [tilespmem:v60+s22+$0x0], $0xffff;
	v63 =	vadd.f32 v30, v25;
	v30 =	vor.u32 v19, v22  }
0x1a2: {  	v32 =	vor.u32 v20, v22;
	v28 =	vadd.f32 v59, v28;
	v25 =	vld.idx.msk [tilespmem:v62+s22+$0x0], $0xffff  }
0x1a3: {  	v29 =	vld.idx.msk [tilespmem:v29+s22+$0x0], $0xffff;
	v34 =	vadd.f32 v37, v63  }
0x1a4: {  	s0 =	simm.s32 $0x4;
	v33 =	vadd.f32 v61, v28;
	v28 =	vld.idx.msk [tilespmem:v38+s22+$0x0], $0xffff  }
.LBB2_5:
0x1a5: {  	p0 =	slt.u32 s0, $0x3C;
	v26 =	vadd.f32 v26, v34;
	v31 =	vld.idx.msk [tilespmem:v31+s22+$0x0], $0xffff;
	s16 =	smov.u32 s0;
	s0 =	sadd.s32 $0x4, s0  }
0x1a6: {  	v23 =	vadd.f32 v23, v33;
	v30 =	vld.idx.msk [tilespmem:v30+s22+$0x0], $0xffff  }
0x1a7: {  	v26 =	vadd.f32 v27, v26;
	v27 =	vld.idx.msk [tilespmem:v32+s22+$0x0], $0xffff  }
0x1a8: {  	v23 =	vadd.f32 v24, v23  }
0x1a9: {  	v24 =	vadd.f32 v29, v26  }
0x1aa: {  	v23 =	vadd.f32 v25, v23  }
0x1ab: {  	v24 =	vadd.f32 v31, v24  }
0x1ac: {  	v22 =	vor.u32 v21, v22;
	v25 =	vadd.s32 s16, v0;
	v23 =	vadd.f32 v28, v23  }
0x1ad: {  	v25 =	vand.u32 $0x3F, v25;
	v24 =	vadd.f32 v27, v24  }
0x1ae: {  	v26 =	vor.u32 v1, v25;
	v27 =	vor.u32 v2, v25;
	v23 =	vadd.f32 v30, v23  }
0x1af: {  	v28 =	vor.u32 v4, v25;
	v29 =	vor.u32 v5, v25;
	v30 =	vor.u32 v6, v25  }
0x1b0: {  	v31 =	vor.u32 v3, v25;
	v32 =	vor.u32 v7, v25;
	v23 =	vadd.f32 v24, v23  }
0x1b1: {  	v33 =	vor.u32 v9, v25;
	v34 =	vor.u32 v10, v25;
	v24 =	vor.u32 v8, v25  }
0x1b2: {  	v35 =	vor.u32 v11, v25;
	v36 =	vor.u32 v12, v25;
	[tilespmem:v22+s29+$0x0] =	vst.idx.msk $0xffff, v23  }
0x1b3: {  	v37 =	vor.u32 v15, v25;
	v23 =	vor.u32 v13, v25;
	v22 =	vld.idx.msk [tilespmem:v26+s22+$0x0], $0xffff;
	v26 =	vor.u32 v14, v25  }
0x1b4: {  	v38 =	vor.u32 v16, v25;
	v39 =	vor.u32 v17, v25;
	v40 =	vor.u32 v18, v25;
	v27 =	vld.idx.msk [tilespmem:v27+s22+$0x0], $0xffff  }
0x1b5: {  	v41 =	vor.u32 v19, v25;
	v42 =	vor.u32 v20, v25;
	v31 =	vld.idx.msk [tilespmem:v31+s22+$0x0], $0xffff  }
0x1b6: {  	v28 =	vld.idx.msk [tilespmem:v28+s22+$0x0], $0xffff  }
0x1b7: {  	v29 =	vld.idx.msk [tilespmem:v29+s22+$0x0], $0xffff  }
0x1b8: {  	v30 =	vld.idx.msk [tilespmem:v30+s22+$0x0], $0xffff  }
0x1b9: {  	v32 =	vld.idx.msk [tilespmem:v32+s22+$0x0], $0xffff  }
0x1ba: {  	v24 =	vld.idx.msk [tilespmem:v24+s22+$0x0], $0xffff  }
0x1bb: {  	v22 =	vadd.f32 v31, v22;
	v31 =	vld.idx.msk [tilespmem:v33+s22+$0x0], $0xffff  }
0x1bc: {  	v27 =	vadd.f32 v28, v27;
	v28 =	vld.idx.msk [tilespmem:v34+s22+$0x0], $0xffff  }
0x1bd: {  	v22 =	vadd.f32 v29, v22;
	v29 =	vld.idx.msk [tilespmem:v35+s22+$0x0], $0xffff  }
0x1be: {  	v27 =	vadd.f32 v30, v27;
	v30 =	vld.idx.msk [tilespmem:v36+s22+$0x0], $0xffff  }
0x1bf: {  	v22 =	vadd.f32 v32, v22;
	v23 =	vld.idx.msk [tilespmem:v23+s22+$0x0], $0xffff  }
0x1c0: {  	v24 =	vadd.f32 v24, v27;
	v26 =	vld.idx.msk [tilespmem:v26+s22+$0x0], $0xffff  }
0x1c1: {  	v22 =	vadd.f32 v31, v22;
	v27 =	vld.idx.msk [tilespmem:v37+s22+$0x0], $0xffff  }
0x1c2: {  	v24 =	vadd.f32 v28, v24;
	v28 =	vld.idx.msk [tilespmem:v38+s22+$0x0], $0xffff  }
0x1c3: {  	v22 =	vadd.f32 v29, v22;
	v29 =	vld.idx.msk [tilespmem:v39+s22+$0x0], $0xffff  }
0x1c4: {  	v24 =	vadd.f32 v30, v24;
	v30 =	vld.idx.msk [tilespmem:v40+s22+$0x0], $0xffff  }
0x1c5: {  	v22 =	vadd.f32 v23, v22;
	v23 =	vld.idx.msk [tilespmem:v42+s22+$0x0], $0xffff  }
0x1c6: {  	v24 =	vadd.f32 v26, v24;
	v26 =	vld.idx.msk [tilespmem:v41+s22+$0x0], $0xffff  }
0x1c7: {  	v22 =	vadd.f32 v27, v22  }
0x1c8: {  	v24 =	vadd.f32 v28, v24  }
0x1c9: {  	s17 =	sadd.s32 $0x1, s16;
	v22 =	vadd.f32 v29, v22  }
0x1ca: {  	v27 =	vadd.s32 s17, v0;
	v24 =	vadd.f32 v30, v24  }
0x1cb: {  	v25 =	vor.u32 v21, v25;
	v27 =	vand.u32 $0x3F, v27  }
0x1cc: {  	v22 =	vadd.f32 v26, v22;
	v23 =	vadd.f32 v23, v24;
	v24 =	vor.u32 v3, v27  }
0x1cd: {  	v26 =	vor.u32 v2, v27  }
0x1ce: {  	v22 =	vadd.f32 v23, v22;
	v23 =	vor.u32 v1, v27  }
0x1cf: {  	v28 =	vor.u32 v4, v27  }
0x1d0: {  	[tilespmem:v25+s29+$0x0] =	vst.idx.msk $0xffff, v22;
	v22 =	vor.u32 v5, v27  }
0x1d1: {  	v25 =	vor.u32 v6, v27;
	v24 =	vld.idx.msk [tilespmem:v24+s22+$0x0], $0xffff  }
0x1d2: {  	v29 =	vor.u32 v7, v27;
	v26 =	vld.idx.msk [tilespmem:v26+s22+$0x0], $0xffff  }
0x1d3: {  	v30 =	vor.u32 v8, v27;
	v23 =	vld.idx.msk [tilespmem:v23+s22+$0x0], $0xffff  }
0x1d4: {  	v31 =	vor.u32 v9, v27;
	v28 =	vld.idx.msk [tilespmem:v28+s22+$0x0], $0xffff  }
0x1d5: {  	v32 =	vor.u32 v10, v27;
	v22 =	vld.idx.msk [tilespmem:v22+s22+$0x0], $0xffff  }
0x1d6: {  	v33 =	vor.u32 v11, v27;
	v25 =	vld.idx.msk [tilespmem:v25+s22+$0x0], $0xffff  }
0x1d7: {  	v34 =	vor.u32 v12, v27;
	v29 =	vld.idx.msk [tilespmem:v29+s22+$0x0], $0xffff  }
0x1d8: {  	v35 =	vor.u32 v13, v27;
	v30 =	vld.idx.msk [tilespmem:v30+s22+$0x0], $0xffff  }
0x1d9: {  	v23 =	vadd.f32 v24, v23;
	v24 =	vld.idx.msk [tilespmem:v31+s22+$0x0], $0xffff;
	v31 =	vor.u32 v14, v27  }
0x1da: {  	v26 =	vadd.f32 v28, v26;
	v28 =	vld.idx.msk [tilespmem:v32+s22+$0x0], $0xffff;
	v32 =	vor.u32 v15, v27  }
0x1db: {  	v22 =	vadd.f32 v22, v23;
	v23 =	vld.idx.msk [tilespmem:v33+s22+$0x0], $0xffff;
	v33 =	vor.u32 v16, v27  }
0x1dc: {  	v25 =	vadd.f32 v25, v26;
	v26 =	vld.idx.msk [tilespmem:v34+s22+$0x0], $0xffff;
	v34 =	vor.u32 v17, v27  }
0x1dd: {  	v22 =	vadd.f32 v29, v22;
	v29 =	vld.idx.msk [tilespmem:v35+s22+$0x0], $0xffff;
	v35 =	vor.u32 v18, v27  }
0x1de: {  	v25 =	vadd.f32 v30, v25;
	v30 =	vld.idx.msk [tilespmem:v31+s22+$0x0], $0xffff;
	v31 =	vor.u32 v20, v27  }
0x1df: {  	v22 =	vadd.f32 v24, v22;
	v24 =	vld.idx.msk [tilespmem:v32+s22+$0x0], $0xffff;
	v32 =	vor.u32 v19, v27  }
0x1e0: {  	v25 =	vadd.f32 v28, v25;
	v28 =	vld.idx.msk [tilespmem:v33+s22+$0x0], $0xffff  }
0x1e1: {  	v22 =	vadd.f32 v23, v22;
	v23 =	vld.idx.msk [tilespmem:v34+s22+$0x0], $0xffff  }
0x1e2: {  	v25 =	vadd.f32 v26, v25;
	v26 =	vld.idx.msk [tilespmem:v35+s22+$0x0], $0xffff  }
0x1e3: {  	v22 =	vadd.f32 v29, v22;
	v29 =	vld.idx.msk [tilespmem:v31+s22+$0x0], $0xffff  }
0x1e4: {  	v25 =	vadd.f32 v30, v25;
	v30 =	vld.idx.msk [tilespmem:v32+s22+$0x0], $0xffff  }
0x1e5: {  	v22 =	vadd.f32 v24, v22  }
0x1e6: {  	v24 =	vadd.f32 v28, v25  }
0x1e7: {  	s17 =	sadd.s32 $0x2, s16;
	v22 =	vadd.f32 v23, v22  }
0x1e8: {  	v23 =	vadd.f32 v26, v24;
	v24 =	vadd.s32 s17, v0  }
0x1e9: {  	v25 =	vor.u32 v21, v27;
	v24 =	vand.u32 $0x3F, v24  }
0x1ea: {  	v22 =	vadd.f32 v30, v22;
	v23 =	vadd.f32 v29, v23;
	v26 =	vor.u32 v4, v24  }
0x1eb: {  	v27 =	vor.u32 v1, v24  }
0x1ec: {  	v22 =	vadd.f32 v23, v22;
	v23 =	vor.u32 v2, v24  }
0x1ed: {  	v28 =	vor.u32 v3, v24  }
0x1ee: {  	[tilespmem:v25+s29+$0x0] =	vst.idx.msk $0xffff, v22;
	v22 =	vor.u32 v6, v24  }
0x1ef: {  	v25 =	vld.idx.msk [tilespmem:v26+s22+$0x0], $0xffff;
	v26 =	vor.u32 v5, v24  }
0x1f0: {  	v29 =	vor.u32 v8, v24;
	v27 =	vld.idx.msk [tilespmem:v27+s22+$0x0], $0xffff  }
0x1f1: {  	v30 =	vor.u32 v7, v24;
	v23 =	vld.idx.msk [tilespmem:v23+s22+$0x0], $0xffff  }
0x1f2: {  	v31 =	vor.u32 v10, v24;
	v28 =	vld.idx.msk [tilespmem:v28+s22+$0x0], $0xffff  }
0x1f3: {  	v32 =	vor.u32 v9, v24;
	v22 =	vld.idx.msk [tilespmem:v22+s22+$0x0], $0xffff  }
0x1f4: {  	v33 =	vor.u32 v12, v24;
	v26 =	vld.idx.msk [tilespmem:v26+s22+$0x0], $0xffff  }
0x1f5: {  	v34 =	vor.u32 v11, v24;
	v29 =	vld.idx.msk [tilespmem:v29+s22+$0x0], $0xffff  }
0x1f6: {  	v35 =	vor.u32 v14, v24;
	v30 =	vld.idx.msk [tilespmem:v30+s22+$0x0], $0xffff  }
0x1f7: {  	v23 =	vadd.f32 v25, v23;
	v25 =	vld.idx.msk [tilespmem:v31+s22+$0x0], $0xffff;
	v31 =	vor.u32 v13, v24  }
0x1f8: {  	v27 =	vadd.f32 v28, v27;
	v28 =	vld.idx.msk [tilespmem:v32+s22+$0x0], $0xffff;
	v32 =	vor.u32 v16, v24  }
0x1f9: {  	v22 =	vadd.f32 v22, v23;
	v23 =	vld.idx.msk [tilespmem:v33+s22+$0x0], $0xffff;
	v33 =	vor.u32 v15, v24  }
0x1fa: {  	v26 =	vadd.f32 v26, v27;
	v27 =	vld.idx.msk [tilespmem:v34+s22+$0x0], $0xffff;
	v34 =	vor.u32 v18, v24  }
0x1fb: {  	v22 =	vadd.f32 v29, v22;
	v29 =	vld.idx.msk [tilespmem:v35+s22+$0x0], $0xffff;
	v35 =	vor.u32 v17, v24  }
0x1fc: {  	v26 =	vadd.f32 v30, v26;
	v30 =	vld.idx.msk [tilespmem:v31+s22+$0x0], $0xffff;
	v31 =	vor.u32 v20, v24  }
0x1fd: {  	v22 =	vadd.f32 v25, v22;
	v25 =	vld.idx.msk [tilespmem:v32+s22+$0x0], $0xffff;
	v32 =	vor.u32 v19, v24  }
0x1fe: {  	v26 =	vadd.f32 v28, v26;
	v28 =	vld.idx.msk [tilespmem:v33+s22+$0x0], $0xffff  }
0x1ff: {  	v22 =	vadd.f32 v23, v22;
	v23 =	vld.idx.msk [tilespmem:v34+s22+$0x0], $0xffff  }
0x200: {  	v26 =	vadd.f32 v27, v26;
	v27 =	vld.idx.msk [tilespmem:v35+s22+$0x0], $0xffff  }
0x201: {  	v22 =	vadd.f32 v29, v22;
	v29 =	vld.idx.msk [tilespmem:v31+s22+$0x0], $0xffff  }
0x202: {  	v26 =	vadd.f32 v30, v26;
	v30 =	vld.idx.msk [tilespmem:v32+s22+$0x0], $0xffff  }
0x203: {  	v22 =	vadd.f32 v25, v22  }
0x204: {  	v25 =	vadd.f32 v28, v26  }
0x205: {  	s16 =	sadd.s32 $0x3, s16;
	v23 =	vadd.f32 v23, v22  }
0x206: {  	v22 =	vadd.s32 s16, v0;
	v25 =	vadd.f32 v27, v25  }
0x207: {  	v24 =	vor.u32 v21, v24;
	v22 =	vand.u32 $0x3F, v22  }
0x208: {  	v23 =	vadd.f32 v29, v23;
	v26 =	vor.u32 v1, v22;
	v25 =	vadd.f32 v30, v25  }
0x209: {  	v27 =	vor.u32 v6, v22  }
0x20a: {  	v23 =	vadd.f32 v23, v25;
	v25 =	vor.u32 v4, v22  }
0x20b: {  	v28 =	vor.u32 v2, v22;
	v29 =	vor.u32 v3, v22  }
0x20c: {  	[tilespmem:v24+s29+$0x0] =	vst.idx.msk $0xffff, v23  }
0x20d: {  	v24 =	vor.u32 v5, v22;
	v23 =	vld.idx.msk [tilespmem:v26+s22+$0x0], $0xffff  }
0x20e: {  	v26 =	vld.idx.msk [tilespmem:v27+s22+$0x0], $0xffff;
	v27 =	vor.u32 v7, v22  }
0x20f: {  	v30 =	vor.u32 v8, v22;
	v25 =	vld.idx.msk [tilespmem:v25+s22+$0x0], $0xffff  }
0x210: {  	v31 =	vor.u32 v9, v22;
	v28 =	vld.idx.msk [tilespmem:v28+s22+$0x0], $0xffff  }
0x211: {  	v32 =	vor.u32 v10, v22;
	v29 =	vld.idx.msk [tilespmem:v29+s22+$0x0], $0xffff  }
0x212: {  	v33 =	vor.u32 v11, v22;
	v24 =	vld.idx.msk [tilespmem:v24+s22+$0x0], $0xffff  }
0x213: {  	v34 =	vld.idx.msk [tilespmem:v27+s22+$0x0], $0xffff;
	v27 =	vor.u32 v12, v22  }
0x214: {  	v35 =	vor.u32 v13, v22;
	v30 =	vld.idx.msk [tilespmem:v30+s22+$0x0], $0xffff  }
0x215: {  	v37 =	vor.u32 v14, v22;
	v36 =	vld.idx.msk [tilespmem:v31+s22+$0x0], $0xffff  }
0x216: {  	v25 =	vadd.f32 v25, v28;
	v28 =	vld.idx.msk [tilespmem:v32+s22+$0x0], $0xffff;
	v32 =	vor.u32 v15, v22  }
0x217: {  	v29 =	vadd.f32 v29, v23;
	v23 =	vld.idx.msk [tilespmem:v33+s22+$0x0], $0xffff;
	v33 =	vor.u32 v16, v22  }
0x218: {  	v38 =	vor.u32 v17, v22;
	v25 =	vadd.f32 v26, v25;
	v26 =	vld.idx.msk [tilespmem:v27+s22+$0x0], $0xffff  }
.Ltmp1:
0x219: {  	v31 =	vor.u32 v18, v22;
	v29 =	vadd.f32 v24, v29;
	v24 =	vld.idx.msk [tilespmem:v35+s22+$0x0], $0xffff;
	(pc) =	sbr.rel @p0 .LBB2_5-.Ltmp1, $4  }
0x21a: {  	v35 =	vadd.f32 v30, v25;
	v30 =	vor.u32 v19, v22;
	v27 =	vld.idx.msk [tilespmem:v37+s22+$0x0], $0xffff  }
0x21b: {  	v37 =	vadd.f32 v34, v29;
	v25 =	vld.idx.msk [tilespmem:v32+s22+$0x0], $0xffff;
	v32 =	vor.u32 v20, v22  }
0x21c: {  	v34 =	vadd.f32 v28, v35;
	v29 =	vld.idx.msk [tilespmem:v33+s22+$0x0], $0xffff  }
0x21d: {  	v33 =	vadd.f32 v36, v37;
	v28 =	vld.idx.msk [tilespmem:v38+s22+$0x0], $0xffff  }
0x21e: {  	_ =	sdelay $0x2  }
0x21f: {  	v26 =	vadd.f32 v26, v34;
	v23 =	vadd.f32 v23, v33  }
0x220: {  	v31 =	vld.idx.msk [tilespmem:v31+s22+$0x0], $0xffff  }
0x221: {  	v30 =	vld.idx.msk [tilespmem:v30+s22+$0x0], $0xffff;
	v26 =	vadd.f32 v27, v26;
	v23 =	vadd.f32 v24, v23  }
0x222: {  	v62 =	vld.idx.msk [tilespmem:v32+s22+$0x0], $0xffff  }
0x223: {  	v26 =	vadd.f32 v29, v26;
	v23 =	vadd.f32 v25, v23;
	_ =	sdelay $0x1  }
0x224: {  	v63 =	vadd.f32 v31, v26;
	v23 =	vadd.f32 v28, v23  }
0x225: {  	v22 =	vor.u32 v21, v22  }
0x226: {  	v24 =	vadd.f32 v62, v63;
	v23 =	vadd.f32 v30, v23;
	_ =	sdelay $0x1  }
0x227: {  	s0 =	sshll.u32 s1, $0x8;
	v23 =	vadd.f32 v24, v23  }
0x228: {  	s0 =	sadd.s32 s8, s0  }
0x229: {  	s19 =	sadd.s32 s4, s0;
	[tilespmem:v22+s29+$0x0] =	vst.idx.msk $0xffff, v23  }
0x22a: {  	[hbm4b:s19+s2] =	stream.linear.scatter [tilespmem:s29], [sflag:$0x3], $0x800, $0x38;
	[tilespmem:$0x18A00] =	vst v63  }
0x22b: {  	s31 =	sadd.s32 $0x1, s31;
	_ =	swait.ge [sflag:s10], $0x800  }
0x22c: {  	p0 =	sne.s32 s31, $0x10;
	[sflag:s10] =	ssyncset.done $0x0  }
.Ltmp2:
0x22d: {  	s0 =	sadd.s32 s5, s0;
	[sflag:s10] =	ssyncadd.s32 $0xFFFFF800;
	(pc) =	sbr.rel @p0 .LBB2_2-.Ltmp2, $4  }
0x22e: {  	[hbm4b:s0+s2] =	stream.linear.scatter [tilespmem:s21], [sflag:$0x3], $0x800, $0x38;
	[tilespmem:$0x18A00] =	vst v63  }
0x22f: {  	_ =	swait.ge [sflag:s10], $0x800  }
0x230: {  	[sflag:s10] =	ssyncset.done $0x0  }
0x231: {  	[sflag:s10] =	ssyncadd.s32 $0xFFFFF800  }
0x232: {  	s30 =	sadd.s32 $0x1, s30  }
0x233: {  	p0 =	sne.s32 s30, s9  }
.Ltmp3:
0x234: {  	_ = 	snop;
	(pc) =	sbr.rel @p0 .LBB2_1-.Ltmp3, $1  }
0x235: {  	_ =	sdelay $0x3  }
0x236: {  	_ =	sfence.sel $0x180000  }
0x237: {  	[bflag:$0x0] =	sbarrier.arrive $0xFFFF  }
0x238: {  	_ =	strace $0x90000047  }
0x239: {  	s0 =	stileid.u32;
	[bflag:$0x2] =	sbarrier.arrive $0xFFFF  }
0x23a: {  	p0 =	sne.s32 s0, $0x0;
	s0 =	rddreg [dreg:$0x2]  }
0x23b: {  	s0 =	sadd.s32 @!p0 $0x100000, s0  }
0x23c: {  	[sflag:s0] =	ssyncadd.tile.s32 @!p0 $0x1;
	_ =	shalt  }
.Lfunc_end2:
_tile_overlayer_lowered:
.L_overlay_start_2:
0x23d: {  	(tag) =	ssettag $0x2  }
0x23e: {  	s0 =	rddreg [dreg:$0x0];
	s2 =	stileid.u32  }
0x23f: {  	s1 =	rddreg [dreg:$0x1];
	p0 =	sne.s32 s2, $0x0  }
0x240: {  	s3 =	rddreg [dreg:$0x2];
	[bflag:$0x3] =	sbarrier.arrive $0xFFFF;
	s2 =	simm.s32 @!p0 $0x1C03  }
0x241: {  	[timem:s3], [sflag:s2] =	dma.local @!p0 [hbm:s0], s1  }
0x242: {  	s0 =	simm.s32 @!p0 $0x3  }
0x243: {  	_ =	swait.ge @!p0 [sflag:s0], s1  }
0x244: {  	s1 =	ssub.s32 @!p0 $0x0, s1;
	[sflag:s0] =	ssyncset.done @!p0 $0x0  }
0x245: {  	[sflag:s0] =	ssyncadd.s32 @!p0 s1  }
0x246: {  	[bflag:$0x3] =	sbarrier.arrive $0xFFFF  }
0x247: {  	_ =	shalt  }

// kernel: kernel.8.cloned.1.call-start
scs
__scs_entry_jumppad:
0x0: {  	(pc) =	sbr.rel $0x88, $3  }
0x1: {  	(tag) =	ssettag $0x0;
	lr =	simm.s32 $0x1  }
0x2: {  	[smem:$0x3F9C] =	sst lr;
	_ =	strace $0xD0000000  }
0x3: {  	_ = 	snop  }
0x4: {  	_ = 	snop  }
0x5: {  	_ = 	snop  }
0x6: {  	_ = 	snop  }
0x7: {  	_ = 	snop  }
__scs_overlays_trampoline_lowered:
0x8: {  	[smem:$0x3FAB] =	sst s0  }
0x9: {  	[smem:$0x3FAC] =	sst s1  }
0xa: {  	[smem:$0x3FAD] =	sst s2  }
0xb: {  	[smem:$0x3FAE] =	sst s3  }
0xc: {  	[smem:$0x3FAF] =	sst s4  }
0xd: {  	[smem:$0x3FB0] =	sst s5  }
0xe: {  	[smem:$0x3FB1] =	sst s6  }
0xf: {  	[smem:$0x3FB2] =	sst s7  }
0x10: {  	[smem:$0x3FB3] =	sst s8  }
0x11: {  	[smem:$0x3FB4] =	sst s9;
	s0 =	simm.s32 @!p0 $0x0  }
0x12: {  	s1 =	sld [smem:$0x3F9A];
	s0 =	simm.s32 @p0 $0x1  }
0x13: {  	[smem:$0x3FB5] =	sst s0;
	s0 =	simm.s32 @!p1 $0x0  }
0x14: {  	s2 =	sld [smem:$0x3F99];
	s0 =	simm.s32 @p1 $0x1  }
0x15: {  	[smem:$0x3FB6] =	sst s0;
	s0 =	simm.s32 @!p2 $0x0  }
0x16: {  	s3 =	sld [smem:$0x3FDB];
	s0 =	simm.s32 @p2 $0x1  }
0x17: {  	s4 =	simm.s32 $0x1BF5;
	[smem:$0x3FB8] =	sst s0  }
0x18: {  	s0 =	sld [smem:$0x3F9B];
	_ =	swait.ge [sflag:s4], $0x0  }
0x19: {  	s7 =	sld [smem:$0x3F9C]  }
0x1a: {  	s8 =	sadd.s32 $0xFFFFE003, lr  }
0x1b: {  	s9 =	sadd.s32 $0xFFFFFEF7, lr;
	s5 =	simm.s32 $0xFFFFFFFF;
	p2 =	slt.u32 s8, $0xFFFFF086  }
0x1c: {  	p1 =	slt.u32 s9, $0xF7A;
	s5 =	simm.s32 @!p2 $0x0  }
0x1d: {  	s5 =	simm.s32 @p1 $0x1;
	p0 =	seq.s32 s7, s2  }
0x1e: {  	s7 =	smul.u32 @!p0 $0xF7A, s2;
	p2 =	seq.s32 @!p0 s5, $0x0  }
0x1f: {  	s9 =	smul.u32 $0xF7A, s1;
	s8 =	simm.s32 @!p0 $0x1BF5;
	p2 =	por !p2, p0  }
0x20: {  	[sflag:s8] =	ssyncset.s32 @!p0 $0xFFFFF086;
	s6 =	sadd.s32 @!p0 s3, s7;
	s7 =	simm.s32 @!p0 $0x108  }
0x21: {  	s3 =	sadd.s32 s3, s9;
	s6 =	sadd.s32 @!p0 $0x88, s6;
	s7 =	simm.s32 @p2 $0x1082  }
0x22: {  	[simem:s7], [sflag:s8] =	dma.local @!p0 [hbm:s6], $0xF7A  }
0x23: {  	s9 =	sor.u32 $0xD0000000, s2;
	s6 =	simm.s32 $0x108;
	_ =	swait.ge @!p0 [sflag:s8], $0x0  }
0x24: {  	s3 =	sadd.s32 $0x88, s3;
	s6 =	simm.s32 @!p1 $0x1082;
	[sflag:s4] =	ssyncset.s32 $0xFFFFF086  }
0x25: {  	[simem:s6], [sflag:s4] =	dma.local [hbm:s3], $0xF7A  }
0x26: {  	[smem:$0x3F9C] =	sst s1;
	(tag) =	ssettag s2;
	_ =	strace s9  }
0x27: {  	s1 =	sld [smem:$0x3FAC]  }
0x28: {  	s2 =	sld [smem:$0x3FAD]  }
0x29: {  	s4 =	sld [smem:$0x3FAF]  }
0x2a: {  	p0 =	seq.s32 s5, $0x0;
	s5 =	sld [smem:$0x3FB0]  }
0x2b: {  	s6 =	sld [smem:$0x3FB1]  }
0x2c: {  	s7 =	sld [smem:$0x3FB2]  }
0x2d: {  	s3 =	simm.s32 $0x108;
	s8 =	sld [smem:$0x3FB3]  }
0x2e: {  	s3 =	simm.s32 @!p0 $0x1082;
	s9 =	sld [smem:$0x3FB4]  }
0x2f: {  	lr =	sadd.s32 s0, s3;
	s0 =	sld [smem:$0x3FAB]  }
0x30: {  	s3 =	sld [smem:$0x3FAE]  }
0x31: {  	[smem:$0x3FB7] =	sst s10  }
0x32: {  	s10 =	sld [smem:$0x3FB5];
	_ =	sdelay $0x3  }
0x33: {  	p0 =	seq.s32 s10, $0x1;
	s10 =	sld [smem:$0x3FB7];
	_ =	sdelay $0x3  }
0x34: {  	[smem:$0x3FB7] =	sst s10  }
0x35: {  	s10 =	sld [smem:$0x3FB6];
	_ =	sdelay $0x3  }
0x36: {  	p1 =	seq.s32 s10, $0x1;
	s10 =	sld [smem:$0x3FB7];
	_ =	sdelay $0x3  }
0x37: {  	[smem:$0x3FB7] =	sst s10  }
0x38: {  	s10 =	sld [smem:$0x3FB8]  }
0x39: {  	_ = 	snop;
	(pc) =	sbr.ind lr, $3  }
0x3a: {  	_ = 	snop  }
0x3b: {  	_ = 	snop  }
0x3c: {  	p2 =	seq.s32 s10, $0x1;
	s10 =	sld [smem:$0x3FB7]  }
0x3d: {  	_ =	shalt  }
0x3e: {  	_ =	shalt  }
0x3f: {  	_ =	shalt  }
0x40: {  	_ =	shalt  }
0x41: {  	_ =	shalt  }
0x42: {  	_ =	shalt  }
0x43: {  	_ =	shalt  }
0x44: {  	_ =	shalt  }
0x45: {  	_ =	shalt  }
0x46: {  	_ =	shalt  }
0x47: {  	_ =	shalt  }
0x48: {  	_ =	shalt  }
0x49: {  	_ =	shalt  }
0x4a: {  	_ =	shalt  }
0x4b: {  	_ =	shalt  }
0x4c: {  	_ =	shalt  }
0x4d: {  	_ =	shalt  }
0x4e: {  	_ =	shalt  }
0x4f: {  	_ =	shalt  }
0x50: {  	_ =	shalt  }
0x51: {  	_ =	shalt  }
0x52: {  	_ =	shalt  }
0x53: {  	_ =	shalt  }
0x54: {  	_ =	shalt  }
0x55: {  	_ =	shalt  }
0x56: {  	_ =	shalt  }
0x57: {  	_ =	shalt  }
0x58: {  	_ =	shalt  }
0x59: {  	_ =	shalt  }
0x5a: {  	_ =	shalt  }
0x5b: {  	_ =	shalt  }
0x5c: {  	_ =	shalt  }
0x5d: {  	_ =	shalt  }
0x5e: {  	_ =	shalt  }
0x5f: {  	_ =	shalt  }
0x60: {  	_ =	shalt  }
0x61: {  	_ =	shalt  }
0x62: {  	_ =	shalt  }
0x63: {  	_ =	shalt  }
0x64: {  	_ =	shalt  }
0x65: {  	_ =	shalt  }
0x66: {  	_ =	shalt  }
0x67: {  	_ =	shalt  }
0x68: {  	_ =	shalt  }
0x69: {  	_ =	shalt  }
0x6a: {  	_ =	shalt  }
0x6b: {  	_ =	shalt  }
0x6c: {  	_ =	shalt  }
0x6d: {  	_ =	shalt  }
0x6e: {  	_ =	shalt  }
0x6f: {  	_ =	shalt  }
0x70: {  	_ =	shalt  }
0x71: {  	_ =	shalt  }
0x72: {  	_ =	shalt  }
0x73: {  	_ =	shalt  }
0x74: {  	_ =	shalt  }
0x75: {  	_ =	shalt  }
0x76: {  	_ =	shalt  }
0x77: {  	_ =	shalt  }
0x78: {  	_ =	shalt  }
0x79: {  	_ =	shalt  }
0x7a: {  	_ =	shalt  }
0x7b: {  	_ =	shalt  }
0x7c: {  	_ =	shalt  }
0x7d: {  	_ =	shalt  }
0x7e: {  	_ =	shalt  }
0x7f: {  	_ =	shalt  }
0x80: {  	_ =	shalt  }
0x81: {  	_ =	shalt  }
0x82: {  	_ =	shalt  }
0x83: {  	_ =	shalt  }
0x84: {  	_ =	shalt  }
0x85: {  	_ =	shalt  }
0x86: {  	_ =	shalt  }
0x87: {  	_ =	shalt  }
.Lfunc_end0:
.L_simem_size_0:
called_computation.1_lowered:
.L_overlay_start_0:
0x88: {  	s2 =	sld [smem:$0x3FD9]  }
0x89: {  	s3 =	sld [smem:$0x3FFE];
	_ =	sdelay $0x1  }
0x8a: {  	s1 =	srdreg.scid  }
0x8b: {  	s0 =	sand.u32 $0x1, s1  }
0x8c: {  	s17 =	sshll.u32 s0, $0xA;
	s2 =	sadd.s32 s3, s2  }
0x8d: {  	s2 =	sadd.s32 s2, s17  }
0x8e: {  	[smem:$0x3FC3] =	sst s2  }
0x8f: {  	_ = 	snop  }
0x90: {  	s2 =	sld [smem:$0x3FC7];
	(tm) =	ssettm $0x1  }
0x91: {  	s18 =	sld [smem:$0x3FFB];
	_ =	sdelay $0x3  }
0x92: {  	_ =	strace s18  }
0x93: {  	s3 =	sld [smem:$0x3FFC];
	_ =	sdelay $0x3  }
0x94: {  	_ =	strace s3  }
0x95: {  	s3 =	sld [smem:$0x3FFD];
	_ =	sdelay $0x3  }
0x96: {  	_ =	strace s3  }
0x97: {  	_ =	strace $0x8FFFFFFF  }
0x98: {  	s19 =	sld [smem:$0x3FDB];
	_ =	sdelay $0x1  }
0x99: {  	s4 =	simm.s32 $_scs_section_size  }
0x9a: {  	s5 =	simm.s32 $_size__tile_overlayer_lowered;
	s6 =	simm.s32 $_tile_overlayer_lowered  }
0x9b: {  	s22 =	simm.s32 $0x1BFF;
	s21 =	sshll.u32 s6, $0x1;
	s3 =	sadd.s32 s4, s19  }
0x9c: {  	s7 =	simm.s32 $0x0;
	s20 =	sshll.u32 s5, $0x1;
	s5 =	sadd.s32 s21, s3  }
0x9d: {  	[timem:s7], [sflag:s22] =	dma.local [hbm:s5], s20  }
0x9e: {  	_ =	swait.ge [sflag:s22], s20  }
0x9f: {  	s4 =	ssub.s32 $0x0, s20;
	[sflag:s22] =	ssyncset.done $0x0  }
0xa0: {  	[sflag:s22] =	ssyncadd.s32 s4;
	_ =	sdelay $0x1  }
0xa1: {  	s23 =	simm.s32 $0x1B8B  }
0xa2: {  	_ =	swait.ge [sflag:s23], $0x1  }
0xa3: {  	[sflag:s23] =	ssyncset.done $0x0  }
0xa4: {  	s25 =	simm.s32 $0x1B8E;
	s24 =	sld [smem:$0x3FFE];
	[sflag:s23] =	ssyncadd.s32 $0xFFFFFFFF  }
0xa5: {  	s26 =	simm.s32 $execute0_lowered;
	[smem:$0x3FD2] =	sst s25  }
0xa6: {  	s5 =	sshll.u32 s26, $0x1;
	_ =	strace $0x80000049;
	[dreg:$0x1] =	wrdreg $0xFFFFFFFF  }
0xa7: {  	s28 =	simm.s32 $_size_execute0_lowered;
	s3 =	sadd.s32 s3, s5;
	[dreg:$0x0] =	wrdreg $0x0  }
0xa8: {  	s5 =	sshll.u32 s28, $0x1;
	[dreg:$0x2] =	wrdreg s3  }
0xa9: {  	[dreg:$0x3] =	wrdreg s5  }
0xaa: {  	[dreg:$0x4] =	wrdreg $0xC0  }
0xab: {  	_ =	task [dreg:s7], $0x5FFFF  }
0xac: {  	[dreg:$0x1] =	wrdreg $0xFFFFFFFF  }
0xad: {  	[dreg:$0x0] =	wrdreg $0x60  }
0xae: {  	[dreg:$0x2] =	wrdreg s24  }
0xaf: {  	[dreg:$0x3] =	wrdreg s2  }
0xb0: {  	[dreg:$0x4] =	wrdreg $0x9  }
0xb1: {  	_ =	task.clear_ibuf [dreg:s7], $0x5FFFF;
	_ =	strace $0x90000049  }
0xb2: {  	s29 =	simm.s32 $0x9;
	_ =	strace $0x8000004B  }
0xb3: {  	_ =	swait.ge [sflag:s29], $0x1  }
0xb4: {  	[sflag:s29] =	ssyncadd.s32 $0xFFFFFFFF  }
0xb5: {  	_ =	strace $0x9000004B  }
0xb6: {  	_ =	sfence  }
0xb7: {  	s30 =	sld [smem:$0x0];
	_ =	sdelay $0x2  }
0xb8: {  	s31 =	sshll.u32 s1, $0xD;
	s1 =	sshrl.u32 s1, $0x2  }
0xb9: {  	s3 =	sand.u32 $0x4000, s31;
	s1 =	sadd.s32 s1, s30  }
0xba: {  	s0 =	sor.u32 s3, s0;
	s1 =	sshll.u32 s1, $0x11  }
0xbb: {  	s0 =	sor.u32 s1, s0  }
0xbc: {  	s0 =	sadd.s32 $0x8F2B, s0  }
0xbd: {  	[sflag:s0] =	ssyncadd.remote.s32 $0x1  }
0xbe: {  	_ =	sfence.sel $0xFFFF  }
0xbf: {  	[dreg:$0x0] =	wrdreg $0xFFFFFFFF;
	(pc) =	sbr.abs _section_cstart, $3  }
0xc0: {  	[dreg:$0x1] =	wrdreg $0xFFFFFFFF  }
0xc1: {  	_ =	task.clear_ibuf [dreg:s7], $0x2FFFF;
	_ =	strace $0x9FFFFFFF  }
0xc2: {  	(tm) =	ssettm $0x7FFFFFFF  }
0xc3: {  	_ =	shalt  }
tec
execute0_lowered:
.L_overlay_start_1:
0x0: {  	(tag) =	ssettag $0x1  }
0x1: {  	s7 =	rddreg [dreg:$0x0]  }
0x2: {  	s8 =	rddreg [dreg:$0x1]  }
0x3: {  	s3 =	srdreg.scid;
	s2 =	simm.s32 $0x0;
	s0 =	stileid.u32  }
0x4: {  	s13 =	simm.s32 $0x3;
	s14 =	simm.s32 $0x10;
	s15 =	simm.s32 $0x200  }
0x5: {  	s16 =	simm.s32 $0x1200;
	s17 =	simm.s32 $0x2200;
	s18 =	simm.s32 $0xA00  }
0x6: {  	s19 =	simm.s32 $0x1A00;
	s20 =	simm.s32 $0x2A00;
	s21 =	simm.s32 $0x1  }
0x7: {  	s22 =	simm.s32 $0x2;
	s25 =	simm.s32 $0x0;
	s6 =	sand.u32 $0x1, s3  }
0x8: {  	[smem:$0x7FF] =	sst s2;
	s4 =	sshll.u32 s0, $0xA;
	s3 =	sadd.s32 $0x2DD1A00, s7  }
0x9: {  	s5 =	sshll.u32 s6, $0x9;
	_ =	strace $0x8000004A;
	s10 =	ssub.s32 $0x2, s6  }
0xa: {  	s6 =	sadd.s32 $0x40E00, s7;
	s4 =	sor.u32 s5, s4;
	s29 =	sshrl.u32 s10, $0x1  }
0xb: {  	s5 =	sadd.s32 $0xE00, s7;
	s9 =	sshrl.u32 s4, $0x3;
	s12 =	ssub.s32 s10, s29  }
0xc: {  	s31 =	sshll.u32 s4, $0x4;
	s11 =	sadd.s32 s9, s7;
	s30 =	sadd.s32 s8, s9  }
0xd: {  	v0 =	vlaneseq.u32;
	s8 =	sadd.s32 s5, s31;
	s9 =	sadd.s32 s6, s31;
	s12 =	smax.u32 s12, $0x1  }
0xe: {  	v1 =	vmul.u32 $0x80, v0;
	[dreg:$0x3] =	wrdreg s30;
	s10 =	sadd.s32 $0x80E00, s11;
	s11 =	sadd.s32 $0x81600, s11  }
.LBB2_1:
0xf: {  	s0 =	rddreg [dreg:$0x3]  }
0x10: {  	[tilespmem:s2], [sflag:$0x3] =	stream.linear.gather [hbm4b:s0+s2], $0x200, $0x38;
	[tilespmem:$0x3600] =	vst v63  }
0x11: {  	_ =	swait.ge [sflag:s13], $0x200  }
0x12: {  	[sflag:s13] =	ssyncset.done $0x0  }
0x13: {  	[sflag:s13] =	ssyncadd.s32 $0xFFFFFE00  }
0x14: {  	[tilespmem:s15], [sflag:$0x1] =	stream.indirect.gather [hbm4b:s3+s14], $0x80, s2, s14, $0xb8;
	[tilespmem:$0x3600] =	vst v63  }
0x15: {  	_ = 	snop  }
0x16: {  	[tilespmem:s16], [sflag:$0x1] =	stream.linear.gather [hbm4b:s8+s2], $0x800, $0x38;
	[tilespmem:$0x3600] =	vst v63  }
0x17: {  	s26 =	simm.s32 $0x0  }
0x18: {  	[tilespmem:s17], [sflag:$0x1] =	stream.linear.gather [hbm4b:s9+s2], $0x800, $0x38;
	[tilespmem:$0x3600] =	vst v63  }
.LBB2_2:
0x19: {  	s29 =	sshll.u32 s26, $0x5  }
0x1a: {  	s28 =	sor.u32 $0x10, s29  }
0x1b: {  	[tilespmem:s18], [sflag:$0x2] =	stream.indirect.gather [hbm4b:s3+s14], $0x80, s28, s14, $0xb8;
	[tilespmem:$0x3600] =	vst v63  }
0x1c: {  	s30 =	sor.u32 s4, s28  }
0x1d: {  	s30 =	sshll.u32 s30, $0x4  }
0x1e: {  	s0 =	simm.s32 $0x0;
	s31 =	sadd.s32 s5, s30  }
0x1f: {  	[tilespmem:s19], [sflag:$0x2] =	stream.linear.gather [hbm4b:s31+s0], $0x800, $0x38;
	[tilespmem:$0x3600] =	vst v63  }
0x20: {  	s30 =	sadd.s32 s6, s30  }
0x21: {  	[tilespmem:s20], [sflag:$0x2] =	stream.linear.gather [hbm4b:s30+s0], $0x800, $0x38;
	[tilespmem:$0x3600] =	vst v63  }
0x22: {  	_ =	swait.ge [sflag:s21], $0x800  }
0x23: {  	[sflag:s21] =	ssyncset.done $0x0  }
0x24: {  	v2 =	vadd.s32 s0, v0;
	[sflag:s21] =	ssyncadd.s32 $0xFFFFF800  }
0x25: {  	s7 =	simm.s32 $0x7;
	v2 =	vand.u32 $0x3F, v2;
	_ =	swait.ge [sflag:s21], $0x800  }
0x26: {  	v3 =	vadd.s32 s7, v0;
	v2 =	vor.u32 v1, v2;
	s30 =	simm.s32 $0x6;
	[sflag:s21] =	ssyncset.done $0x0  }
0x27: {  	v3 =	vand.u32 $0x3F, v3;
	v4 =	vadd.s32 s30, v0;
	s30 =	simm.s32 $0x4;
	[sflag:s21] =	ssyncadd.s32 $0xFFFFF800  }
0x28: {  	s24 =	simm.s32 $0x3;
	v6 =	vor.u32 v1, v3;
	v3 =	vadd.s32 s30, v0;
	_ =	swait.ge [sflag:s21], $0x800  }
0x29: {  	v7 =	vadd.s32 s24, v0;
	s30 =	simm.s32 $0x2;
	v3 =	vand.u32 $0x3F, v3;
	[sflag:s21] =	ssyncset.done $0x0  }
0x2a: {  	v7 =	vand.u32 $0x3F, v7;
	v9 =	vadd.s32 s30, v0;
	v10 =	vor.u32 v1, v3;
	[sflag:s21] =	ssyncadd.s32 $0xFFFFF800  }
0x2b: {  	v7 =	vor.u32 v1, v7;
	v9 =	vand.u32 $0x3F, v9;
	v8 =	vld.idx.msk [tilespmem:v2+s15+$0x0], $0xffff  }
0x2c: {  	v9 =	vor.u32 v1, v9;
	v11 =	vld.idx.msk [tilespmem:v2+s17+$0x0], $0xffff  }
0x2d: {  	s31 =	simm.s32 $0x1;
	v12 =	vld.idx.msk [tilespmem:v2+s16+$0x0], $0xffff  }
0x2e: {  	v3 =	vadd.s32 s31, v0;
	v2 =	vld.idx.msk [tilespmem:v6+s15+$0x0], $0xffff  }
0x2f: {  	v3 =	vand.u32 $0x3F, v3;
	v15 =	vld.idx.msk [tilespmem:v10+s15+$0x0], $0xffff  }
0x30: {  	v13 =	vor.u32 v1, v3;
	v14 =	vld.idx.msk [tilespmem:v7+s15+$0x0], $0xffff  }
0x31: {  	v16 =	vld.idx.msk [tilespmem:v9+s15+$0x0], $0xffff  }
0x32: {  	v25 =	vld.idx.msk [tilespmem:v9+s17+$0x0], $0xffff  }
0x33: {  	v9 =	vld.idx.msk [tilespmem:v9+s16+$0x0], $0xffff  }
0x34: {  	s23 =	simm.s32 $0x5;
	s1 =	simm.s32 $0x8;
	v20 =	vimm.f32 $0.0e+00;
	v30 =	vld.idx.msk [tilespmem:v7+s17+$0x0], $0xffff  }
0x35: {  	v5 =	vadd.s32 s23, v0;
	v21 =	vadd.s32 s1, v0;
	s7 =	simm.s32 $0xF;
	v4 =	vand.u32 $0x3F, v4;
	v17 =	vld.idx.msk [tilespmem:v13+s15+$0x0], $0xffff  }
0x36: {  	s1 =	simm.s32 $0xA;
	s23 =	simm.s32 $0xB;
	v5 =	vand.u32 $0x3F, v5;
	v24 =	vadd.s32 s7, v0;
	v4 =	vor.u32 v1, v4;
	v18 =	vld.idx.msk [tilespmem:v13+s17+$0x0], $0xffff  }
0x37: {  	s24 =	simm.s32 $0xC;
	v26 =	vadd.s32 s1, v0;
	v27 =	vadd.s32 s23, v0;
	v5 =	vor.u32 v1, v5;
	v13 =	vld.idx.msk [tilespmem:v13+s16+$0x0], $0xffff  }
0x38: {  	v28 =	vadd.s32 s24, v0;
	v21 =	vand.u32 $0x3F, v21;
	v24 =	vand.u32 $0x3F, v24;
	v7 =	vld.idx.msk [tilespmem:v7+s16+$0x0], $0xffff  }
0x39: {  	v21 =	vor.u32 v1, v21;
	v27 =	vand.u32 $0x3F, v27;
	v26 =	vand.u32 $0x3F, v26;
	s0 =	simm.s32 $0xD;
	v61 =	vld.idx.msk [tilespmem:v10+s17+$0x0], $0xffff  }
0x3a: {  	v22 =	vadd.s32 s0, v0;
	s30 =	simm.s32 $0xE;
	v10 =	vld.idx.msk [tilespmem:v10+s16+$0x0], $0xffff;
	v11 =	vmul.f32 v11, v8;
	v8 =	vmul.f32 v12, v8  }
0x3b: {  	v22 =	vand.u32 $0x3F, v22;
	v23 =	vadd.s32 s30, v0;
	v3 =	vld.idx.msk [tilespmem:v4+s15+$0x0], $0xffff;
	v18 =	vmul.f32 v18, v17  }
0x3c: {  	s31 =	simm.s32 $0x9;
	v19 =	vld.idx.msk [tilespmem:v5+s15+$0x0], $0xffff;
	v13 =	vmul.f32 v13, v17;
	v11 =	vadd.f32 v11, v20;
	v8 =	vadd.f32 v8, v20  }
0x3d: {  	v29 =	vadd.s32 s31, v0;
	v23 =	vand.u32 $0x3F, v23;
	v62 =	vld.idx.msk [tilespmem:v5+s16+$0x0], $0xffff;
	v9 =	vmul.f32 v9, v16  }
0x3e: {  	v17 =	vmul.f32 v25, v16;
	v20 =	vld.idx.msk [tilespmem:v5+s17+$0x0], $0xffff;
	v11 =	vadd.f32 v18, v11;
	v8 =	vadd.f32 v13, v8  }
0x3f: {  	v63 =	vld.idx.msk [tilespmem:v4+s17+$0x0], $0xffff;
	v12 =	vand.u32 $0x3F, v28;
	v7 =	vmul.f32 v7, v14;
	v10 =	vmul.f32 v10, v15  }
0x40: {  	v16 =	vld.idx.msk [tilespmem:v6+s17+$0x0], $0xffff;
	v5 =	vmul.f32 v30, v14;
	v11 =	vadd.f32 v17, v11;
	v9 =	vadd.f32 v9, v8  }
0x41: {  	v14 =	vld.idx.msk [tilespmem:v4+s16+$0x0], $0xffff;
	v4 =	vor.u32 v1, v23;
	v13 =	vand.u32 $0x3F, v29;
	v8 =	vor.u32 v1, v24  }
0x42: {  	v18 =	vmul.f32 v61, v15;
	v15 =	vld.idx.msk [tilespmem:v6+s16+$0x0], $0xffff;
	v11 =	vadd.f32 v5, v11;
	v23 =	vadd.f32 v7, v9  }
0x43: {  	v6 =	vor.u32 v1, v12;
	v17 =	vmul.f32 v20, v19;
	v7 =	vld.idx.msk [tilespmem:v21+s15+$0x0], $0xffff;
	v5 =	vor.u32 v1, v22  }
0x44: {  	v19 =	vmul.f32 v62, v19;
	v9 =	vld.idx.msk [tilespmem:v21+s17+$0x0], $0xffff;
	v20 =	vadd.f32 v18, v11;
	v18 =	vadd.f32 v10, v23  }
0x45: {  	s30 =	simm.s32 $0x10;
	v12 =	vor.u32 v1, v26;
	v10 =	vld.idx.msk [tilespmem:v21+s16+$0x0], $0xffff;
	v11 =	vor.u32 v1, v27;
	v21 =	vmul.f32 v63, v3  }
.LBB2_3:
0x46: {  	p0 =	slt.u32 s30, $0x38;
	v22 =	vld.idx.msk [tilespmem:v8+s15+$0x0], $0xffff;
	v17 =	vadd.f32 v17, v20;
	v18 =	vadd.f32 v19, v18;
	v14 =	vmul.f32 v14, v3  }
0x47: {  	v13 =	vor.u32 v1, v13;
	v16 =	vmul.f32 v16, v2;
	v19 =	vmov v8;
	v3 =	vld.idx.msk [tilespmem:v4+s15+$0x0], $0xffff  }
0x48: {  	v2 =	vmul.f32 v15, v2;
	v23 =	vld.idx.msk [tilespmem:v5+s15+$0x0], $0xffff;
	v8 =	vadd.f32 v21, v17;
	v14 =	vadd.f32 v14, v18  }
0x49: {  	v15 =	vld.idx.msk [tilespmem:v6+s15+$0x0], $0xffff  }
0x4a: {  	v17 =	vld.idx.msk [tilespmem:v11+s15+$0x0], $0xffff;
	v8 =	vadd.f32 v16, v8;
	v14 =	vadd.f32 v2, v14  }
0x4b: {  	v16 =	vld.idx.msk [tilespmem:v12+s15+$0x0], $0xffff  }
0x4c: {  	v2 =	vmov v22;
	v18 =	vld.idx.msk [tilespmem:v13+s15+$0x0], $0xffff  }
0x4d: {  	v20 =	vld.idx.msk [tilespmem:v13+s17+$0x0], $0xffff  }
0x4e: {  	s0 =	sadd.s32 $0x5, s30;
	s1 =	sadd.s32 $0x6, s30;
	s23 =	sadd.s32 $0x7, s30;
	v21 =	vadd.s32 s30, v0;
	v13 =	vld.idx.msk [tilespmem:v13+s16+$0x0], $0xffff  }
0x4f: {  	s24 =	sadd.s32 $0x2, s30;
	s31 =	sadd.s32 $0x3, s30;
	s7 =	sadd.s32 $0x4, s30;
	v24 =	vadd.s32 s1, v0;
	v25 =	vadd.s32 s23, v0;
	v22 =	vadd.s32 s0, v0;
	v26 =	vld.idx.msk [tilespmem:v12+s17+$0x0], $0xffff  }
0x50: {  	v27 =	vadd.s32 s24, v0;
	v28 =	vadd.s32 s31, v0;
	v29 =	vadd.s32 s7, v0;
	s0 =	sadd.s32 $0x1, s30;
	v12 =	vld.idx.msk [tilespmem:v12+s16+$0x0], $0xffff  }
0x51: {  	v25 =	vand.u32 $0x3F, v25;
	v21 =	vand.u32 $0x3F, v21;
	v30 =	vadd.s32 s0, v0;
	v31 =	vld.idx.msk [tilespmem:v11+s17+$0x0], $0xffff  }
0x52: {  	v24 =	vand.u32 $0x3F, v24;
	v9 =	vmul.f32 v9, v7;
	v7 =	vmul.f32 v10, v7;
	v10 =	vld.idx.msk [tilespmem:v11+s16+$0x0], $0xffff  }
0x53: {  	v22 =	vand.u32 $0x3F, v22;
	v11 =	vand.u32 $0x3F, v29;
	v20 =	vmul.f32 v20, v18;
	v29 =	vld.idx.msk [tilespmem:v6+s17+$0x0], $0xffff  }
0x54: {  	v8 =	vadd.f32 v9, v8;
	v7 =	vadd.f32 v7, v14;
	v9 =	vmul.f32 v13, v18;
	v6 =	vld.idx.msk [tilespmem:v6+s16+$0x0], $0xffff  }
0x55: {  	v28 =	vand.u32 $0x3F, v28;
	v21 =	vor.u32 v1, v21;
	v14 =	vmul.f32 v26, v16;
	v18 =	vld.idx.msk [tilespmem:v5+s17+$0x0], $0xffff  }
0x56: {  	v8 =	vadd.f32 v20, v8;
	v7 =	vadd.f32 v9, v7;
	v9 =	vmul.f32 v12, v16;
	v12 =	vld.idx.msk [tilespmem:v5+s16+$0x0], $0xffff  }
0x57: {  	v13 =	vand.u32 $0x3F, v30;
	v26 =	vand.u32 $0x3F, v27;
	v5 =	vmul.f32 v31, v17;
	v27 =	vld.idx.msk [tilespmem:v4+s17+$0x0], $0xffff  }
0x58: {  	v20 =	vadd.f32 v14, v8;
	v7 =	vadd.f32 v9, v7;
	v9 =	vmul.f32 v10, v17;
	v14 =	vld.idx.msk [tilespmem:v4+s16+$0x0], $0xffff  }
.Ltmp0:
0x59: {  	v8 =	vor.u32 v1, v25;
	v4 =	vor.u32 v1, v24;
	v10 =	vmul.f32 v29, v15;
	v16 =	vld.idx.msk [tilespmem:v19+s17+$0x0], $0xffff;
	(pc) =	sbr.rel @p0 .LBB2_3-.Ltmp0, $4  }
0x5a: {  	v20 =	vadd.f32 v5, v20;
	v24 =	vadd.f32 v9, v7;
	v25 =	vmul.f32 v6, v15;
	v15 =	vld.idx.msk [tilespmem:v19+s16+$0x0], $0xffff  }
0x5b: {  	v5 =	vor.u32 v1, v22;
	v6 =	vor.u32 v1, v11;
	v17 =	vmul.f32 v18, v23;
	v7 =	vld.idx.msk [tilespmem:v21+s15+$0x0], $0xffff  }
0x5c: {  	v20 =	vadd.f32 v10, v20;
	v18 =	vadd.f32 v25, v24;
	v19 =	vmul.f32 v12, v23;
	v9 =	vld.idx.msk [tilespmem:v21+s17+$0x0], $0xffff  }
0x5d: {  	s30 =	sadd.s32 $0x8, s30;
	v11 =	vor.u32 v1, v28;
	v12 =	vor.u32 v1, v26;
	v10 =	vld.idx.msk [tilespmem:v21+s16+$0x0], $0xffff;
	v21 =	vmul.f32 v27, v3  }
0x5e: {  	_ =	sdelay $0x3  }
0x5f: {  	v22 =	vld.idx.msk [tilespmem:v8+s15+$0x0], $0xffff  }
0x60: {  	v13 =	vor.u32 v1, v13;
	v23 =	vld.idx.msk [tilespmem:v4+s15+$0x0], $0xffff  }
0x61: {  	v24 =	vld.idx.msk [tilespmem:v5+s15+$0x0], $0xffff  }
0x62: {  	v25 =	vld.idx.msk [tilespmem:v6+s15+$0x0], $0xffff  }
0x63: {  	v26 =	vld.idx.msk [tilespmem:v11+s15+$0x0], $0xffff  }
0x64: {  	v3 =	vmul.f32 v14, v3;
	v14 =	vld.idx.msk [tilespmem:v12+s17+$0x0], $0xffff  }
0x65: {  	v17 =	vadd.f32 v17, v20;
	v20 =	vld.idx.msk [tilespmem:v13+s15+$0x0], $0xffff  }
0x66: {  	v18 =	vadd.f32 v19, v18;
	v27 =	vld.idx.msk [tilespmem:v13+s17+$0x0], $0xffff  }
0x67: {  	v16 =	vmul.f32 v16, v2;
	v17 =	vadd.f32 v21, v17;
	v13 =	vld.idx.msk [tilespmem:v13+s16+$0x0], $0xffff  }
0x68: {  	v2 =	vmul.f32 v15, v2;
	v21 =	vld.idx.msk [tilespmem:v12+s15+$0x0], $0xffff;
	v3 =	vadd.f32 v3, v18  }
0x69: {  	v12 =	vld.idx.msk [tilespmem:v12+s16+$0x0], $0xffff;
	v9 =	vmul.f32 v9, v7;
	v16 =	vadd.f32 v16, v17  }
0x6a: {  	v15 =	vld.idx.msk [tilespmem:v11+s17+$0x0], $0xffff;
	v2 =	vadd.f32 v2, v3;
	v3 =	vmul.f32 v10, v7  }
0x6b: {  	v10 =	vld.idx.msk [tilespmem:v11+s16+$0x0], $0xffff;
	v9 =	vadd.f32 v9, v16;
	v17 =	vmul.f32 v27, v20  }
0x6c: {  	v7 =	vld.idx.msk [tilespmem:v6+s17+$0x0], $0xffff;
	v2 =	vadd.f32 v3, v2;
	v3 =	vmul.f32 v13, v20  }
0x6d: {  	v6 =	vld.idx.msk [tilespmem:v6+s16+$0x0], $0xffff;
	v11 =	vmul.f32 v14, v21;
	v9 =	vadd.f32 v17, v9  }
0x6e: {  	v13 =	vld.idx.msk [tilespmem:v5+s17+$0x0], $0xffff;
	v2 =	vadd.f32 v3, v2;
	v3 =	vmul.f32 v12, v21  }
0x6f: {  	v14 =	vmul.f32 v15, v26;
	v5 =	vld.idx.msk [tilespmem:v5+s16+$0x0], $0xffff;
	v9 =	vadd.f32 v11, v9  }
0x70: {  	v11 =	vld.idx.msk [tilespmem:v4+s17+$0x0], $0xffff;
	v2 =	vadd.f32 v3, v2;
	v3 =	vmul.f32 v10, v26  }
0x71: {  	v7 =	vmul.f32 v7, v25;
	v4 =	vld.idx.msk [tilespmem:v4+s16+$0x0], $0xffff;
	v9 =	vadd.f32 v14, v9  }
0x72: {  	v10 =	vld.idx.msk [tilespmem:v8+s17+$0x0], $0xffff;
	v2 =	vadd.f32 v3, v2;
	v3 =	vmul.f32 v6, v25  }
0x73: {  	v12 =	vmul.f32 v13, v24;
	v6 =	vld.idx.msk [tilespmem:v8+s16+$0x0], $0xffff;
	v7 =	vadd.f32 v7, v9  }
0x74: {  	v2 =	vadd.f32 v3, v2;
	v3 =	vmul.f32 v5, v24  }
0x75: {  	v8 =	vmul.f32 v11, v23;
	v7 =	vadd.f32 v12, v7  }
0x76: {  	v2 =	vadd.f32 v3, v2;
	v3 =	vmul.f32 v4, v23  }
0x77: {  	v5 =	vmul.f32 v10, v22;
	v7 =	vadd.f32 v8, v7  }
0x78: {  	v2 =	vadd.f32 v3, v2;
	v3 =	vmul.f32 v6, v22  }
0x79: {  	v4 =	vadd.f32 v5, v7  }
0x7a: {  	v2 =	vadd.f32 v3, v2  }
0x7b: {  	v4 =	vsub.f32 $0.0e+00, v4  }
0x7c: {  	p0 =	seq.s32 s26, $0xF;
	[tilespmem:s29+$0x3400] =	vst v2  }
0x7d: {  	s0 =	sadd.s32 @!p0 $0x20, s29;
	s1 =	simm.s32 @!p0 $0x10;
	s7 =	simm.s32 @!p0 $0x200;
	[tilespmem:s29+$0x3200] =	vst v4  }
0x7e: {  	[tilespmem:s7], [sflag:$0x1] =	stream.indirect.gather @!p0 [hbm4b:s3+s1], $0x80, s0, s1, $0xb8;
	[tilespmem:$0x3600] =	vst v63  }
0x7f: {  	s0 =	sadd.s32 @!p0 s4, s0  }
0x80: {  	s0 =	sshll.u32 @!p0 s0, $0x4  }
0x81: {  	s23 =	simm.s32 @!p0 $0x1200;
	s7 =	simm.s32 @!p0 $0x0;
	s1 =	sadd.s32 @!p0 s5, s0  }
0x82: {  	[tilespmem:s23], [sflag:$0x1] =	stream.linear.gather @!p0 [hbm4b:s1+s7], $0x800, $0x38;
	[tilespmem:$0x3600] =	vst v63  }
0x83: {  	s0 =	sadd.s32 @!p0 s6, s0;
	s1 =	simm.s32 @!p0 $0x2200  }
0x84: {  	[tilespmem:s1], [sflag:$0x1] =	stream.linear.gather @!p0 [hbm4b:s0+s7], $0x800, $0x38;
	[tilespmem:$0x3600] =	vst v63  }
0x85: {  	_ =	swait.ge [sflag:s22], $0x800  }
0x86: {  	s23 =	simm.s32 $0x0;
	[sflag:s22] =	ssyncset.done $0x0  }
0x87: {  	v2 =	vadd.s32 s23, v0;
	[sflag:s22] =	ssyncadd.s32 $0xFFFFF800  }
0x88: {  	s24 =	simm.s32 $0x7;
	v2 =	vand.u32 $0x3F, v2;
	_ =	swait.ge [sflag:s22], $0x800  }
0x89: {  	v3 =	vadd.s32 s24, v0;
	v2 =	vor.u32 v1, v2;
	[sflag:s22] =	ssyncset.done $0x0  }
0x8a: {  	v3 =	vand.u32 $0x3F, v3;
	s7 =	simm.s32 $0x4;
	[sflag:s22] =	ssyncadd.s32 $0xFFFFF800  }
0x8b: {  	s24 =	simm.s32 $0x2;
	v6 =	vor.u32 v1, v3;
	s23 =	simm.s32 $0x3;
	v3 =	vadd.s32 s7, v0;
	_ =	swait.ge [sflag:s22], $0x800  }
0x8c: {  	s30 =	simm.s32 $0x6;
	v9 =	vadd.s32 s24, v0;
	v7 =	vadd.s32 s23, v0;
	v3 =	vand.u32 $0x3F, v3;
	[sflag:s22] =	ssyncset.done $0x0  }
0x8d: {  	v4 =	vadd.s32 s30, v0;
	s30 =	simm.s32 $0x1;
	v7 =	vand.u32 $0x3F, v7;
	v10 =	vor.u32 v1, v3;
	[sflag:s22] =	ssyncadd.s32 $0xFFFFF800  }
0x8e: {  	v9 =	vand.u32 $0x3F, v9;
	v7 =	vor.u32 v1, v7;
	v3 =	vadd.s32 s30, v0;
	v8 =	vld.idx.msk [tilespmem:v2+s18+$0x0], $0xffff  }
0x8f: {  	v9 =	vor.u32 v1, v9;
	v3 =	vand.u32 $0x3F, v3;
	v11 =	vld.idx.msk [tilespmem:v2+s20+$0x0], $0xffff  }
0x90: {  	v13 =	vor.u32 v1, v3;
	v12 =	vld.idx.msk [tilespmem:v2+s19+$0x0], $0xffff  }
0x91: {  	v2 =	vld.idx.msk [tilespmem:v6+s18+$0x0], $0xffff  }
0x92: {  	v15 =	vld.idx.msk [tilespmem:v10+s18+$0x0], $0xffff  }
0x93: {  	v14 =	vld.idx.msk [tilespmem:v7+s18+$0x0], $0xffff  }
0x94: {  	v16 =	vld.idx.msk [tilespmem:v9+s18+$0x0], $0xffff  }
0x95: {  	v17 =	vld.idx.msk [tilespmem:v13+s18+$0x0], $0xffff  }
0x96: {  	s31 =	simm.s32 $0x5;
	v18 =	vld.idx.msk [tilespmem:v13+s20+$0x0], $0xffff  }
0x97: {  	v5 =	vadd.s32 s31, v0;
	v13 =	vld.idx.msk [tilespmem:v13+s19+$0x0], $0xffff  }
0x98: {  	v20 =	vimm.f32 $0.0e+00;
	s31 =	simm.s32 $0x8;
	v5 =	vand.u32 $0x3F, v5;
	v4 =	vand.u32 $0x3F, v4;
	v58 =	vld.idx.msk [tilespmem:v9+s20+$0x0], $0xffff  }
0x99: {  	v21 =	vadd.s32 s31, v0;
	s24 =	simm.s32 $0xB;
	s31 =	simm.s32 $0x9;
	v5 =	vor.u32 v1, v5;
	v4 =	vor.u32 v1, v4;
	v9 =	vld.idx.msk [tilespmem:v9+s19+$0x0], $0xffff  }
0x9a: {  	v60 =	vadd.s32 s24, v0;
	v21 =	vand.u32 $0x3F, v21;
	v29 =	vadd.s32 s31, v0;
	s29 =	simm.s32 $0xC;
	v30 =	vld.idx.msk [tilespmem:v7+s20+$0x0], $0xffff  }
0x9b: {  	v21 =	vor.u32 v1, v21;
	v27 =	vand.u32 $0x3F, v60;
	v28 =	vadd.s32 s29, v0;
	s1 =	simm.s32 $0xD;
	s23 =	simm.s32 $0xF;
	s7 =	simm.s32 $0xE;
	v7 =	vld.idx.msk [tilespmem:v7+s19+$0x0], $0xffff  }
0x9c: {  	v22 =	vadd.s32 s1, v0;
	v57 =	vadd.s32 s23, v0;
	v23 =	vadd.s32 s7, v0;
	v61 =	vld.idx.msk [tilespmem:v10+s20+$0x0], $0xffff  }
0x9d: {  	v24 =	vand.u32 $0x3F, v57;
	s30 =	simm.s32 $0xA;
	v10 =	vld.idx.msk [tilespmem:v10+s19+$0x0], $0xffff;
	v11 =	vmul.f32 v11, v8;
	v8 =	vmul.f32 v12, v8  }
0x9e: {  	v22 =	vand.u32 $0x3F, v22;
	v59 =	vadd.s32 s30, v0;
	v3 =	vld.idx.msk [tilespmem:v4+s18+$0x0], $0xffff;
	v18 =	vmul.f32 v18, v17  }
0x9f: {  	v19 =	vld.idx.msk [tilespmem:v5+s18+$0x0], $0xffff;
	v13 =	vmul.f32 v13, v17;
	v11 =	vadd.f32 v11, v20;
	v8 =	vadd.f32 v8, v20  }
0xa0: {  	v23 =	vand.u32 $0x3F, v23;
	v26 =	vand.u32 $0x3F, v59;
	v62 =	vld.idx.msk [tilespmem:v5+s19+$0x0], $0xffff;
	v17 =	vmul.f32 v58, v16  }
0xa1: {  	v9 =	vmul.f32 v9, v16;
	v20 =	vld.idx.msk [tilespmem:v5+s20+$0x0], $0xffff;
	v11 =	vadd.f32 v18, v11;
	v8 =	vadd.f32 v13, v8  }
0xa2: {  	v63 =	vld.idx.msk [tilespmem:v4+s20+$0x0], $0xffff;
	v12 =	vand.u32 $0x3F, v28;
	v7 =	vmul.f32 v7, v14;
	v10 =	vmul.f32 v10, v15  }
0xa3: {  	v16 =	vld.idx.msk [tilespmem:v6+s20+$0x0], $0xffff;
	v5 =	vmul.f32 v30, v14;
	v11 =	vadd.f32 v17, v11;
	v9 =	vadd.f32 v9, v8  }
0xa4: {  	v14 =	vld.idx.msk [tilespmem:v4+s19+$0x0], $0xffff;
	v4 =	vor.u32 v1, v23;
	v13 =	vand.u32 $0x3F, v29;
	v8 =	vor.u32 v1, v24  }
0xa5: {  	v18 =	vmul.f32 v61, v15;
	v15 =	vld.idx.msk [tilespmem:v6+s19+$0x0], $0xffff;
	v11 =	vadd.f32 v5, v11;
	v23 =	vadd.f32 v7, v9  }
0xa6: {  	v6 =	vor.u32 v1, v12;
	v17 =	vmul.f32 v20, v19;
	v7 =	vld.idx.msk [tilespmem:v21+s18+$0x0], $0xffff;
	v5 =	vor.u32 v1, v22  }
0xa7: {  	v19 =	vmul.f32 v62, v19;
	v9 =	vld.idx.msk [tilespmem:v21+s20+$0x0], $0xffff;
	v20 =	vadd.f32 v18, v11;
	v18 =	vadd.f32 v10, v23  }
0xa8: {  	s29 =	simm.s32 $0x10;
	v12 =	vor.u32 v1, v26;
	v10 =	vld.idx.msk [tilespmem:v21+s19+$0x0], $0xffff;
	v11 =	vor.u32 v1, v27;
	v21 =	vmul.f32 v63, v3  }
.LBB2_5:
0xa9: {  	p0 =	slt.u32 s29, $0x38;
	v22 =	vld.idx.msk [tilespmem:v8+s18+$0x0], $0xffff;
	v17 =	vadd.f32 v17, v20;
	v18 =	vadd.f32 v19, v18;
	v14 =	vmul.f32 v14, v3  }
0xaa: {  	v13 =	vor.u32 v1, v13;
	v16 =	vmul.f32 v16, v2;
	v19 =	vmov v8;
	v3 =	vld.idx.msk [tilespmem:v4+s18+$0x0], $0xffff  }
0xab: {  	v2 =	vmul.f32 v15, v2;
	v23 =	vld.idx.msk [tilespmem:v5+s18+$0x0], $0xffff;
	v8 =	vadd.f32 v21, v17;
	v14 =	vadd.f32 v14, v18  }
0xac: {  	v15 =	vld.idx.msk [tilespmem:v6+s18+$0x0], $0xffff  }
0xad: {  	v17 =	vld.idx.msk [tilespmem:v11+s18+$0x0], $0xffff;
	v8 =	vadd.f32 v16, v8;
	v14 =	vadd.f32 v2, v14  }
0xae: {  	v16 =	vld.idx.msk [tilespmem:v12+s18+$0x0], $0xffff  }
0xaf: {  	v2 =	vmov v22;
	v18 =	vld.idx.msk [tilespmem:v13+s18+$0x0], $0xffff  }
0xb0: {  	v20 =	vld.idx.msk [tilespmem:v13+s20+$0x0], $0xffff  }
0xb1: {  	s0 =	sadd.s32 $0x5, s29;
	s1 =	sadd.s32 $0x6, s29;
	s7 =	sadd.s32 $0x7, s29;
	v21 =	vadd.s32 s29, v0;
	v13 =	vld.idx.msk [tilespmem:v13+s19+$0x0], $0xffff  }
0xb2: {  	s23 =	sadd.s32 $0x2, s29;
	s24 =	sadd.s32 $0x3, s29;
	s30 =	sadd.s32 $0x4, s29;
	v24 =	vadd.s32 s1, v0;
	v25 =	vadd.s32 s7, v0;
	v22 =	vadd.s32 s0, v0;
	v26 =	vld.idx.msk [tilespmem:v12+s20+$0x0], $0xffff  }
0xb3: {  	v27 =	vadd.s32 s23, v0;
	v28 =	vadd.s32 s24, v0;
	v29 =	vadd.s32 s30, v0;
	s0 =	sadd.s32 $0x1, s29;
	v12 =	vld.idx.msk [tilespmem:v12+s19+$0x0], $0xffff  }
0xb4: {  	v25 =	vand.u32 $0x3F, v25;
	v21 =	vand.u32 $0x3F, v21;
	v30 =	vadd.s32 s0, v0;
	v31 =	vld.idx.msk [tilespmem:v11+s20+$0x0], $0xffff  }
0xb5: {  	v24 =	vand.u32 $0x3F, v24;
	v9 =	vmul.f32 v9, v7;
	v7 =	vmul.f32 v10, v7;
	v10 =	vld.idx.msk [tilespmem:v11+s19+$0x0], $0xffff  }
0xb6: {  	v22 =	vand.u32 $0x3F, v22;
	v11 =	vand.u32 $0x3F, v29;
	v20 =	vmul.f32 v20, v18;
	v29 =	vld.idx.msk [tilespmem:v6+s20+$0x0], $0xffff  }
0xb7: {  	v8 =	vadd.f32 v9, v8;
	v7 =	vadd.f32 v7, v14;
	v9 =	vmul.f32 v13, v18;
	v6 =	vld.idx.msk [tilespmem:v6+s19+$0x0], $0xffff  }
0xb8: {  	v28 =	vand.u32 $0x3F, v28;
	v21 =	vor.u32 v1, v21;
	v14 =	vmul.f32 v26, v16;
	v18 =	vld.idx.msk [tilespmem:v5+s20+$0x0], $0xffff  }
0xb9: {  	v8 =	vadd.f32 v20, v8;
	v7 =	vadd.f32 v9, v7;
	v9 =	vmul.f32 v12, v16;
	v12 =	vld.idx.msk [tilespmem:v5+s19+$0x0], $0xffff  }
0xba: {  	v13 =	vand.u32 $0x3F, v30;
	v26 =	vand.u32 $0x3F, v27;
	v5 =	vmul.f32 v31, v17;
	v27 =	vld.idx.msk [tilespmem:v4+s20+$0x0], $0xffff  }
0xbb: {  	v20 =	vadd.f32 v14, v8;
	v7 =	vadd.f32 v9, v7;
	v9 =	vmul.f32 v10, v17;
	v14 =	vld.idx.msk [tilespmem:v4+s19+$0x0], $0xffff  }
.Ltmp1:
0xbc: {  	v8 =	vor.u32 v1, v25;
	v4 =	vor.u32 v1, v24;
	v10 =	vmul.f32 v29, v15;
	v16 =	vld.idx.msk [tilespmem:v19+s20+$0x0], $0xffff;
	(pc) =	sbr.rel @p0 .LBB2_5-.Ltmp1, $4  }
0xbd: {  	v20 =	vadd.f32 v5, v20;
	v24 =	vadd.f32 v9, v7;
	v25 =	vmul.f32 v6, v15;
	v15 =	vld.idx.msk [tilespmem:v19+s19+$0x0], $0xffff  }
0xbe: {  	v5 =	vor.u32 v1, v22;
	v6 =	vor.u32 v1, v11;
	v17 =	vmul.f32 v18, v23;
	v7 =	vld.idx.msk [tilespmem:v21+s18+$0x0], $0xffff  }
0xbf: {  	v20 =	vadd.f32 v10, v20;
	v18 =	vadd.f32 v25, v24;
	v19 =	vmul.f32 v12, v23;
	v9 =	vld.idx.msk [tilespmem:v21+s20+$0x0], $0xffff  }
0xc0: {  	s29 =	sadd.s32 $0x8, s29;
	v11 =	vor.u32 v1, v28;
	v12 =	vor.u32 v1, v26;
	v10 =	vld.idx.msk [tilespmem:v21+s19+$0x0], $0xffff;
	v21 =	vmul.f32 v27, v3  }
0xc1: {  	_ =	sdelay $0x3  }
0xc2: {  	v22 =	vld.idx.msk [tilespmem:v8+s18+$0x0], $0xffff  }
0xc3: {  	v13 =	vor.u32 v1, v13;
	v23 =	vld.idx.msk [tilespmem:v4+s18+$0x0], $0xffff  }
0xc4: {  	v24 =	vld.idx.msk [tilespmem:v5+s18+$0x0], $0xffff  }
0xc5: {  	v25 =	vld.idx.msk [tilespmem:v6+s18+$0x0], $0xffff  }
0xc6: {  	v26 =	vld.idx.msk [tilespmem:v11+s18+$0x0], $0xffff  }
0xc7: {  	v44 =	vld.idx.msk [tilespmem:v12+s18+$0x0], $0xffff  }
0xc8: {  	v17 =	vadd.f32 v17, v20;
	v43 =	vld.idx.msk [tilespmem:v13+s18+$0x0], $0xffff  }
0xc9: {  	v18 =	vadd.f32 v19, v18;
	v3 =	vmul.f32 v14, v3;
	v27 =	vld.idx.msk [tilespmem:v13+s20+$0x0], $0xffff  }
0xca: {  	v16 =	vmul.f32 v16, v2;
	v17 =	vadd.f32 v21, v17;
	v13 =	vld.idx.msk [tilespmem:v13+s19+$0x0], $0xffff  }
0xcb: {  	v45 =	vld.idx.msk [tilespmem:v12+s20+$0x0], $0xffff;
	v2 =	vmul.f32 v15, v2;
	v3 =	vadd.f32 v3, v18  }
0xcc: {  	v47 =	vld.idx.msk [tilespmem:v12+s19+$0x0], $0xffff;
	v9 =	vmul.f32 v9, v7;
	v16 =	vadd.f32 v16, v17  }
0xcd: {  	v46 =	vld.idx.msk [tilespmem:v11+s20+$0x0], $0xffff;
	v2 =	vadd.f32 v2, v3;
	v3 =	vmul.f32 v10, v7  }
0xce: {  	v50 =	vld.idx.msk [tilespmem:v11+s19+$0x0], $0xffff;
	v9 =	vadd.f32 v9, v16;
	v48 =	vmul.f32 v27, v43  }
0xcf: {  	v49 =	vld.idx.msk [tilespmem:v6+s20+$0x0], $0xffff;
	v2 =	vadd.f32 v3, v2;
	v3 =	vmul.f32 v13, v43  }
0xd0: {  	v53 =	vld.idx.msk [tilespmem:v6+s19+$0x0], $0xffff;
	v51 =	vmul.f32 v45, v44;
	v9 =	vadd.f32 v48, v9  }
0xd1: {  	v52 =	vld.idx.msk [tilespmem:v5+s20+$0x0], $0xffff;
	v2 =	vadd.f32 v3, v2;
	v3 =	vmul.f32 v47, v44  }
0xd2: {  	v56 =	vld.idx.msk [tilespmem:v5+s19+$0x0], $0xffff;
	v54 =	vmul.f32 v46, v26;
	v9 =	vadd.f32 v51, v9  }
0xd3: {  	v55 =	vld.idx.msk [tilespmem:v4+s20+$0x0], $0xffff;
	v2 =	vadd.f32 v3, v2;
	v3 =	vmul.f32 v50, v26  }
0xd4: {  	v58 =	vld.idx.msk [tilespmem:v4+s19+$0x0], $0xffff;
	v7 =	vmul.f32 v49, v25;
	v9 =	vadd.f32 v54, v9  }
0xd5: {  	v57 =	vld.idx.msk [tilespmem:v8+s20+$0x0], $0xffff;
	v2 =	vadd.f32 v3, v2;
	v3 =	vmul.f32 v53, v25  }
0xd6: {  	v60 =	vld.idx.msk [tilespmem:v8+s19+$0x0], $0xffff;
	v59 =	vmul.f32 v52, v24;
	v7 =	vadd.f32 v7, v9  }
0xd7: {  	v2 =	vadd.f32 v3, v2;
	v3 =	vmul.f32 v56, v24  }
0xd8: {  	v61 =	vmul.f32 v55, v23;
	v7 =	vadd.f32 v59, v7  }
0xd9: {  	v2 =	vadd.f32 v3, v2;
	v3 =	vmul.f32 v58, v23  }
0xda: {  	s26 =	sadd.s32 $0x1, s26;
	v62 =	vmul.f32 v57, v22;
	v7 =	vadd.f32 v61, v7  }
0xdb: {  	p0 =	sne.s32 s26, $0x10;
	v2 =	vadd.f32 v3, v2;
	v3 =	vmul.f32 v60, v22  }
.Ltmp2:
0xdc: {  	v63 =	vadd.f32 v62, v7;
	(pc) =	sbr.rel @p0 .LBB2_2-.Ltmp2, $4  }
0xdd: {  	v2 =	vadd.f32 v3, v2  }
0xde: {  	v4 =	vsub.f32 $0.0e+00, v63  }
0xdf: {  	[tilespmem:s28+$0x3400] =	vst v2  }
0xe0: {  	[tilespmem:s28+$0x3200] =	vst v4  }
0xe1: {  	s0 =	simm.s32 $0x3200  }
0xe2: {  	[hbm4b:s10+s2] =	stream.linear.scatter [tilespmem:s0], [sflag:$0x3], $0x200, $0x38;
	[tilespmem:$0x3600] =	vst v63  }
0xe3: {  	s25 =	sadd.s32 $0x1, s25;
	_ =	swait.ge [sflag:s13], $0x200  }
0xe4: {  	p0 =	sne.s32 s25, s12;
	[sflag:s13] =	ssyncset.done $0x0  }
.Ltmp3:
0xe5: {  	s31 =	simm.s32 $0x3400;
	[sflag:s13] =	ssyncadd.s32 $0xFFFFFE00;
	(pc) =	sbr.rel @p0 .LBB2_1-.Ltmp3, $4  }
0xe6: {  	[hbm4b:s11+s2] =	stream.linear.scatter [tilespmem:s31], [sflag:$0x3], $0x200, $0x38;
	[tilespmem:$0x3600] =	vst v63  }
0xe7: {  	_ =	swait.ge [sflag:s13], $0x200  }
0xe8: {  	[sflag:s13] =	ssyncset.done $0x0  }
0xe9: {  	[sflag:s13] =	ssyncadd.s32 $0xFFFFFE00  }
0xea: {  	_ =	sfence.sel $0x180000  }
0xeb: {  	[bflag:$0x0] =	sbarrier.arrive $0xFFFF  }
0xec: {  	_ =	strace $0x9000004A  }
0xed: {  	s0 =	stileid.u32;
	[bflag:$0x2] =	sbarrier.arrive $0xFFFF  }
0xee: {  	p0 =	sne.s32 s0, $0x0;
	s0 =	rddreg [dreg:$0x2]  }
0xef: {  	s0 =	sadd.s32 @!p0 $0x100000, s0  }
0xf0: {  	[sflag:s0] =	ssyncadd.tile.s32 @!p0 $0x1;
	_ =	shalt  }
.Lfunc_end2:
_tile_overlayer_lowered:
.L_overlay_start_2:
0xf1: {  	(tag) =	ssettag $0x2  }
0xf2: {  	s0 =	rddreg [dreg:$0x0];
	s2 =	stileid.u32  }
0xf3: {  	s1 =	rddreg [dreg:$0x1];
	p0 =	sne.s32 s2, $0x0  }
0xf4: {  	s3 =	rddreg [dreg:$0x2];
	[bflag:$0x3] =	sbarrier.arrive $0xFFFF;
	s2 =	simm.s32 @!p0 $0x1C03  }
0xf5: {  	[timem:s3], [sflag:s2] =	dma.local @!p0 [hbm:s0], s1  }
0xf6: {  	s0 =	simm.s32 @!p0 $0x3  }
0xf7: {  	_ =	swait.ge @!p0 [sflag:s0], s1  }
0xf8: {  	s1 =	ssub.s32 @!p0 $0x0, s1;
	[sflag:s0] =	ssyncset.done @!p0 $0x0  }
0xf9: {  	[sflag:s0] =	ssyncadd.s32 @!p0 s1  }
0xfa: {  	[bflag:$0x3] =	sbarrier.arrive $0xFFFF  }
0xfb: {  	_ =	shalt  }

</sc_bundles>
